<compile_context>
chip_gen: v7x
topology: tpu7x:2x2x1
jax: 0.10.2.dev20260603
libtpu: 0.0.44.dev20260713+nightly
codegen_flags: <defaults>
</compile_context>

<pallas_src>
import functools

import jax
import jax.numpy as jnp
from jax import lax
from jax.experimental import pallas as pl
from jax.experimental.pallas import tpu as pltpu
from jax.experimental.pallas import tpu_sc as plsc



def _make_edge_agg(n_pad, n_edges, width, n_super, cps, chunk):
    info = plsc.get_sparse_core_info()
    n_cores, n_sub, L = info.num_cores, info.num_subcores, info.num_lanes
    nw = n_cores * n_sub
    ep = n_edges // nw
    assert ep == n_super * cps * chunk
    rps = n_pad // n_sub
    zr = 64
    assert rps % zr == 0 and rps % 8 == 0
    sedge = cps * chunk

    mesh = plsc.VectorSubcoreMesh(core_axis_name="c", subcore_axis_name="s")

    @functools.partial(
        pl.kernel,
        out_type=jax.ShapeDtypeStruct((n_cores, n_pad, width), jnp.float32),
        mesh=mesh,
        compiler_params=pltpu.CompilerParams(needs_layout_passes=False),
        scratch_types=[
            pltpu.VMEM((cps, chunk), jnp.int32),
            pltpu.VMEM((cps, chunk), jnp.int32),
            pltpu.VMEM((sedge,), jnp.float32),
            pltpu.VMEM((chunk, width), jnp.float32),
            pltpu.VMEM((chunk, width), jnp.float32),
            pltpu.VMEM((zr, width), jnp.float32),
            pltpu.VMEM_SHARED((n_pad, width), jnp.float32),
            pltpu.SemaphoreType.DMA,
            pltpu.SemaphoreType.DMA,
            pltpu.SemaphoreType.DMA,
            pltpu.SemaphoreType.DMA,
        ],
    )
    def edge_agg(table_hbm, src_hbm, dst_hbm, w_hbm, out_hbm,
                 srcv, dstv, wv, rows_a, rows_b, zbuf, acc,
                 gsem_a, gsem_b, ssem_a, ssem_b):
        c = lax.axis_index("c")
        s = lax.axis_index("s")
        wid = s * n_cores + c

        rows = {0: rows_a, 1: rows_b}
        gsem = {0: gsem_a, 1: gsem_b}
        ssem = {0: ssem_a, 1: ssem_b}

        def g_start(b, k):
            pltpu.async_copy(table_hbm.at[srcv.at[k]], rows[b], gsem[b])

        def g_wait(b):
            pltpu.make_async_copy(
                table_hbm.at[srcv.at[0]], rows[b], gsem[b]).wait()

        def s_start(b, k):
            pltpu.async_copy(rows[b], acc.at[dstv.at[k]], ssem[b], add=True)

        def s_wait(b):
            pltpu.make_async_copy(rows[b], acc.at[dstv.at[0]], ssem[b]).wait()

        def scale(b, k):
            buf = rows[b]

            def sbody(r, _):
                wb = plsc.load_gather(
                    wv, [jnp.full((L,), k * chunk + r, jnp.int32)])
                for j in range(width // L):
                    buf[r, pl.ds(j * L, L)] = buf[r, pl.ds(j * L, L)] * wb
                return 0

            lax.fori_loop(0, chunk, sbody, 0)

        zeros = jnp.zeros((L,), jnp.float32)

        def zrow(r, _):
            for j in range(width // L):
                zbuf[r, pl.ds(j * L, L)] = zeros
            return 0

        lax.fori_loop(0, zr, zrow, 0)
        for t in range(rps // zr):
            pltpu.sync_copy(zbuf, acc.at[pl.ds(s * rps + t * zr, zr)])
        plsc.subcore_barrier()

        def do_super(si, _):
            pltpu.sync_copy(src_hbm.at[wid, si], srcv)
            pltpu.sync_copy(dst_hbm.at[wid, si], dstv)
            pltpu.sync_copy(w_hbm.at[wid, si], wv)

            g_start(0, 0)
            g_wait(0)
            g_start(1, 1)
            scale(0, 0)
            s_start(0, 0)

            def pair(j, _):
                s_wait(0)
                g_start(0, 2 * j)
                g_wait(1)
                scale(1, 2 * j - 1)
                s_start(1, 2 * j - 1)
                g_wait(0)
                scale(0, 2 * j)
                s_wait(1)
                g_start(1, 2 * j + 1)
                s_start(0, 2 * j)
                return 0

            lax.fori_loop(1, cps // 2, pair, 0)

            g_wait(1)
            scale(1, cps - 1)
            s_wait(0)
            s_start(1, cps - 1)
            s_wait(1)
            return 0

        lax.fori_loop(0, n_super, do_super, 0)
        plsc.subcore_barrier()

        pltpu.sync_copy(acc.at[pl.ds(s * rps, rps)],
                        out_hbm.at[c, pl.ds(s * rps, rps)])

    return edge_agg



def _dot(a, b):
    return jnp.dot(a, b, preferred_element_type=jnp.float32)


def _tc_embed(x, wemb, bemb, w1, b1, *, br):
    n, d = x.shape
    h = wemb.shape[1]

    def body(x_ref, we, be, w1r, b1r, h_ref, a_ref):
        hh = _dot(x_ref[...], we[...]) + be[...]
        h_ref[...] = hh
        a_ref[...] = _dot(hh, w1r[...]) + b1r[...]

    return pl.pallas_call(
        body,
        grid=(n // br,),
        in_specs=[
            pl.BlockSpec((br, d), lambda i: (i, 0)),
            pl.BlockSpec((d, h), lambda i: (0, 0)),
            pl.BlockSpec((1, h), lambda i: (0, 0)),
            pl.BlockSpec((h, h), lambda i: (0, 0)),
            pl.BlockSpec((1, h), lambda i: (0, 0)),
        ],
        out_specs=[pl.BlockSpec((br, h), lambda i: (i, 0)),
                   pl.BlockSpec((br, h), lambda i: (i, 0))],
        out_shape=[jax.ShapeDtypeStruct((n, h), jnp.float32),
                   jax.ShapeDtypeStruct((n, h), jnp.float32)],
    )(x, wemb, bemb, w1, b1)


def _tc_update(p0, p1, hcur, d0, d1, w2, w3, b3, w1n, b1n, *, br):
    n, h = hcur.shape
    dw = d0.shape[1]

    def body(p0r, p1r, hr, d0r, d1r, w2r, w3r, b3r, w1r, b1r, hn_ref, an_ref):
        deg = d0r[...][:, 0:1] + d1r[...][:, 0:1]
        hh = hr[...]
        hnew = jax.nn.relu(p0r[...] + p1r[...] - _dot(hh, w2r[...]) * deg
                           + _dot(hh, w3r[...]) + b3r[...])
        hn_ref[...] = hnew
        an_ref[...] = _dot(hnew, w1r[...]) + b1r[...]

    rowspec = pl.BlockSpec((br, h), lambda i: (i, 0))
    wspec = pl.BlockSpec((h, h), lambda i: (0, 0))
    bspec = pl.BlockSpec((1, h), lambda i: (0, 0))
    dspec = pl.BlockSpec((br, dw), lambda i: (i, 0))
    return pl.pallas_call(
        body,
        grid=(n // br,),
        in_specs=[rowspec, rowspec, rowspec, dspec, dspec,
                  wspec, wspec, bspec, wspec, bspec],
        out_specs=[rowspec, rowspec],
        out_shape=[jax.ShapeDtypeStruct((n, h), jnp.float32),
                   jax.ShapeDtypeStruct((n, h), jnp.float32)],
    )(p0, p1, hcur, d0, d1, w2, w3, b3, w1n, b1n)


def _tc_final(p0, p1, hcur, d0, d1, w2, w3, b3, batch2d, wf1, bf1, wf2p, bf2p,
              *, br, ng):
    n, h = hcur.shape
    dw = d0.shape[1]
    h2 = wf1.shape[1]
    op = wf2p.shape[1]
    nsteps = n // br

    def body(p0r, p1r, hr, d0r, d1r, w2r, w3r, b3r, br_ref, wf1r, bf1r,
             wf2r, bf2r, out_ref, sums, counts):
        i = pl.program_id(0)

        @pl.when(i == 0)
        def _init():
            sums[...] = jnp.zeros_like(sums)
            counts[...] = jnp.zeros_like(counts)

        deg = d0r[...][:, 0:1] + d1r[...][:, 0:1]
        hh = hr[...]
        hnew = jax.nn.relu(p0r[...] + p1r[...] - _dot(hh, w2r[...]) * deg
                           + _dot(hh, w3r[...]) + b3r[...])
        onehot = (br_ref[...] == lax.broadcasted_iota(jnp.int32, (br, ng), 1)
                  ).astype(jnp.float32)
        sums[...] += lax.dot_general(onehot, hnew, (((0,), (0,)), ((), ())),
                                     precision=lax.Precision.HIGHEST,
                                     preferred_element_type=jnp.float32)
        counts[...] += lax.dot_general(onehot, jnp.ones((br, h), jnp.float32),
                                       (((0,), (0,)), ((), ())),
                                       precision=lax.Precision.HIGHEST,
                                       preferred_element_type=jnp.float32)

        @pl.when(i == nsteps - 1)
        def _fin():
            gx = sums[...] / jnp.maximum(counts[...], 1.0)
            hid = jax.nn.relu(_dot(gx, wf1r[...]) + bf1r[...])
            out_ref[...] = _dot(hid, wf2r[...]) + bf2r[...]

    rowspec = pl.BlockSpec((br, h), lambda i: (i, 0))
    wspec = pl.BlockSpec((h, h), lambda i: (0, 0))
    bspec = pl.BlockSpec((1, h), lambda i: (0, 0))
    dspec = pl.BlockSpec((br, dw), lambda i: (i, 0))
    return pl.pallas_call(
        body,
        grid=(nsteps,),
        in_specs=[rowspec, rowspec, rowspec, dspec, dspec, wspec, wspec, bspec,
                  pl.BlockSpec((br, 1), lambda i: (i, 0)),
                  pl.BlockSpec((h, h2), lambda i: (0, 0)),
                  pl.BlockSpec((1, h2), lambda i: (0, 0)),
                  pl.BlockSpec((h2, op), lambda i: (0, 0)),
                  pl.BlockSpec((1, op), lambda i: (0, 0))],
        out_specs=pl.BlockSpec((ng, op), lambda i: (0, 0)),
        out_shape=jax.ShapeDtypeStruct((ng, op), jnp.float32),
        scratch_shapes=[pltpu.VMEM((ng, h), jnp.float32),
                        pltpu.VMEM((ng, h), jnp.float32)],
    )(p0, p1, hcur, d0, d1, w2, w3, b3, batch2d, wf1, bf1, wf2p, bf2p)



def kernel(x, edge_index, batch, edge_attr, Wemb, bemb, W1, b1, W2, W3, b3,
           Wf1, bf1, Wf2, bf2):
    n, d = x.shape
    e = edge_index.shape[1]
    h = Wemb.shape[1]
    nl = W1.shape[0]
    ng = 128
    nc = Wf2.shape[1]

    nw = 32
    chunk = 128
    cps = 16
    n_super = 5
    br = 2000
    n_pad = 10240

    ep = n_super * cps * chunk
    e_pad = nw * ep
    npd = e_pad - e
    fill = jnp.arange(npd, dtype=jnp.int32)
    src_p = jnp.concatenate([edge_index[0], fill % n])
    dst_p = jnp.concatenate([edge_index[1], fill % n_pad])
    w_p = jnp.pad(edge_attr, (0, npd))
    src3 = src_p.reshape(nw, n_super, cps, chunk)
    dst3 = dst_p.reshape(nw, n_super, cps, chunk)
    w3d = w_p.reshape(nw, n_super, cps * chunk)
    batch2d = batch.reshape(n, 1)

    bemb2 = bemb.reshape(1, h)
    b1r = b1.reshape(nl, 1, h)
    b3r = b3.reshape(nl, 1, h)
    bf1r = bf1.reshape(1, 2 * h)
    wf2p = jnp.pad(Wf2, ((0, 0), (0, h - nc)))
    bf2p = jnp.pad(bf2, (0, h - nc)).reshape(1, h)

    agg_full = _make_edge_agg(n_pad, e_pad, h, n_super, cps, chunk)
    ones128 = jnp.ones((n, h), jnp.float32)

    degp = agg_full(ones128, src3, dst3, w3d)
    d0, d1 = degp[0, :n, :16], degp[1, :n, :16]

    hh, a = _tc_embed(x, Wemb, bemb2, W1[0], b1r[0], br=br)
    for l in range(nl):
        p = agg_full(a, src3, dst3, w3d)
        if l < nl - 1:
            hh, a = _tc_update(p[0, :n], p[1, :n], hh, d0, d1, W2[l], W3[l],
                               b3r[l], W1[l + 1], b1r[l + 1], br=br)
        else:
            pred = _tc_final(p[0, :n], p[1, :n], hh, d0, d1, W2[l], W3[l],
                             b3r[l], batch2d, Wf1, bf1r, wf2p, bf2p, br=br,
                             ng=ng)
    return pred[:, :nc]

# --- scband reference (transcript-rebuilt; emitter-appended) ---
"""Pipeline reference for scband-spmotif-net-68813966016636 (READ-ONLY COPY).

The authoritative reference and input builder live on the scoring server;
editing this copy changes nothing except your own understanding.
"""

import jax, jax.numpy as jnp
import numpy as np

N = 10000
E = 320000
D = 128
H = 128
NC = 3
NG = 128
NL = 3


def setup_inputs(seed: int = 0) -> dict:
    key = jax.random.key(seed)
    ks = jax.random.split(key, 20)
    inp = {}
    inp["x"] = jax.random.normal(ks[0], (N, D), dtype=jnp.float32)
    inp["edge_index"] = jax.random.randint(ks[1], (2, E), 0, N, dtype=jnp.int32)
    inp["batch"] = jnp.sort(jax.random.randint(ks[2], (N,), 0, NG, dtype=jnp.int32))
    inp["edge_attr"] = jax.random.uniform(ks[3], (E,), dtype=jnp.float32)
    s = 1.0 / np.sqrt(H)
    inp["Wemb"] = jax.random.normal(ks[4], (D, H), dtype=jnp.float32) * (1.0 / np.sqrt(D))
    inp["bemb"] = jnp.zeros((H,), dtype=jnp.float32)
    # LEConv per-layer weights: lin1 (bias), lin2 (no bias), lin3 (bias)
    inp["W1"] = jax.random.normal(ks[5], (NL, H, H), dtype=jnp.float32) * s
    inp["b1"] = jnp.zeros((NL, H), dtype=jnp.float32)
    inp["W2"] = jax.random.normal(ks[6], (NL, H, H), dtype=jnp.float32) * s
    inp["W3"] = jax.random.normal(ks[7], (NL, H, H), dtype=jnp.float32) * s
    inp["b3"] = jnp.zeros((NL, H), dtype=jnp.float32)
    inp["Wf1"] = jax.random.normal(ks[8], (H, 2 * H), dtype=jnp.float32) * s
    inp["bf1"] = jnp.zeros((2 * H,), dtype=jnp.float32)
    inp["Wf2"] = jax.random.normal(ks[9], (2 * H, NC), dtype=jnp.float32) * (1.0 / np.sqrt(2 * H))
    inp["bf2"] = jnp.zeros((NC,), dtype=jnp.float32)
    return inp


def reference(x, edge_index, batch, edge_attr, Wemb, bemb, W1, b1, W2, W3, b3, Wf1, bf1, Wf2, bf2):
    src = edge_index[0]
    dst = edge_index[1]
    h = x @ Wemb + bemb
    for l in range(NL):
        # LEConv: out_i = sum_{j->i} w_ji * (lin1(x_j) - lin2(x_i)) + lin3(x_i)
        a = h @ W1[l] + b1[l]
        bb = h @ W2[l]
        msg = (a[src] - bb[dst]) * edge_attr[:, None]
        agg = jax.ops.segment_sum(msg, dst, num_segments=N)
        h = agg + h @ W3[l] + b3[l]
        h = jax.nn.relu(h)
    # global mean pool over graphs (node_attn == 'none', edge_atten is None)
    counts = jax.ops.segment_sum(jnp.ones((N,), dtype=h.dtype), batch, num_segments=NG)
    sums = jax.ops.segment_sum(h, batch, num_segments=NG)
    graph_x = sums / jnp.maximum(counts, 1.0)[:, None]
    hidden = jax.nn.relu(graph_x @ Wf1 + bf1)
    pred = hidden @ Wf2 + bf2
    return pred

if __name__ == "__main__":
    import jax
    _d = setup_inputs()
    print(jax.jit(kernel)(*tuple(_d.values())))

</pallas_src>

<mosaic_0001>
#map = affine_map<(d0, d1) -> (0, 0)>
#map1 = affine_map<(d0, d1) -> (0, 0, 0, 0)>
#map2 = affine_map<(d0, d1) -> (0, 0, 0)>
module attributes {stable_mosaic.version = 14 : i64} {
  func.func @edge_agg(%arg0: i32, %arg1: i32, %arg2: memref<10000x128xf32, #tpu.memory_space<hbm>>, %arg3: memref<32x5x16x128xi32, #tpu.memory_space<hbm>>, %arg4: memref<32x5x16x128xi32, #tpu.memory_space<hbm>>, %arg5: memref<32x5x2048xf32, #tpu.memory_space<hbm>>, %arg6: memref<2x10240x128xf32, #tpu.memory_space<hbm>>, %arg7: memref<16x128xi32, #tpu.memory_space<vmem>>, %arg8: memref<16x128xi32, #tpu.memory_space<vmem>>, %arg9: memref<2048xf32, #tpu.memory_space<vmem>>, %arg10: memref<128x128xf32, #tpu.memory_space<vmem>>, %arg11: memref<128x128xf32, #tpu.memory_space<vmem>>, %arg12: memref<64x128xf32, #tpu.memory_space<vmem>>, %arg13: memref<10240x128xf32, #tpu.memory_space<vmem_shared>>, %arg14: memref<!tpu.dma_semaphore, #tpu.memory_space<semaphore_mem>>, %arg15: memref<!tpu.dma_semaphore, #tpu.memory_space<semaphore_mem>>, %arg16: memref<!tpu.dma_semaphore, #tpu.memory_space<semaphore_mem>>, %arg17: memref<!tpu.dma_semaphore, #tpu.memory_space<semaphore_mem>>) attributes {dimension_semantics = [#tpu.dimension_semantics<core_parallel>, #tpu.dimension_semantics<subcore_parallel>], iteration_bounds = array<i64: 2, 16>, scalar_prefetch = 0 : i64, scratch_operands = 11 : i64, tpu.core_type = #tpu.core_type<sc_vector_subcore>, window_params = [{transform_indices = #map}, {transform_indices = #map1}, {transform_indices = #map1}, {transform_indices = #map2}, {transform_indices = #map2}]} {
    %mul3A = arith.constant 2 : i32
    %mul3A_0 = arith.muli %arg1, %mul3A : i32
    %add3A = arith.addi %mul3A_0, %arg0 : i32
    %broadcast_in_dim3A = arith.constant 0.000000e+00 : f32
    %broadcast_in_dim3A_1 = vector.broadcast %broadcast_in_dim3A : f32 to vector<16xf32>
    %scan3A = arith.constant 0 : i32
    %scan3A_2 = arith.constant 0 : i32
    %scan3A_3 = arith.constant 64 : i32
    %scan3A_4 = arith.addi %scan3A_2, %scan3A_3 : i32
    %scan3A_5 = arith.constant 1 : i32
    %scan3A_6 = scf.for %scan3A_60 = %scan3A_2 to %scan3A_4 step %scan3A_5 iter_args(%scan3A_61 = %scan3A) -> (i32)  : i32 {
      %swap3A = arith.index_cast %scan3A_60 : i32 to index
      %swap3A_62 = arith.constant 0 : index
      %swap3A_63 = tpu.vector_load %arg12[%swap3A, %swap3A_62] {strides = array<i32>} : memref<64x128xf32, #tpu.memory_space<vmem>>, vector<16xf32>,
      tpu.vector_store %arg12[%swap3A, %swap3A_62], %broadcast_in_dim3A_1 {strides = array<i32>} : memref<64x128xf32, #tpu.memory_space<vmem>>, vector<16xf32>,
      %swap3A_64 = arith.index_cast %scan3A_60 : i32 to index
      %swap3A_65 = arith.constant 16 : index
      %swap3A_66 = tpu.vector_load %arg12[%swap3A_64, %swap3A_65] {strides = array<i32>} : memref<64x128xf32, #tpu.memory_space<vmem>>, vector<16xf32>,
      tpu.vector_store %arg12[%swap3A_64, %swap3A_65], %broadcast_in_dim3A_1 {strides = array<i32>} : memref<64x128xf32, #tpu.memory_space<vmem>>, vector<16xf32>,
      %swap3A_67 = arith.index_cast %scan3A_60 : i32 to index
      %swap3A_68 = arith.constant 32 : index
      %swap3A_69 = tpu.vector_load %arg12[%swap3A_67, %swap3A_68] {strides = array<i32>} : memref<64x128xf32, #tpu.memory_space<vmem>>, vector<16xf32>,
      tpu.vector_store %arg12[%swap3A_67, %swap3A_68], %broadcast_in_dim3A_1 {strides = array<i32>} : memref<64x128xf32, #tpu.memory_space<vmem>>, vector<16xf32>,
      %swap3A_70 = arith.index_cast %scan3A_60 : i32 to index
      %swap3A_71 = arith.constant 48 : index
      %swap3A_72 = tpu.vector_load %arg12[%swap3A_70, %swap3A_71] {strides = array<i32>} : memref<64x128xf32, #tpu.memory_space<vmem>>, vector<16xf32>,
      tpu.vector_store %arg12[%swap3A_70, %swap3A_71], %broadcast_in_dim3A_1 {strides = array<i32>} : memref<64x128xf32, #tpu.memory_space<vmem>>, vector<16xf32>,
      %swap3A_73 = arith.index_cast %scan3A_60 : i32 to index
      %swap3A_74 = arith.constant 64 : index
      %swap3A_75 = tpu.vector_load %arg12[%swap3A_73, %swap3A_74] {strides = array<i32>} : memref<64x128xf32, #tpu.memory_space<vmem>>, vector<16xf32>,
      tpu.vector_store %arg12[%swap3A_73, %swap3A_74], %broadcast_in_dim3A_1 {strides = array<i32>} : memref<64x128xf32, #tpu.memory_space<vmem>>, vector<16xf32>,
      %swap3A_76 = arith.index_cast %scan3A_60 : i32 to index
      %swap3A_77 = arith.constant 80 : index
      %swap3A_78 = tpu.vector_load %arg12[%swap3A_76, %swap3A_77] {strides = array<i32>} : memref<64x128xf32, #tpu.memory_space<vmem>>, vector<16xf32>,
      tpu.vector_store %arg12[%swap3A_76, %swap3A_77], %broadcast_in_dim3A_1 {strides = array<i32>} : memref<64x128xf32, #tpu.memory_space<vmem>>, vector<16xf32>,
      %swap3A_79 = arith.index_cast %scan3A_60 : i32 to index
      %swap3A_80 = arith.constant 96 : index
      %swap3A_81 = tpu.vector_load %arg12[%swap3A_79, %swap3A_80] {strides = array<i32>} : memref<64x128xf32, #tpu.memory_space<vmem>>, vector<16xf32>,
      tpu.vector_store %arg12[%swap3A_79, %swap3A_80], %broadcast_in_dim3A_1 {strides = array<i32>} : memref<64x128xf32, #tpu.memory_space<vmem>>, vector<16xf32>,
      %swap3A_82 = arith.index_cast %scan3A_60 : i32 to index
      %swap3A_83 = arith.constant 112 : index
      %swap3A_84 = tpu.vector_load %arg12[%swap3A_82, %swap3A_83] {strides = array<i32>} : memref<64x128xf32, #tpu.memory_space<vmem>>, vector<16xf32>,
      tpu.vector_store %arg12[%swap3A_82, %swap3A_83], %broadcast_in_dim3A_1 {strides = array<i32>} : memref<64x128xf32, #tpu.memory_space<vmem>>, vector<16xf32>,
      %scan3A_85 = arith.constant 0 : i32
      scf.yield %scan3A_85 : i32
    }
    %scan3A_7 = arith.constant 64 : i32
    %mul3A_8 = arith.constant 640 : i32
    %mul3A_9 = arith.muli %arg1, %mul3A_8 : i32
    %add3A_10 = arith.constant 0 : i32
    %add3A_11 = arith.addi %mul3A_9, %add3A_10 : i32
    "tpu.region"() ({
      %run_scoped3A = tpu.sem_alloc : memref<!tpu.dma_semaphore, #tpu.memory_space<semaphore_mem>>
      %dma_start3A = arith.constant 0 : i32
      %dma_start3A_60 = tpu.memref_slice %arg13[%add3A_11, %dma_start3A] : memref<10240x128xf32, #tpu.memory_space<vmem_shared>> -> memref<64x128xf32, #tpu.memory_space<vmem_shared>>
      %dma_start3A_61 = arith.constant 0 : i32
      %dma_start3A_62 = tpu.memref_slice %arg13[%add3A_11, %dma_start3A_61] : memref<10240x128xf32, #tpu.memory_space<vmem_shared>> -> memref<64x128xf32, #tpu.memory_space<vmem_shared>>
      tpu.enqueue_dma source(%arg12 : memref<64x128xf32, #tpu.memory_space<vmem>>) target(%dma_start3A_62 : memref<64x128xf32, #tpu.memory_space<vmem_shared>>) target_semaphore(%run_scoped3A : memref<!tpu.dma_semaphore, #tpu.memory_space<semaphore_mem>>)
      %dma_wait3A = arith.constant 0 : i32
      %dma_wait3A_63 = tpu.memref_slice %arg13[%add3A_11, %dma_wait3A] : memref<10240x128xf32, #tpu.memory_space<vmem_shared>> -> memref<64x128xf32, #tpu.memory_space<vmem_shared>>
      %dma_wait3A_64 = arith.constant 0 : i32
      %dma_wait3A_65 = tpu.memref_slice %arg13[%add3A_11, %dma_wait3A_64] : memref<10240x128xf32, #tpu.memory_space<vmem_shared>> -> memref<64x128xf32, #tpu.memory_space<vmem_shared>>
      tpu.wait_dma2 semaphore(%run_scoped3A : memref<!tpu.dma_semaphore, #tpu.memory_space<semaphore_mem>>) src(%arg12 : memref<64x128xf32, #tpu.memory_space<vmem>>) dst(%dma_wait3A_65 : memref<64x128xf32, #tpu.memory_space<vmem_shared>>)
      tpu.yield
    }) : () -> ()
    %mul3A_12 = arith.constant 640 : i32
    %mul3A_13 = arith.muli %arg1, %mul3A_12 : i32
    %add3A_14 = arith.constant 64 : i32
    %add3A_15 = arith.addi %mul3A_13, %add3A_14 : i32
    "tpu.region"() ({
      %run_scoped3A = tpu.sem_alloc : memref<!tpu.dma_semaphore, #tpu.memory_space<semaphore_mem>>
      %dma_start3A = arith.constant 0 : i32
      %dma_start3A_60 = tpu.memref_slice %arg13[%add3A_15, %dma_start3A] : memref<10240x128xf32, #tpu.memory_space<vmem_shared>> -> memref<64x128xf32, #tpu.memory_space<vmem_shared>>
      %dma_start3A_61 = arith.constant 0 : i32
      %dma_start3A_62 = tpu.memref_slice %arg13[%add3A_15, %dma_start3A_61] : memref<10240x128xf32, #tpu.memory_space<vmem_shared>> -> memref<64x128xf32, #tpu.memory_space<vmem_shared>>
      tpu.enqueue_dma source(%arg12 : memref<64x128xf32, #tpu.memory_space<vmem>>) target(%dma_start3A_62 : memref<64x128xf32, #tpu.memory_space<vmem_shared>>) target_semaphore(%run_scoped3A : memref<!tpu.dma_semaphore, #tpu.memory_space<semaphore_mem>>)
      %dma_wait3A = arith.constant 0 : i32
      %dma_wait3A_63 = tpu.memref_slice %arg13[%add3A_15, %dma_wait3A] : memref<10240x128xf32, #tpu.memory_space<vmem_shared>> -> memref<64x128xf32, #tpu.memory_space<vmem_shared>>
      %dma_wait3A_64 = arith.constant 0 : i32
      %dma_wait3A_65 = tpu.memref_slice %arg13[%add3A_15, %dma_wait3A_64] : memref<10240x128xf32, #tpu.memory_space<vmem_shared>> -> memref<64x128xf32, #tpu.memory_space<vmem_shared>>
      tpu.wait_dma2 semaphore(%run_scoped3A : memref<!tpu.dma_semaphore, #tpu.memory_space<semaphore_mem>>) src(%arg12 : memref<64x128xf32, #tpu.memory_space<vmem>>) dst(%dma_wait3A_65 : memref<64x128xf32, #tpu.memory_space<vmem_shared>>)
      tpu.yield
    }) : () -> ()
    %mul3A_16 = arith.constant 640 : i32
    %mul3A_17 = arith.muli %arg1, %mul3A_16 : i32
    %add3A_18 = arith.constant 128 : i32
    %add3A_19 = arith.addi %mul3A_17, %add3A_18 : i32
    "tpu.region"() ({
      %run_scoped3A = tpu.sem_alloc : memref<!tpu.dma_semaphore, #tpu.memory_space<semaphore_mem>>
      %dma_start3A = arith.constant 0 : i32
      %dma_start3A_60 = tpu.memref_slice %arg13[%add3A_19, %dma_start3A] : memref<10240x128xf32, #tpu.memory_space<vmem_shared>> -> memref<64x128xf32, #tpu.memory_space<vmem_shared>>
      %dma_start3A_61 = arith.constant 0 : i32
      %dma_start3A_62 = tpu.memref_slice %arg13[%add3A_19, %dma_start3A_61] : memref<10240x128xf32, #tpu.memory_space<vmem_shared>> -> memref<64x128xf32, #tpu.memory_space<vmem_shared>>
      tpu.enqueue_dma source(%arg12 : memref<64x128xf32, #tpu.memory_space<vmem>>) target(%dma_start3A_62 : memref<64x128xf32, #tpu.memory_space<vmem_shared>>) target_semaphore(%run_scoped3A : memref<!tpu.dma_semaphore, #tpu.memory_space<semaphore_mem>>)
      %dma_wait3A = arith.constant 0 : i32
      %dma_wait3A_63 = tpu.memref_slice %arg13[%add3A_19, %dma_wait3A] : memref<10240x128xf32, #tpu.memory_space<vmem_shared>> -> memref<64x128xf32, #tpu.memory_space<vmem_shared>>
      %dma_wait3A_64 = arith.constant 0 : i32
      %dma_wait3A_65 = tpu.memref_slice %arg13[%add3A_19, %dma_wait3A_64] : memref<10240x128xf32, #tpu.memory_space<vmem_shared>> -> memref<64x128xf32, #tpu.memory_space<vmem_shared>>
      tpu.wait_dma2 semaphore(%run_scoped3A : memref<!tpu.dma_semaphore, #tpu.memory_space<semaphore_mem>>) src(%arg12 : memref<64x128xf32, #tpu.memory_space<vmem>>) dst(%dma_wait3A_65 : memref<64x128xf32, #tpu.memory_space<vmem_shared>>)
      tpu.yield
    }) : () -> ()
    %mul3A_20 = arith.constant 640 : i32
    %mul3A_21 = arith.muli %arg1, %mul3A_20 : i32
    %add3A_22 = arith.constant 192 : i32
    %add3A_23 = arith.addi %mul3A_21, %add3A_22 : i32
    "tpu.region"() ({
      %run_scoped3A = tpu.sem_alloc : memref<!tpu.dma_semaphore, #tpu.memory_space<semaphore_mem>>
      %dma_start3A = arith.constant 0 : i32
      %dma_start3A_60 = tpu.memref_slice %arg13[%add3A_23, %dma_start3A] : memref<10240x128xf32, #tpu.memory_space<vmem_shared>> -> memref<64x128xf32, #tpu.memory_space<vmem_shared>>
      %dma_start3A_61 = arith.constant 0 : i32
      %dma_start3A_62 = tpu.memref_slice %arg13[%add3A_23, %dma_start3A_61] : memref<10240x128xf32, #tpu.memory_space<vmem_shared>> -> memref<64x128xf32, #tpu.memory_space<vmem_shared>>
      tpu.enqueue_dma source(%arg12 : memref<64x128xf32, #tpu.memory_space<vmem>>) target(%dma_start3A_62 : memref<64x128xf32, #tpu.memory_space<vmem_shared>>) target_semaphore(%run_scoped3A : memref<!tpu.dma_semaphore, #tpu.memory_space<semaphore_mem>>)
      %dma_wait3A = arith.constant 0 : i32
      %dma_wait3A_63 = tpu.memref_slice %arg13[%add3A_23, %dma_wait3A] : memref<10240x128xf32, #tpu.memory_space<vmem_shared>> -> memref<64x128xf32, #tpu.memory_space<vmem_shared>>
      %dma_wait3A_64 = arith.constant 0 : i32
      %dma_wait3A_65 = tpu.memref_slice %arg13[%add3A_23, %dma_wait3A_64] : memref<10240x128xf32, #tpu.memory_space<vmem_shared>> -> memref<64x128xf32, #tpu.memory_space<vmem_shared>>
      tpu.wait_dma2 semaphore(%run_scoped3A : memref<!tpu.dma_semaphore, #tpu.memory_space<semaphore_mem>>) src(%arg12 : memref<64x128xf32, #tpu.memory_space<vmem>>) dst(%dma_wait3A_65 : memref<64x128xf32, #tpu.memory_space<vmem_shared>>)
      tpu.yield
    }) : () -> ()
    %mul3A_24 = arith.constant 640 : i32
    %mul3A_25 = arith.muli %arg1, %mul3A_24 : i32
    %add3A_26 = arith.constant 256 : i32
    %add3A_27 = arith.addi %mul3A_25, %add3A_26 : i32
    "tpu.region"() ({
      %run_scoped3A = tpu.sem_alloc : memref<!tpu.dma_semaphore, #tpu.memory_space<semaphore_mem>>
      %dma_start3A = arith.constant 0 : i32
      %dma_start3A_60 = tpu.memref_slice %arg13[%add3A_27, %dma_start3A] : memref<10240x128xf32, #tpu.memory_space<vmem_shared>> -> memref<64x128xf32, #tpu.memory_space<vmem_shared>>
      %dma_start3A_61 = arith.constant 0 : i32
      %dma_start3A_62 = tpu.memref_slice %arg13[%add3A_27, %dma_start3A_61] : memref<10240x128xf32, #tpu.memory_space<vmem_shared>> -> memref<64x128xf32, #tpu.memory_space<vmem_shared>>
      tpu.enqueue_dma source(%arg12 : memref<64x128xf32, #tpu.memory_space<vmem>>) target(%dma_start3A_62 : memref<64x128xf32, #tpu.memory_space<vmem_shared>>) target_semaphore(%run_scoped3A : memref<!tpu.dma_semaphore, #tpu.memory_space<semaphore_mem>>)
      %dma_wait3A = arith.constant 0 : i32
      %dma_wait3A_63 = tpu.memref_slice %arg13[%add3A_27, %dma_wait3A] : memref<10240x128xf32, #tpu.memory_space<vmem_shared>> -> memref<64x128xf32, #tpu.memory_space<vmem_shared>>
      %dma_wait3A_64 = arith.constant 0 : i32
      %dma_wait3A_65 = tpu.memref_slice %arg13[%add3A_27, %dma_wait3A_64] : memref<10240x128xf32, #tpu.memory_space<vmem_shared>> -> memref<64x128xf32, #tpu.memory_space<vmem_shared>>
      tpu.wait_dma2 semaphore(%run_scoped3A : memref<!tpu.dma_semaphore, #tpu.memory_space<semaphore_mem>>) src(%arg12 : memref<64x128xf32, #tpu.memory_space<vmem>>) dst(%dma_wait3A_65 : memref<64x128xf32, #tpu.memory_space<vmem_shared>>)
      tpu.yield
    }) : () -> ()
    %mul3A_28 = arith.constant 640 : i32
    %mul3A_29 = arith.muli %arg1, %mul3A_28 : i32
    %add3A_30 = arith.constant 320 : i32
    %add3A_31 = arith.addi %mul3A_29, %add3A_30 : i32
    "tpu.region"() ({
      %run_scoped3A = tpu.sem_alloc : memref<!tpu.dma_semaphore, #tpu.memory_space<semaphore_mem>>
      %dma_start3A = arith.constant 0 : i32
      %dma_start3A_60 = tpu.memref_slice %arg13[%add3A_31, %dma_start3A] : memref<10240x128xf32, #tpu.memory_space<vmem_shared>> -> memref<64x128xf32, #tpu.memory_space<vmem_shared>>
      %dma_start3A_61 = arith.constant 0 : i32
      %dma_start3A_62 = tpu.memref_slice %arg13[%add3A_31, %dma_start3A_61] : memref<10240x128xf32, #tpu.memory_space<vmem_shared>> -> memref<64x128xf32, #tpu.memory_space<vmem_shared>>
      tpu.enqueue_dma source(%arg12 : memref<64x128xf32, #tpu.memory_space<vmem>>) target(%dma_start3A_62 : memref<64x128xf32, #tpu.memory_space<vmem_shared>>) target_semaphore(%run_scoped3A : memref<!tpu.dma_semaphore, #tpu.memory_space<semaphore_mem>>)
      %dma_wait3A = arith.constant 0 : i32
      %dma_wait3A_63 = tpu.memref_slice %arg13[%add3A_31, %dma_wait3A] : memref<10240x128xf32, #tpu.memory_space<vmem_shared>> -> memref<64x128xf32, #tpu.memory_space<vmem_shared>>
      %dma_wait3A_64 = arith.constant 0 : i32
      %dma_wait3A_65 = tpu.memref_slice %arg13[%add3A_31, %dma_wait3A_64] : memref<10240x128xf32, #tpu.memory_space<vmem_shared>> -> memref<64x128xf32, #tpu.memory_space<vmem_shared>>
      tpu.wait_dma2 semaphore(%run_scoped3A : memref<!tpu.dma_semaphore, #tpu.memory_space<semaphore_mem>>) src(%arg12 : memref<64x128xf32, #tpu.memory_space<vmem>>) dst(%dma_wait3A_65 : memref<64x128xf32, #tpu.memory_space<vmem_shared>>)
      tpu.yield
    }) : () -> ()
    %mul3A_32 = arith.constant 640 : i32
    %mul3A_33 = arith.muli %arg1, %mul3A_32 : i32
    %add3A_34 = arith.constant 384 : i32
    %add3A_35 = arith.addi %mul3A_33, %add3A_34 : i32
    "tpu.region"() ({
      %run_scoped3A = tpu.sem_alloc : memref<!tpu.dma_semaphore, #tpu.memory_space<semaphore_mem>>
      %dma_start3A = arith.constant 0 : i32
      %dma_start3A_60 = tpu.memref_slice %arg13[%add3A_35, %dma_start3A] : memref<10240x128xf32, #tpu.memory_space<vmem_shared>> -> memref<64x128xf32, #tpu.memory_space<vmem_shared>>
      %dma_start3A_61 = arith.constant 0 : i32
      %dma_start3A_62 = tpu.memref_slice %arg13[%add3A_35, %dma_start3A_61] : memref<10240x128xf32, #tpu.memory_space<vmem_shared>> -> memref<64x128xf32, #tpu.memory_space<vmem_shared>>
      tpu.enqueue_dma source(%arg12 : memref<64x128xf32, #tpu.memory_space<vmem>>) target(%dma_start3A_62 : memref<64x128xf32, #tpu.memory_space<vmem_shared>>) target_semaphore(%run_scoped3A : memref<!tpu.dma_semaphore, #tpu.memory_space<semaphore_mem>>)
      %dma_wait3A = arith.constant 0 : i32
      %dma_wait3A_63 = tpu.memref_slice %arg13[%add3A_35, %dma_wait3A] : memref<10240x128xf32, #tpu.memory_space<vmem_shared>> -> memref<64x128xf32, #tpu.memory_space<vmem_shared>>
      %dma_wait3A_64 = arith.constant 0 : i32
      %dma_wait3A_65 = tpu.memref_slice %arg13[%add3A_35, %dma_wait3A_64] : memref<10240x128xf32, #tpu.memory_space<vmem_shared>> -> memref<64x128xf32, #tpu.memory_space<vmem_shared>>
      tpu.wait_dma2 semaphore(%run_scoped3A : memref<!tpu.dma_semaphore, #tpu.memory_space<semaphore_mem>>) src(%arg12 : memref<64x128xf32, #tpu.memory_space<vmem>>) dst(%dma_wait3A_65 : memref<64x128xf32, #tpu.memory_space<vmem_shared>>)
      tpu.yield
    }) : () -> ()
    %mul3A_36 = arith.constant 640 : i32
    %mul3A_37 = arith.muli %arg1, %mul3A_36 : i32
    %add3A_38 = arith.constant 448 : i32
    %add3A_39 = arith.addi %mul3A_37, %add3A_38 : i32
    "tpu.region"() ({
      %run_scoped3A = tpu.sem_alloc : memref<!tpu.dma_semaphore, #tpu.memory_space<semaphore_mem>>
      %dma_start3A = arith.constant 0 : i32
      %dma_start3A_60 = tpu.memref_slice %arg13[%add3A_39, %dma_start3A] : memref<10240x128xf32, #tpu.memory_space<vmem_shared>> -> memref<64x128xf32, #tpu.memory_space<vmem_shared>>
      %dma_start3A_61 = arith.constant 0 : i32
      %dma_start3A_62 = tpu.memref_slice %arg13[%add3A_39, %dma_start3A_61] : memref<10240x128xf32, #tpu.memory_space<vmem_shared>> -> memref<64x128xf32, #tpu.memory_space<vmem_shared>>
      tpu.enqueue_dma source(%arg12 : memref<64x128xf32, #tpu.memory_space<vmem>>) target(%dma_start3A_62 : memref<64x128xf32, #tpu.memory_space<vmem_shared>>) target_semaphore(%run_scoped3A : memref<!tpu.dma_semaphore, #tpu.memory_space<semaphore_mem>>)
      %dma_wait3A = arith.constant 0 : i32
      %dma_wait3A_63 = tpu.memref_slice %arg13[%add3A_39, %dma_wait3A] : memref<10240x128xf32, #tpu.memory_space<vmem_shared>> -> memref<64x128xf32, #tpu.memory_space<vmem_shared>>
      %dma_wait3A_64 = arith.constant 0 : i32
      %dma_wait3A_65 = tpu.memref_slice %arg13[%add3A_39, %dma_wait3A_64] : memref<10240x128xf32, #tpu.memory_space<vmem_shared>> -> memref<64x128xf32, #tpu.memory_space<vmem_shared>>
      tpu.wait_dma2 semaphore(%run_scoped3A : memref<!tpu.dma_semaphore, #tpu.memory_space<semaphore_mem>>) src(%arg12 : memref<64x128xf32, #tpu.memory_space<vmem>>) dst(%dma_wait3A_65 : memref<64x128xf32, #tpu.memory_space<vmem_shared>>)
      tpu.yield
    }) : () -> ()
    %mul3A_40 = arith.constant 640 : i32
    %mul3A_41 = arith.muli %arg1, %mul3A_40 : i32
    %add3A_42 = arith.constant 512 : i32
    %add3A_43 = arith.addi %mul3A_41, %add3A_42 : i32
    "tpu.region"() ({
      %run_scoped3A = tpu.sem_alloc : memref<!tpu.dma_semaphore, #tpu.memory_space<semaphore_mem>>
      %dma_start3A = arith.constant 0 : i32
      %dma_start3A_60 = tpu.memref_slice %arg13[%add3A_43, %dma_start3A] : memref<10240x128xf32, #tpu.memory_space<vmem_shared>> -> memref<64x128xf32, #tpu.memory_space<vmem_shared>>
      %dma_start3A_61 = arith.constant 0 : i32
      %dma_start3A_62 = tpu.memref_slice %arg13[%add3A_43, %dma_start3A_61] : memref<10240x128xf32, #tpu.memory_space<vmem_shared>> -> memref<64x128xf32, #tpu.memory_space<vmem_shared>>
      tpu.enqueue_dma source(%arg12 : memref<64x128xf32, #tpu.memory_space<vmem>>) target(%dma_start3A_62 : memref<64x128xf32, #tpu.memory_space<vmem_shared>>) target_semaphore(%run_scoped3A : memref<!tpu.dma_semaphore, #tpu.memory_space<semaphore_mem>>)
      %dma_wait3A = arith.constant 0 : i32
      %dma_wait3A_63 = tpu.memref_slice %arg13[%add3A_43, %dma_wait3A] : memref<10240x128xf32, #tpu.memory_space<vmem_shared>> -> memref<64x128xf32, #tpu.memory_space<vmem_shared>>
      %dma_wait3A_64 = arith.constant 0 : i32
      %dma_wait3A_65 = tpu.memref_slice %arg13[%add3A_43, %dma_wait3A_64] : memref<10240x128xf32, #tpu.memory_space<vmem_shared>> -> memref<64x128xf32, #tpu.memory_space<vmem_shared>>
      tpu.wait_dma2 semaphore(%run_scoped3A : memref<!tpu.dma_semaphore, #tpu.memory_space<semaphore_mem>>) src(%arg12 : memref<64x128xf32, #tpu.memory_space<vmem>>) dst(%dma_wait3A_65 : memref<64x128xf32, #tpu.memory_space<vmem_shared>>)
      tpu.yield
    }) : () -> ()
    %mul3A_44 = arith.constant 640 : i32
    %mul3A_45 = arith.muli %arg1, %mul3A_44 : i32
    %add3A_46 = arith.constant 576 : i32
    %add3A_47 = arith.addi %mul3A_45, %add3A_46 : i32
    "tpu.region"() ({
      %run_scoped3A = tpu.sem_alloc : memref<!tpu.dma_semaphore, #tpu.memory_space<semaphore_mem>>
      %dma_start3A = arith.constant 0 : i32
      %dma_start3A_60 = tpu.memref_slice %arg13[%add3A_47, %dma_start3A] : memref<10240x128xf32, #tpu.memory_space<vmem_shared>> -> memref<64x128xf32, #tpu.memory_space<vmem_shared>>
      %dma_start3A_61 = arith.constant 0 : i32
      %dma_start3A_62 = tpu.memref_slice %arg13[%add3A_47, %dma_start3A_61] : memref<10240x128xf32, #tpu.memory_space<vmem_shared>> -> memref<64x128xf32, #tpu.memory_space<vmem_shared>>
      tpu.enqueue_dma source(%arg12 : memref<64x128xf32, #tpu.memory_space<vmem>>) target(%dma_start3A_62 : memref<64x128xf32, #tpu.memory_space<vmem_shared>>) target_semaphore(%run_scoped3A : memref<!tpu.dma_semaphore, #tpu.memory_space<semaphore_mem>>)
      %dma_wait3A = arith.constant 0 : i32
      %dma_wait3A_63 = tpu.memref_slice %arg13[%add3A_47, %dma_wait3A] : memref<10240x128xf32, #tpu.memory_space<vmem_shared>> -> memref<64x128xf32, #tpu.memory_space<vmem_shared>>
      %dma_wait3A_64 = arith.constant 0 : i32
      %dma_wait3A_65 = tpu.memref_slice %arg13[%add3A_47, %dma_wait3A_64] : memref<10240x128xf32, #tpu.memory_space<vmem_shared>> -> memref<64x128xf32, #tpu.memory_space<vmem_shared>>
      tpu.wait_dma2 semaphore(%run_scoped3A : memref<!tpu.dma_semaphore, #tpu.memory_space<semaphore_mem>>) src(%arg12 : memref<64x128xf32, #tpu.memory_space<vmem>>) dst(%dma_wait3A_65 : memref<64x128xf32, #tpu.memory_space<vmem_shared>>)
      tpu.yield
    }) : () -> ()
    %barrier3A = arith.constant 0 : index
    tpu.barrier barrier_id(%barrier3A)
    %scan3A_48 = arith.constant 0 : i32
    %scan3A_49 = arith.constant 0 : i32
    %scan3A_50 = arith.constant 5 : i32
    %scan3A_51 = arith.addi %scan3A_49, %scan3A_50 : i32
    %scan3A_52 = arith.constant 1 : i32
    %scan3A_53 = scf.for %scan3A_60 = %scan3A_49 to %scan3A_51 step %scan3A_52 iter_args(%scan3A_61 = %scan3A_48) -> (i32)  : i32 {
      "tpu.region"() ({
        %run_scoped3A = tpu.sem_alloc : memref<!tpu.dma_semaphore, #tpu.memory_space<semaphore_mem>>
        %dma_start3A_138 = arith.constant 0 : i32
        %dma_start3A_139 = arith.constant 0 : i32
        %dma_start3A_140 = tpu.memref_slice %arg3[%add3A, %scan3A_60, %dma_start3A_138, %dma_start3A_139] : memref<32x5x16x128xi32, #tpu.memory_space<hbm>> -> memref<1x1x16x128xi32, #tpu.memory_space<hbm>>
        %dma_start3A_141 = tpu.memref_squeeze %dma_start3A_140 : memref<1x1x16x128xi32, #tpu.memory_space<hbm>> -> memref<16x128xi32, #tpu.memory_space<hbm>>
        %dma_start3A_142 = arith.constant 0 : i32
        %dma_start3A_143 = arith.constant 0 : i32
        %dma_start3A_144 = tpu.memref_slice %arg3[%add3A, %scan3A_60, %dma_start3A_142, %dma_start3A_143] : memref<32x5x16x128xi32, #tpu.memory_space<hbm>> -> memref<1x1x16x128xi32, #tpu.memory_space<hbm>>
        %dma_start3A_145 = tpu.memref_squeeze %dma_start3A_144 : memref<1x1x16x128xi32, #tpu.memory_space<hbm>> -> memref<16x128xi32, #tpu.memory_space<hbm>>
        tpu.enqueue_dma source(%dma_start3A_145 : memref<16x128xi32, #tpu.memory_space<hbm>>) target(%arg7 : memref<16x128xi32, #tpu.memory_space<vmem>>) target_semaphore(%run_scoped3A : memref<!tpu.dma_semaphore, #tpu.memory_space<semaphore_mem>>)
        %dma_wait3A_146 = arith.constant 0 : i32
        %dma_wait3A_147 = arith.constant 0 : i32
        %dma_wait3A_148 = tpu.memref_slice %arg3[%add3A, %scan3A_60, %dma_wait3A_146, %dma_wait3A_147] : memref<32x5x16x128xi32, #tpu.memory_space<hbm>> -> memref<1x1x16x128xi32, #tpu.memory_space<hbm>>
        %dma_wait3A_149 = tpu.memref_squeeze %dma_wait3A_148 : memref<1x1x16x128xi32, #tpu.memory_space<hbm>> -> memref<16x128xi32, #tpu.memory_space<hbm>>
        %dma_wait3A_150 = arith.constant 0 : i32
        %dma_wait3A_151 = arith.constant 0 : i32
        %dma_wait3A_152 = tpu.memref_slice %arg3[%add3A, %scan3A_60, %dma_wait3A_150, %dma_wait3A_151] : memref<32x5x16x128xi32, #tpu.memory_space<hbm>> -> memref<1x1x16x128xi32, #tpu.memory_space<hbm>>
        %dma_wait3A_153 = tpu.memref_squeeze %dma_wait3A_152 : memref<1x1x16x128xi32, #tpu.memory_space<hbm>> -> memref<16x128xi32, #tpu.memory_space<hbm>>
        tpu.wait_dma2 semaphore(%run_scoped3A : memref<!tpu.dma_semaphore, #tpu.memory_space<semaphore_mem>>) src(%dma_wait3A_153 : memref<16x128xi32, #tpu.memory_space<hbm>>) dst(%arg7 : memref<16x128xi32, #tpu.memory_space<vmem>>)
        tpu.yield
      }) : () -> ()
      "tpu.region"() ({
        %run_scoped3A = tpu.sem_alloc : memref<!tpu.dma_semaphore, #tpu.memory_space<semaphore_mem>>
        %dma_start3A_138 = arith.constant 0 : i32
        %dma_start3A_139 = arith.constant 0 : i32
        %dma_start3A_140 = tpu.memref_slice %arg4[%add3A, %scan3A_60, %dma_start3A_138, %dma_start3A_139] : memref<32x5x16x128xi32, #tpu.memory_space<hbm>> -> memref<1x1x16x128xi32, #tpu.memory_space<hbm>>
        %dma_start3A_141 = tpu.memref_squeeze %dma_start3A_140 : memref<1x1x16x128xi32, #tpu.memory_space<hbm>> -> memref<16x128xi32, #tpu.memory_space<hbm>>
        %dma_start3A_142 = arith.constant 0 : i32
        %dma_start3A_143 = arith.constant 0 : i32
        %dma_start3A_144 = tpu.memref_slice %arg4[%add3A, %scan3A_60, %dma_start3A_142, %dma_start3A_143] : memref<32x5x16x128xi32, #tpu.memory_space<hbm>> -> memref<1x1x16x128xi32, #tpu.memory_space<hbm>>
        %dma_start3A_145 = tpu.memref_squeeze %dma_start3A_144 : memref<1x1x16x128xi32, #tpu.memory_space<hbm>> -> memref<16x128xi32, #tpu.memory_space<hbm>>
        tpu.enqueue_dma source(%dma_start3A_145 : memref<16x128xi32, #tpu.memory_space<hbm>>) target(%arg8 : memref<16x128xi32, #tpu.memory_space<vmem>>) target_semaphore(%run_scoped3A : memref<!tpu.dma_semaphore, #tpu.memory_space<semaphore_mem>>)
        %dma_wait3A_146 = arith.constant 0 : i32
        %dma_wait3A_147 = arith.constant 0 : i32
        %dma_wait3A_148 = tpu.memref_slice %arg4[%add3A, %scan3A_60, %dma_wait3A_146, %dma_wait3A_147] : memref<32x5x16x128xi32, #tpu.memory_space<hbm>> -> memref<1x1x16x128xi32, #tpu.memory_space<hbm>>
        %dma_wait3A_149 = tpu.memref_squeeze %dma_wait3A_148 : memref<1x1x16x128xi32, #tpu.memory_space<hbm>> -> memref<16x128xi32, #tpu.memory_space<hbm>>
        %dma_wait3A_150 = arith.constant 0 : i32
        %dma_wait3A_151 = arith.constant 0 : i32
        %dma_wait3A_152 = tpu.memref_slice %arg4[%add3A, %scan3A_60, %dma_wait3A_150, %dma_wait3A_151] : memref<32x5x16x128xi32, #tpu.memory_space<hbm>> -> memref<1x1x16x128xi32, #tpu.memory_space<hbm>>
        %dma_wait3A_153 = tpu.memref_squeeze %dma_wait3A_152 : memref<1x1x16x128xi32, #tpu.memory_space<hbm>> -> memref<16x128xi32, #tpu.memory_space<hbm>>
        tpu.wait_dma2 semaphore(%run_scoped3A : memref<!tpu.dma_semaphore, #tpu.memory_space<semaphore_mem>>) src(%dma_wait3A_153 : memref<16x128xi32, #tpu.memory_space<hbm>>) dst(%arg8 : memref<16x128xi32, #tpu.memory_space<vmem>>)
        tpu.yield
      }) : () -> ()
      "tpu.region"() ({
        %run_scoped3A = tpu.sem_alloc : memref<!tpu.dma_semaphore, #tpu.memory_space<semaphore_mem>>
        %dma_start3A_138 = arith.constant 0 : i32
        %dma_start3A_139 = tpu.memref_slice %arg5[%add3A, %scan3A_60, %dma_start3A_138] : memref<32x5x2048xf32, #tpu.memory_space<hbm>> -> memref<1x1x2048xf32, #tpu.memory_space<hbm>>
        %dma_start3A_140 = tpu.memref_squeeze %dma_start3A_139 : memref<1x1x2048xf32, #tpu.memory_space<hbm>> -> memref<2048xf32, #tpu.memory_space<hbm>>
        %dma_start3A_141 = arith.constant 0 : i32
        %dma_start3A_142 = tpu.memref_slice %arg5[%add3A, %scan3A_60, %dma_start3A_141] : memref<32x5x2048xf32, #tpu.memory_space<hbm>> -> memref<1x1x2048xf32, #tpu.memory_space<hbm>>
        %dma_start3A_143 = tpu.memref_squeeze %dma_start3A_142 : memref<1x1x2048xf32, #tpu.memory_space<hbm>> -> memref<2048xf32, #tpu.memory_space<hbm>>
        tpu.enqueue_dma source(%dma_start3A_143 : memref<2048xf32, #tpu.memory_space<hbm>>) target(%arg9 : memref<2048xf32, #tpu.memory_space<vmem>>) target_semaphore(%run_scoped3A : memref<!tpu.dma_semaphore, #tpu.memory_space<semaphore_mem>>)
        %dma_wait3A_144 = arith.constant 0 : i32
        %dma_wait3A_145 = tpu.memref_slice %arg5[%add3A, %scan3A_60, %dma_wait3A_144] : memref<32x5x2048xf32, #tpu.memory_space<hbm>> -> memref<1x1x2048xf32, #tpu.memory_space<hbm>>
        %dma_wait3A_146 = tpu.memref_squeeze %dma_wait3A_145 : memref<1x1x2048xf32, #tpu.memory_space<hbm>> -> memref<2048xf32, #tpu.memory_space<hbm>>
        %dma_wait3A_147 = arith.constant 0 : i32
        %dma_wait3A_148 = tpu.memref_slice %arg5[%add3A, %scan3A_60, %dma_wait3A_147] : memref<32x5x2048xf32, #tpu.memory_space<hbm>> -> memref<1x1x2048xf32, #tpu.memory_space<hbm>>
        %dma_wait3A_149 = tpu.memref_squeeze %dma_wait3A_148 : memref<1x1x2048xf32, #tpu.memory_space<hbm>> -> memref<2048xf32, #tpu.memory_space<hbm>>
        tpu.wait_dma2 semaphore(%run_scoped3A : memref<!tpu.dma_semaphore, #tpu.memory_space<semaphore_mem>>) src(%dma_wait3A_149 : memref<2048xf32, #tpu.memory_space<hbm>>) dst(%arg9 : memref<2048xf32, #tpu.memory_space<vmem>>)
        tpu.yield
      }) : () -> ()
      %dma_start3A = arith.constant 0 : i32
      %dma_start3A_62 = arith.constant 0 : i32
      %dma_start3A_63 = tpu.memref_slice %arg7[%dma_start3A, %dma_start3A_62] : memref<16x128xi32, #tpu.memory_space<vmem>> -> memref<1x128xi32, #tpu.memory_space<vmem>>
      %dma_start3A_64 = tpu.memref_squeeze %dma_start3A_63 : memref<1x128xi32, #tpu.memory_space<vmem>> -> memref<128xi32, #tpu.memory_space<vmem>>
      %dma_start3A_65 = arith.constant 0 : i32
      %dma_start3A_66 = arith.constant 0 : i32
      %dma_start3A_67 = tpu.memref_slice %arg2[%dma_start3A_65, %dma_start3A_66] : memref<10000x128xf32, #tpu.memory_space<hbm>> -> memref<10000x128xf32, #tpu.memory_space<hbm>>
      tpu.enqueue_indirect_dma source(%dma_start3A_67 : memref<10000x128xf32, #tpu.memory_space<hbm>>) target(%arg10 : memref<128x128xf32, #tpu.memory_space<vmem>>) offsets(%dma_start3A_64 : memref<128xi32, #tpu.memory_space<vmem>>) semaphore(%arg14 : memref<!tpu.dma_semaphore, #tpu.memory_space<semaphore_mem>>)
      %dma_wait3A = arith.constant 0 : i32
      %dma_wait3A_68 = arith.constant 0 : i32
      %dma_wait3A_69 = tpu.memref_slice %arg7[%dma_wait3A, %dma_wait3A_68] : memref<16x128xi32, #tpu.memory_space<vmem>> -> memref<1x128xi32, #tpu.memory_space<vmem>>
      %dma_wait3A_70 = tpu.memref_squeeze %dma_wait3A_69 : memref<1x128xi32, #tpu.memory_space<vmem>> -> memref<128xi32, #tpu.memory_space<vmem>>
      %dma_wait3A_71 = arith.constant 0 : i32
      %dma_wait3A_72 = arith.constant 0 : i32
      %dma_wait3A_73 = tpu.memref_slice %arg2[%dma_wait3A_71, %dma_wait3A_72] : memref<10000x128xf32, #tpu.memory_space<hbm>> -> memref<10000x128xf32, #tpu.memory_space<hbm>>
      tpu.wait_indirect_dma semaphore(%arg14 : memref<!tpu.dma_semaphore, #tpu.memory_space<semaphore_mem>>) src(%dma_wait3A_73 : memref<10000x128xf32, #tpu.memory_space<hbm>>) dst(%arg10 : memref<128x128xf32, #tpu.memory_space<vmem>>)
      %dma_start3A_74 = arith.constant 1 : i32
      %dma_start3A_75 = arith.constant 0 : i32
      %dma_start3A_76 = tpu.memref_slice %arg7[%dma_start3A_74, %dma_start3A_75] : memref<16x128xi32, #tpu.memory_space<vmem>> -> memref<1x128xi32, #tpu.memory_space<vmem>>
      %dma_start3A_77 = tpu.memref_squeeze %dma_start3A_76 : memref<1x128xi32, #tpu.memory_space<vmem>> -> memref<128xi32, #tpu.memory_space<vmem>>
      %dma_start3A_78 = arith.constant 0 : i32
      %dma_start3A_79 = arith.constant 0 : i32
      %dma_start3A_80 = tpu.memref_slice %arg2[%dma_start3A_78, %dma_start3A_79] : memref<10000x128xf32, #tpu.memory_space<hbm>> -> memref<10000x128xf32, #tpu.memory_space<hbm>>
      tpu.enqueue_indirect_dma source(%dma_start3A_80 : memref<10000x128xf32, #tpu.memory_space<hbm>>) target(%arg11 : memref<128x128xf32, #tpu.memory_space<vmem>>) offsets(%dma_start3A_77 : memref<128xi32, #tpu.memory_space<vmem>>) semaphore(%arg15 : memref<!tpu.dma_semaphore, #tpu.memory_space<semaphore_mem>>)
      %scan3A_81 = arith.constant 0 : i32
      %scan3A_82 = arith.constant 0 : i32
      %scan3A_83 = arith.constant 128 : i32
      %scan3A_84 = arith.addi %scan3A_82, %scan3A_83 : i32
      %scan3A_85 = arith.constant 1 : i32
      %scan3A_86 = scf.for %scan3A_138 = %scan3A_82 to %scan3A_84 step %scan3A_85 iter_args(%scan3A_139 = %scan3A_81) -> (i32)  : i32 {
        %add3A_140 = arith.constant 0 : i32
        %add3A_141 = arith.addi %add3A_140, %scan3A_138 : i32
        %broadcast_in_dim3A_142 = vector.broadcast %add3A_141 : i32 to vector<16xi32>
        %gather3A = tpu.vector_load_idx %arg9[%broadcast_in_dim3A_142] : memref<2048xf32, #tpu.memory_space<vmem>>[vector<16xi32>], vector<16xf32>,
        %get3A = arith.index_cast %scan3A_138 : i32 to index
        %get3A_143 = arith.constant 0 : index
        %get3A_144 = tpu.vector_load %arg10[%get3A, %get3A_143] {strides = array<i32>} : memref<128x128xf32, #tpu.memory_space<vmem>>, vector<16xf32>,
        %mul3A_145 = arith.mulf %get3A_144, %gather3A : vector<16xf32>
        %swap3A = arith.index_cast %scan3A_138 : i32 to index
        %swap3A_146 = arith.constant 0 : index
        %swap3A_147 = tpu.vector_load %arg10[%swap3A, %swap3A_146] {strides = array<i32>} : memref<128x128xf32, #tpu.memory_space<vmem>>, vector<16xf32>,
        tpu.vector_store %arg10[%swap3A, %swap3A_146], %mul3A_145 {strides = array<i32>} : memref<128x128xf32, #tpu.memory_space<vmem>>, vector<16xf32>,
        %get3A_148 = arith.index_cast %scan3A_138 : i32 to index
        %get3A_149 = arith.constant 16 : index
        %get3A_150 = tpu.vector_load %arg10[%get3A_148, %get3A_149] {strides = array<i32>} : memref<128x128xf32, #tpu.memory_space<vmem>>, vector<16xf32>,
        %mul3A_151 = arith.mulf %get3A_150, %gather3A : vector<16xf32>
        %swap3A_152 = arith.index_cast %scan3A_138 : i32 to index
        %swap3A_153 = arith.constant 16 : index
        %swap3A_154 = tpu.vector_load %arg10[%swap3A_152, %swap3A_153] {strides = array<i32>} : memref<128x128xf32, #tpu.memory_space<vmem>>, vector<16xf32>,
        tpu.vector_store %arg10[%swap3A_152, %swap3A_153], %mul3A_151 {strides = array<i32>} : memref<128x128xf32, #tpu.memory_space<vmem>>, vector<16xf32>,
        %get3A_155 = arith.index_cast %scan3A_138 : i32 to index
        %get3A_156 = arith.constant 32 : index
        %get3A_157 = tpu.vector_load %arg10[%get3A_155, %get3A_156] {strides = array<i32>} : memref<128x128xf32, #tpu.memory_space<vmem>>, vector<16xf32>,
        %mul3A_158 = arith.mulf %get3A_157, %gather3A : vector<16xf32>
        %swap3A_159 = arith.index_cast %scan3A_138 : i32 to index
        %swap3A_160 = arith.constant 32 : index
        %swap3A_161 = tpu.vector_load %arg10[%swap3A_159, %swap3A_160] {strides = array<i32>} : memref<128x128xf32, #tpu.memory_space<vmem>>, vector<16xf32>,
        tpu.vector_store %arg10[%swap3A_159, %swap3A_160], %mul3A_158 {strides = array<i32>} : memref<128x128xf32, #tpu.memory_space<vmem>>, vector<16xf32>,
        %get3A_162 = arith.index_cast %scan3A_138 : i32 to index
        %get3A_163 = arith.constant 48 : index
        %get3A_164 = tpu.vector_load %arg10[%get3A_162, %get3A_163] {strides = array<i32>} : memref<128x128xf32, #tpu.memory_space<vmem>>, vector<16xf32>,
        %mul3A_165 = arith.mulf %get3A_164, %gather3A : vector<16xf32>
        %swap3A_166 = arith.index_cast %scan3A_138 : i32 to index
        %swap3A_167 = arith.constant 48 : index
        %swap3A_168 = tpu.vector_load %arg10[%swap3A_166, %swap3A_167] {strides = array<i32>} : memref<128x128xf32, #tpu.memory_space<vmem>>, vector<16xf32>,
        tpu.vector_store %arg10[%swap3A_166, %swap3A_167], %mul3A_165 {strides = array<i32>} : memref<128x128xf32, #tpu.memory_space<vmem>>, vector<16xf32>,
        %get3A_169 = arith.index_cast %scan3A_138 : i32 to index
        %get3A_170 = arith.constant 64 : index
        %get3A_171 = tpu.vector_load %arg10[%get3A_169, %get3A_170] {strides = array<i32>} : memref<128x128xf32, #tpu.memory_space<vmem>>, vector<16xf32>,
        %mul3A_172 = arith.mulf %get3A_171, %gather3A : vector<16xf32>
        %swap3A_173 = arith.index_cast %scan3A_138 : i32 to index
        %swap3A_174 = arith.constant 64 : index
        %swap3A_175 = tpu.vector_load %arg10[%swap3A_173, %swap3A_174] {strides = array<i32>} : memref<128x128xf32, #tpu.memory_space<vmem>>, vector<16xf32>,
        tpu.vector_store %arg10[%swap3A_173, %swap3A_174], %mul3A_172 {strides = array<i32>} : memref<128x128xf32, #tpu.memory_space<vmem>>, vector<16xf32>,
        %get3A_176 = arith.index_cast %scan3A_138 : i32 to index
        %get3A_177 = arith.constant 80 : index
        %get3A_178 = tpu.vector_load %arg10[%get3A_176, %get3A_177] {strides = array<i32>} : memref<128x128xf32, #tpu.memory_space<vmem>>, vector<16xf32>,
        %mul3A_179 = arith.mulf %get3A_178, %gather3A : vector<16xf32>
        %swap3A_180 = arith.index_cast %scan3A_138 : i32 to index
        %swap3A_181 = arith.constant 80 : index
        %swap3A_182 = tpu.vector_load %arg10[%swap3A_180, %swap3A_181] {strides = array<i32>} : memref<128x128xf32, #tpu.memory_space<vmem>>, vector<16xf32>,
        tpu.vector_store %arg10[%swap3A_180, %swap3A_181], %mul3A_179 {strides = array<i32>} : memref<128x128xf32, #tpu.memory_space<vmem>>, vector<16xf32>,
        %get3A_183 = arith.index_cast %scan3A_138 : i32 to index
        %get3A_184 = arith.constant 96 : index
        %get3A_185 = tpu.vector_load %arg10[%get3A_183, %get3A_184] {strides = array<i32>} : memref<128x128xf32, #tpu.memory_space<vmem>>, vector<16xf32>,
        %mul3A_186 = arith.mulf %get3A_185, %gather3A : vector<16xf32>
        %swap3A_187 = arith.index_cast %scan3A_138 : i32 to index
        %swap3A_188 = arith.constant 96 : index
        %swap3A_189 = tpu.vector_load %arg10[%swap3A_187, %swap3A_188] {strides = array<i32>} : memref<128x128xf32, #tpu.memory_space<vmem>>, vector<16xf32>,
        tpu.vector_store %arg10[%swap3A_187, %swap3A_188], %mul3A_186 {strides = array<i32>} : memref<128x128xf32, #tpu.memory_space<vmem>>, vector<16xf32>,
        %get3A_190 = arith.index_cast %scan3A_138 : i32 to index
        %get3A_191 = arith.constant 112 : index
        %get3A_192 = tpu.vector_load %arg10[%get3A_190, %get3A_191] {strides = array<i32>} : memref<128x128xf32, #tpu.memory_space<vmem>>, vector<16xf32>,
        %mul3A_193 = arith.mulf %get3A_192, %gather3A : vector<16xf32>
        %swap3A_194 = arith.index_cast %scan3A_138 : i32 to index
        %swap3A_195 = arith.constant 112 : index
        %swap3A_196 = tpu.vector_load %arg10[%swap3A_194, %swap3A_195] {strides = array<i32>} : memref<128x128xf32, #tpu.memory_space<vmem>>, vector<16xf32>,
        tpu.vector_store %arg10[%swap3A_194, %swap3A_195], %mul3A_193 {strides = array<i32>} : memref<128x128xf32, #tpu.memory_space<vmem>>, vector<16xf32>,
        %scan3A_197 = arith.constant 0 : i32
        scf.yield %scan3A_197 : i32
      }
      %scan3A_87 = arith.constant 128 : i32
      %dma_start3A_88 = arith.constant 0 : i32
      %dma_start3A_89 = arith.constant 0 : i32
      %dma_start3A_90 = tpu.memref_slice %arg8[%dma_start3A_88, %dma_start3A_89] : memref<16x128xi32, #tpu.memory_space<vmem>> -> memref<1x128xi32, #tpu.memory_space<vmem>>
      %dma_start3A_91 = tpu.memref_squeeze %dma_start3A_90 : memref<1x128xi32, #tpu.memory_space<vmem>> -> memref<128xi32, #tpu.memory_space<vmem>>
      %dma_start3A_92 = arith.constant 0 : i32
      %dma_start3A_93 = arith.constant 0 : i32
      %dma_start3A_94 = tpu.memref_slice %arg13[%dma_start3A_92, %dma_start3A_93] : memref<10240x128xf32, #tpu.memory_space<vmem_shared>> -> memref<10240x128xf32, #tpu.memory_space<vmem_shared>>
      tpu.enqueue_indirect_dma source(%arg10 : memref<128x128xf32, #tpu.memory_space<vmem>>) target(%dma_start3A_94 : memref<10240x128xf32, #tpu.memory_space<vmem_shared>>) offsets(%dma_start3A_91 : memref<128xi32, #tpu.memory_space<vmem>>) semaphore(%arg16 : memref<!tpu.dma_semaphore, #tpu.memory_space<semaphore_mem>>) {add = true}
      %scan3A_95 = arith.constant 0 : i32
      %scan3A_96 = arith.constant 1 : i32
      %scan3A_97 = arith.constant 7 : i32
      %scan3A_98 = arith.addi %scan3A_96, %scan3A_97 : i32
      %scan3A_99 = arith.constant 1 : i32
      %scan3A_100 = scf.for %scan3A_138 = %scan3A_96 to %scan3A_98 step %scan3A_99 iter_args(%scan3A_139 = %scan3A_95) -> (i32)  : i32 {
        %dma_wait3A_140 = arith.constant 0 : i32
        %dma_wait3A_141 = arith.constant 0 : i32
        %dma_wait3A_142 = tpu.memref_slice %arg8[%dma_wait3A_140, %dma_wait3A_141] : memref<16x128xi32, #tpu.memory_space<vmem>> -> memref<1x128xi32, #tpu.memory_space<vmem>>
        %dma_wait3A_143 = tpu.memref_squeeze %dma_wait3A_142 : memref<1x128xi32, #tpu.memory_space<vmem>> -> memref<128xi32, #tpu.memory_space<vmem>>
        %dma_wait3A_144 = arith.constant 0 : i32
        %dma_wait3A_145 = arith.constant 0 : i32
        %dma_wait3A_146 = tpu.memref_slice %arg13[%dma_wait3A_144, %dma_wait3A_145] : memref<10240x128xf32, #tpu.memory_space<vmem_shared>> -> memref<10240x128xf32, #tpu.memory_space<vmem_shared>>
        tpu.wait_indirect_dma semaphore(%arg16 : memref<!tpu.dma_semaphore, #tpu.memory_space<semaphore_mem>>) src(%arg10 : memref<128x128xf32, #tpu.memory_space<vmem>>) dst(%dma_wait3A_146 : memref<10240x128xf32, #tpu.memory_space<vmem_shared>>)
        %mul3A_147 = arith.constant 2 : i32
        %mul3A_148 = arith.muli %mul3A_147, %scan3A_138 : i32
        %dma_start3A_149 = arith.constant 0 : i32
        %dma_start3A_150 = tpu.memref_slice %arg7[%mul3A_148, %dma_start3A_149] : memref<16x128xi32, #tpu.memory_space<vmem>> -> memref<1x128xi32, #tpu.memory_space<vmem>>
        %dma_start3A_151 = tpu.memref_squeeze %dma_start3A_150 : memref<1x128xi32, #tpu.memory_space<vmem>> -> memref<128xi32, #tpu.memory_space<vmem>>
        %dma_start3A_152 = arith.constant 0 : i32
        %dma_start3A_153 = arith.constant 0 : i32
        %dma_start3A_154 = tpu.memref_slice %arg2[%dma_start3A_152, %dma_start3A_153] : memref<10000x128xf32, #tpu.memory_space<hbm>> -> memref<10000x128xf32, #tpu.memory_space<hbm>>
        tpu.enqueue_indirect_dma source(%dma_start3A_154 : memref<10000x128xf32, #tpu.memory_space<hbm>>) target(%arg10 : memref<128x128xf32, #tpu.memory_space<vmem>>) offsets(%dma_start3A_151 : memref<128xi32, #tpu.memory_space<vmem>>) semaphore(%arg14 : memref<!tpu.dma_semaphore, #tpu.memory_space<semaphore_mem>>)
        %dma_wait3A_155 = arith.constant 0 : i32
        %dma_wait3A_156 = arith.constant 0 : i32
        %dma_wait3A_157 = tpu.memref_slice %arg7[%dma_wait3A_155, %dma_wait3A_156] : memref<16x128xi32, #tpu.memory_space<vmem>> -> memref<1x128xi32, #tpu.memory_space<vmem>>
        %dma_wait3A_158 = tpu.memref_squeeze %dma_wait3A_157 : memref<1x128xi32, #tpu.memory_space<vmem>> -> memref<128xi32, #tpu.memory_space<vmem>>
        %dma_wait3A_159 = arith.constant 0 : i32
        %dma_wait3A_160 = arith.constant 0 : i32
        %dma_wait3A_161 = tpu.memref_slice %arg2[%dma_wait3A_159, %dma_wait3A_160] : memref<10000x128xf32, #tpu.memory_space<hbm>> -> memref<10000x128xf32, #tpu.memory_space<hbm>>
        tpu.wait_indirect_dma semaphore(%arg15 : memref<!tpu.dma_semaphore, #tpu.memory_space<semaphore_mem>>) src(%dma_wait3A_161 : memref<10000x128xf32, #tpu.memory_space<hbm>>) dst(%arg11 : memref<128x128xf32, #tpu.memory_space<vmem>>)
        %mul3A_162 = arith.constant 2 : i32
        %mul3A_163 = arith.muli %mul3A_162, %scan3A_138 : i32
        %sub3A = arith.constant 1 : i32
        %sub3A_164 = arith.subi %mul3A_163, %sub3A : i32
        %scan3A_165 = arith.constant 0 : i32
        %scan3A_166 = arith.constant 0 : i32
        %scan3A_167 = arith.constant 128 : i32
        %scan3A_168 = arith.addi %scan3A_166, %scan3A_167 : i32
        %scan3A_169 = arith.constant 1 : i32
        %scan3A_170 = scf.for %scan3A_224 = %scan3A_166 to %scan3A_168 step %scan3A_169 iter_args(%scan3A_225 = %scan3A_165) -> (i32)  : i32 {
          %mul3A_226 = arith.constant 128 : i32
          %mul3A_227 = arith.muli %sub3A_164, %mul3A_226 : i32
          %add3A_228 = arith.addi %mul3A_227, %scan3A_224 : i32
          %broadcast_in_dim3A_229 = vector.broadcast %add3A_228 : i32 to vector<16xi32>
          %gather3A = tpu.vector_load_idx %arg9[%broadcast_in_dim3A_229] : memref<2048xf32, #tpu.memory_space<vmem>>[vector<16xi32>], vector<16xf32>,
          %get3A = arith.index_cast %scan3A_224 : i32 to index
          %get3A_230 = arith.constant 0 : index
          %get3A_231 = tpu.vector_load %arg11[%get3A, %get3A_230] {strides = array<i32>} : memref<128x128xf32, #tpu.memory_space<vmem>>, vector<16xf32>,
          %mul3A_232 = arith.mulf %get3A_231, %gather3A : vector<16xf32>
          %swap3A = arith.index_cast %scan3A_224 : i32 to index
          %swap3A_233 = arith.constant 0 : index
          %swap3A_234 = tpu.vector_load %arg11[%swap3A, %swap3A_233] {strides = array<i32>} : memref<128x128xf32, #tpu.memory_space<vmem>>, vector<16xf32>,
          tpu.vector_store %arg11[%swap3A, %swap3A_233], %mul3A_232 {strides = array<i32>} : memref<128x128xf32, #tpu.memory_space<vmem>>, vector<16xf32>,
          %get3A_235 = arith.index_cast %scan3A_224 : i32 to index
          %get3A_236 = arith.constant 16 : index
          %get3A_237 = tpu.vector_load %arg11[%get3A_235, %get3A_236] {strides = array<i32>} : memref<128x128xf32, #tpu.memory_space<vmem>>, vector<16xf32>,
          %mul3A_238 = arith.mulf %get3A_237, %gather3A : vector<16xf32>
          %swap3A_239 = arith.index_cast %scan3A_224 : i32 to index
          %swap3A_240 = arith.constant 16 : index
          %swap3A_241 = tpu.vector_load %arg11[%swap3A_239, %swap3A_240] {strides = array<i32>} : memref<128x128xf32, #tpu.memory_space<vmem>>, vector<16xf32>,
          tpu.vector_store %arg11[%swap3A_239, %swap3A_240], %mul3A_238 {strides = array<i32>} : memref<128x128xf32, #tpu.memory_space<vmem>>, vector<16xf32>,
          %get3A_242 = arith.index_cast %scan3A_224 : i32 to index
          %get3A_243 = arith.constant 32 : index
          %get3A_244 = tpu.vector_load %arg11[%get3A_242, %get3A_243] {strides = array<i32>} : memref<128x128xf32, #tpu.memory_space<vmem>>, vector<16xf32>,
          %mul3A_245 = arith.mulf %get3A_244, %gather3A : vector<16xf32>
          %swap3A_246 = arith.index_cast %scan3A_224 : i32 to index
          %swap3A_247 = arith.constant 32 : index
          %swap3A_248 = tpu.vector_load %arg11[%swap3A_246, %swap3A_247] {strides = array<i32>} : memref<128x128xf32, #tpu.memory_space<vmem>>, vector<16xf32>,
          tpu.vector_store %arg11[%swap3A_246, %swap3A_247], %mul3A_245 {strides = array<i32>} : memref<128x128xf32, #tpu.memory_space<vmem>>, vector<16xf32>,
          %get3A_249 = arith.index_cast %scan3A_224 : i32 to index
          %get3A_250 = arith.constant 48 : index
          %get3A_251 = tpu.vector_load %arg11[%get3A_249, %get3A_250] {strides = array<i32>} : memref<128x128xf32, #tpu.memory_space<vmem>>, vector<16xf32>,
          %mul3A_252 = arith.mulf %get3A_251, %gather3A : vector<16xf32>
          %swap3A_253 = arith.index_cast %scan3A_224 : i32 to index
          %swap3A_254 = arith.constant 48 : index
          %swap3A_255 = tpu.vector_load %arg11[%swap3A_253, %swap3A_254] {strides = array<i32>} : memref<128x128xf32, #tpu.memory_space<vmem>>, vector<16xf32>,
          tpu.vector_store %arg11[%swap3A_253, %swap3A_254], %mul3A_252 {strides = array<i32>} : memref<128x128xf32, #tpu.memory_space<vmem>>, vector<16xf32>,
          %get3A_256 = arith.index_cast %scan3A_224 : i32 to index
          %get3A_257 = arith.constant 64 : index
          %get3A_258 = tpu.vector_load %arg11[%get3A_256, %get3A_257] {strides = array<i32>} : memref<128x128xf32, #tpu.memory_space<vmem>>, vector<16xf32>,
          %mul3A_259 = arith.mulf %get3A_258, %gather3A : vector<16xf32>
          %swap3A_260 = arith.index_cast %scan3A_224 : i32 to index
          %swap3A_261 = arith.constant 64 : index
          %swap3A_262 = tpu.vector_load %arg11[%swap3A_260, %swap3A_261] {strides = array<i32>} : memref<128x128xf32, #tpu.memory_space<vmem>>, vector<16xf32>,
          tpu.vector_store %arg11[%swap3A_260, %swap3A_261], %mul3A_259 {strides = array<i32>} : memref<128x128xf32, #tpu.memory_space<vmem>>, vector<16xf32>,
          %get3A_263 = arith.index_cast %scan3A_224 : i32 to index
          %get3A_264 = arith.constant 80 : index
          %get3A_265 = tpu.vector_load %arg11[%get3A_263, %get3A_264] {strides = array<i32>} : memref<128x128xf32, #tpu.memory_space<vmem>>, vector<16xf32>,
          %mul3A_266 = arith.mulf %get3A_265, %gather3A : vector<16xf32>
          %swap3A_267 = arith.index_cast %scan3A_224 : i32 to index
          %swap3A_268 = arith.constant 80 : index
          %swap3A_269 = tpu.vector_load %arg11[%swap3A_267, %swap3A_268] {strides = array<i32>} : memref<128x128xf32, #tpu.memory_space<vmem>>, vector<16xf32>,
          tpu.vector_store %arg11[%swap3A_267, %swap3A_268], %mul3A_266 {strides = array<i32>} : memref<128x128xf32, #tpu.memory_space<vmem>>, vector<16xf32>,
          %get3A_270 = arith.index_cast %scan3A_224 : i32 to index
          %get3A_271 = arith.constant 96 : index
          %get3A_272 = tpu.vector_load %arg11[%get3A_270, %get3A_271] {strides = array<i32>} : memref<128x128xf32, #tpu.memory_space<vmem>>, vector<16xf32>,
          %mul3A_273 = arith.mulf %get3A_272, %gather3A : vector<16xf32>
          %swap3A_274 = arith.index_cast %scan3A_224 : i32 to index
          %swap3A_275 = arith.constant 96 : index
          %swap3A_276 = tpu.vector_load %arg11[%swap3A_274, %swap3A_275] {strides = array<i32>} : memref<128x128xf32, #tpu.memory_space<vmem>>, vector<16xf32>,
          tpu.vector_store %arg11[%swap3A_274, %swap3A_275], %mul3A_273 {strides = array<i32>} : memref<128x128xf32, #tpu.memory_space<vmem>>, vector<16xf32>,
          %get3A_277 = arith.index_cast %scan3A_224 : i32 to index
          %get3A_278 = arith.constant 112 : index
          %get3A_279 = tpu.vector_load %arg11[%get3A_277, %get3A_278] {strides = array<i32>} : memref<128x128xf32, #tpu.memory_space<vmem>>, vector<16xf32>,
          %mul3A_280 = arith.mulf %get3A_279, %gather3A : vector<16xf32>
          %swap3A_281 = arith.index_cast %scan3A_224 : i32 to index
          %swap3A_282 = arith.constant 112 : index
          %swap3A_283 = tpu.vector_load %arg11[%swap3A_281, %swap3A_282] {strides = array<i32>} : memref<128x128xf32, #tpu.memory_space<vmem>>, vector<16xf32>,
          tpu.vector_store %arg11[%swap3A_281, %swap3A_282], %mul3A_280 {strides = array<i32>} : memref<128x128xf32, #tpu.memory_space<vmem>>, vector<16xf32>,
          %scan3A_284 = arith.constant 0 : i32
          scf.yield %scan3A_284 : i32
        }
        %scan3A_171 = arith.constant 128 : i32
        %mul3A_172 = arith.constant 2 : i32
        %mul3A_173 = arith.muli %mul3A_172, %scan3A_138 : i32
        %sub3A_174 = arith.constant 1 : i32
        %sub3A_175 = arith.subi %mul3A_173, %sub3A_174 : i32
        %dma_start3A_176 = arith.constant 0 : i32
        %dma_start3A_177 = tpu.memref_slice %arg8[%sub3A_175, %dma_start3A_176] : memref<16x128xi32, #tpu.memory_space<vmem>> -> memref<1x128xi32, #tpu.memory_space<vmem>>
        %dma_start3A_178 = tpu.memref_squeeze %dma_start3A_177 : memref<1x128xi32, #tpu.memory_space<vmem>> -> memref<128xi32, #tpu.memory_space<vmem>>
        %dma_start3A_179 = arith.constant 0 : i32
        %dma_start3A_180 = arith.constant 0 : i32
        %dma_start3A_181 = tpu.memref_slice %arg13[%dma_start3A_179, %dma_start3A_180] : memref<10240x128xf32, #tpu.memory_space<vmem_shared>> -> memref<10240x128xf32, #tpu.memory_space<vmem_shared>>
        tpu.enqueue_indirect_dma source(%arg11 : memref<128x128xf32, #tpu.memory_space<vmem>>) target(%dma_start3A_181 : memref<10240x128xf32, #tpu.memory_space<vmem_shared>>) offsets(%dma_start3A_178 : memref<128xi32, #tpu.memory_space<vmem>>) semaphore(%arg17 : memref<!tpu.dma_semaphore, #tpu.memory_space<semaphore_mem>>) {add = true}
        %dma_wait3A_182 = arith.constant 0 : i32
        %dma_wait3A_183 = arith.constant 0 : i32
        %dma_wait3A_184 = tpu.memref_slice %arg7[%dma_wait3A_182, %dma_wait3A_183] : memref<16x128xi32, #tpu.memory_space<vmem>> -> memref<1x128xi32, #tpu.memory_space<vmem>>
        %dma_wait3A_185 = tpu.memref_squeeze %dma_wait3A_184 : memref<1x128xi32, #tpu.memory_space<vmem>> -> memref<128xi32, #tpu.memory_space<vmem>>
        %dma_wait3A_186 = arith.constant 0 : i32
        %dma_wait3A_187 = arith.constant 0 : i32
        %dma_wait3A_188 = tpu.memref_slice %arg2[%dma_wait3A_186, %dma_wait3A_187] : memref<10000x128xf32, #tpu.memory_space<hbm>> -> memref<10000x128xf32, #tpu.memory_space<hbm>>
        tpu.wait_indirect_dma semaphore(%arg14 : memref<!tpu.dma_semaphore, #tpu.memory_space<semaphore_mem>>) src(%dma_wait3A_188 : memref<10000x128xf32, #tpu.memory_space<hbm>>) dst(%arg10 : memref<128x128xf32, #tpu.memory_space<vmem>>)
        %mul3A_189 = arith.constant 2 : i32
        %mul3A_190 = arith.muli %mul3A_189, %scan3A_138 : i32
        %scan3A_191 = arith.constant 0 : i32
        %scan3A_192 = arith.constant 0 : i32
        %scan3A_193 = arith.constant 128 : i32
        %scan3A_194 = arith.addi %scan3A_192, %scan3A_193 : i32
        %scan3A_195 = arith.constant 1 : i32
        %scan3A_196 = scf.for %scan3A_224 = %scan3A_192 to %scan3A_194 step %scan3A_195 iter_args(%scan3A_225 = %scan3A_191) -> (i32)  : i32 {
          %mul3A_226 = arith.constant 128 : i32
          %mul3A_227 = arith.muli %mul3A_190, %mul3A_226 : i32
          %add3A_228 = arith.addi %mul3A_227, %scan3A_224 : i32
          %broadcast_in_dim3A_229 = vector.broadcast %add3A_228 : i32 to vector<16xi32>
          %gather3A = tpu.vector_load_idx %arg9[%broadcast_in_dim3A_229] : memref<2048xf32, #tpu.memory_space<vmem>>[vector<16xi32>], vector<16xf32>,
          %get3A = arith.index_cast %scan3A_224 : i32 to index
          %get3A_230 = arith.constant 0 : index
          %get3A_231 = tpu.vector_load %arg10[%get3A, %get3A_230] {strides = array<i32>} : memref<128x128xf32, #tpu.memory_space<vmem>>, vector<16xf32>,
          %mul3A_232 = arith.mulf %get3A_231, %gather3A : vector<16xf32>
          %swap3A = arith.index_cast %scan3A_224 : i32 to index
          %swap3A_233 = arith.constant 0 : index
          %swap3A_234 = tpu.vector_load %arg10[%swap3A, %swap3A_233] {strides = array<i32>} : memref<128x128xf32, #tpu.memory_space<vmem>>, vector<16xf32>,
          tpu.vector_store %arg10[%swap3A, %swap3A_233], %mul3A_232 {strides = array<i32>} : memref<128x128xf32, #tpu.memory_space<vmem>>, vector<16xf32>,
          %get3A_235 = arith.index_cast %scan3A_224 : i32 to index
          %get3A_236 = arith.constant 16 : index
          %get3A_237 = tpu.vector_load %arg10[%get3A_235, %get3A_236] {strides = array<i32>} : memref<128x128xf32, #tpu.memory_space<vmem>>, vector<16xf32>,
          %mul3A_238 = arith.mulf %get3A_237, %gather3A : vector<16xf32>
          %swap3A_239 = arith.index_cast %scan3A_224 : i32 to index
          %swap3A_240 = arith.constant 16 : index
          %swap3A_241 = tpu.vector_load %arg10[%swap3A_239, %swap3A_240] {strides = array<i32>} : memref<128x128xf32, #tpu.memory_space<vmem>>, vector<16xf32>,
          tpu.vector_store %arg10[%swap3A_239, %swap3A_240], %mul3A_238 {strides = array<i32>} : memref<128x128xf32, #tpu.memory_space<vmem>>, vector<16xf32>,
          %get3A_242 = arith.index_cast %scan3A_224 : i32 to index
          %get3A_243 = arith.constant 32 : index
          %get3A_244 = tpu.vector_load %arg10[%get3A_242, %get3A_243] {strides = array<i32>} : memref<128x128xf32, #tpu.memory_space<vmem>>, vector<16xf32>,
          %mul3A_245 = arith.mulf %get3A_244, %gather3A : vector<16xf32>
          %swap3A_246 = arith.index_cast %scan3A_224 : i32 to index
          %swap3A_247 = arith.constant 32 : index
          %swap3A_248 = tpu.vector_load %arg10[%swap3A_246, %swap3A_247] {strides = array<i32>} : memref<128x128xf32, #tpu.memory_space<vmem>>, vector<16xf32>,
          tpu.vector_store %arg10[%swap3A_246, %swap3A_247], %mul3A_245 {strides = array<i32>} : memref<128x128xf32, #tpu.memory_space<vmem>>, vector<16xf32>,
          %get3A_249 = arith.index_cast %scan3A_224 : i32 to index
          %get3A_250 = arith.constant 48 : index
          %get3A_251 = tpu.vector_load %arg10[%get3A_249, %get3A_250] {strides = array<i32>} : memref<128x128xf32, #tpu.memory_space<vmem>>, vector<16xf32>,
          %mul3A_252 = arith.mulf %get3A_251, %gather3A : vector<16xf32>
          %swap3A_253 = arith.index_cast %scan3A_224 : i32 to index
          %swap3A_254 = arith.constant 48 : index
          %swap3A_255 = tpu.vector_load %arg10[%swap3A_253, %swap3A_254] {strides = array<i32>} : memref<128x128xf32, #tpu.memory_space<vmem>>, vector<16xf32>,
          tpu.vector_store %arg10[%swap3A_253, %swap3A_254], %mul3A_252 {strides = array<i32>} : memref<128x128xf32, #tpu.memory_space<vmem>>, vector<16xf32>,
          %get3A_256 = arith.index_cast %scan3A_224 : i32 to index
          %get3A_257 = arith.constant 64 : index
          %get3A_258 = tpu.vector_load %arg10[%get3A_256, %get3A_257] {strides = array<i32>} : memref<128x128xf32, #tpu.memory_space<vmem>>, vector<16xf32>,
          %mul3A_259 = arith.mulf %get3A_258, %gather3A : vector<16xf32>
          %swap3A_260 = arith.index_cast %scan3A_224 : i32 to index
          %swap3A_261 = arith.constant 64 : index
          %swap3A_262 = tpu.vector_load %arg10[%swap3A_260, %swap3A_261] {strides = array<i32>} : memref<128x128xf32, #tpu.memory_space<vmem>>, vector<16xf32>,
          tpu.vector_store %arg10[%swap3A_260, %swap3A_261], %mul3A_259 {strides = array<i32>} : memref<128x128xf32, #tpu.memory_space<vmem>>, vector<16xf32>,
          %get3A_263 = arith.index_cast %scan3A_224 : i32 to index
          %get3A_264 = arith.constant 80 : index
          %get3A_265 = tpu.vector_load %arg10[%get3A_263, %get3A_264] {strides = array<i32>} : memref<128x128xf32, #tpu.memory_space<vmem>>, vector<16xf32>,
          %mul3A_266 = arith.mulf %get3A_265, %gather3A : vector<16xf32>
          %swap3A_267 = arith.index_cast %scan3A_224 : i32 to index
          %swap3A_268 = arith.constant 80 : index
          %swap3A_269 = tpu.vector_load %arg10[%swap3A_267, %swap3A_268] {strides = array<i32>} : memref<128x128xf32, #tpu.memory_space<vmem>>, vector<16xf32>,
          tpu.vector_store %arg10[%swap3A_267, %swap3A_268], %mul3A_266 {strides = array<i32>} : memref<128x128xf32, #tpu.memory_space<vmem>>, vector<16xf32>,
          %get3A_270 = arith.index_cast %scan3A_224 : i32 to index
          %get3A_271 = arith.constant 96 : index
          %get3A_272 = tpu.vector_load %arg10[%get3A_270, %get3A_271] {strides = array<i32>} : memref<128x128xf32, #tpu.memory_space<vmem>>, vector<16xf32>,
          %mul3A_273 = arith.mulf %get3A_272, %gather3A : vector<16xf32>
          %swap3A_274 = arith.index_cast %scan3A_224 : i32 to index
          %swap3A_275 = arith.constant 96 : index
          %swap3A_276 = tpu.vector_load %arg10[%swap3A_274, %swap3A_275] {strides = array<i32>} : memref<128x128xf32, #tpu.memory_space<vmem>>, vector<16xf32>,
          tpu.vector_store %arg10[%swap3A_274, %swap3A_275], %mul3A_273 {strides = array<i32>} : memref<128x128xf32, #tpu.memory_space<vmem>>, vector<16xf32>,
          %get3A_277 = arith.index_cast %scan3A_224 : i32 to index
          %get3A_278 = arith.constant 112 : index
          %get3A_279 = tpu.vector_load %arg10[%get3A_277, %get3A_278] {strides = array<i32>} : memref<128x128xf32, #tpu.memory_space<vmem>>, vector<16xf32>,
          %mul3A_280 = arith.mulf %get3A_279, %gather3A : vector<16xf32>
          %swap3A_281 = arith.index_cast %scan3A_224 : i32 to index
          %swap3A_282 = arith.constant 112 : index
          %swap3A_283 = tpu.vector_load %arg10[%swap3A_281, %swap3A_282] {strides = array<i32>} : memref<128x128xf32, #tpu.memory_space<vmem>>, vector<16xf32>,
          tpu.vector_store %arg10[%swap3A_281, %swap3A_282], %mul3A_280 {strides = array<i32>} : memref<128x128xf32, #tpu.memory_space<vmem>>, vector<16xf32>,
          %scan3A_284 = arith.constant 0 : i32
          scf.yield %scan3A_284 : i32
        }
        %scan3A_197 = arith.constant 128 : i32
        %dma_wait3A_198 = arith.constant 0 : i32
        %dma_wait3A_199 = arith.constant 0 : i32
        %dma_wait3A_200 = tpu.memref_slice %arg8[%dma_wait3A_198, %dma_wait3A_199] : memref<16x128xi32, #tpu.memory_space<vmem>> -> memref<1x128xi32, #tpu.memory_space<vmem>>
        %dma_wait3A_201 = tpu.memref_squeeze %dma_wait3A_200 : memref<1x128xi32, #tpu.memory_space<vmem>> -> memref<128xi32, #tpu.memory_space<vmem>>
        %dma_wait3A_202 = arith.constant 0 : i32
        %dma_wait3A_203 = arith.constant 0 : i32
        %dma_wait3A_204 = tpu.memref_slice %arg13[%dma_wait3A_202, %dma_wait3A_203] : memref<10240x128xf32, #tpu.memory_space<vmem_shared>> -> memref<10240x128xf32, #tpu.memory_space<vmem_shared>>
        tpu.wait_indirect_dma semaphore(%arg17 : memref<!tpu.dma_semaphore, #tpu.memory_space<semaphore_mem>>) src(%arg11 : memref<128x128xf32, #tpu.memory_space<vmem>>) dst(%dma_wait3A_204 : memref<10240x128xf32, #tpu.memory_space<vmem_shared>>)
        %mul3A_205 = arith.constant 2 : i32
        %mul3A_206 = arith.muli %mul3A_205, %scan3A_138 : i32
        %add3A_207 = arith.constant 1 : i32
        %add3A_208 = arith.addi %mul3A_206, %add3A_207 : i32
        %dma_start3A_209 = arith.constant 0 : i32
        %dma_start3A_210 = tpu.memref_slice %arg7[%add3A_208, %dma_start3A_209] : memref<16x128xi32, #tpu.memory_space<vmem>> -> memref<1x128xi32, #tpu.memory_space<vmem>>
        %dma_start3A_211 = tpu.memref_squeeze %dma_start3A_210 : memref<1x128xi32, #tpu.memory_space<vmem>> -> memref<128xi32, #tpu.memory_space<vmem>>
        %dma_start3A_212 = arith.constant 0 : i32
        %dma_start3A_213 = arith.constant 0 : i32
        %dma_start3A_214 = tpu.memref_slice %arg2[%dma_start3A_212, %dma_start3A_213] : memref<10000x128xf32, #tpu.memory_space<hbm>> -> memref<10000x128xf32, #tpu.memory_space<hbm>>
        tpu.enqueue_indirect_dma source(%dma_start3A_214 : memref<10000x128xf32, #tpu.memory_space<hbm>>) target(%arg11 : memref<128x128xf32, #tpu.memory_space<vmem>>) offsets(%dma_start3A_211 : memref<128xi32, #tpu.memory_space<vmem>>) semaphore(%arg15 : memref<!tpu.dma_semaphore, #tpu.memory_space<semaphore_mem>>)
        %mul3A_215 = arith.constant 2 : i32
        %mul3A_216 = arith.muli %mul3A_215, %scan3A_138 : i32
        %dma_start3A_217 = arith.constant 0 : i32
        %dma_start3A_218 = tpu.memref_slice %arg8[%mul3A_216, %dma_start3A_217] : memref<16x128xi32, #tpu.memory_space<vmem>> -> memref<1x128xi32, #tpu.memory_space<vmem>>
        %dma_start3A_219 = tpu.memref_squeeze %dma_start3A_218 : memref<1x128xi32, #tpu.memory_space<vmem>> -> memref<128xi32, #tpu.memory_space<vmem>>
        %dma_start3A_220 = arith.constant 0 : i32
        %dma_start3A_221 = arith.constant 0 : i32
        %dma_start3A_222 = tpu.memref_slice %arg13[%dma_start3A_220, %dma_start3A_221] : memref<10240x128xf32, #tpu.memory_space<vmem_shared>> -> memref<10240x128xf32, #tpu.memory_space<vmem_shared>>
        tpu.enqueue_indirect_dma source(%arg10 : memref<128x128xf32, #tpu.memory_space<vmem>>) target(%dma_start3A_222 : memref<10240x128xf32, #tpu.memory_space<vmem_shared>>) offsets(%dma_start3A_219 : memref<128xi32, #tpu.memory_space<vmem>>) semaphore(%arg16 : memref<!tpu.dma_semaphore, #tpu.memory_space<semaphore_mem>>) {add = true}
        %scan3A_223 = arith.constant 0 : i32
        scf.yield %scan3A_223 : i32
      }
      %scan3A_101 = arith.constant 7 : i32
      %dma_wait3A_102 = arith.constant 0 : i32
      %dma_wait3A_103 = arith.constant 0 : i32
      %dma_wait3A_104 = tpu.memref_slice %arg7[%dma_wait3A_102, %dma_wait3A_103] : memref<16x128xi32, #tpu.memory_space<vmem>> -> memref<1x128xi32, #tpu.memory_space<vmem>>
      %dma_wait3A_105 = tpu.memref_squeeze %dma_wait3A_104 : memref<1x128xi32, #tpu.memory_space<vmem>> -> memref<128xi32, #tpu.memory_space<vmem>>
      %dma_wait3A_106 = arith.constant 0 : i32
      %dma_wait3A_107 = arith.constant 0 : i32
      %dma_wait3A_108 = tpu.memref_slice %arg2[%dma_wait3A_106, %dma_wait3A_107] : memref<10000x128xf32, #tpu.memory_space<hbm>> -> memref<10000x128xf32, #tpu.memory_space<hbm>>
      tpu.wait_indirect_dma semaphore(%arg15 : memref<!tpu.dma_semaphore, #tpu.memory_space<semaphore_mem>>) src(%dma_wait3A_108 : memref<10000x128xf32, #tpu.memory_space<hbm>>) dst(%arg11 : memref<128x128xf32, #tpu.memory_space<vmem>>)
      %scan3A_109 = arith.constant 0 : i32
      %scan3A_110 = arith.constant 0 : i32
      %scan3A_111 = arith.constant 128 : i32
      %scan3A_112 = arith.addi %scan3A_110, %scan3A_111 : i32
      %scan3A_113 = arith.constant 1 : i32
      %scan3A_114 = scf.for %scan3A_138 = %scan3A_110 to %scan3A_112 step %scan3A_113 iter_args(%scan3A_139 = %scan3A_109) -> (i32)  : i32 {
        %add3A_140 = arith.constant 1920 : i32
        %add3A_141 = arith.addi %add3A_140, %scan3A_138 : i32
        %broadcast_in_dim3A_142 = vector.broadcast %add3A_141 : i32 to vector<16xi32>
        %gather3A = tpu.vector_load_idx %arg9[%broadcast_in_dim3A_142] : memref<2048xf32, #tpu.memory_space<vmem>>[vector<16xi32>], vector<16xf32>,
        %get3A = arith.index_cast %scan3A_138 : i32 to index
        %get3A_143 = arith.constant 0 : index
        %get3A_144 = tpu.vector_load %arg11[%get3A, %get3A_143] {strides = array<i32>} : memref<128x128xf32, #tpu.memory_space<vmem>>, vector<16xf32>,
        %mul3A_145 = arith.mulf %get3A_144, %gather3A : vector<16xf32>
        %swap3A = arith.index_cast %scan3A_138 : i32 to index
        %swap3A_146 = arith.constant 0 : index
        %swap3A_147 = tpu.vector_load %arg11[%swap3A, %swap3A_146] {strides = array<i32>} : memref<128x128xf32, #tpu.memory_space<vmem>>, vector<16xf32>,
        tpu.vector_store %arg11[%swap3A, %swap3A_146], %mul3A_145 {strides = array<i32>} : memref<128x128xf32, #tpu.memory_space<vmem>>, vector<16xf32>,
        %get3A_148 = arith.index_cast %scan3A_138 : i32 to index
        %get3A_149 = arith.constant 16 : index
        %get3A_150 = tpu.vector_load %arg11[%get3A_148, %get3A_149] {strides = array<i32>} : memref<128x128xf32, #tpu.memory_space<vmem>>, vector<16xf32>,
        %mul3A_151 = arith.mulf %get3A_150, %gather3A : vector<16xf32>
        %swap3A_152 = arith.index_cast %scan3A_138 : i32 to index
        %swap3A_153 = arith.constant 16 : index
        %swap3A_154 = tpu.vector_load %arg11[%swap3A_152, %swap3A_153] {strides = array<i32>} : memref<128x128xf32, #tpu.memory_space<vmem>>, vector<16xf32>,
        tpu.vector_store %arg11[%swap3A_152, %swap3A_153], %mul3A_151 {strides = array<i32>} : memref<128x128xf32, #tpu.memory_space<vmem>>, vector<16xf32>,
        %get3A_155 = arith.index_cast %scan3A_138 : i32 to index
        %get3A_156 = arith.constant 32 : index
        %get3A_157 = tpu.vector_load %arg11[%get3A_155, %get3A_156] {strides = array<i32>} : memref<128x128xf32, #tpu.memory_space<vmem>>, vector<16xf32>,
        %mul3A_158 = arith.mulf %get3A_157, %gather3A : vector<16xf32>
        %swap3A_159 = arith.index_cast %scan3A_138 : i32 to index
        %swap3A_160 = arith.constant 32 : index
        %swap3A_161 = tpu.vector_load %arg11[%swap3A_159, %swap3A_160] {strides = array<i32>} : memref<128x128xf32, #tpu.memory_space<vmem>>, vector<16xf32>,
        tpu.vector_store %arg11[%swap3A_159, %swap3A_160], %mul3A_158 {strides = array<i32>} : memref<128x128xf32, #tpu.memory_space<vmem>>, vector<16xf32>,
        %get3A_162 = arith.index_cast %scan3A_138 : i32 to index
        %get3A_163 = arith.constant 48 : index
        %get3A_164 = tpu.vector_load %arg11[%get3A_162, %get3A_163] {strides = array<i32>} : memref<128x128xf32, #tpu.memory_space<vmem>>, vector<16xf32>,
        %mul3A_165 = arith.mulf %get3A_164, %gather3A : vector<16xf32>
        %swap3A_166 = arith.index_cast %scan3A_138 : i32 to index
        %swap3A_167 = arith.constant 48 : index
        %swap3A_168 = tpu.vector_load %arg11[%swap3A_166, %swap3A_167] {strides = array<i32>} : memref<128x128xf32, #tpu.memory_space<vmem>>, vector<16xf32>,
        tpu.vector_store %arg11[%swap3A_166, %swap3A_167], %mul3A_165 {strides = array<i32>} : memref<128x128xf32, #tpu.memory_space<vmem>>, vector<16xf32>,
        %get3A_169 = arith.index_cast %scan3A_138 : i32 to index
        %get3A_170 = arith.constant 64 : index
        %get3A_171 = tpu.vector_load %arg11[%get3A_169, %get3A_170] {strides = array<i32>} : memref<128x128xf32, #tpu.memory_space<vmem>>, vector<16xf32>,
        %mul3A_172 = arith.mulf %get3A_171, %gather3A : vector<16xf32>
        %swap3A_173 = arith.index_cast %scan3A_138 : i32 to index
        %swap3A_174 = arith.constant 64 : index
        %swap3A_175 = tpu.vector_load %arg11[%swap3A_173, %swap3A_174] {strides = array<i32>} : memref<128x128xf32, #tpu.memory_space<vmem>>, vector<16xf32>,
        tpu.vector_store %arg11[%swap3A_173, %swap3A_174], %mul3A_172 {strides = array<i32>} : memref<128x128xf32, #tpu.memory_space<vmem>>, vector<16xf32>,
        %get3A_176 = arith.index_cast %scan3A_138 : i32 to index
        %get3A_177 = arith.constant 80 : index
        %get3A_178 = tpu.vector_load %arg11[%get3A_176, %get3A_177] {strides = array<i32>} : memref<128x128xf32, #tpu.memory_space<vmem>>, vector<16xf32>,
        %mul3A_179 = arith.mulf %get3A_178, %gather3A : vector<16xf32>
        %swap3A_180 = arith.index_cast %scan3A_138 : i32 to index
        %swap3A_181 = arith.constant 80 : index
        %swap3A_182 = tpu.vector_load %arg11[%swap3A_180, %swap3A_181] {strides = array<i32>} : memref<128x128xf32, #tpu.memory_space<vmem>>, vector<16xf32>,
        tpu.vector_store %arg11[%swap3A_180, %swap3A_181], %mul3A_179 {strides = array<i32>} : memref<128x128xf32, #tpu.memory_space<vmem>>, vector<16xf32>,
        %get3A_183 = arith.index_cast %scan3A_138 : i32 to index
        %get3A_184 = arith.constant 96 : index
        %get3A_185 = tpu.vector_load %arg11[%get3A_183, %get3A_184] {strides = array<i32>} : memref<128x128xf32, #tpu.memory_space<vmem>>, vector<16xf32>,
        %mul3A_186 = arith.mulf %get3A_185, %gather3A : vector<16xf32>
        %swap3A_187 = arith.index_cast %scan3A_138 : i32 to index
        %swap3A_188 = arith.constant 96 : index
        %swap3A_189 = tpu.vector_load %arg11[%swap3A_187, %swap3A_188] {strides = array<i32>} : memref<128x128xf32, #tpu.memory_space<vmem>>, vector<16xf32>,
        tpu.vector_store %arg11[%swap3A_187, %swap3A_188], %mul3A_186 {strides = array<i32>} : memref<128x128xf32, #tpu.memory_space<vmem>>, vector<16xf32>,
        %get3A_190 = arith.index_cast %scan3A_138 : i32 to index
        %get3A_191 = arith.constant 112 : index
        %get3A_192 = tpu.vector_load %arg11[%get3A_190, %get3A_191] {strides = array<i32>} : memref<128x128xf32, #tpu.memory_space<vmem>>, vector<16xf32>,
        %mul3A_193 = arith.mulf %get3A_192, %gather3A : vector<16xf32>
        %swap3A_194 = arith.index_cast %scan3A_138 : i32 to index
        %swap3A_195 = arith.constant 112 : index
        %swap3A_196 = tpu.vector_load %arg11[%swap3A_194, %swap3A_195] {strides = array<i32>} : memref<128x128xf32, #tpu.memory_space<vmem>>, vector<16xf32>,
        tpu.vector_store %arg11[%swap3A_194, %swap3A_195], %mul3A_193 {strides = array<i32>} : memref<128x128xf32, #tpu.memory_space<vmem>>, vector<16xf32>,
        %scan3A_197 = arith.constant 0 : i32
        scf.yield %scan3A_197 : i32
      }
      %scan3A_115 = arith.constant 128 : i32
      %dma_wait3A_116 = arith.constant 0 : i32
      %dma_wait3A_117 = arith.constant 0 : i32
      %dma_wait3A_118 = tpu.memref_slice %arg8[%dma_wait3A_116, %dma_wait3A_117] : memref<16x128xi32, #tpu.memory_space<vmem>> -> memref<1x128xi32, #tpu.memory_space<vmem>>
      %dma_wait3A_119 = tpu.memref_squeeze %dma_wait3A_118 : memref<1x128xi32, #tpu.memory_space<vmem>> -> memref<128xi32, #tpu.memory_space<vmem>>
      %dma_wait3A_120 = arith.constant 0 : i32
      %dma_wait3A_121 = arith.constant 0 : i32
      %dma_wait3A_122 = tpu.memref_slice %arg13[%dma_wait3A_120, %dma_wait3A_121] : memref<10240x128xf32, #tpu.memory_space<vmem_shared>> -> memref<10240x128xf32, #tpu.memory_space<vmem_shared>>
      tpu.wait_indirect_dma semaphore(%arg16 : memref<!tpu.dma_semaphore, #tpu.memory_space<semaphore_mem>>) src(%arg10 : memref<128x128xf32, #tpu.memory_space<vmem>>) dst(%dma_wait3A_122 : memref<10240x128xf32, #tpu.memory_space<vmem_shared>>)
      %dma_start3A_123 = arith.constant 15 : i32
      %dma_start3A_124 = arith.constant 0 : i32
      %dma_start3A_125 = tpu.memref_slice %arg8[%dma_start3A_123, %dma_start3A_124] : memref<16x128xi32, #tpu.memory_space<vmem>> -> memref<1x128xi32, #tpu.memory_space<vmem>>
      %dma_start3A_126 = tpu.memref_squeeze %dma_start3A_125 : memref<1x128xi32, #tpu.memory_space<vmem>> -> memref<128xi32, #tpu.memory_space<vmem>>
      %dma_start3A_127 = arith.constant 0 : i32
      %dma_start3A_128 = arith.constant 0 : i32
      %dma_start3A_129 = tpu.memref_slice %arg13[%dma_start3A_127, %dma_start3A_128] : memref<10240x128xf32, #tpu.memory_space<vmem_shared>> -> memref<10240x128xf32, #tpu.memory_space<vmem_shared>>
      tpu.enqueue_indirect_dma source(%arg11 : memref<128x128xf32, #tpu.memory_space<vmem>>) target(%dma_start3A_129 : memref<10240x128xf32, #tpu.memory_space<vmem_shared>>) offsets(%dma_start3A_126 : memref<128xi32, #tpu.memory_space<vmem>>) semaphore(%arg17 : memref<!tpu.dma_semaphore, #tpu.memory_space<semaphore_mem>>) {add = true}
      %dma_wait3A_130 = arith.constant 0 : i32
      %dma_wait3A_131 = arith.constant 0 : i32
      %dma_wait3A_132 = tpu.memref_slice %arg8[%dma_wait3A_130, %dma_wait3A_131] : memref<16x128xi32, #tpu.memory_space<vmem>> -> memref<1x128xi32, #tpu.memory_space<vmem>>
      %dma_wait3A_133 = tpu.memref_squeeze %dma_wait3A_132 : memref<1x128xi32, #tpu.memory_space<vmem>> -> memref<128xi32, #tpu.memory_space<vmem>>
      %dma_wait3A_134 = arith.constant 0 : i32
      %dma_wait3A_135 = arith.constant 0 : i32
      %dma_wait3A_136 = tpu.memref_slice %arg13[%dma_wait3A_134, %dma_wait3A_135] : memref<10240x128xf32, #tpu.memory_space<vmem_shared>> -> memref<10240x128xf32, #tpu.memory_space<vmem_shared>>
      tpu.wait_indirect_dma semaphore(%arg17 : memref<!tpu.dma_semaphore, #tpu.memory_space<semaphore_mem>>) src(%arg11 : memref<128x128xf32, #tpu.memory_space<vmem>>) dst(%dma_wait3A_136 : memref<10240x128xf32, #tpu.memory_space<vmem_shared>>)
      %scan3A_137 = arith.constant 0 : i32
      scf.yield %scan3A_137 : i32
    }
    %scan3A_54 = arith.constant 5 : i32
    %barrier3A_55 = arith.constant 0 : index
    tpu.barrier barrier_id(%barrier3A_55)
    %mul3A_56 = arith.constant 640 : i32
    %mul3A_57 = arith.muli %arg1, %mul3A_56 : i32
    %mul3A_58 = arith.constant 640 : i32
    %mul3A_59 = arith.muli %arg1, %mul3A_58 : i32
    "tpu.region"() ({
      %run_scoped3A = tpu.sem_alloc : memref<!tpu.dma_semaphore, #tpu.memory_space<semaphore_mem>>
      %dma_start3A = arith.constant 0 : i32
      %dma_start3A_60 = tpu.memref_slice %arg6[%arg0, %mul3A_59, %dma_start3A] : memref<2x10240x128xf32, #tpu.memory_space<hbm>> -> memref<1x640x128xf32, #tpu.memory_space<hbm>>
      %dma_start3A_61 = tpu.memref_squeeze %dma_start3A_60 : memref<1x640x128xf32, #tpu.memory_space<hbm>> -> memref<640x128xf32, #tpu.memory_space<hbm>>
      %dma_start3A_62 = arith.constant 0 : i32
      %dma_start3A_63 = tpu.memref_slice %arg13[%mul3A_57, %dma_start3A_62] : memref<10240x128xf32, #tpu.memory_space<vmem_shared>> -> memref<640x128xf32, #tpu.memory_space<vmem_shared>>
      tpu.enqueue_dma source(%dma_start3A_63 : memref<640x128xf32, #tpu.memory_space<vmem_shared>>) target(%dma_start3A_61 : memref<640x128xf32, #tpu.memory_space<hbm>>) target_semaphore(%run_scoped3A : memref<!tpu.dma_semaphore, #tpu.memory_space<semaphore_mem>>)
      %dma_wait3A = arith.constant 0 : i32
      %dma_wait3A_64 = tpu.memref_slice %arg6[%arg0, %mul3A_59, %dma_wait3A] : memref<2x10240x128xf32, #tpu.memory_space<hbm>> -> memref<1x640x128xf32, #tpu.memory_space<hbm>>
      %dma_wait3A_65 = tpu.memref_squeeze %dma_wait3A_64 : memref<1x640x128xf32, #tpu.memory_space<hbm>> -> memref<640x128xf32, #tpu.memory_space<hbm>>
      %dma_wait3A_66 = arith.constant 0 : i32
      %dma_wait3A_67 = tpu.memref_slice %arg13[%mul3A_57, %dma_wait3A_66] : memref<10240x128xf32, #tpu.memory_space<vmem_shared>> -> memref<640x128xf32, #tpu.memory_space<vmem_shared>>
      tpu.wait_dma2 semaphore(%run_scoped3A : memref<!tpu.dma_semaphore, #tpu.memory_space<semaphore_mem>>) src(%dma_wait3A_67 : memref<640x128xf32, #tpu.memory_space<vmem_shared>>) dst(%dma_wait3A_65 : memref<640x128xf32, #tpu.memory_space<hbm>>)
      tpu.yield
    }) : () -> ()
    return
  }
}

#map = affine_map<(d0, d1) -> (0, 0)>
#map1 = affine_map<(d0, d1) -> (0, 0, 0, 0)>
#map2 = affine_map<(d0, d1) -> (0, 0, 0)>
module attributes {stable_mosaic.version = 14 : i64} {
  func.func @edge_agg(%arg0: i32, %arg1: i32, %arg2: memref<10000x128xf32, #tpu.memory_space<hbm>>, %arg3: memref<32x5x16x128xi32, #tpu.memory_space<hbm>>, %arg4: memref<32x5x16x128xi32, #tpu.memory_space<hbm>>, %arg5: memref<32x5x2048xf32, #tpu.memory_space<hbm>>, %arg6: memref<2x10240x128xf32, #tpu.memory_space<hbm>>, %arg7: memref<16x128xi32, #tpu.memory_space<vmem>>, %arg8: memref<16x128xi32, #tpu.memory_space<vmem>>, %arg9: memref<2048xf32, #tpu.memory_space<vmem>>, %arg10: memref<128x128xf32, #tpu.memory_space<vmem>>, %arg11: memref<128x128xf32, #tpu.memory_space<vmem>>, %arg12: memref<64x128xf32, #tpu.memory_space<vmem>>, %arg13: memref<10240x128xf32, #tpu.memory_space<vmem_shared>>, %arg14: memref<!tpu.dma_semaphore, #tpu.memory_space<semaphore_mem>>, %arg15: memref<!tpu.dma_semaphore, #tpu.memory_space<semaphore_mem>>, %arg16: memref<!tpu.dma_semaphore, #tpu.memory_space<semaphore_mem>>, %arg17: memref<!tpu.dma_semaphore, #tpu.memory_space<semaphore_mem>>) attributes {dimension_semantics = [#tpu.dimension_semantics<core_parallel>, #tpu.dimension_semantics<subcore_parallel>], iteration_bounds = array<i64: 2, 16>, scalar_prefetch = 0 : i64, scratch_operands = 11 : i64, tpu.core_type = #tpu.core_type<sc_vector_subcore>, window_params = [{transform_indices = #map}, {transform_indices = #map1}, {transform_indices = #map1}, {transform_indices = #map2}, {transform_indices = #map2}]} {
    %mul3A = arith.constant 2 : i32
    %mul3A_0 = arith.muli %arg1, %mul3A : i32
    %add3A = arith.addi %mul3A_0, %arg0 : i32
    %broadcast_in_dim3A = arith.constant 0.000000e+00 : f32
    %broadcast_in_dim3A_1 = vector.broadcast %broadcast_in_dim3A : f32 to vector<16xf32>
    %scan3A = arith.constant 0 : i32
    %scan3A_2 = arith.constant 0 : i32
    %scan3A_3 = arith.constant 64 : i32
    %scan3A_4 = arith.addi %scan3A_2, %scan3A_3 : i32
    %scan3A_5 = arith.constant 1 : i32
    %scan3A_6 = scf.for %scan3A_60 = %scan3A_2 to %scan3A_4 step %scan3A_5 iter_args(%scan3A_61 = %scan3A) -> (i32)  : i32 {
      %swap3A = arith.index_cast %scan3A_60 : i32 to index
      %swap3A_62 = arith.constant 0 : index
      %swap3A_63 = tpu.vector_load %arg12[%swap3A, %swap3A_62] {strides = array<i32>} : memref<64x128xf32, #tpu.memory_space<vmem>>, vector<16xf32>,
      tpu.vector_store %arg12[%swap3A, %swap3A_62], %broadcast_in_dim3A_1 {strides = array<i32>} : memref<64x128xf32, #tpu.memory_space<vmem>>, vector<16xf32>,
      %swap3A_64 = arith.index_cast %scan3A_60 : i32 to index
      %swap3A_65 = arith.constant 16 : index
      %swap3A_66 = tpu.vector_load %arg12[%swap3A_64, %swap3A_65] {strides = array<i32>} : memref<64x128xf32, #tpu.memory_space<vmem>>, vector<16xf32>,
      tpu.vector_store %arg12[%swap3A_64, %swap3A_65], %broadcast_in_dim3A_1 {strides = array<i32>} : memref<64x128xf32, #tpu.memory_space<vmem>>, vector<16xf32>,
      %swap3A_67 = arith.index_cast %scan3A_60 : i32 to index
      %swap3A_68 = arith.constant 32 : index
      %swap3A_69 = tpu.vector_load %arg12[%swap3A_67, %swap3A_68] {strides = array<i32>} : memref<64x128xf32, #tpu.memory_space<vmem>>, vector<16xf32>,
      tpu.vector_store %arg12[%swap3A_67, %swap3A_68], %broadcast_in_dim3A_1 {strides = array<i32>} : memref<64x128xf32, #tpu.memory_space<vmem>>, vector<16xf32>,
      %swap3A_70 = arith.index_cast %scan3A_60 : i32 to index
      %swap3A_71 = arith.constant 48 : index
      %swap3A_72 = tpu.vector_load %arg12[%swap3A_70, %swap3A_71] {strides = array<i32>} : memref<64x128xf32, #tpu.memory_space<vmem>>, vector<16xf32>,
      tpu.vector_store %arg12[%swap3A_70, %swap3A_71], %broadcast_in_dim3A_1 {strides = array<i32>} : memref<64x128xf32, #tpu.memory_space<vmem>>, vector<16xf32>,
      %swap3A_73 = arith.index_cast %scan3A_60 : i32 to index
      %swap3A_74 = arith.constant 64 : index
      %swap3A_75 = tpu.vector_load %arg12[%swap3A_73, %swap3A_74] {strides = array<i32>} : memref<64x128xf32, #tpu.memory_space<vmem>>, vector<16xf32>,
      tpu.vector_store %arg12[%swap3A_73, %swap3A_74], %broadcast_in_dim3A_1 {strides = array<i32>} : memref<64x128xf32, #tpu.memory_space<vmem>>, vector<16xf32>,
      %swap3A_76 = arith.index_cast %scan3A_60 : i32 to index
      %swap3A_77 = arith.constant 80 : index
      %swap3A_78 = tpu.vector_load %arg12[%swap3A_76, %swap3A_77] {strides = array<i32>} : memref<64x128xf32, #tpu.memory_space<vmem>>, vector<16xf32>,
      tpu.vector_store %arg12[%swap3A_76, %swap3A_77], %broadcast_in_dim3A_1 {strides = array<i32>} : memref<64x128xf32, #tpu.memory_space<vmem>>, vector<16xf32>,
      %swap3A_79 = arith.index_cast %scan3A_60 : i32 to index
      %swap3A_80 = arith.constant 96 : index
      %swap3A_81 = tpu.vector_load %arg12[%swap3A_79, %swap3A_80] {strides = array<i32>} : memref<64x128xf32, #tpu.memory_space<vmem>>, vector<16xf32>,
      tpu.vector_store %arg12[%swap3A_79, %swap3A_80], %broadcast_in_dim3A_1 {strides = array<i32>} : memref<64x128xf32, #tpu.memory_space<vmem>>, vector<16xf32>,
      %swap3A_82 = arith.index_cast %scan3A_60 : i32 to index
      %swap3A_83 = arith.constant 112 : index
      %swap3A_84 = tpu.vector_load %arg12[%swap3A_82, %swap3A_83] {strides = array<i32>} : memref<64x128xf32, #tpu.memory_space<vmem>>, vector<16xf32>,
      tpu.vector_store %arg12[%swap3A_82, %swap3A_83], %broadcast_in_dim3A_1 {strides = array<i32>} : memref<64x128xf32, #tpu.memory_space<vmem>>, vector<16xf32>,
      %scan3A_85 = arith.constant 0 : i32
      scf.yield %scan3A_85 : i32
    }
    %scan3A_7 = arith.constant 64 : i32
    %mul3A_8 = arith.constant 640 : i32
    %mul3A_9 = arith.muli %arg1, %mul3A_8 : i32
    %add3A_10 = arith.constant 0 : i32
    %add3A_11 = arith.addi %mul3A_9, %add3A_10 : i32
    "tpu.region"() ({
      %run_scoped3A = tpu.sem_alloc : memref<!tpu.dma_semaphore, #tpu.memory_space<semaphore_mem>>
      %dma_start3A = arith.constant 0 : i32
      %dma_start3A_60 = tpu.memref_slice %arg13[%add3A_11, %dma_start3A] : memref<10240x128xf32, #tpu.memory_space<vmem_shared>> -> memref<64x128xf32, #tpu.memory_space<vmem_shared>>
      %dma_start3A_61 = arith.constant 0 : i32
      %dma_start3A_62 = tpu.memref_slice %arg13[%add3A_11, %dma_start3A_61] : memref<10240x128xf32, #tpu.memory_space<vmem_shared>> -> memref<64x128xf32, #tpu.memory_space<vmem_shared>>
      tpu.enqueue_dma source(%arg12 : memref<64x128xf32, #tpu.memory_space<vmem>>) target(%dma_start3A_62 : memref<64x128xf32, #tpu.memory_space<vmem_shared>>) target_semaphore(%run_scoped3A : memref<!tpu.dma_semaphore, #tpu.memory_space<semaphore_mem>>)
      %dma_wait3A = arith.constant 0 : i32
      %dma_wait3A_63 = tpu.memref_slice %arg13[%add3A_11, %dma_wait3A] : memref<10240x128xf32, #tpu.memory_space<vmem_shared>> -> memref<64x128xf32, #tpu.memory_space<vmem_shared>>
      %dma_wait3A_64 = arith.constant 0 : i32
      %dma_wait3A_65 = tpu.memref_slice %arg13[%add3A_11, %dma_wait3A_64] : memref<10240x128xf32, #tpu.memory_space<vmem_shared>> -> memref<64x128xf32, #tpu.memory_space<vmem_shared>>
      tpu.wait_dma2 semaphore(%run_scoped3A : memref<!tpu.dma_semaphore, #tpu.memory_space<semaphore_mem>>) src(%arg12 : memref<64x128xf32, #tpu.memory_space<vmem>>) dst(%dma_wait3A_65 : memref<64x128xf32, #tpu.memory_space<vmem_shared>>)
      tpu.yield
    }) : () -> ()
    %mul3A_12 = arith.constant 640 : i32
    %mul3A_13 = arith.muli %arg1, %mul3A_12 : i32
    %add3A_14 = arith.constant 64 : i32
    %add3A_15 = arith.addi %mul3A_13, %add3A_14 : i32
    "tpu.region"() ({
      %run_scoped3A = tpu.sem_alloc : memref<!tpu.dma_semaphore, #tpu.memory_space<semaphore_mem>>
      %dma_start3A = arith.constant 0 : i32
      %dma_start3A_60 = tpu.memref_slice %arg13[%add3A_15, %dma_start3A] : memref<10240x128xf32, #tpu.memory_space<vmem_shared>> -> memref<64x128xf32, #tpu.memory_space<vmem_shared>>
      %dma_start3A_61 = arith.constant 0 : i32
      %dma_start3A_62 = tpu.memref_slice %arg13[%add3A_15, %dma_start3A_61] : memref<10240x128xf32, #tpu.memory_space<vmem_shared>> -> memref<64x128xf32, #tpu.memory_space<vmem_shared>>
      tpu.enqueue_dma source(%arg12 : memref<64x128xf32, #tpu.memory_space<vmem>>) target(%dma_start3A_62 : memref<64x128xf32, #tpu.memory_space<vmem_shared>>) target_semaphore(%run_scoped3A : memref<!tpu.dma_semaphore, #tpu.memory_space<semaphore_mem>>)
      %dma_wait3A = arith.constant 0 : i32
      %dma_wait3A_63 = tpu.memref_slice %arg13[%add3A_15, %dma_wait3A] : memref<10240x128xf32, #tpu.memory_space<vmem_shared>> -> memref<64x128xf32, #tpu.memory_space<vmem_shared>>
      %dma_wait3A_64 = arith.constant 0 : i32
      %dma_wait3A_65 = tpu.memref_slice %arg13[%add3A_15, %dma_wait3A_64] : memref<10240x128xf32, #tpu.memory_space<vmem_shared>> -> memref<64x128xf32, #tpu.memory_space<vmem_shared>>
      tpu.wait_dma2 semaphore(%run_scoped3A : memref<!tpu.dma_semaphore, #tpu.memory_space<semaphore_mem>>) src(%arg12 : memref<64x128xf32, #tpu.memory_space<vmem>>) dst(%dma_wait3A_65 : memref<64x128xf32, #tpu.memory_space<vmem_shared>>)
      tpu.yield
    }) : () -> ()
    %mul3A_16 = arith.constant 640 : i32
    %mul3A_17 = arith.muli %arg1, %mul3A_16 : i32
    %add3A_18 = arith.constant 128 : i32
    %add3A_19 = arith.addi %mul3A_17, %add3A_18 : i32
    "tpu.region"() ({
      %run_scoped3A = tpu.sem_alloc : memref<!tpu.dma_semaphore, #tpu.memory_space<semaphore_mem>>
      %dma_start3A = arith.constant 0 : i32
      %dma_start3A_60 = tpu.memref_slice %arg13[%add3A_19, %dma_start3A] : memref<10240x128xf32, #tpu.memory_space<vmem_shared>> -> memref<64x128xf32, #tpu.memory_space<vmem_shared>>
      %dma_start3A_61 = arith.constant 0 : i32
      %dma_start3A_62 = tpu.memref_slice %arg13[%add3A_19, %dma_start3A_61] : memref<10240x128xf32, #tpu.memory_space<vmem_shared>> -> memref<64x128xf32, #tpu.memory_space<vmem_shared>>
      tpu.enqueue_dma source(%arg12 : memref<64x128xf32, #tpu.memory_space<vmem>>) target(%dma_start3A_62 : memref<64x128xf32, #tpu.memory_space<vmem_shared>>) target_semaphore(%run_scoped3A : memref<!tpu.dma_semaphore, #tpu.memory_space<semaphore_mem>>)
      %dma_wait3A = arith.constant 0 : i32
      %dma_wait3A_63 = tpu.memref_slice %arg13[%add3A_19, %dma_wait3A] : memref<10240x128xf32, #tpu.memory_space<vmem_shared>> -> memref<64x128xf32, #tpu.memory_space<vmem_shared>>
      %dma_wait3A_64 = arith.constant 0 : i32
      %dma_wait3A_65 = tpu.memref_slice %arg13[%add3A_19, %dma_wait3A_64] : memref<10240x128xf32, #tpu.memory_space<vmem_shared>> -> memref<64x128xf32, #tpu.memory_space<vmem_shared>>
      tpu.wait_dma2 semaphore(%run_scoped3A : memref<!tpu.dma_semaphore, #tpu.memory_space<semaphore_mem>>) src(%arg12 : memref<64x128xf32, #tpu.memory_space<vmem>>) dst(%dma_wait3A_65 : memref<64x128xf32, #tpu.memory_space<vmem_shared>>)
      tpu.yield
    }) : () -> ()
    %mul3A_20 = arith.constant 640 : i32
    %mul3A_21 = arith.muli %arg1, %mul3A_20 : i32
    %add3A_22 = arith.constant 192 : i32
    %add3A_23 = arith.addi %mul3A_21, %add3A_22 : i32
    "tpu.region"() ({
      %run_scoped3A = tpu.sem_alloc : memref<!tpu.dma_semaphore, #tpu.memory_space<semaphore_mem>>
      %dma_start3A = arith.constant 0 : i32
      %dma_start3A_60 = tpu.memref_slice %arg13[%add3A_23, %dma_start3A] : memref<10240x128xf32, #tpu.memory_space<vmem_shared>> -> memref<64x128xf32, #tpu.memory_space<vmem_shared>>
      %dma_start3A_61 = arith.constant 0 : i32
      %dma_start3A_62 = tpu.memref_slice %arg13[%add3A_23, %dma_start3A_61] : memref<10240x128xf32, #tpu.memory_space<vmem_shared>> -> memref<64x128xf32, #tpu.memory_space<vmem_shared>>
      tpu.enqueue_dma source(%arg12 : memref<64x128xf32, #tpu.memory_space<vmem>>) target(%dma_start3A_62 : memref<64x128xf32, #tpu.memory_space<vmem_shared>>) target_semaphore(%run_scoped3A : memref<!tpu.dma_semaphore, #tpu.memory_space<semaphore_mem>>)
      %dma_wait3A = arith.constant 0 : i32
      %dma_wait3A_63 = tpu.memref_slice %arg13[%add3A_23, %dma_wait3A] : memref<10240x128xf32, #tpu.memory_space<vmem_shared>> -> memref<64x128xf32, #tpu.memory_space<vmem_shared>>
      %dma_wait3A_64 = arith.constant 0 : i32
      %dma_wait3A_65 = tpu.memref_slice %arg13[%add3A_23, %dma_wait3A_64] : memref<10240x128xf32, #tpu.memory_space<vmem_shared>> -> memref<64x128xf32, #tpu.memory_space<vmem_shared>>
      tpu.wait_dma2 semaphore(%run_scoped3A : memref<!tpu.dma_semaphore, #tpu.memory_space<semaphore_mem>>) src(%arg12 : memref<64x128xf32, #tpu.memory_space<vmem>>) dst(%dma_wait3A_65 : memref<64x128xf32, #tpu.memory_space<vmem_shared>>)
      tpu.yield
    }) : () -> ()
    %mul3A_24 = arith.constant 640 : i32
    %mul3A_25 = arith.muli %arg1, %mul3A_24 : i32
    %add3A_26 = arith.constant 256 : i32
    %add3A_27 = arith.addi %mul3A_25, %add3A_26 : i32
    "tpu.region"() ({
      %run_scoped3A = tpu.sem_alloc : memref<!tpu.dma_semaphore, #tpu.memory_space<semaphore_mem>>
      %dma_start3A = arith.constant 0 : i32
      %dma_start3A_60 = tpu.memref_slice %arg13[%add3A_27, %dma_start3A] : memref<10240x128xf32, #tpu.memory_space<vmem_shared>> -> memref<64x128xf32, #tpu.memory_space<vmem_shared>>
      %dma_start3A_61 = arith.constant 0 : i32
      %dma_start3A_62 = tpu.memref_slice %arg13[%add3A_27, %dma_start3A_61] : memref<10240x128xf32, #tpu.memory_space<vmem_shared>> -> memref<64x128xf32, #tpu.memory_space<vmem_shared>>
      tpu.enqueue_dma source(%arg12 : memref<64x128xf32, #tpu.memory_space<vmem>>) target(%dma_start3A_62 : memref<64x128xf32, #tpu.memory_space<vmem_shared>>) target_semaphore(%run_scoped3A : memref<!tpu.dma_semaphore, #tpu.memory_space<semaphore_mem>>)
      %dma_wait3A = arith.constant 0 : i32
      %dma_wait3A_63 = tpu.memref_slice %arg13[%add3A_27, %dma_wait3A] : memref<10240x128xf32, #tpu.memory_space<vmem_shared>> -> memref<64x128xf32, #tpu.memory_space<vmem_shared>>
      %dma_wait3A_64 = arith.constant 0 : i32
      %dma_wait3A_65 = tpu.memref_slice %arg13[%add3A_27, %dma_wait3A_64] : memref<10240x128xf32, #tpu.memory_space<vmem_shared>> -> memref<64x128xf32, #tpu.memory_space<vmem_shared>>
      tpu.wait_dma2 semaphore(%run_scoped3A : memref<!tpu.dma_semaphore, #tpu.memory_space<semaphore_mem>>) src(%arg12 : memref<64x128xf32, #tpu.memory_space<vmem>>) dst(%dma_wait3A_65 : memref<64x128xf32, #tpu.memory_space<vmem_shared>>)
      tpu.yield
    }) : () -> ()
    %mul3A_28 = arith.constant 640 : i32
    %mul3A_29 = arith.muli %arg1, %mul3A_28 : i32
    %add3A_30 = arith.constant 320 : i32
    %add3A_31 = arith.addi %mul3A_29, %add3A_30 : i32
    "tpu.region"() ({
      %run_scoped3A = tpu.sem_alloc : memref<!tpu.dma_semaphore, #tpu.memory_space<semaphore_mem>>
      %dma_start3A = arith.constant 0 : i32
      %dma_start3A_60 = tpu.memref_slice %arg13[%add3A_31, %dma_start3A] : memref<10240x128xf32, #tpu.memory_space<vmem_shared>> -> memref<64x128xf32, #tpu.memory_space<vmem_shared>>
      %dma_start3A_61 = arith.constant 0 : i32
      %dma_start3A_62 = tpu.memref_slice %arg13[%add3A_31, %dma_start3A_61] : memref<10240x128xf32, #tpu.memory_space<vmem_shared>> -> memref<64x128xf32, #tpu.memory_space<vmem_shared>>
      tpu.enqueue_dma source(%arg12 : memref<64x128xf32, #tpu.memory_space<vmem>>) target(%dma_start3A_62 : memref<64x128xf32, #tpu.memory_space<vmem_shared>>) target_semaphore(%run_scoped3A : memref<!tpu.dma_semaphore, #tpu.memory_space<semaphore_mem>>)
      %dma_wait3A = arith.constant 0 : i32
      %dma_wait3A_63 = tpu.memref_slice %arg13[%add3A_31, %dma_wait3A] : memref<10240x128xf32, #tpu.memory_space<vmem_shared>> -> memref<64x128xf32, #tpu.memory_space<vmem_shared>>
      %dma_wait3A_64 = arith.constant 0 : i32
      %dma_wait3A_65 = tpu.memref_slice %arg13[%add3A_31, %dma_wait3A_64] : memref<10240x128xf32, #tpu.memory_space<vmem_shared>> -> memref<64x128xf32, #tpu.memory_space<vmem_shared>>
      tpu.wait_dma2 semaphore(%run_scoped3A : memref<!tpu.dma_semaphore, #tpu.memory_space<semaphore_mem>>) src(%arg12 : memref<64x128xf32, #tpu.memory_space<vmem>>) dst(%dma_wait3A_65 : memref<64x128xf32, #tpu.memory_space<vmem_shared>>)
      tpu.yield
    }) : () -> ()
    %mul3A_32 = arith.constant 640 : i32
    %mul3A_33 = arith.muli %arg1, %mul3A_32 : i32
    %add3A_34 = arith.constant 384 : i32
    %add3A_35 = arith.addi %mul3A_33, %add3A_34 : i32
    "tpu.region"() ({
      %run_scoped3A = tpu.sem_alloc : memref<!tpu.dma_semaphore, #tpu.memory_space<semaphore_mem>>
      %dma_start3A = arith.constant 0 : i32
      %dma_start3A_60 = tpu.memref_slice %arg13[%add3A_35, %dma_start3A] : memref<10240x128xf32, #tpu.memory_space<vmem_shared>> -> memref<64x128xf32, #tpu.memory_space<vmem_shared>>
      %dma_start3A_61 = arith.constant 0 : i32
      %dma_start3A_62 = tpu.memref_slice %arg13[%add3A_35, %dma_start3A_61] : memref<10240x128xf32, #tpu.memory_space<vmem_shared>> -> memref<64x128xf32, #tpu.memory_space<vmem_shared>>
      tpu.enqueue_dma source(%arg12 : memref<64x128xf32, #tpu.memory_space<vmem>>) target(%dma_start3A_62 : memref<64x128xf32, #tpu.memory_space<vmem_shared>>) target_semaphore(%run_scoped3A : memref<!tpu.dma_semaphore, #tpu.memory_space<semaphore_mem>>)
      %dma_wait3A = arith.constant 0 : i32
      %dma_wait3A_63 = tpu.memref_slice %arg13[%add3A_35, %dma_wait3A] : memref<10240x128xf32, #tpu.memory_space<vmem_shared>> -> memref<64x128xf32, #tpu.memory_space<vmem_shared>>
      %dma_wait3A_64 = arith.constant 0 : i32
      %dma_wait3A_65 = tpu.memref_slice %arg13[%add3A_35, %dma_wait3A_64] : memref<10240x128xf32, #tpu.memory_space<vmem_shared>> -> memref<64x128xf32, #tpu.memory_space<vmem_shared>>
      tpu.wait_dma2 semaphore(%run_scoped3A : memref<!tpu.dma_semaphore, #tpu.memory_space<semaphore_mem>>) src(%arg12 : memref<64x128xf32, #tpu.memory_space<vmem>>) dst(%dma_wait3A_65 : memref<64x128xf32, #tpu.memory_space<vmem_shared>>)
      tpu.yield
    }) : () -> ()
    %mul3A_36 = arith.constant 640 : i32
    %mul3A_37 = arith.muli %arg1, %mul3A_36 : i32
    %add3A_38 = arith.constant 448 : i32
    %add3A_39 = arith.addi %mul3A_37, %add3A_38 : i32
    "tpu.region"() ({
      %run_scoped3A = tpu.sem_alloc : memref<!tpu.dma_semaphore, #tpu.memory_space<semaphore_mem>>
      %dma_start3A = arith.constant 0 : i32
      %dma_start3A_60 = tpu.memref_slice %arg13[%add3A_39, %dma_start3A] : memref<10240x128xf32, #tpu.memory_space<vmem_shared>> -> memref<64x128xf32, #tpu.memory_space<vmem_shared>>
      %dma_start3A_61 = arith.constant 0 : i32
      %dma_start3A_62 = tpu.memref_slice %arg13[%add3A_39, %dma_start3A_61] : memref<10240x128xf32, #tpu.memory_space<vmem_shared>> -> memref<64x128xf32, #tpu.memory_space<vmem_shared>>
      tpu.enqueue_dma source(%arg12 : memref<64x128xf32, #tpu.memory_space<vmem>>) target(%dma_start3A_62 : memref<64x128xf32, #tpu.memory_space<vmem_shared>>) target_semaphore(%run_scoped3A : memref<!tpu.dma_semaphore, #tpu.memory_space<semaphore_mem>>)
      %dma_wait3A = arith.constant 0 : i32
      %dma_wait3A_63 = tpu.memref_slice %arg13[%add3A_39, %dma_wait3A] : memref<10240x128xf32, #tpu.memory_space<vmem_shared>> -> memref<64x128xf32, #tpu.memory_space<vmem_shared>>
      %dma_wait3A_64 = arith.constant 0 : i32
      %dma_wait3A_65 = tpu.memref_slice %arg13[%add3A_39, %dma_wait3A_64] : memref<10240x128xf32, #tpu.memory_space<vmem_shared>> -> memref<64x128xf32, #tpu.memory_space<vmem_shared>>
      tpu.wait_dma2 semaphore(%run_scoped3A : memref<!tpu.dma_semaphore, #tpu.memory_space<semaphore_mem>>) src(%arg12 : memref<64x128xf32, #tpu.memory_space<vmem>>) dst(%dma_wait3A_65 : memref<64x128xf32, #tpu.memory_space<vmem_shared>>)
      tpu.yield
    }) : () -> ()
    %mul3A_40 = arith.constant 640 : i32
    %mul3A_41 = arith.muli %arg1, %mul3A_40 : i32
    %add3A_42 = arith.constant 512 : i32
    %add3A_43 = arith.addi %mul3A_41, %add3A_42 : i32
    "tpu.region"() ({
      %run_scoped3A = tpu.sem_alloc : memref<!tpu.dma_semaphore, #tpu.memory_space<semaphore_mem>>
      %dma_start3A = arith.constant 0 : i32
      %dma_start3A_60 = tpu.memref_slice %arg13[%add3A_43, %dma_start3A] : memref<10240x128xf32, #tpu.memory_space<vmem_shared>> -> memref<64x128xf32, #tpu.memory_space<vmem_shared>>
      %dma_start3A_61 = arith.constant 0 : i32
      %dma_start3A_62 = tpu.memref_slice %arg13[%add3A_43, %dma_start3A_61] : memref<10240x128xf32, #tpu.memory_space<vmem_shared>> -> memref<64x128xf32, #tpu.memory_space<vmem_shared>>
      tpu.enqueue_dma source(%arg12 : memref<64x128xf32, #tpu.memory_space<vmem>>) target(%dma_start3A_62 : memref<64x128xf32, #tpu.memory_space<vmem_shared>>) target_semaphore(%run_scoped3A : memref<!tpu.dma_semaphore, #tpu.memory_space<semaphore_mem>>)
      %dma_wait3A = arith.constant 0 : i32
      %dma_wait3A_63 = tpu.memref_slice %arg13[%add3A_43, %dma_wait3A] : memref<10240x128xf32, #tpu.memory_space<vmem_shared>> -> memref<64x128xf32, #tpu.memory_space<vmem_shared>>
      %dma_wait3A_64 = arith.constant 0 : i32
      %dma_wait3A_65 = tpu.memref_slice %arg13[%add3A_43, %dma_wait3A_64] : memref<10240x128xf32, #tpu.memory_space<vmem_shared>> -> memref<64x128xf32, #tpu.memory_space<vmem_shared>>
      tpu.wait_dma2 semaphore(%run_scoped3A : memref<!tpu.dma_semaphore, #tpu.memory_space<semaphore_mem>>) src(%arg12 : memref<64x128xf32, #tpu.memory_space<vmem>>) dst(%dma_wait3A_65 : memref<64x128xf32, #tpu.memory_space<vmem_shared>>)
      tpu.yield
    }) : () -> ()
    %mul3A_44 = arith.constant 640 : i32
    %mul3A_45 = arith.muli %arg1, %mul3A_44 : i32
    %add3A_46 = arith.constant 576 : i32
    %add3A_47 = arith.addi %mul3A_45, %add3A_46 : i32
    "tpu.region"() ({
      %run_scoped3A = tpu.sem_alloc : memref<!tpu.dma_semaphore, #tpu.memory_space<semaphore_mem>>
      %dma_start3A = arith.constant 0 : i32
      %dma_start3A_60 = tpu.memref_slice %arg13[%add3A_47, %dma_start3A] : memref<10240x128xf32, #tpu.memory_space<vmem_shared>> -> memref<64x128xf32, #tpu.memory_space<vmem_shared>>
      %dma_start3A_61 = arith.constant 0 : i32
      %dma_start3A_62 = tpu.memref_slice %arg13[%add3A_47, %dma_start3A_61] : memref<10240x128xf32, #tpu.memory_space<vmem_shared>> -> memref<64x128xf32, #tpu.memory_space<vmem_shared>>
      tpu.enqueue_dma source(%arg12 : memref<64x128xf32, #tpu.memory_space<vmem>>) target(%dma_start3A_62 : memref<64x128xf32, #tpu.memory_space<vmem_shared>>) target_semaphore(%run_scoped3A : memref<!tpu.dma_semaphore, #tpu.memory_space<semaphore_mem>>)
      %dma_wait3A = arith.constant 0 : i32
      %dma_wait3A_63 = tpu.memref_slice %arg13[%add3A_47, %dma_wait3A] : memref<10240x128xf32, #tpu.memory_space<vmem_shared>> -> memref<64x128xf32, #tpu.memory_space<vmem_shared>>
      %dma_wait3A_64 = arith.constant 0 : i32
      %dma_wait3A_65 = tpu.memref_slice %arg13[%add3A_47, %dma_wait3A_64] : memref<10240x128xf32, #tpu.memory_space<vmem_shared>> -> memref<64x128xf32, #tpu.memory_space<vmem_shared>>
      tpu.wait_dma2 semaphore(%run_scoped3A : memref<!tpu.dma_semaphore, #tpu.memory_space<semaphore_mem>>) src(%arg12 : memref<64x128xf32, #tpu.memory_space<vmem>>) dst(%dma_wait3A_65 : memref<64x128xf32, #tpu.memory_space<vmem_shared>>)
      tpu.yield
    }) : () -> ()
    %barrier3A = arith.constant 0 : index
    tpu.barrier barrier_id(%barrier3A)
    %scan3A_48 = arith.constant 0 : i32
    %scan3A_49 = arith.constant 0 : i32
    %scan3A_50 = arith.constant 5 : i32
    %scan3A_51 = arith.addi %scan3A_49, %scan3A_50 : i32
    %scan3A_52 = arith.constant 1 : i32
    %scan3A_53 = scf.for %scan3A_60 = %scan3A_49 to %scan3A_51 step %scan3A_52 iter_args(%scan3A_61 = %scan3A_48) -> (i32)  : i32 {
      "tpu.region"() ({
        %run_scoped3A = tpu.sem_alloc : memref<!tpu.dma_semaphore, #tpu.memory_space<semaphore_mem>>
        %dma_start3A_138 = arith.constant 0 : i32
        %dma_start3A_139 = arith.constant 0 : i32
        %dma_start3A_140 = tpu.memref_slice %arg3[%add3A, %scan3A_60, %dma_start3A_138, %dma_start3A_139] : memref<32x5x16x128xi32, #tpu.memory_space<hbm>> -> memref<1x1x16x128xi32, #tpu.memory_space<hbm>>
        %dma_start3A_141 = tpu.memref_squeeze %dma_start3A_140 : memref<1x1x16x128xi32, #tpu.memory_space<hbm>> -> memref<16x128xi32, #tpu.memory_space<hbm>>
        %dma_start3A_142 = arith.constant 0 : i32
        %dma_start3A_143 = arith.constant 0 : i32
        %dma_start3A_144 = tpu.memref_slice %arg3[%add3A, %scan3A_60, %dma_start3A_142, %dma_start3A_143] : memref<32x5x16x128xi32, #tpu.memory_space<hbm>> -> memref<1x1x16x128xi32, #tpu.memory_space<hbm>>
        %dma_start3A_145 = tpu.memref_squeeze %dma_start3A_144 : memref<1x1x16x128xi32, #tpu.memory_space<hbm>> -> memref<16x128xi32, #tpu.memory_space<hbm>>
        tpu.enqueue_dma source(%dma_start3A_145 : memref<16x128xi32, #tpu.memory_space<hbm>>) target(%arg7 : memref<16x128xi32, #tpu.memory_space<vmem>>) target_semaphore(%run_scoped3A : memref<!tpu.dma_semaphore, #tpu.memory_space<semaphore_mem>>)
        %dma_wait3A_146 = arith.constant 0 : i32
        %dma_wait3A_147 = arith.constant 0 : i32
        %dma_wait3A_148 = tpu.memref_slice %arg3[%add3A, %scan3A_60, %dma_wait3A_146, %dma_wait3A_147] : memref<32x5x16x128xi32, #tpu.memory_space<hbm>> -> memref<1x1x16x128xi32, #tpu.memory_space<hbm>>
        %dma_wait3A_149 = tpu.memref_squeeze %dma_wait3A_148 : memref<1x1x16x128xi32, #tpu.memory_space<hbm>> -> memref<16x128xi32, #tpu.memory_space<hbm>>
        %dma_wait3A_150 = arith.constant 0 : i32
        %dma_wait3A_151 = arith.constant 0 : i32
        %dma_wait3A_152 = tpu.memref_slice %arg3[%add3A, %scan3A_60, %dma_wait3A_150, %dma_wait3A_151] : memref<32x5x16x128xi32, #tpu.memory_space<hbm>> -> memref<1x1x16x128xi32, #tpu.memory_space<hbm>>
        %dma_wait3A_153 = tpu.memref_squeeze %dma_wait3A_152 : memref<1x1x16x128xi32, #tpu.memory_space<hbm>> -> memref<16x128xi32, #tpu.memory_space<hbm>>
        tpu.wait_dma2 semaphore(%run_scoped3A : memref<!tpu.dma_semaphore, #tpu.memory_space<semaphore_mem>>) src(%dma_wait3A_153 : memref<16x128xi32, #tpu.memory_space<hbm>>) dst(%arg7 : memref<16x128xi32, #tpu.memory_space<vmem>>)
        tpu.yield
      }) : () -> ()
      "tpu.region"() ({
        %run_scoped3A = tpu.sem_alloc : memref<!tpu.dma_semaphore, #tpu.memory_space<semaphore_mem>>
        %dma_start3A_138 = arith.constant 0 : i32
        %dma_start3A_139 = arith.constant 0 : i32
        %dma_start3A_140 = tpu.memref_slice %arg4[%add3A, %scan3A_60, %dma_start3A_138, %dma_start3A_139] : memref<32x5x16x128xi32, #tpu.memory_space<hbm>> -> memref<1x1x16x128xi32, #tpu.memory_space<hbm>>
        %dma_start3A_141 = tpu.memref_squeeze %dma_start3A_140 : memref<1x1x16x128xi32, #tpu.memory_space<hbm>> -> memref<16x128xi32, #tpu.memory_space<hbm>>
        %dma_start3A_142 = arith.constant 0 : i32
        %dma_start3A_143 = arith.constant 0 : i32
        %dma_start3A_144 = tpu.memref_slice %arg4[%add3A, %scan3A_60, %dma_start3A_142, %dma_start3A_143] : memref<32x5x16x128xi32, #tpu.memory_space<hbm>> -> memref<1x1x16x128xi32, #tpu.memory_space<hbm>>
        %dma_start3A_145 = tpu.memref_squeeze %dma_start3A_144 : memref<1x1x16x128xi32, #tpu.memory_space<hbm>> -> memref<16x128xi32, #tpu.memory_space<hbm>>
        tpu.enqueue_dma source(%dma_start3A_145 : memref<16x128xi32, #tpu.memory_space<hbm>>) target(%arg8 : memref<16x128xi32, #tpu.memory_space<vmem>>) target_semaphore(%run_scoped3A : memref<!tpu.dma_semaphore, #tpu.memory_space<semaphore_mem>>)
        %dma_wait3A_146 = arith.constant 0 : i32
        %dma_wait3A_147 = arith.constant 0 : i32
        %dma_wait3A_148 = tpu.memref_slice %arg4[%add3A, %scan3A_60, %dma_wait3A_146, %dma_wait3A_147] : memref<32x5x16x128xi32, #tpu.memory_space<hbm>> -> memref<1x1x16x128xi32, #tpu.memory_space<hbm>>
        %dma_wait3A_149 = tpu.memref_squeeze %dma_wait3A_148 : memref<1x1x16x128xi32, #tpu.memory_space<hbm>> -> memref<16x128xi32, #tpu.memory_space<hbm>>
        %dma_wait3A_150 = arith.constant 0 : i32
        %dma_wait3A_151 = arith.constant 0 : i32
        %dma_wait3A_152 = tpu.memref_slice %arg4[%add3A, %scan3A_60, %dma_wait3A_150, %dma_wait3A_151] : memref<32x5x16x128xi32, #tpu.memory_space<hbm>> -> memref<1x1x16x128xi32, #tpu.memory_space<hbm>>
        %dma_wait3A_153 = tpu.memref_squeeze %dma_wait3A_152 : memref<1x1x16x128xi32, #tpu.memory_space<hbm>> -> memref<16x128xi32, #tpu.memory_space<hbm>>
        tpu.wait_dma2 semaphore(%run_scoped3A : memref<!tpu.dma_semaphore, #tpu.memory_space<semaphore_mem>>) src(%dma_wait3A_153 : memref<16x128xi32, #tpu.memory_space<hbm>>) dst(%arg8 : memref<16x128xi32, #tpu.memory_space<vmem>>)
        tpu.yield
      }) : () -> ()
      "tpu.region"() ({
        %run_scoped3A = tpu.sem_alloc : memref<!tpu.dma_semaphore, #tpu.memory_space<semaphore_mem>>
        %dma_start3A_138 = arith.constant 0 : i32
        %dma_start3A_139 = tpu.memref_slice %arg5[%add3A, %scan3A_60, %dma_start3A_138] : memref<32x5x2048xf32, #tpu.memory_space<hbm>> -> memref<1x1x2048xf32, #tpu.memory_space<hbm>>
        %dma_start3A_140 = tpu.memref_squeeze %dma_start3A_139 : memref<1x1x2048xf32, #tpu.memory_space<hbm>> -> memref<2048xf32, #tpu.memory_space<hbm>>
        %dma_start3A_141 = arith.constant 0 : i32
        %dma_start3A_142 = tpu.memref_slice %arg5[%add3A, %scan3A_60, %dma_start3A_141] : memref<32x5x2048xf32, #tpu.memory_space<hbm>> -> memref<1x1x2048xf32, #tpu.memory_space<hbm>>
        %dma_start3A_143 = tpu.memref_squeeze %dma_start3A_142 : memref<1x1x2048xf32, #tpu.memory_space<hbm>> -> memref<2048xf32, #tpu.memory_space<hbm>>
        tpu.enqueue_dma source(%dma_start3A_143 : memref<2048xf32, #tpu.memory_space<hbm>>) target(%arg9 : memref<2048xf32, #tpu.memory_space<vmem>>) target_semaphore(%run_scoped3A : memref<!tpu.dma_semaphore, #tpu.memory_space<semaphore_mem>>)
        %dma_wait3A_144 = arith.constant 0 : i32
        %dma_wait3A_145 = tpu.memref_slice %arg5[%add3A, %scan3A_60, %dma_wait3A_144] : memref<32x5x2048xf32, #tpu.memory_space<hbm>> -> memref<1x1x2048xf32, #tpu.memory_space<hbm>>
        %dma_wait3A_146 = tpu.memref_squeeze %dma_wait3A_145 : memref<1x1x2048xf32, #tpu.memory_space<hbm>> -> memref<2048xf32, #tpu.memory_space<hbm>>
        %dma_wait3A_147 = arith.constant 0 : i32
        %dma_wait3A_148 = tpu.memref_slice %arg5[%add3A, %scan3A_60, %dma_wait3A_147] : memref<32x5x2048xf32, #tpu.memory_space<hbm>> -> memref<1x1x2048xf32, #tpu.memory_space<hbm>>
        %dma_wait3A_149 = tpu.memref_squeeze %dma_wait3A_148 : memref<1x1x2048xf32, #tpu.memory_space<hbm>> -> memref<2048xf32, #tpu.memory_space<hbm>>
        tpu.wait_dma2 semaphore(%run_scoped3A : memref<!tpu.dma_semaphore, #tpu.memory_space<semaphore_mem>>) src(%dma_wait3A_149 : memref<2048xf32, #tpu.memory_space<hbm>>) dst(%arg9 : memref<2048xf32, #tpu.memory_space<vmem>>)
        tpu.yield
      }) : () -> ()
      %dma_start3A = arith.constant 0 : i32
      %dma_start3A_62 = arith.constant 0 : i32
      %dma_start3A_63 = tpu.memref_slice %arg7[%dma_start3A, %dma_start3A_62] : memref<16x128xi32, #tpu.memory_space<vmem>> -> memref<1x128xi32, #tpu.memory_space<vmem>>
      %dma_start3A_64 = tpu.memref_squeeze %dma_start3A_63 : memref<1x128xi32, #tpu.memory_space<vmem>> -> memref<128xi32, #tpu.memory_space<vmem>>
      %dma_start3A_65 = arith.constant 0 : i32
      %dma_start3A_66 = arith.constant 0 : i32
      %dma_start3A_67 = tpu.memref_slice %arg2[%dma_start3A_65, %dma_start3A_66] : memref<10000x128xf32, #tpu.memory_space<hbm>> -> memref<10000x128xf32, #tpu.memory_space<hbm>>
      tpu.enqueue_indirect_dma source(%dma_start3A_67 : memref<10000x128xf32, #tpu.memory_space<hbm>>) target(%arg10 : memref<128x128xf32, #tpu.memory_space<vmem>>) offsets(%dma_start3A_64 : memref<128xi32, #tpu.memory_space<vmem>>) semaphore(%arg14 : memref<!tpu.dma_semaphore, #tpu.memory_space<semaphore_mem>>)
      %dma_wait3A = arith.constant 0 : i32
      %dma_wait3A_68 = arith.constant 0 : i32
      %dma_wait3A_69 = tpu.memref_slice %arg7[%dma_wait3A, %dma_wait3A_68] : memref<16x128xi32, #tpu.memory_space<vmem>> -> memref<1x128xi32, #tpu.memory_space<vmem>>
      %dma_wait3A_70 = tpu.memref_squeeze %dma_wait3A_69 : memref<1x128xi32, #tpu.memory_space<vmem>> -> memref<128xi32, #tpu.memory_space<vmem>>
      %dma_wait3A_71 = arith.constant 0 : i32
      %dma_wait3A_72 = arith.constant 0 : i32
      %dma_wait3A_73 = tpu.memref_slice %arg2[%dma_wait3A_71, %dma_wait3A_72] : memref<10000x128xf32, #tpu.memory_space<hbm>> -> memref<10000x128xf32, #tpu.memory_space<hbm>>
      tpu.wait_indirect_dma semaphore(%arg14 : memref<!tpu.dma_semaphore, #tpu.memory_space<semaphore_mem>>) src(%dma_wait3A_73 : memref<10000x128xf32, #tpu.memory_space<hbm>>) dst(%arg10 : memref<128x128xf32, #tpu.memory_space<vmem>>)
      %dma_start3A_74 = arith.constant 1 : i32
      %dma_start3A_75 = arith.constant 0 : i32
      %dma_start3A_76 = tpu.memref_slice %arg7[%dma_start3A_74, %dma_start3A_75] : memref<16x128xi32, #tpu.memory_space<vmem>> -> memref<1x128xi32, #tpu.memory_space<vmem>>
      %dma_start3A_77 = tpu.memref_squeeze %dma_start3A_76 : memref<1x128xi32, #tpu.memory_space<vmem>> -> memref<128xi32, #tpu.memory_space<vmem>>
      %dma_start3A_78 = arith.constant 0 : i32
      %dma_start3A_79 = arith.constant 0 : i32
      %dma_start3A_80 = tpu.memref_slice %arg2[%dma_start3A_78, %dma_start3A_79] : memref<10000x128xf32, #tpu.memory_space<hbm>> -> memref<10000x128xf32, #tpu.memory_space<hbm>>
      tpu.enqueue_indirect_dma source(%dma_start3A_80 : memref<10000x128xf32, #tpu.memory_space<hbm>>) target(%arg11 : memref<128x128xf32, #tpu.memory_space<vmem>>) offsets(%dma_start3A_77 : memref<128xi32, #tpu.memory_space<vmem>>) semaphore(%arg15 : memref<!tpu.dma_semaphore, #tpu.memory_space<semaphore_mem>>)
      %scan3A_81 = arith.constant 0 : i32
      %scan3A_82 = arith.constant 0 : i32
      %scan3A_83 = arith.constant 128 : i32
      %scan3A_84 = arith.addi %scan3A_82, %scan3A_83 : i32
      %scan3A_85 = arith.constant 1 : i32
      %scan3A_86 = scf.for %scan3A_138 = %scan3A_82 to %scan3A_84 step %scan3A_85 iter_args(%scan3A_139 = %scan3A_81) -> (i32)  : i32 {
        %add3A_140 = arith.constant 0 : i32
        %add3A_141 = arith.addi %add3A_140, %scan3A_138 : i32
        %broadcast_in_dim3A_142 = vector.broadcast %add3A_141 : i32 to vector<16xi32>
        %gather3A = tpu.vector_load_idx %arg9[%broadcast_in_dim3A_142] : memref<2048xf32, #tpu.memory_space<vmem>>[vector<16xi32>], vector<16xf32>,
        %get3A = arith.index_cast %scan3A_138 : i32 to index
        %get3A_143 = arith.constant 0 : index
        %get3A_144 = tpu.vector_load %arg10[%get3A, %get3A_143] {strides = array<i32>} : memref<128x128xf32, #tpu.memory_space<vmem>>, vector<16xf32>,
        %mul3A_145 = arith.mulf %get3A_144, %gather3A : vector<16xf32>
        %swap3A = arith.index_cast %scan3A_138 : i32 to index
        %swap3A_146 = arith.constant 0 : index
        %swap3A_147 = tpu.vector_load %arg10[%swap3A, %swap3A_146] {strides = array<i32>} : memref<128x128xf32, #tpu.memory_space<vmem>>, vector<16xf32>,
        tpu.vector_store %arg10[%swap3A, %swap3A_146], %mul3A_145 {strides = array<i32>} : memref<128x128xf32, #tpu.memory_space<vmem>>, vector<16xf32>,
        %get3A_148 = arith.index_cast %scan3A_138 : i32 to index
        %get3A_149 = arith.constant 16 : index
        %get3A_150 = tpu.vector_load %arg10[%get3A_148, %get3A_149] {strides = array<i32>} : memref<128x128xf32, #tpu.memory_space<vmem>>, vector<16xf32>,
        %mul3A_151 = arith.mulf %get3A_150, %gather3A : vector<16xf32>
        %swap3A_152 = arith.index_cast %scan3A_138 : i32 to index
        %swap3A_153 = arith.constant 16 : index
        %swap3A_154 = tpu.vector_load %arg10[%swap3A_152, %swap3A_153] {strides = array<i32>} : memref<128x128xf32, #tpu.memory_space<vmem>>, vector<16xf32>,
        tpu.vector_store %arg10[%swap3A_152, %swap3A_153], %mul3A_151 {strides = array<i32>} : memref<128x128xf32, #tpu.memory_space<vmem>>, vector<16xf32>,
        %get3A_155 = arith.index_cast %scan3A_138 : i32 to index
        %get3A_156 = arith.constant 32 : index
        %get3A_157 = tpu.vector_load %arg10[%get3A_155, %get3A_156] {strides = array<i32>} : memref<128x128xf32, #tpu.memory_space<vmem>>, vector<16xf32>,
        %mul3A_158 = arith.mulf %get3A_157, %gather3A : vector<16xf32>
        %swap3A_159 = arith.index_cast %scan3A_138 : i32 to index
        %swap3A_160 = arith.constant 32 : index
        %swap3A_161 = tpu.vector_load %arg10[%swap3A_159, %swap3A_160] {strides = array<i32>} : memref<128x128xf32, #tpu.memory_space<vmem>>, vector<16xf32>,
        tpu.vector_store %arg10[%swap3A_159, %swap3A_160], %mul3A_158 {strides = array<i32>} : memref<128x128xf32, #tpu.memory_space<vmem>>, vector<16xf32>,
        %get3A_162 = arith.index_cast %scan3A_138 : i32 to index
        %get3A_163 = arith.constant 48 : index
        %get3A_164 = tpu.vector_load %arg10[%get3A_162, %get3A_163] {strides = array<i32>} : memref<128x128xf32, #tpu.memory_space<vmem>>, vector<16xf32>,
        %mul3A_165 = arith.mulf %get3A_164, %gather3A : vector<16xf32>
        %swap3A_166 = arith.index_cast %scan3A_138 : i32 to index
        %swap3A_167 = arith.constant 48 : index
        %swap3A_168 = tpu.vector_load %arg10[%swap3A_166, %swap3A_167] {strides = array<i32>} : memref<128x128xf32, #tpu.memory_space<vmem>>, vector<16xf32>,
        tpu.vector_store %arg10[%swap3A_166, %swap3A_167], %mul3A_165 {strides = array<i32>} : memref<128x128xf32, #tpu.memory_space<vmem>>, vector<16xf32>,
        %get3A_169 = arith.index_cast %scan3A_138 : i32 to index
        %get3A_170 = arith.constant 64 : index
        %get3A_171 = tpu.vector_load %arg10[%get3A_169, %get3A_170] {strides = array<i32>} : memref<128x128xf32, #tpu.memory_space<vmem>>, vector<16xf32>,
        %mul3A_172 = arith.mulf %get3A_171, %gather3A : vector<16xf32>
        %swap3A_173 = arith.index_cast %scan3A_138 : i32 to index
        %swap3A_174 = arith.constant 64 : index
        %swap3A_175 = tpu.vector_load %arg10[%swap3A_173, %swap3A_174] {strides = array<i32>} : memref<128x128xf32, #tpu.memory_space<vmem>>, vector<16xf32>,
        tpu.vector_store %arg10[%swap3A_173, %swap3A_174], %mul3A_172 {strides = array<i32>} : memref<128x128xf32, #tpu.memory_space<vmem>>, vector<16xf32>,
        %get3A_176 = arith.index_cast %scan3A_138 : i32 to index
        %get3A_177 = arith.constant 80 : index
        %get3A_178 = tpu.vector_load %arg10[%get3A_176, %get3A_177] {strides = array<i32>} : memref<128x128xf32, #tpu.memory_space<vmem>>, vector<16xf32>,
        %mul3A_179 = arith.mulf %get3A_178, %gather3A : vector<16xf32>
        %swap3A_180 = arith.index_cast %scan3A_138 : i32 to index
        %swap3A_181 = arith.constant 80 : index
        %swap3A_182 = tpu.vector_load %arg10[%swap3A_180, %swap3A_181] {strides = array<i32>} : memref<128x128xf32, #tpu.memory_space<vmem>>, vector<16xf32>,
        tpu.vector_store %arg10[%swap3A_180, %swap3A_181], %mul3A_179 {strides = array<i32>} : memref<128x128xf32, #tpu.memory_space<vmem>>, vector<16xf32>,
        %get3A_183 = arith.index_cast %scan3A_138 : i32 to index
        %get3A_184 = arith.constant 96 : index
        %get3A_185 = tpu.vector_load %arg10[%get3A_183, %get3A_184] {strides = array<i32>} : memref<128x128xf32, #tpu.memory_space<vmem>>, vector<16xf32>,
        %mul3A_186 = arith.mulf %get3A_185, %gather3A : vector<16xf32>
        %swap3A_187 = arith.index_cast %scan3A_138 : i32 to index
        %swap3A_188 = arith.constant 96 : index
        %swap3A_189 = tpu.vector_load %arg10[%swap3A_187, %swap3A_188] {strides = array<i32>} : memref<128x128xf32, #tpu.memory_space<vmem>>, vector<16xf32>,
        tpu.vector_store %arg10[%swap3A_187, %swap3A_188], %mul3A_186 {strides = array<i32>} : memref<128x128xf32, #tpu.memory_space<vmem>>, vector<16xf32>,
        %get3A_190 = arith.index_cast %scan3A_138 : i32 to index
        %get3A_191 = arith.constant 112 : index
        %get3A_192 = tpu.vector_load %arg10[%get3A_190, %get3A_191] {strides = array<i32>} : memref<128x128xf32, #tpu.memory_space<vmem>>, vector<16xf32>,
        %mul3A_193 = arith.mulf %get3A_192, %gather3A : vector<16xf32>
        %swap3A_194 = arith.index_cast %scan3A_138 : i32 to index
        %swap3A_195 = arith.constant 112 : index
        %swap3A_196 = tpu.vector_load %arg10[%swap3A_194, %swap3A_195] {strides = array<i32>} : memref<128x128xf32, #tpu.memory_space<vmem>>, vector<16xf32>,
        tpu.vector_store %arg10[%swap3A_194, %swap3A_195], %mul3A_193 {strides = array<i32>} : memref<128x128xf32, #tpu.memory_space<vmem>>, vector<16xf32>,
        %scan3A_197 = arith.constant 0 : i32
        scf.yield %scan3A_197 : i32
      }
      %scan3A_87 = arith.constant 128 : i32
      %dma_start3A_88 = arith.constant 0 : i32
      %dma_start3A_89 = arith.constant 0 : i32
      %dma_start3A_90 = tpu.memref_slice %arg8[%dma_start3A_88, %dma_start3A_89] : memref<16x128xi32, #tpu.memory_space<vmem>> -> memref<1x128xi32, #tpu.memory_space<vmem>>
      %dma_start3A_91 = tpu.memref_squeeze %dma_start3A_90 : memref<1x128xi32, #tpu.memory_space<vmem>> -> memref<128xi32, #tpu.memory_space<vmem>>
      %dma_start3A_92 = arith.constant 0 : i32
      %dma_start3A_93 = arith.constant 0 : i32
      %dma_start3A_94 = tpu.memref_slice %arg13[%dma_start3A_92, %dma_start3A_93] : memref<10240x128xf32, #tpu.memory_space<vmem_shared>> -> memref<10240x128xf32, #tpu.memory_space<vmem_shared>>
      tpu.enqueue_indirect_dma source(%arg10 : memref<128x128xf32, #tpu.memory_space<vmem>>) target(%dma_start3A_94 : memref<10240x128xf32, #tpu.memory_space<vmem_shared>>) offsets(%dma_start3A_91 : memref<128xi32, #tpu.memory_space<vmem>>) semaphore(%arg16 : memref<!tpu.dma_semaphore, #tpu.memory_space<semaphore_mem>>) {add = true}
      %scan3A_95 = arith.constant 0 : i32
      %scan3A_96 = arith.constant 1 : i32
      %scan3A_97 = arith.constant 7 : i32
      %scan3A_98 = arith.addi %scan3A_96, %scan3A_97 : i32
      %scan3A_99 = arith.constant 1 : i32
      %scan3A_100 = scf.for %scan3A_138 = %scan3A_96 to %scan3A_98 step %scan3A_99 iter_args(%scan3A_139 = %scan3A_95) -> (i32)  : i32 {
        %dma_wait3A_140 = arith.constant 0 : i32
        %dma_wait3A_141 = arith.constant 0 : i32
        %dma_wait3A_142 = tpu.memref_slice %arg8[%dma_wait3A_140, %dma_wait3A_141] : memref<16x128xi32, #tpu.memory_space<vmem>> -> memref<1x128xi32, #tpu.memory_space<vmem>>
        %dma_wait3A_143 = tpu.memref_squeeze %dma_wait3A_142 : memref<1x128xi32, #tpu.memory_space<vmem>> -> memref<128xi32, #tpu.memory_space<vmem>>
        %dma_wait3A_144 = arith.constant 0 : i32
        %dma_wait3A_145 = arith.constant 0 : i32
        %dma_wait3A_146 = tpu.memref_slice %arg13[%dma_wait3A_144, %dma_wait3A_145] : memref<10240x128xf32, #tpu.memory_space<vmem_shared>> -> memref<10240x128xf32, #tpu.memory_space<vmem_shared>>
        tpu.wait_indirect_dma semaphore(%arg16 : memref<!tpu.dma_semaphore, #tpu.memory_space<semaphore_mem>>) src(%arg10 : memref<128x128xf32, #tpu.memory_space<vmem>>) dst(%dma_wait3A_146 : memref<10240x128xf32, #tpu.memory_space<vmem_shared>>)
        %mul3A_147 = arith.constant 2 : i32
        %mul3A_148 = arith.muli %mul3A_147, %scan3A_138 : i32
        %dma_start3A_149 = arith.constant 0 : i32
        %dma_start3A_150 = tpu.memref_slice %arg7[%mul3A_148, %dma_start3A_149] : memref<16x128xi32, #tpu.memory_space<vmem>> -> memref<1x128xi32, #tpu.memory_space<vmem>>
        %dma_start3A_151 = tpu.memref_squeeze %dma_start3A_150 : memref<1x128xi32, #tpu.memory_space<vmem>> -> memref<128xi32, #tpu.memory_space<vmem>>
        %dma_start3A_152 = arith.constant 0 : i32
        %dma_start3A_153 = arith.constant 0 : i32
        %dma_start3A_154 = tpu.memref_slice %arg2[%dma_start3A_152, %dma_start3A_153] : memref<10000x128xf32, #tpu.memory_space<hbm>> -> memref<10000x128xf32, #tpu.memory_space<hbm>>
        tpu.enqueue_indirect_dma source(%dma_start3A_154 : memref<10000x128xf32, #tpu.memory_space<hbm>>) target(%arg10 : memref<128x128xf32, #tpu.memory_space<vmem>>) offsets(%dma_start3A_151 : memref<128xi32, #tpu.memory_space<vmem>>) semaphore(%arg14 : memref<!tpu.dma_semaphore, #tpu.memory_space<semaphore_mem>>)
        %dma_wait3A_155 = arith.constant 0 : i32
        %dma_wait3A_156 = arith.constant 0 : i32
        %dma_wait3A_157 = tpu.memref_slice %arg7[%dma_wait3A_155, %dma_wait3A_156] : memref<16x128xi32, #tpu.memory_space<vmem>> -> memref<1x128xi32, #tpu.memory_space<vmem>>
        %dma_wait3A_158 = tpu.memref_squeeze %dma_wait3A_157 : memref<1x128xi32, #tpu.memory_space<vmem>> -> memref<128xi32, #tpu.memory_space<vmem>>
        %dma_wait3A_159 = arith.constant 0 : i32
        %dma_wait3A_160 = arith.constant 0 : i32
        %dma_wait3A_161 = tpu.memref_slice %arg2[%dma_wait3A_159, %dma_wait3A_160] : memref<10000x128xf32, #tpu.memory_space<hbm>> -> memref<10000x128xf32, #tpu.memory_space<hbm>>
        tpu.wait_indirect_dma semaphore(%arg15 : memref<!tpu.dma_semaphore, #tpu.memory_space<semaphore_mem>>) src(%dma_wait3A_161 : memref<10000x128xf32, #tpu.memory_space<hbm>>) dst(%arg11 : memref<128x128xf32, #tpu.memory_space<vmem>>)
        %mul3A_162 = arith.constant 2 : i32
        %mul3A_163 = arith.muli %mul3A_162, %scan3A_138 : i32
        %sub3A = arith.constant 1 : i32
        %sub3A_164 = arith.subi %mul3A_163, %sub3A : i32
        %scan3A_165 = arith.constant 0 : i32
        %scan3A_166 = arith.constant 0 : i32
        %scan3A_167 = arith.constant 128 : i32
        %scan3A_168 = arith.addi %scan3A_166, %scan3A_167 : i32
        %scan3A_169 = arith.constant 1 : i32
        %scan3A_170 = scf.for %scan3A_224 = %scan3A_166 to %scan3A_168 step %scan3A_169 iter_args(%scan3A_225 = %scan3A_165) -> (i32)  : i32 {
          %mul3A_226 = arith.constant 128 : i32
          %mul3A_227 = arith.muli %sub3A_164, %mul3A_226 : i32
          %add3A_228 = arith.addi %mul3A_227, %scan3A_224 : i32
          %broadcast_in_dim3A_229 = vector.broadcast %add3A_228 : i32 to vector<16xi32>
          %gather3A = tpu.vector_load_idx %arg9[%broadcast_in_dim3A_229] : memref<2048xf32, #tpu.memory_space<vmem>>[vector<16xi32>], vector<16xf32>,
          %get3A = arith.index_cast %scan3A_224 : i32 to index
          %get3A_230 = arith.constant 0 : index
          %get3A_231 = tpu.vector_load %arg11[%get3A, %get3A_230] {strides = array<i32>} : memref<128x128xf32, #tpu.memory_space<vmem>>, vector<16xf32>,
          %mul3A_232 = arith.mulf %get3A_231, %gather3A : vector<16xf32>
          %swap3A = arith.index_cast %scan3A_224 : i32 to index
          %swap3A_233 = arith.constant 0 : index
          %swap3A_234 = tpu.vector_load %arg11[%swap3A, %swap3A_233] {strides = array<i32>} : memref<128x128xf32, #tpu.memory_space<vmem>>, vector<16xf32>,
          tpu.vector_store %arg11[%swap3A, %swap3A_233], %mul3A_232 {strides = array<i32>} : memref<128x128xf32, #tpu.memory_space<vmem>>, vector<16xf32>,
          %get3A_235 = arith.index_cast %scan3A_224 : i32 to index
          %get3A_236 = arith.constant 16 : index
          %get3A_237 = tpu.vector_load %arg11[%get3A_235, %get3A_236] {strides = array<i32>} : memref<128x128xf32, #tpu.memory_space<vmem>>, vector<16xf32>,
          %mul3A_238 = arith.mulf %get3A_237, %gather3A : vector<16xf32>
          %swap3A_239 = arith.index_cast %scan3A_224 : i32 to index
          %swap3A_240 = arith.constant 16 : index
          %swap3A_241 = tpu.vector_load %arg11[%swap3A_239, %swap3A_240] {strides = array<i32>} : memref<128x128xf32, #tpu.memory_space<vmem>>, vector<16xf32>,
          tpu.vector_store %arg11[%swap3A_239, %swap3A_240], %mul3A_238 {strides = array<i32>} : memref<128x128xf32, #tpu.memory_space<vmem>>, vector<16xf32>,
          %get3A_242 = arith.index_cast %scan3A_224 : i32 to index
          %get3A_243 = arith.constant 32 : index
          %get3A_244 = tpu.vector_load %arg11[%get3A_242, %get3A_243] {strides = array<i32>} : memref<128x128xf32, #tpu.memory_space<vmem>>, vector<16xf32>,
          %mul3A_245 = arith.mulf %get3A_244, %gather3A : vector<16xf32>
          %swap3A_246 = arith.index_cast %scan3A_224 : i32 to index
          %swap3A_247 = arith.constant 32 : index
          %swap3A_248 = tpu.vector_load %arg11[%swap3A_246, %swap3A_247] {strides = array<i32>} : memref<128x128xf32, #tpu.memory_space<vmem>>, vector<16xf32>,
          tpu.vector_store %arg11[%swap3A_246, %swap3A_247], %mul3A_245 {strides = array<i32>} : memref<128x128xf32, #tpu.memory_space<vmem>>, vector<16xf32>,
          %get3A_249 = arith.index_cast %scan3A_224 : i32 to index
          %get3A_250 = arith.constant 48 : index
          %get3A_251 = tpu.vector_load %arg11[%get3A_249, %get3A_250] {strides = array<i32>} : memref<128x128xf32, #tpu.memory_space<vmem>>, vector<16xf32>,
          %mul3A_252 = arith.mulf %get3A_251, %gather3A : vector<16xf32>
          %swap3A_253 = arith.index_cast %scan3A_224 : i32 to index
          %swap3A_254 = arith.constant 48 : index
          %swap3A_255 = tpu.vector_load %arg11[%swap3A_253, %swap3A_254] {strides = array<i32>} : memref<128x128xf32, #tpu.memory_space<vmem>>, vector<16xf32>,
          tpu.vector_store %arg11[%swap3A_253, %swap3A_254], %mul3A_252 {strides = array<i32>} : memref<128x128xf32, #tpu.memory_space<vmem>>, vector<16xf32>,
          %get3A_256 = arith.index_cast %scan3A_224 : i32 to index
          %get3A_257 = arith.constant 64 : index
          %get3A_258 = tpu.vector_load %arg11[%get3A_256, %get3A_257] {strides = array<i32>} : memref<128x128xf32, #tpu.memory_space<vmem>>, vector<16xf32>,
          %mul3A_259 = arith.mulf %get3A_258, %gather3A : vector<16xf32>
          %swap3A_260 = arith.index_cast %scan3A_224 : i32 to index
          %swap3A_261 = arith.constant 64 : index
          %swap3A_262 = tpu.vector_load %arg11[%swap3A_260, %swap3A_261] {strides = array<i32>} : memref<128x128xf32, #tpu.memory_space<vmem>>, vector<16xf32>,
          tpu.vector_store %arg11[%swap3A_260, %swap3A_261], %mul3A_259 {strides = array<i32>} : memref<128x128xf32, #tpu.memory_space<vmem>>, vector<16xf32>,
          %get3A_263 = arith.index_cast %scan3A_224 : i32 to index
          %get3A_264 = arith.constant 80 : index
          %get3A_265 = tpu.vector_load %arg11[%get3A_263, %get3A_264] {strides = array<i32>} : memref<128x128xf32, #tpu.memory_space<vmem>>, vector<16xf32>,
          %mul3A_266 = arith.mulf %get3A_265, %gather3A : vector<16xf32>
          %swap3A_267 = arith.index_cast %scan3A_224 : i32 to index
          %swap3A_268 = arith.constant 80 : index
          %swap3A_269 = tpu.vector_load %arg11[%swap3A_267, %swap3A_268] {strides = array<i32>} : memref<128x128xf32, #tpu.memory_space<vmem>>, vector<16xf32>,
          tpu.vector_store %arg11[%swap3A_267, %swap3A_268], %mul3A_266 {strides = array<i32>} : memref<128x128xf32, #tpu.memory_space<vmem>>, vector<16xf32>,
          %get3A_270 = arith.index_cast %scan3A_224 : i32 to index
          %get3A_271 = arith.constant 96 : index
          %get3A_272 = tpu.vector_load %arg11[%get3A_270, %get3A_271] {strides = array<i32>} : memref<128x128xf32, #tpu.memory_space<vmem>>, vector<16xf32>,
          %mul3A_273 = arith.mulf %get3A_272, %gather3A : vector<16xf32>
          %swap3A_274 = arith.index_cast %scan3A_224 : i32 to index
          %swap3A_275 = arith.constant 96 : index
          %swap3A_276 = tpu.vector_load %arg11[%swap3A_274, %swap3A_275] {strides = array<i32>} : memref<128x128xf32, #tpu.memory_space<vmem>>, vector<16xf32>,
          tpu.vector_store %arg11[%swap3A_274, %swap3A_275], %mul3A_273 {strides = array<i32>} : memref<128x128xf32, #tpu.memory_space<vmem>>, vector<16xf32>,
          %get3A_277 = arith.index_cast %scan3A_224 : i32 to index
          %get3A_278 = arith.constant 112 : index
          %get3A_279 = tpu.vector_load %arg11[%get3A_277, %get3A_278] {strides = array<i32>} : memref<128x128xf32, #tpu.memory_space<vmem>>, vector<16xf32>,
          %mul3A_280 = arith.mulf %get3A_279, %gather3A : vector<16xf32>
          %swap3A_281 = arith.index_cast %scan3A_224 : i32 to index
          %swap3A_282 = arith.constant 112 : index
          %swap3A_283 = tpu.vector_load %arg11[%swap3A_281, %swap3A_282] {strides = array<i32>} : memref<128x128xf32, #tpu.memory_space<vmem>>, vector<16xf32>,
          tpu.vector_store %arg11[%swap3A_281, %swap3A_282], %mul3A_280 {strides = array<i32>} : memref<128x128xf32, #tpu.memory_space<vmem>>, vector<16xf32>,
          %scan3A_284 = arith.constant 0 : i32
          scf.yield %scan3A_284 : i32
        }
        %scan3A_171 = arith.constant 128 : i32
        %mul3A_172 = arith.constant 2 : i32
        %mul3A_173 = arith.muli %mul3A_172, %scan3A_138 : i32
        %sub3A_174 = arith.constant 1 : i32
        %sub3A_175 = arith.subi %mul3A_173, %sub3A_174 : i32
        %dma_start3A_176 = arith.constant 0 : i32
        %dma_start3A_177 = tpu.memref_slice %arg8[%sub3A_175, %dma_start3A_176] : memref<16x128xi32, #tpu.memory_space<vmem>> -> memref<1x128xi32, #tpu.memory_space<vmem>>
        %dma_start3A_178 = tpu.memref_squeeze %dma_start3A_177 : memref<1x128xi32, #tpu.memory_space<vmem>> -> memref<128xi32, #tpu.memory_space<vmem>>
        %dma_start3A_179 = arith.constant 0 : i32
        %dma_start3A_180 = arith.constant 0 : i32
        %dma_start3A_181 = tpu.memref_slice %arg13[%dma_start3A_179, %dma_start3A_180] : memref<10240x128xf32, #tpu.memory_space<vmem_shared>> -> memref<10240x128xf32, #tpu.memory_space<vmem_shared>>
        tpu.enqueue_indirect_dma source(%arg11 : memref<128x128xf32, #tpu.memory_space<vmem>>) target(%dma_start3A_181 : memref<10240x128xf32, #tpu.memory_space<vmem_shared>>) offsets(%dma_start3A_178 : memref<128xi32, #tpu.memory_space<vmem>>) semaphore(%arg17 : memref<!tpu.dma_semaphore, #tpu.memory_space<semaphore_mem>>) {add = true}
        %dma_wait3A_182 = arith.constant 0 : i32
        %dma_wait3A_183 = arith.constant 0 : i32
        %dma_wait3A_184 = tpu.memref_slice %arg7[%dma_wait3A_182, %dma_wait3A_183] : memref<16x128xi32, #tpu.memory_space<vmem>> -> memref<1x128xi32, #tpu.memory_space<vmem>>
        %dma_wait3A_185 = tpu.memref_squeeze %dma_wait3A_184 : memref<1x128xi32, #tpu.memory_space<vmem>> -> memref<128xi32, #tpu.memory_space<vmem>>
        %dma_wait3A_186 = arith.constant 0 : i32
        %dma_wait3A_187 = arith.constant 0 : i32
        %dma_wait3A_188 = tpu.memref_slice %arg2[%dma_wait3A_186, %dma_wait3A_187] : memref<10000x128xf32, #tpu.memory_space<hbm>> -> memref<10000x128xf32, #tpu.memory_space<hbm>>
        tpu.wait_indirect_dma semaphore(%arg14 : memref<!tpu.dma_semaphore, #tpu.memory_space<semaphore_mem>>) src(%dma_wait3A_188 : memref<10000x128xf32, #tpu.memory_space<hbm>>) dst(%arg10 : memref<128x128xf32, #tpu.memory_space<vmem>>)
        %mul3A_189 = arith.constant 2 : i32
        %mul3A_190 = arith.muli %mul3A_189, %scan3A_138 : i32
        %scan3A_191 = arith.constant 0 : i32
        %scan3A_192 = arith.constant 0 : i32
        %scan3A_193 = arith.constant 128 : i32
        %scan3A_194 = arith.addi %scan3A_192, %scan3A_193 : i32
        %scan3A_195 = arith.constant 1 : i32
        %scan3A_196 = scf.for %scan3A_224 = %scan3A_192 to %scan3A_194 step %scan3A_195 iter_args(%scan3A_225 = %scan3A_191) -> (i32)  : i32 {
          %mul3A_226 = arith.constant 128 : i32
          %mul3A_227 = arith.muli %mul3A_190, %mul3A_226 : i32
          %add3A_228 = arith.addi %mul3A_227, %scan3A_224 : i32
          %broadcast_in_dim3A_229 = vector.broadcast %add3A_228 : i32 to vector<16xi32>
          %gather3A = tpu.vector_load_idx %arg9[%broadcast_in_dim3A_229] : memref<2048xf32, #tpu.memory_space<vmem>>[vector<16xi32>], vector<16xf32>,
          %get3A = arith.index_cast %scan3A_224 : i32 to index
          %get3A_230 = arith.constant 0 : index
          %get3A_231 = tpu.vector_load %arg10[%get3A, %get3A_230] {strides = array<i32>} : memref<128x128xf32, #tpu.memory_space<vmem>>, vector<16xf32>,
          %mul3A_232 = arith.mulf %get3A_231, %gather3A : vector<16xf32>
          %swap3A = arith.index_cast %scan3A_224 : i32 to index
          %swap3A_233 = arith.constant 0 : index
          %swap3A_234 = tpu.vector_load %arg10[%swap3A, %swap3A_233] {strides = array<i32>} : memref<128x128xf32, #tpu.memory_space<vmem>>, vector<16xf32>,
          tpu.vector_store %arg10[%swap3A, %swap3A_233], %mul3A_232 {strides = array<i32>} : memref<128x128xf32, #tpu.memory_space<vmem>>, vector<16xf32>,
          %get3A_235 = arith.index_cast %scan3A_224 : i32 to index
          %get3A_236 = arith.constant 16 : index
          %get3A_237 = tpu.vector_load %arg10[%get3A_235, %get3A_236] {strides = array<i32>} : memref<128x128xf32, #tpu.memory_space<vmem>>, vector<16xf32>,
          %mul3A_238 = arith.mulf %get3A_237, %gather3A : vector<16xf32>
          %swap3A_239 = arith.index_cast %scan3A_224 : i32 to index
          %swap3A_240 = arith.constant 16 : index
          %swap3A_241 = tpu.vector_load %arg10[%swap3A_239, %swap3A_240] {strides = array<i32>} : memref<128x128xf32, #tpu.memory_space<vmem>>, vector<16xf32>,
          tpu.vector_store %arg10[%swap3A_239, %swap3A_240], %mul3A_238 {strides = array<i32>} : memref<128x128xf32, #tpu.memory_space<vmem>>, vector<16xf32>,
          %get3A_242 = arith.index_cast %scan3A_224 : i32 to index
          %get3A_243 = arith.constant 32 : index
          %get3A_244 = tpu.vector_load %arg10[%get3A_242, %get3A_243] {strides = array<i32>} : memref<128x128xf32, #tpu.memory_space<vmem>>, vector<16xf32>,
          %mul3A_245 = arith.mulf %get3A_244, %gather3A : vector<16xf32>
          %swap3A_246 = arith.index_cast %scan3A_224 : i32 to index
          %swap3A_247 = arith.constant 32 : index
          %swap3A_248 = tpu.vector_load %arg10[%swap3A_246, %swap3A_247] {strides = array<i32>} : memref<128x128xf32, #tpu.memory_space<vmem>>, vector<16xf32>,
          tpu.vector_store %arg10[%swap3A_246, %swap3A_247], %mul3A_245 {strides = array<i32>} : memref<128x128xf32, #tpu.memory_space<vmem>>, vector<16xf32>,
          %get3A_249 = arith.index_cast %scan3A_224 : i32 to index
          %get3A_250 = arith.constant 48 : index
          %get3A_251 = tpu.vector_load %arg10[%get3A_249, %get3A_250] {strides = array<i32>} : memref<128x128xf32, #tpu.memory_space<vmem>>, vector<16xf32>,
          %mul3A_252 = arith.mulf %get3A_251, %gather3A : vector<16xf32>
          %swap3A_253 = arith.index_cast %scan3A_224 : i32 to index
          %swap3A_254 = arith.constant 48 : index
          %swap3A_255 = tpu.vector_load %arg10[%swap3A_253, %swap3A_254] {strides = array<i32>} : memref<128x128xf32, #tpu.memory_space<vmem>>, vector<16xf32>,
          tpu.vector_store %arg10[%swap3A_253, %swap3A_254], %mul3A_252 {strides = array<i32>} : memref<128x128xf32, #tpu.memory_space<vmem>>, vector<16xf32>,
          %get3A_256 = arith.index_cast %scan3A_224 : i32 to index
          %get3A_257 = arith.constant 64 : index
          %get3A_258 = tpu.vector_load %arg10[%get3A_256, %get3A_257] {strides = array<i32>} : memref<128x128xf32, #tpu.memory_space<vmem>>, vector<16xf32>,
          %mul3A_259 = arith.mulf %get3A_258, %gather3A : vector<16xf32>
          %swap3A_260 = arith.index_cast %scan3A_224 : i32 to index
          %swap3A_261 = arith.constant 64 : index
          %swap3A_262 = tpu.vector_load %arg10[%swap3A_260, %swap3A_261] {strides = array<i32>} : memref<128x128xf32, #tpu.memory_space<vmem>>, vector<16xf32>,
          tpu.vector_store %arg10[%swap3A_260, %swap3A_261], %mul3A_259 {strides = array<i32>} : memref<128x128xf32, #tpu.memory_space<vmem>>, vector<16xf32>,
          %get3A_263 = arith.index_cast %scan3A_224 : i32 to index
          %get3A_264 = arith.constant 80 : index
          %get3A_265 = tpu.vector_load %arg10[%get3A_263, %get3A_264] {strides = array<i32>} : memref<128x128xf32, #tpu.memory_space<vmem>>, vector<16xf32>,
          %mul3A_266 = arith.mulf %get3A_265, %gather3A : vector<16xf32>
          %swap3A_267 = arith.index_cast %scan3A_224 : i32 to index
          %swap3A_268 = arith.constant 80 : index
          %swap3A_269 = tpu.vector_load %arg10[%swap3A_267, %swap3A_268] {strides = array<i32>} : memref<128x128xf32, #tpu.memory_space<vmem>>, vector<16xf32>,
          tpu.vector_store %arg10[%swap3A_267, %swap3A_268], %mul3A_266 {strides = array<i32>} : memref<128x128xf32, #tpu.memory_space<vmem>>, vector<16xf32>,
          %get3A_270 = arith.index_cast %scan3A_224 : i32 to index
          %get3A_271 = arith.constant 96 : index
          %get3A_272 = tpu.vector_load %arg10[%get3A_270, %get3A_271] {strides = array<i32>} : memref<128x128xf32, #tpu.memory_space<vmem>>, vector<16xf32>,
          %mul3A_273 = arith.mulf %get3A_272, %gather3A : vector<16xf32>
          %swap3A_274 = arith.index_cast %scan3A_224 : i32 to index
          %swap3A_275 = arith.constant 96 : index
          %swap3A_276 = tpu.vector_load %arg10[%swap3A_274, %swap3A_275] {strides = array<i32>} : memref<128x128xf32, #tpu.memory_space<vmem>>, vector<16xf32>,
          tpu.vector_store %arg10[%swap3A_274, %swap3A_275], %mul3A_273 {strides = array<i32>} : memref<128x128xf32, #tpu.memory_space<vmem>>, vector<16xf32>,
          %get3A_277 = arith.index_cast %scan3A_224 : i32 to index
          %get3A_278 = arith.constant 112 : index
          %get3A_279 = tpu.vector_load %arg10[%get3A_277, %get3A_278] {strides = array<i32>} : memref<128x128xf32, #tpu.memory_space<vmem>>, vector<16xf32>,
          %mul3A_280 = arith.mulf %get3A_279, %gather3A : vector<16xf32>
          %swap3A_281 = arith.index_cast %scan3A_224 : i32 to index
          %swap3A_282 = arith.constant 112 : index
          %swap3A_283 = tpu.vector_load %arg10[%swap3A_281, %swap3A_282] {strides = array<i32>} : memref<128x128xf32, #tpu.memory_space<vmem>>, vector<16xf32>,
          tpu.vector_store %arg10[%swap3A_281, %swap3A_282], %mul3A_280 {strides = array<i32>} : memref<128x128xf32, #tpu.memory_space<vmem>>, vector<16xf32>,
          %scan3A_284 = arith.constant 0 : i32
          scf.yield %scan3A_284 : i32
        }
        %scan3A_197 = arith.constant 128 : i32
        %dma_wait3A_198 = arith.constant 0 : i32
        %dma_wait3A_199 = arith.constant 0 : i32
        %dma_wait3A_200 = tpu.memref_slice %arg8[%dma_wait3A_198, %dma_wait3A_199] : memref<16x128xi32, #tpu.memory_space<vmem>> -> memref<1x128xi32, #tpu.memory_space<vmem>>
        %dma_wait3A_201 = tpu.memref_squeeze %dma_wait3A_200 : memref<1x128xi32, #tpu.memory_space<vmem>> -> memref<128xi32, #tpu.memory_space<vmem>>
        %dma_wait3A_202 = arith.constant 0 : i32
        %dma_wait3A_203 = arith.constant 0 : i32
        %dma_wait3A_204 = tpu.memref_slice %arg13[%dma_wait3A_202, %dma_wait3A_203] : memref<10240x128xf32, #tpu.memory_space<vmem_shared>> -> memref<10240x128xf32, #tpu.memory_space<vmem_shared>>
        tpu.wait_indirect_dma semaphore(%arg17 : memref<!tpu.dma_semaphore, #tpu.memory_space<semaphore_mem>>) src(%arg11 : memref<128x128xf32, #tpu.memory_space<vmem>>) dst(%dma_wait3A_204 : memref<10240x128xf32, #tpu.memory_space<vmem_shared>>)
        %mul3A_205 = arith.constant 2 : i32
        %mul3A_206 = arith.muli %mul3A_205, %scan3A_138 : i32
        %add3A_207 = arith.constant 1 : i32
        %add3A_208 = arith.addi %mul3A_206, %add3A_207 : i32
        %dma_start3A_209 = arith.constant 0 : i32
        %dma_start3A_210 = tpu.memref_slice %arg7[%add3A_208, %dma_start3A_209] : memref<16x128xi32, #tpu.memory_space<vmem>> -> memref<1x128xi32, #tpu.memory_space<vmem>>
        %dma_start3A_211 = tpu.memref_squeeze %dma_start3A_210 : memref<1x128xi32, #tpu.memory_space<vmem>> -> memref<128xi32, #tpu.memory_space<vmem>>
        %dma_start3A_212 = arith.constant 0 : i32
        %dma_start3A_213 = arith.constant 0 : i32
        %dma_start3A_214 = tpu.memref_slice %arg2[%dma_start3A_212, %dma_start3A_213] : memref<10000x128xf32, #tpu.memory_space<hbm>> -> memref<10000x128xf32, #tpu.memory_space<hbm>>
        tpu.enqueue_indirect_dma source(%dma_start3A_214 : memref<10000x128xf32, #tpu.memory_space<hbm>>) target(%arg11 : memref<128x128xf32, #tpu.memory_space<vmem>>) offsets(%dma_start3A_211 : memref<128xi32, #tpu.memory_space<vmem>>) semaphore(%arg15 : memref<!tpu.dma_semaphore, #tpu.memory_space<semaphore_mem>>)
        %mul3A_215 = arith.constant 2 : i32
        %mul3A_216 = arith.muli %mul3A_215, %scan3A_138 : i32
        %dma_start3A_217 = arith.constant 0 : i32
        %dma_start3A_218 = tpu.memref_slice %arg8[%mul3A_216, %dma_start3A_217] : memref<16x128xi32, #tpu.memory_space<vmem>> -> memref<1x128xi32, #tpu.memory_space<vmem>>
        %dma_start3A_219 = tpu.memref_squeeze %dma_start3A_218 : memref<1x128xi32, #tpu.memory_space<vmem>> -> memref<128xi32, #tpu.memory_space<vmem>>
        %dma_start3A_220 = arith.constant 0 : i32
        %dma_start3A_221 = arith.constant 0 : i32
        %dma_start3A_222 = tpu.memref_slice %arg13[%dma_start3A_220, %dma_start3A_221] : memref<10240x128xf32, #tpu.memory_space<vmem_shared>> -> memref<10240x128xf32, #tpu.memory_space<vmem_shared>>
        tpu.enqueue_indirect_dma source(%arg10 : memref<128x128xf32, #tpu.memory_space<vmem>>) target(%dma_start3A_222 : memref<10240x128xf32, #tpu.memory_space<vmem_shared>>) offsets(%dma_start3A_219 : memref<128xi32, #tpu.memory_space<vmem>>) semaphore(%arg16 : memref<!tpu.dma_semaphore, #tpu.memory_space<semaphore_mem>>) {add = true}
        %scan3A_223 = arith.constant 0 : i32
        scf.yield %scan3A_223 : i32
      }
      %scan3A_101 = arith.constant 7 : i32
      %dma_wait3A_102 = arith.constant 0 : i32
      %dma_wait3A_103 = arith.constant 0 : i32
      %dma_wait3A_104 = tpu.memref_slice %arg7[%dma_wait3A_102, %dma_wait3A_103] : memref<16x128xi32, #tpu.memory_space<vmem>> -> memref<1x128xi32, #tpu.memory_space<vmem>>
      %dma_wait3A_105 = tpu.memref_squeeze %dma_wait3A_104 : memref<1x128xi32, #tpu.memory_space<vmem>> -> memref<128xi32, #tpu.memory_space<vmem>>
      %dma_wait3A_106 = arith.constant 0 : i32
      %dma_wait3A_107 = arith.constant 0 : i32
      %dma_wait3A_108 = tpu.memref_slice %arg2[%dma_wait3A_106, %dma_wait3A_107] : memref<10000x128xf32, #tpu.memory_space<hbm>> -> memref<10000x128xf32, #tpu.memory_space<hbm>>
      tpu.wait_indirect_dma semaphore(%arg15 : memref<!tpu.dma_semaphore, #tpu.memory_space<semaphore_mem>>) src(%dma_wait3A_108 : memref<10000x128xf32, #tpu.memory_space<hbm>>) dst(%arg11 : memref<128x128xf32, #tpu.memory_space<vmem>>)
      %scan3A_109 = arith.constant 0 : i32
      %scan3A_110 = arith.constant 0 : i32
      %scan3A_111 = arith.constant 128 : i32
      %scan3A_112 = arith.addi %scan3A_110, %scan3A_111 : i32
      %scan3A_113 = arith.constant 1 : i32
      %scan3A_114 = scf.for %scan3A_138 = %scan3A_110 to %scan3A_112 step %scan3A_113 iter_args(%scan3A_139 = %scan3A_109) -> (i32)  : i32 {
        %add3A_140 = arith.constant 1920 : i32
        %add3A_141 = arith.addi %add3A_140, %scan3A_138 : i32
        %broadcast_in_dim3A_142 = vector.broadcast %add3A_141 : i32 to vector<16xi32>
        %gather3A = tpu.vector_load_idx %arg9[%broadcast_in_dim3A_142] : memref<2048xf32, #tpu.memory_space<vmem>>[vector<16xi32>], vector<16xf32>,
        %get3A = arith.index_cast %scan3A_138 : i32 to index
        %get3A_143 = arith.constant 0 : index
        %get3A_144 = tpu.vector_load %arg11[%get3A, %get3A_143] {strides = array<i32>} : memref<128x128xf32, #tpu.memory_space<vmem>>, vector<16xf32>,
        %mul3A_145 = arith.mulf %get3A_144, %gather3A : vector<16xf32>
        %swap3A = arith.index_cast %scan3A_138 : i32 to index
        %swap3A_146 = arith.constant 0 : index
        %swap3A_147 = tpu.vector_load %arg11[%swap3A, %swap3A_146] {strides = array<i32>} : memref<128x128xf32, #tpu.memory_space<vmem>>, vector<16xf32>,
        tpu.vector_store %arg11[%swap3A, %swap3A_146], %mul3A_145 {strides = array<i32>} : memref<128x128xf32, #tpu.memory_space<vmem>>, vector<16xf32>,
        %get3A_148 = arith.index_cast %scan3A_138 : i32 to index
        %get3A_149 = arith.constant 16 : index
        %get3A_150 = tpu.vector_load %arg11[%get3A_148, %get3A_149] {strides = array<i32>} : memref<128x128xf32, #tpu.memory_space<vmem>>, vector<16xf32>,
        %mul3A_151 = arith.mulf %get3A_150, %gather3A : vector<16xf32>
        %swap3A_152 = arith.index_cast %scan3A_138 : i32 to index
        %swap3A_153 = arith.constant 16 : index
        %swap3A_154 = tpu.vector_load %arg11[%swap3A_152, %swap3A_153] {strides = array<i32>} : memref<128x128xf32, #tpu.memory_space<vmem>>, vector<16xf32>,
        tpu.vector_store %arg11[%swap3A_152, %swap3A_153], %mul3A_151 {strides = array<i32>} : memref<128x128xf32, #tpu.memory_space<vmem>>, vector<16xf32>,
        %get3A_155 = arith.index_cast %scan3A_138 : i32 to index
        %get3A_156 = arith.constant 32 : index
        %get3A_157 = tpu.vector_load %arg11[%get3A_155, %get3A_156] {strides = array<i32>} : memref<128x128xf32, #tpu.memory_space<vmem>>, vector<16xf32>,
        %mul3A_158 = arith.mulf %get3A_157, %gather3A : vector<16xf32>
        %swap3A_159 = arith.index_cast %scan3A_138 : i32 to index
        %swap3A_160 = arith.constant 32 : index
        %swap3A_161 = tpu.vector_load %arg11[%swap3A_159, %swap3A_160] {strides = array<i32>} : memref<128x128xf32, #tpu.memory_space<vmem>>, vector<16xf32>,
        tpu.vector_store %arg11[%swap3A_159, %swap3A_160], %mul3A_158 {strides = array<i32>} : memref<128x128xf32, #tpu.memory_space<vmem>>, vector<16xf32>,
        %get3A_162 = arith.index_cast %scan3A_138 : i32 to index
        %get3A_163 = arith.constant 48 : index
        %get3A_164 = tpu.vector_load %arg11[%get3A_162, %get3A_163] {strides = array<i32>} : memref<128x128xf32, #tpu.memory_space<vmem>>, vector<16xf32>,
        %mul3A_165 = arith.mulf %get3A_164, %gather3A : vector<16xf32>
        %swap3A_166 = arith.index_cast %scan3A_138 : i32 to index
        %swap3A_167 = arith.constant 48 : index
        %swap3A_168 = tpu.vector_load %arg11[%swap3A_166, %swap3A_167] {strides = array<i32>} : memref<128x128xf32, #tpu.memory_space<vmem>>, vector<16xf32>,
        tpu.vector_store %arg11[%swap3A_166, %swap3A_167], %mul3A_165 {strides = array<i32>} : memref<128x128xf32, #tpu.memory_space<vmem>>, vector<16xf32>,
        %get3A_169 = arith.index_cast %scan3A_138 : i32 to index
        %get3A_170 = arith.constant 64 : index
        %get3A_171 = tpu.vector_load %arg11[%get3A_169, %get3A_170] {strides = array<i32>} : memref<128x128xf32, #tpu.memory_space<vmem>>, vector<16xf32>,
        %mul3A_172 = arith.mulf %get3A_171, %gather3A : vector<16xf32>
        %swap3A_173 = arith.index_cast %scan3A_138 : i32 to index
        %swap3A_174 = arith.constant 64 : index
        %swap3A_175 = tpu.vector_load %arg11[%swap3A_173, %swap3A_174] {strides = array<i32>} : memref<128x128xf32, #tpu.memory_space<vmem>>, vector<16xf32>,
        tpu.vector_store %arg11[%swap3A_173, %swap3A_174], %mul3A_172 {strides = array<i32>} : memref<128x128xf32, #tpu.memory_space<vmem>>, vector<16xf32>,
        %get3A_176 = arith.index_cast %scan3A_138 : i32 to index
        %get3A_177 = arith.constant 80 : index
        %get3A_178 = tpu.vector_load %arg11[%get3A_176, %get3A_177] {strides = array<i32>} : memref<128x128xf32, #tpu.memory_space<vmem>>, vector<16xf32>,
        %mul3A_179 = arith.mulf %get3A_178, %gather3A : vector<16xf32>
        %swap3A_180 = arith.index_cast %scan3A_138 : i32 to index
        %swap3A_181 = arith.constant 80 : index
        %swap3A_182 = tpu.vector_load %arg11[%swap3A_180, %swap3A_181] {strides = array<i32>} : memref<128x128xf32, #tpu.memory_space<vmem>>, vector<16xf32>,
        tpu.vector_store %arg11[%swap3A_180, %swap3A_181], %mul3A_179 {strides = array<i32>} : memref<128x128xf32, #tpu.memory_space<vmem>>, vector<16xf32>,
        %get3A_183 = arith.index_cast %scan3A_138 : i32 to index
        %get3A_184 = arith.constant 96 : index
        %get3A_185 = tpu.vector_load %arg11[%get3A_183, %get3A_184] {strides = array<i32>} : memref<128x128xf32, #tpu.memory_space<vmem>>, vector<16xf32>,
        %mul3A_186 = arith.mulf %get3A_185, %gather3A : vector<16xf32>
        %swap3A_187 = arith.index_cast %scan3A_138 : i32 to index
        %swap3A_188 = arith.constant 96 : index
        %swap3A_189 = tpu.vector_load %arg11[%swap3A_187, %swap3A_188] {strides = array<i32>} : memref<128x128xf32, #tpu.memory_space<vmem>>, vector<16xf32>,
        tpu.vector_store %arg11[%swap3A_187, %swap3A_188], %mul3A_186 {strides = array<i32>} : memref<128x128xf32, #tpu.memory_space<vmem>>, vector<16xf32>,
        %get3A_190 = arith.index_cast %scan3A_138 : i32 to index
        %get3A_191 = arith.constant 112 : index
        %get3A_192 = tpu.vector_load %arg11[%get3A_190, %get3A_191] {strides = array<i32>} : memref<128x128xf32, #tpu.memory_space<vmem>>, vector<16xf32>,
        %mul3A_193 = arith.mulf %get3A_192, %gather3A : vector<16xf32>
        %swap3A_194 = arith.index_cast %scan3A_138 : i32 to index
        %swap3A_195 = arith.constant 112 : index
        %swap3A_196 = tpu.vector_load %arg11[%swap3A_194, %swap3A_195] {strides = array<i32>} : memref<128x128xf32, #tpu.memory_space<vmem>>, vector<16xf32>,
        tpu.vector_store %arg11[%swap3A_194, %swap3A_195], %mul3A_193 {strides = array<i32>} : memref<128x128xf32, #tpu.memory_space<vmem>>, vector<16xf32>,
        %scan3A_197 = arith.constant 0 : i32
        scf.yield %scan3A_197 : i32
      }
      %scan3A_115 = arith.constant 128 : i32
      %dma_wait3A_116 = arith.constant 0 : i32
      %dma_wait3A_117 = arith.constant 0 : i32
      %dma_wait3A_118 = tpu.memref_slice %arg8[%dma_wait3A_116, %dma_wait3A_117] : memref<16x128xi32, #tpu.memory_space<vmem>> -> memref<1x128xi32, #tpu.memory_space<vmem>>
      %dma_wait3A_119 = tpu.memref_squeeze %dma_wait3A_118 : memref<1x128xi32, #tpu.memory_space<vmem>> -> memref<128xi32, #tpu.memory_space<vmem>>
      %dma_wait3A_120 = arith.constant 0 : i32
      %dma_wait3A_121 = arith.constant 0 : i32
      %dma_wait3A_122 = tpu.memref_slice %arg13[%dma_wait3A_120, %dma_wait3A_121] : memref<10240x128xf32, #tpu.memory_space<vmem_shared>> -> memref<10240x128xf32, #tpu.memory_space<vmem_shared>>
      tpu.wait_indirect_dma semaphore(%arg16 : memref<!tpu.dma_semaphore, #tpu.memory_space<semaphore_mem>>) src(%arg10 : memref<128x128xf32, #tpu.memory_space<vmem>>) dst(%dma_wait3A_122 : memref<10240x128xf32, #tpu.memory_space<vmem_shared>>)
      %dma_start3A_123 = arith.constant 15 : i32
      %dma_start3A_124 = arith.constant 0 : i32
      %dma_start3A_125 = tpu.memref_slice %arg8[%dma_start3A_123, %dma_start3A_124] : memref<16x128xi32, #tpu.memory_space<vmem>> -> memref<1x128xi32, #tpu.memory_space<vmem>>
      %dma_start3A_126 = tpu.memref_squeeze %dma_start3A_125 : memref<1x128xi32, #tpu.memory_space<vmem>> -> memref<128xi32, #tpu.memory_space<vmem>>
      %dma_start3A_127 = arith.constant 0 : i32
      %dma_start3A_128 = arith.constant 0 : i32
      %dma_start3A_129 = tpu.memref_slice %arg13[%dma_start3A_127, %dma_start3A_128] : memref<10240x128xf32, #tpu.memory_space<vmem_shared>> -> memref<10240x128xf32, #tpu.memory_space<vmem_shared>>
      tpu.enqueue_indirect_dma source(%arg11 : memref<128x128xf32, #tpu.memory_space<vmem>>) target(%dma_start3A_129 : memref<10240x128xf32, #tpu.memory_space<vmem_shared>>) offsets(%dma_start3A_126 : memref<128xi32, #tpu.memory_space<vmem>>) semaphore(%arg17 : memref<!tpu.dma_semaphore, #tpu.memory_space<semaphore_mem>>) {add = true}
      %dma_wait3A_130 = arith.constant 0 : i32
      %dma_wait3A_131 = arith.constant 0 : i32
      %dma_wait3A_132 = tpu.memref_slice %arg8[%dma_wait3A_130, %dma_wait3A_131] : memref<16x128xi32, #tpu.memory_space<vmem>> -> memref<1x128xi32, #tpu.memory_space<vmem>>
      %dma_wait3A_133 = tpu.memref_squeeze %dma_wait3A_132 : memref<1x128xi32, #tpu.memory_space<vmem>> -> memref<128xi32, #tpu.memory_space<vmem>>
      %dma_wait3A_134 = arith.constant 0 : i32
      %dma_wait3A_135 = arith.constant 0 : i32
      %dma_wait3A_136 = tpu.memref_slice %arg13[%dma_wait3A_134, %dma_wait3A_135] : memref<10240x128xf32, #tpu.memory_space<vmem_shared>> -> memref<10240x128xf32, #tpu.memory_space<vmem_shared>>
      tpu.wait_indirect_dma semaphore(%arg17 : memref<!tpu.dma_semaphore, #tpu.memory_space<semaphore_mem>>) src(%arg11 : memref<128x128xf32, #tpu.memory_space<vmem>>) dst(%dma_wait3A_136 : memref<10240x128xf32, #tpu.memory_space<vmem_shared>>)
      %scan3A_137 = arith.constant 0 : i32
      scf.yield %scan3A_137 : i32
    }
    %scan3A_54 = arith.constant 5 : i32
    %barrier3A_55 = arith.constant 0 : index
    tpu.barrier barrier_id(%barrier3A_55)
    %mul3A_56 = arith.constant 640 : i32
    %mul3A_57 = arith.muli %arg1, %mul3A_56 : i32
    %mul3A_58 = arith.constant 640 : i32
    %mul3A_59 = arith.muli %arg1, %mul3A_58 : i32
    "tpu.region"() ({
      %run_scoped3A = tpu.sem_alloc : memref<!tpu.dma_semaphore, #tpu.memory_space<semaphore_mem>>
      %dma_start3A = arith.constant 0 : i32
      %dma_start3A_60 = tpu.memref_slice %arg6[%arg0, %mul3A_59, %dma_start3A] : memref<2x10240x128xf32, #tpu.memory_space<hbm>> -> memref<1x640x128xf32, #tpu.memory_space<hbm>>
      %dma_start3A_61 = tpu.memref_squeeze %dma_start3A_60 : memref<1x640x128xf32, #tpu.memory_space<hbm>> -> memref<640x128xf32, #tpu.memory_space<hbm>>
      %dma_start3A_62 = arith.constant 0 : i32
      %dma_start3A_63 = tpu.memref_slice %arg13[%mul3A_57, %dma_start3A_62] : memref<10240x128xf32, #tpu.memory_space<vmem_shared>> -> memref<640x128xf32, #tpu.memory_space<vmem_shared>>
      tpu.enqueue_dma source(%dma_start3A_63 : memref<640x128xf32, #tpu.memory_space<vmem_shared>>) target(%dma_start3A_61 : memref<640x128xf32, #tpu.memory_space<hbm>>) target_semaphore(%run_scoped3A : memref<!tpu.dma_semaphore, #tpu.memory_space<semaphore_mem>>)
      %dma_wait3A = arith.constant 0 : i32
      %dma_wait3A_64 = tpu.memref_slice %arg6[%arg0, %mul3A_59, %dma_wait3A] : memref<2x10240x128xf32, #tpu.memory_space<hbm>> -> memref<1x640x128xf32, #tpu.memory_space<hbm>>
      %dma_wait3A_65 = tpu.memref_squeeze %dma_wait3A_64 : memref<1x640x128xf32, #tpu.memory_space<hbm>> -> memref<640x128xf32, #tpu.memory_space<hbm>>
      %dma_wait3A_66 = arith.constant 0 : i32
      %dma_wait3A_67 = tpu.memref_slice %arg13[%mul3A_57, %dma_wait3A_66] : memref<10240x128xf32, #tpu.memory_space<vmem_shared>> -> memref<640x128xf32, #tpu.memory_space<vmem_shared>>
      tpu.wait_dma2 semaphore(%run_scoped3A : memref<!tpu.dma_semaphore, #tpu.memory_space<semaphore_mem>>) src(%dma_wait3A_67 : memref<640x128xf32, #tpu.memory_space<vmem_shared>>) dst(%dma_wait3A_65 : memref<640x128xf32, #tpu.memory_space<hbm>>)
      tpu.yield
    }) : () -> ()
    return
  }
}

#map = affine_map<(d0, d1) -> (0, 0)>
#map1 = affine_map<(d0, d1) -> (0, 0, 0, 0)>
#map2 = affine_map<(d0, d1) -> (0, 0, 0)>
module attributes {stable_mosaic.version = 14 : i64} {
  func.func @edge_agg(%arg0: i32, %arg1: i32, %arg2: memref<10000x128xf32, #tpu.memory_space<hbm>>, %arg3: memref<32x5x16x128xi32, #tpu.memory_space<hbm>>, %arg4: memref<32x5x16x128xi32, #tpu.memory_space<hbm>>, %arg5: memref<32x5x2048xf32, #tpu.memory_space<hbm>>, %arg6: memref<2x10240x128xf32, #tpu.memory_space<hbm>>, %arg7: memref<16x128xi32, #tpu.memory_space<vmem>>, %arg8: memref<16x128xi32, #tpu.memory_space<vmem>>, %arg9: memref<2048xf32, #tpu.memory_space<vmem>>, %arg10: memref<128x128xf32, #tpu.memory_space<vmem>>, %arg11: memref<128x128xf32, #tpu.memory_space<vmem>>, %arg12: memref<64x128xf32, #tpu.memory_space<vmem>>, %arg13: memref<10240x128xf32, #tpu.memory_space<vmem_shared>>, %arg14: memref<!tpu.dma_semaphore, #tpu.memory_space<semaphore_mem>>, %arg15: memref<!tpu.dma_semaphore, #tpu.memory_space<semaphore_mem>>, %arg16: memref<!tpu.dma_semaphore, #tpu.memory_space<semaphore_mem>>, %arg17: memref<!tpu.dma_semaphore, #tpu.memory_space<semaphore_mem>>) attributes {dimension_semantics = [#tpu.dimension_semantics<core_parallel>, #tpu.dimension_semantics<subcore_parallel>], iteration_bounds = array<i64: 2, 16>, scalar_prefetch = 0 : i64, scratch_operands = 11 : i64, tpu.core_type = #tpu.core_type<sc_vector_subcore>, window_params = [{transform_indices = #map}, {transform_indices = #map1}, {transform_indices = #map1}, {transform_indices = #map2}, {transform_indices = #map2}]} {
    %mul3A = arith.constant 2 : i32
    %mul3A_0 = arith.muli %arg1, %mul3A : i32
    %add3A = arith.addi %mul3A_0, %arg0 : i32
    %broadcast_in_dim3A = arith.constant 0.000000e+00 : f32
    %broadcast_in_dim3A_1 = vector.broadcast %broadcast_in_dim3A : f32 to vector<16xf32>
    %scan3A = arith.constant 0 : i32
    %scan3A_2 = arith.constant 0 : i32
    %scan3A_3 = arith.constant 64 : i32
    %scan3A_4 = arith.addi %scan3A_2, %scan3A_3 : i32
    %scan3A_5 = arith.constant 1 : i32
    %scan3A_6 = scf.for %scan3A_60 = %scan3A_2 to %scan3A_4 step %scan3A_5 iter_args(%scan3A_61 = %scan3A) -> (i32)  : i32 {
      %swap3A = arith.index_cast %scan3A_60 : i32 to index
      %swap3A_62 = arith.constant 0 : index
      %swap3A_63 = tpu.vector_load %arg12[%swap3A, %swap3A_62] {strides = array<i32>} : memref<64x128xf32, #tpu.memory_space<vmem>>, vector<16xf32>,
      tpu.vector_store %arg12[%swap3A, %swap3A_62], %broadcast_in_dim3A_1 {strides = array<i32>} : memref<64x128xf32, #tpu.memory_space<vmem>>, vector<16xf32>,
      %swap3A_64 = arith.index_cast %scan3A_60 : i32 to index
      %swap3A_65 = arith.constant 16 : index
      %swap3A_66 = tpu.vector_load %arg12[%swap3A_64, %swap3A_65] {strides = array<i32>} : memref<64x128xf32, #tpu.memory_space<vmem>>, vector<16xf32>,
      tpu.vector_store %arg12[%swap3A_64, %swap3A_65], %broadcast_in_dim3A_1 {strides = array<i32>} : memref<64x128xf32, #tpu.memory_space<vmem>>, vector<16xf32>,
      %swap3A_67 = arith.index_cast %scan3A_60 : i32 to index
      %swap3A_68 = arith.constant 32 : index
      %swap3A_69 = tpu.vector_load %arg12[%swap3A_67, %swap3A_68] {strides = array<i32>} : memref<64x128xf32, #tpu.memory_space<vmem>>, vector<16xf32>,
      tpu.vector_store %arg12[%swap3A_67, %swap3A_68], %broadcast_in_dim3A_1 {strides = array<i32>} : memref<64x128xf32, #tpu.memory_space<vmem>>, vector<16xf32>,
      %swap3A_70 = arith.index_cast %scan3A_60 : i32 to index
      %swap3A_71 = arith.constant 48 : index
      %swap3A_72 = tpu.vector_load %arg12[%swap3A_70, %swap3A_71] {strides = array<i32>} : memref<64x128xf32, #tpu.memory_space<vmem>>, vector<16xf32>,
      tpu.vector_store %arg12[%swap3A_70, %swap3A_71], %broadcast_in_dim3A_1 {strides = array<i32>} : memref<64x128xf32, #tpu.memory_space<vmem>>, vector<16xf32>,
      %swap3A_73 = arith.index_cast %scan3A_60 : i32 to index
      %swap3A_74 = arith.constant 64 : index
      %swap3A_75 = tpu.vector_load %arg12[%swap3A_73, %swap3A_74] {strides = array<i32>} : memref<64x128xf32, #tpu.memory_space<vmem>>, vector<16xf32>,
      tpu.vector_store %arg12[%swap3A_73, %swap3A_74], %broadcast_in_dim3A_1 {strides = array<i32>} : memref<64x128xf32, #tpu.memory_space<vmem>>, vector<16xf32>,
      %swap3A_76 = arith.index_cast %scan3A_60 : i32 to index
      %swap3A_77 = arith.constant 80 : index
      %swap3A_78 = tpu.vector_load %arg12[%swap3A_76, %swap3A_77] {strides = array<i32>} : memref<64x128xf32, #tpu.memory_space<vmem>>, vector<16xf32>,
      tpu.vector_store %arg12[%swap3A_76, %swap3A_77], %broadcast_in_dim3A_1 {strides = array<i32>} : memref<64x128xf32, #tpu.memory_space<vmem>>, vector<16xf32>,
      %swap3A_79 = arith.index_cast %scan3A_60 : i32 to index
      %swap3A_80 = arith.constant 96 : index
      %swap3A_81 = tpu.vector_load %arg12[%swap3A_79, %swap3A_80] {strides = array<i32>} : memref<64x128xf32, #tpu.memory_space<vmem>>, vector<16xf32>,
      tpu.vector_store %arg12[%swap3A_79, %swap3A_80], %broadcast_in_dim3A_1 {strides = array<i32>} : memref<64x128xf32, #tpu.memory_space<vmem>>, vector<16xf32>,
      %swap3A_82 = arith.index_cast %scan3A_60 : i32 to index
      %swap3A_83 = arith.constant 112 : index
      %swap3A_84 = tpu.vector_load %arg12[%swap3A_82, %swap3A_83] {strides = array<i32>} : memref<64x128xf32, #tpu.memory_space<vmem>>, vector<16xf32>,
      tpu.vector_store %arg12[%swap3A_82, %swap3A_83], %broadcast_in_dim3A_1 {strides = array<i32>} : memref<64x128xf32, #tpu.memory_space<vmem>>, vector<16xf32>,
      %scan3A_85 = arith.constant 0 : i32
      scf.yield %scan3A_85 : i32
    }
    %scan3A_7 = arith.constant 64 : i32
    %mul3A_8 = arith.constant 640 : i32
    %mul3A_9 = arith.muli %arg1, %mul3A_8 : i32
    %add3A_10 = arith.constant 0 : i32
    %add3A_11 = arith.addi %mul3A_9, %add3A_10 : i32
    "tpu.region"() ({
      %run_scoped3A = tpu.sem_alloc : memref<!tpu.dma_semaphore, #tpu.memory_space<semaphore_mem>>
      %dma_start3A = arith.constant 0 : i32
      %dma_start3A_60 = tpu.memref_slice %arg13[%add3A_11, %dma_start3A] : memref<10240x128xf32, #tpu.memory_space<vmem_shared>> -> memref<64x128xf32, #tpu.memory_space<vmem_shared>>
      %dma_start3A_61 = arith.constant 0 : i32
      %dma_start3A_62 = tpu.memref_slice %arg13[%add3A_11, %dma_start3A_61] : memref<10240x128xf32, #tpu.memory_space<vmem_shared>> -> memref<64x128xf32, #tpu.memory_space<vmem_shared>>
      tpu.enqueue_dma source(%arg12 : memref<64x128xf32, #tpu.memory_space<vmem>>) target(%dma_start3A_62 : memref<64x128xf32, #tpu.memory_space<vmem_shared>>) target_semaphore(%run_scoped3A : memref<!tpu.dma_semaphore, #tpu.memory_space<semaphore_mem>>)
      %dma_wait3A = arith.constant 0 : i32
      %dma_wait3A_63 = tpu.memref_slice %arg13[%add3A_11, %dma_wait3A] : memref<10240x128xf32, #tpu.memory_space<vmem_shared>> -> memref<64x128xf32, #tpu.memory_space<vmem_shared>>
      %dma_wait3A_64 = arith.constant 0 : i32
      %dma_wait3A_65 = tpu.memref_slice %arg13[%add3A_11, %dma_wait3A_64] : memref<10240x128xf32, #tpu.memory_space<vmem_shared>> -> memref<64x128xf32, #tpu.memory_space<vmem_shared>>
      tpu.wait_dma2 semaphore(%run_scoped3A : memref<!tpu.dma_semaphore, #tpu.memory_space<semaphore_mem>>) src(%arg12 : memref<64x128xf32, #tpu.memory_space<vmem>>) dst(%dma_wait3A_65 : memref<64x128xf32, #tpu.memory_space<vmem_shared>>)
      tpu.yield
    }) : () -> ()
    %mul3A_12 = arith.constant 640 : i32
    %mul3A_13 = arith.muli %arg1, %mul3A_12 : i32
    %add3A_14 = arith.constant 64 : i32
    %add3A_15 = arith.addi %mul3A_13, %add3A_14 : i32
    "tpu.region"() ({
      %run_scoped3A = tpu.sem_alloc : memref<!tpu.dma_semaphore, #tpu.memory_space<semaphore_mem>>
      %dma_start3A = arith.constant 0 : i32
      %dma_start3A_60 = tpu.memref_slice %arg13[%add3A_15, %dma_start3A] : memref<10240x128xf32, #tpu.memory_space<vmem_shared>> -> memref<64x128xf32, #tpu.memory_space<vmem_shared>>
      %dma_start3A_61 = arith.constant 0 : i32
      %dma_start3A_62 = tpu.memref_slice %arg13[%add3A_15, %dma_start3A_61] : memref<10240x128xf32, #tpu.memory_space<vmem_shared>> -> memref<64x128xf32, #tpu.memory_space<vmem_shared>>
      tpu.enqueue_dma source(%arg12 : memref<64x128xf32, #tpu.memory_space<vmem>>) target(%dma_start3A_62 : memref<64x128xf32, #tpu.memory_space<vmem_shared>>) target_semaphore(%run_scoped3A : memref<!tpu.dma_semaphore, #tpu.memory_space<semaphore_mem>>)
      %dma_wait3A = arith.constant 0 : i32
      %dma_wait3A_63 = tpu.memref_slice %arg13[%add3A_15, %dma_wait3A] : memref<10240x128xf32, #tpu.memory_space<vmem_shared>> -> memref<64x128xf32, #tpu.memory_space<vmem_shared>>
      %dma_wait3A_64 = arith.constant 0 : i32
      %dma_wait3A_65 = tpu.memref_slice %arg13[%add3A_15, %dma_wait3A_64] : memref<10240x128xf32, #tpu.memory_space<vmem_shared>> -> memref<64x128xf32, #tpu.memory_space<vmem_shared>>
      tpu.wait_dma2 semaphore(%run_scoped3A : memref<!tpu.dma_semaphore, #tpu.memory_space<semaphore_mem>>) src(%arg12 : memref<64x128xf32, #tpu.memory_space<vmem>>) dst(%dma_wait3A_65 : memref<64x128xf32, #tpu.memory_space<vmem_shared>>)
      tpu.yield
    }) : () -> ()
    %mul3A_16 = arith.constant 640 : i32
    %mul3A_17 = arith.muli %arg1, %mul3A_16 : i32
    %add3A_18 = arith.constant 128 : i32
    %add3A_19 = arith.addi %mul3A_17, %add3A_18 : i32
    "tpu.region"() ({
      %run_scoped3A = tpu.sem_alloc : memref<!tpu.dma_semaphore, #tpu.memory_space<semaphore_mem>>
      %dma_start3A = arith.constant 0 : i32
      %dma_start3A_60 = tpu.memref_slice %arg13[%add3A_19, %dma_start3A] : memref<10240x128xf32, #tpu.memory_space<vmem_shared>> -> memref<64x128xf32, #tpu.memory_space<vmem_shared>>
      %dma_start3A_61 = arith.constant 0 : i32
      %dma_start3A_62 = tpu.memref_slice %arg13[%add3A_19, %dma_start3A_61] : memref<10240x128xf32, #tpu.memory_space<vmem_shared>> -> memref<64x128xf32, #tpu.memory_space<vmem_shared>>
      tpu.enqueue_dma source(%arg12 : memref<64x128xf32, #tpu.memory_space<vmem>>) target(%dma_start3A_62 : memref<64x128xf32, #tpu.memory_space<vmem_shared>>) target_semaphore(%run_scoped3A : memref<!tpu.dma_semaphore, #tpu.memory_space<semaphore_mem>>)
      %dma_wait3A = arith.constant 0 : i32
      %dma_wait3A_63 = tpu.memref_slice %arg13[%add3A_19, %dma_wait3A] : memref<10240x128xf32, #tpu.memory_space<vmem_shared>> -> memref<64x128xf32, #tpu.memory_space<vmem_shared>>
      %dma_wait3A_64 = arith.constant 0 : i32
      %dma_wait3A_65 = tpu.memref_slice %arg13[%add3A_19, %dma_wait3A_64] : memref<10240x128xf32, #tpu.memory_space<vmem_shared>> -> memref<64x128xf32, #tpu.memory_space<vmem_shared>>
      tpu.wait_dma2 semaphore(%run_scoped3A : memref<!tpu.dma_semaphore, #tpu.memory_space<semaphore_mem>>) src(%arg12 : memref<64x128xf32, #tpu.memory_space<vmem>>) dst(%dma_wait3A_65 : memref<64x128xf32, #tpu.memory_space<vmem_shared>>)
      tpu.yield
    }) : () -> ()
    %mul3A_20 = arith.constant 640 : i32
    %mul3A_21 = arith.muli %arg1, %mul3A_20 : i32
    %add3A_22 = arith.constant 192 : i32
    %add3A_23 = arith.addi %mul3A_21, %add3A_22 : i32
    "tpu.region"() ({
      %run_scoped3A = tpu.sem_alloc : memref<!tpu.dma_semaphore, #tpu.memory_space<semaphore_mem>>
      %dma_start3A = arith.constant 0 : i32
      %dma_start3A_60 = tpu.memref_slice %arg13[%add3A_23, %dma_start3A] : memref<10240x128xf32, #tpu.memory_space<vmem_shared>> -> memref<64x128xf32, #tpu.memory_space<vmem_shared>>
      %dma_start3A_61 = arith.constant 0 : i32
      %dma_start3A_62 = tpu.memref_slice %arg13[%add3A_23, %dma_start3A_61] : memref<10240x128xf32, #tpu.memory_space<vmem_shared>> -> memref<64x128xf32, #tpu.memory_space<vmem_shared>>
      tpu.enqueue_dma source(%arg12 : memref<64x128xf32, #tpu.memory_space<vmem>>) target(%dma_start3A_62 : memref<64x128xf32, #tpu.memory_space<vmem_shared>>) target_semaphore(%run_scoped3A : memref<!tpu.dma_semaphore, #tpu.memory_space<semaphore_mem>>)
      %dma_wait3A = arith.constant 0 : i32
      %dma_wait3A_63 = tpu.memref_slice %arg13[%add3A_23, %dma_wait3A] : memref<10240x128xf32, #tpu.memory_space<vmem_shared>> -> memref<64x128xf32, #tpu.memory_space<vmem_shared>>
      %dma_wait3A_64 = arith.constant 0 : i32
      %dma_wait3A_65 = tpu.memref_slice %arg13[%add3A_23, %dma_wait3A_64] : memref<10240x128xf32, #tpu.memory_space<vmem_shared>> -> memref<64x128xf32, #tpu.memory_space<vmem_shared>>
      tpu.wait_dma2 semaphore(%run_scoped3A : memref<!tpu.dma_semaphore, #tpu.memory_space<semaphore_mem>>) src(%arg12 : memref<64x128xf32, #tpu.memory_space<vmem>>) dst(%dma_wait3A_65 : memref<64x128xf32, #tpu.memory_space<vmem_shared>>)
      tpu.yield
    }) : () -> ()
    %mul3A_24 = arith.constant 640 : i32
    %mul3A_25 = arith.muli %arg1, %mul3A_24 : i32
    %add3A_26 = arith.constant 256 : i32
    %add3A_27 = arith.addi %mul3A_25, %add3A_26 : i32
    "tpu.region"() ({
      %run_scoped3A = tpu.sem_alloc : memref<!tpu.dma_semaphore, #tpu.memory_space<semaphore_mem>>
      %dma_start3A = arith.constant 0 : i32
      %dma_start3A_60 = tpu.memref_slice %arg13[%add3A_27, %dma_start3A] : memref<10240x128xf32, #tpu.memory_space<vmem_shared>> -> memref<64x128xf32, #tpu.memory_space<vmem_shared>>
      %dma_start3A_61 = arith.constant 0 : i32
      %dma_start3A_62 = tpu.memref_slice %arg13[%add3A_27, %dma_start3A_61] : memref<10240x128xf32, #tpu.memory_space<vmem_shared>> -> memref<64x128xf32, #tpu.memory_space<vmem_shared>>
      tpu.enqueue_dma source(%arg12 : memref<64x128xf32, #tpu.memory_space<vmem>>) target(%dma_start3A_62 : memref<64x128xf32, #tpu.memory_space<vmem_shared>>) target_semaphore(%run_scoped3A : memref<!tpu.dma_semaphore, #tpu.memory_space<semaphore_mem>>)
      %dma_wait3A = arith.constant 0 : i32
      %dma_wait3A_63 = tpu.memref_slice %arg13[%add3A_27, %dma_wait3A] : memref<10240x128xf32, #tpu.memory_space<vmem_shared>> -> memref<64x128xf32, #tpu.memory_space<vmem_shared>>
      %dma_wait3A_64 = arith.constant 0 : i32
      %dma_wait3A_65 = tpu.memref_slice %arg13[%add3A_27, %dma_wait3A_64] : memref<10240x128xf32, #tpu.memory_space<vmem_shared>> -> memref<64x128xf32, #tpu.memory_space<vmem_shared>>
      tpu.wait_dma2 semaphore(%run_scoped3A : memref<!tpu.dma_semaphore, #tpu.memory_space<semaphore_mem>>) src(%arg12 : memref<64x128xf32, #tpu.memory_space<vmem>>) dst(%dma_wait3A_65 : memref<64x128xf32, #tpu.memory_space<vmem_shared>>)
      tpu.yield
    }) : () -> ()
    %mul3A_28 = arith.constant 640 : i32
    %mul3A_29 = arith.muli %arg1, %mul3A_28 : i32
    %add3A_30 = arith.constant 320 : i32
    %add3A_31 = arith.addi %mul3A_29, %add3A_30 : i32
    "tpu.region"() ({
      %run_scoped3A = tpu.sem_alloc : memref<!tpu.dma_semaphore, #tpu.memory_space<semaphore_mem>>
      %dma_start3A = arith.constant 0 : i32
      %dma_start3A_60 = tpu.memref_slice %arg13[%add3A_31, %dma_start3A] : memref<10240x128xf32, #tpu.memory_space<vmem_shared>> -> memref<64x128xf32, #tpu.memory_space<vmem_shared>>
      %dma_start3A_61 = arith.constant 0 : i32
      %dma_start3A_62 = tpu.memref_slice %arg13[%add3A_31, %dma_start3A_61] : memref<10240x128xf32, #tpu.memory_space<vmem_shared>> -> memref<64x128xf32, #tpu.memory_space<vmem_shared>>
      tpu.enqueue_dma source(%arg12 : memref<64x128xf32, #tpu.memory_space<vmem>>) target(%dma_start3A_62 : memref<64x128xf32, #tpu.memory_space<vmem_shared>>) target_semaphore(%run_scoped3A : memref<!tpu.dma_semaphore, #tpu.memory_space<semaphore_mem>>)
      %dma_wait3A = arith.constant 0 : i32
      %dma_wait3A_63 = tpu.memref_slice %arg13[%add3A_31, %dma_wait3A] : memref<10240x128xf32, #tpu.memory_space<vmem_shared>> -> memref<64x128xf32, #tpu.memory_space<vmem_shared>>
      %dma_wait3A_64 = arith.constant 0 : i32
      %dma_wait3A_65 = tpu.memref_slice %arg13[%add3A_31, %dma_wait3A_64] : memref<10240x128xf32, #tpu.memory_space<vmem_shared>> -> memref<64x128xf32, #tpu.memory_space<vmem_shared>>
      tpu.wait_dma2 semaphore(%run_scoped3A : memref<!tpu.dma_semaphore, #tpu.memory_space<semaphore_mem>>) src(%arg12 : memref<64x128xf32, #tpu.memory_space<vmem>>) dst(%dma_wait3A_65 : memref<64x128xf32, #tpu.memory_space<vmem_shared>>)
      tpu.yield
    }) : () -> ()
    %mul3A_32 = arith.constant 640 : i32
    %mul3A_33 = arith.muli %arg1, %mul3A_32 : i32
    %add3A_34 = arith.constant 384 : i32
    %add3A_35 = arith.addi %mul3A_33, %add3A_34 : i32
    "tpu.region"() ({
      %run_scoped3A = tpu.sem_alloc : memref<!tpu.dma_semaphore, #tpu.memory_space<semaphore_mem>>
      %dma_start3A = arith.constant 0 : i32
      %dma_start3A_60 = tpu.memref_slice %arg13[%add3A_35, %dma_start3A] : memref<10240x128xf32, #tpu.memory_space<vmem_shared>> -> memref<64x128xf32, #tpu.memory_space<vmem_shared>>
      %dma_start3A_61 = arith.constant 0 : i32
      %dma_start3A_62 = tpu.memref_slice %arg13[%add3A_35, %dma_start3A_61] : memref<10240x128xf32, #tpu.memory_space<vmem_shared>> -> memref<64x128xf32, #tpu.memory_space<vmem_shared>>
      tpu.enqueue_dma source(%arg12 : memref<64x128xf32, #tpu.memory_space<vmem>>) target(%dma_start3A_62 : memref<64x128xf32, #tpu.memory_space<vmem_shared>>) target_semaphore(%run_scoped3A : memref<!tpu.dma_semaphore, #tpu.memory_space<semaphore_mem>>)
      %dma_wait3A = arith.constant 0 : i32
      %dma_wait3A_63 = tpu.memref_slice %arg13[%add3A_35, %dma_wait3A] : memref<10240x128xf32, #tpu.memory_space<vmem_shared>> -> memref<64x128xf32, #tpu.memory_space<vmem_shared>>
      %dma_wait3A_64 = arith.constant 0 : i32
      %dma_wait3A_65 = tpu.memref_slice %arg13[%add3A_35, %dma_wait3A_64] : memref<10240x128xf32, #tpu.memory_space<vmem_shared>> -> memref<64x128xf32, #tpu.memory_space<vmem_shared>>
      tpu.wait_dma2 semaphore(%run_scoped3A : memref<!tpu.dma_semaphore, #tpu.memory_space<semaphore_mem>>) src(%arg12 : memref<64x128xf32, #tpu.memory_space<vmem>>) dst(%dma_wait3A_65 : memref<64x128xf32, #tpu.memory_space<vmem_shared>>)
      tpu.yield
    }) : () -> ()
    %mul3A_36 = arith.constant 640 : i32
    %mul3A_37 = arith.muli %arg1, %mul3A_36 : i32
    %add3A_38 = arith.constant 448 : i32
    %add3A_39 = arith.addi %mul3A_37, %add3A_38 : i32
    "tpu.region"() ({
      %run_scoped3A = tpu.sem_alloc : memref<!tpu.dma_semaphore, #tpu.memory_space<semaphore_mem>>
      %dma_start3A = arith.constant 0 : i32
      %dma_start3A_60 = tpu.memref_slice %arg13[%add3A_39, %dma_start3A] : memref<10240x128xf32, #tpu.memory_space<vmem_shared>> -> memref<64x128xf32, #tpu.memory_space<vmem_shared>>
      %dma_start3A_61 = arith.constant 0 : i32
      %dma_start3A_62 = tpu.memref_slice %arg13[%add3A_39, %dma_start3A_61] : memref<10240x128xf32, #tpu.memory_space<vmem_shared>> -> memref<64x128xf32, #tpu.memory_space<vmem_shared>>
      tpu.enqueue_dma source(%arg12 : memref<64x128xf32, #tpu.memory_space<vmem>>) target(%dma_start3A_62 : memref<64x128xf32, #tpu.memory_space<vmem_shared>>) target_semaphore(%run_scoped3A : memref<!tpu.dma_semaphore, #tpu.memory_space<semaphore_mem>>)
      %dma_wait3A = arith.constant 0 : i32
      %dma_wait3A_63 = tpu.memref_slice %arg13[%add3A_39, %dma_wait3A] : memref<10240x128xf32, #tpu.memory_space<vmem_shared>> -> memref<64x128xf32, #tpu.memory_space<vmem_shared>>
      %dma_wait3A_64 = arith.constant 0 : i32
      %dma_wait3A_65 = tpu.memref_slice %arg13[%add3A_39, %dma_wait3A_64] : memref<10240x128xf32, #tpu.memory_space<vmem_shared>> -> memref<64x128xf32, #tpu.memory_space<vmem_shared>>
      tpu.wait_dma2 semaphore(%run_scoped3A : memref<!tpu.dma_semaphore, #tpu.memory_space<semaphore_mem>>) src(%arg12 : memref<64x128xf32, #tpu.memory_space<vmem>>) dst(%dma_wait3A_65 : memref<64x128xf32, #tpu.memory_space<vmem_shared>>)
      tpu.yield
    }) : () -> ()
    %mul3A_40 = arith.constant 640 : i32
    %mul3A_41 = arith.muli %arg1, %mul3A_40 : i32
    %add3A_42 = arith.constant 512 : i32
    %add3A_43 = arith.addi %mul3A_41, %add3A_42 : i32
    "tpu.region"() ({
      %run_scoped3A = tpu.sem_alloc : memref<!tpu.dma_semaphore, #tpu.memory_space<semaphore_mem>>
      %dma_start3A = arith.constant 0 : i32
      %dma_start3A_60 = tpu.memref_slice %arg13[%add3A_43, %dma_start3A] : memref<10240x128xf32, #tpu.memory_space<vmem_shared>> -> memref<64x128xf32, #tpu.memory_space<vmem_shared>>
      %dma_start3A_61 = arith.constant 0 : i32
      %dma_start3A_62 = tpu.memref_slice %arg13[%add3A_43, %dma_start3A_61] : memref<10240x128xf32, #tpu.memory_space<vmem_shared>> -> memref<64x128xf32, #tpu.memory_space<vmem_shared>>
      tpu.enqueue_dma source(%arg12 : memref<64x128xf32, #tpu.memory_space<vmem>>) target(%dma_start3A_62 : memref<64x128xf32, #tpu.memory_space<vmem_shared>>) target_semaphore(%run_scoped3A : memref<!tpu.dma_semaphore, #tpu.memory_space<semaphore_mem>>)
      %dma_wait3A = arith.constant 0 : i32
      %dma_wait3A_63 = tpu.memref_slice %arg13[%add3A_43, %dma_wait3A] : memref<10240x128xf32, #tpu.memory_space<vmem_shared>> -> memref<64x128xf32, #tpu.memory_space<vmem_shared>>
      %dma_wait3A_64 = arith.constant 0 : i32
      %dma_wait3A_65 = tpu.memref_slice %arg13[%add3A_43, %dma_wait3A_64] : memref<10240x128xf32, #tpu.memory_space<vmem_shared>> -> memref<64x128xf32, #tpu.memory_space<vmem_shared>>
      tpu.wait_dma2 semaphore(%run_scoped3A : memref<!tpu.dma_semaphore, #tpu.memory_space<semaphore_mem>>) src(%arg12 : memref<64x128xf32, #tpu.memory_space<vmem>>) dst(%dma_wait3A_65 : memref<64x128xf32, #tpu.memory_space<vmem_shared>>)
      tpu.yield
    }) : () -> ()
    %mul3A_44 = arith.constant 640 : i32
    %mul3A_45 = arith.muli %arg1, %mul3A_44 : i32
    %add3A_46 = arith.constant 576 : i32
    %add3A_47 = arith.addi %mul3A_45, %add3A_46 : i32
    "tpu.region"() ({
      %run_scoped3A = tpu.sem_alloc : memref<!tpu.dma_semaphore, #tpu.memory_space<semaphore_mem>>
      %dma_start3A = arith.constant 0 : i32
      %dma_start3A_60 = tpu.memref_slice %arg13[%add3A_47, %dma_start3A] : memref<10240x128xf32, #tpu.memory_space<vmem_shared>> -> memref<64x128xf32, #tpu.memory_space<vmem_shared>>
      %dma_start3A_61 = arith.constant 0 : i32
      %dma_start3A_62 = tpu.memref_slice %arg13[%add3A_47, %dma_start3A_61] : memref<10240x128xf32, #tpu.memory_space<vmem_shared>> -> memref<64x128xf32, #tpu.memory_space<vmem_shared>>
      tpu.enqueue_dma source(%arg12 : memref<64x128xf32, #tpu.memory_space<vmem>>) target(%dma_start3A_62 : memref<64x128xf32, #tpu.memory_space<vmem_shared>>) target_semaphore(%run_scoped3A : memref<!tpu.dma_semaphore, #tpu.memory_space<semaphore_mem>>)
      %dma_wait3A = arith.constant 0 : i32
      %dma_wait3A_63 = tpu.memref_slice %arg13[%add3A_47, %dma_wait3A] : memref<10240x128xf32, #tpu.memory_space<vmem_shared>> -> memref<64x128xf32, #tpu.memory_space<vmem_shared>>
      %dma_wait3A_64 = arith.constant 0 : i32
      %dma_wait3A_65 = tpu.memref_slice %arg13[%add3A_47, %dma_wait3A_64] : memref<10240x128xf32, #tpu.memory_space<vmem_shared>> -> memref<64x128xf32, #tpu.memory_space<vmem_shared>>
      tpu.wait_dma2 semaphore(%run_scoped3A : memref<!tpu.dma_semaphore, #tpu.memory_space<semaphore_mem>>) src(%arg12 : memref<64x128xf32, #tpu.memory_space<vmem>>) dst(%dma_wait3A_65 : memref<64x128xf32, #tpu.memory_space<vmem_shared>>)
      tpu.yield
    }) : () -> ()
    %barrier3A = arith.constant 0 : index
    tpu.barrier barrier_id(%barrier3A)
    %scan3A_48 = arith.constant 0 : i32
    %scan3A_49 = arith.constant 0 : i32
    %scan3A_50 = arith.constant 5 : i32
    %scan3A_51 = arith.addi %scan3A_49, %scan3A_50 : i32
    %scan3A_52 = arith.constant 1 : i32
    %scan3A_53 = scf.for %scan3A_60 = %scan3A_49 to %scan3A_51 step %scan3A_52 iter_args(%scan3A_61 = %scan3A_48) -> (i32)  : i32 {
      "tpu.region"() ({
        %run_scoped3A = tpu.sem_alloc : memref<!tpu.dma_semaphore, #tpu.memory_space<semaphore_mem>>
        %dma_start3A_138 = arith.constant 0 : i32
        %dma_start3A_139 = arith.constant 0 : i32
        %dma_start3A_140 = tpu.memref_slice %arg3[%add3A, %scan3A_60, %dma_start3A_138, %dma_start3A_139] : memref<32x5x16x128xi32, #tpu.memory_space<hbm>> -> memref<1x1x16x128xi32, #tpu.memory_space<hbm>>
        %dma_start3A_141 = tpu.memref_squeeze %dma_start3A_140 : memref<1x1x16x128xi32, #tpu.memory_space<hbm>> -> memref<16x128xi32, #tpu.memory_space<hbm>>
        %dma_start3A_142 = arith.constant 0 : i32
        %dma_start3A_143 = arith.constant 0 : i32
        %dma_start3A_144 = tpu.memref_slice %arg3[%add3A, %scan3A_60, %dma_start3A_142, %dma_start3A_143] : memref<32x5x16x128xi32, #tpu.memory_space<hbm>> -> memref<1x1x16x128xi32, #tpu.memory_space<hbm>>
        %dma_start3A_145 = tpu.memref_squeeze %dma_start3A_144 : memref<1x1x16x128xi32, #tpu.memory_space<hbm>> -> memref<16x128xi32, #tpu.memory_space<hbm>>
        tpu.enqueue_dma source(%dma_start3A_145 : memref<16x128xi32, #tpu.memory_space<hbm>>) target(%arg7 : memref<16x128xi32, #tpu.memory_space<vmem>>) target_semaphore(%run_scoped3A : memref<!tpu.dma_semaphore, #tpu.memory_space<semaphore_mem>>)
        %dma_wait3A_146 = arith.constant 0 : i32
        %dma_wait3A_147 = arith.constant 0 : i32
        %dma_wait3A_148 = tpu.memref_slice %arg3[%add3A, %scan3A_60, %dma_wait3A_146, %dma_wait3A_147] : memref<32x5x16x128xi32, #tpu.memory_space<hbm>> -> memref<1x1x16x128xi32, #tpu.memory_space<hbm>>
        %dma_wait3A_149 = tpu.memref_squeeze %dma_wait3A_148 : memref<1x1x16x128xi32, #tpu.memory_space<hbm>> -> memref<16x128xi32, #tpu.memory_space<hbm>>
        %dma_wait3A_150 = arith.constant 0 : i32
        %dma_wait3A_151 = arith.constant 0 : i32
        %dma_wait3A_152 = tpu.memref_slice %arg3[%add3A, %scan3A_60, %dma_wait3A_150, %dma_wait3A_151] : memref<32x5x16x128xi32, #tpu.memory_space<hbm>> -> memref<1x1x16x128xi32, #tpu.memory_space<hbm>>
        %dma_wait3A_153 = tpu.memref_squeeze %dma_wait3A_152 : memref<1x1x16x128xi32, #tpu.memory_space<hbm>> -> memref<16x128xi32, #tpu.memory_space<hbm>>
        tpu.wait_dma2 semaphore(%run_scoped3A : memref<!tpu.dma_semaphore, #tpu.memory_space<semaphore_mem>>) src(%dma_wait3A_153 : memref<16x128xi32, #tpu.memory_space<hbm>>) dst(%arg7 : memref<16x128xi32, #tpu.memory_space<vmem>>)
        tpu.yield
      }) : () -> ()
      "tpu.region"() ({
        %run_scoped3A = tpu.sem_alloc : memref<!tpu.dma_semaphore, #tpu.memory_space<semaphore_mem>>
        %dma_start3A_138 = arith.constant 0 : i32
        %dma_start3A_139 = arith.constant 0 : i32
        %dma_start3A_140 = tpu.memref_slice %arg4[%add3A, %scan3A_60, %dma_start3A_138, %dma_start3A_139] : memref<32x5x16x128xi32, #tpu.memory_space<hbm>> -> memref<1x1x16x128xi32, #tpu.memory_space<hbm>>
        %dma_start3A_141 = tpu.memref_squeeze %dma_start3A_140 : memref<1x1x16x128xi32, #tpu.memory_space<hbm>> -> memref<16x128xi32, #tpu.memory_space<hbm>>
        %dma_start3A_142 = arith.constant 0 : i32
        %dma_start3A_143 = arith.constant 0 : i32
        %dma_start3A_144 = tpu.memref_slice %arg4[%add3A, %scan3A_60, %dma_start3A_142, %dma_start3A_143] : memref<32x5x16x128xi32, #tpu.memory_space<hbm>> -> memref<1x1x16x128xi32, #tpu.memory_space<hbm>>
        %dma_start3A_145 = tpu.memref_squeeze %dma_start3A_144 : memref<1x1x16x128xi32, #tpu.memory_space<hbm>> -> memref<16x128xi32, #tpu.memory_space<hbm>>
        tpu.enqueue_dma source(%dma_start3A_145 : memref<16x128xi32, #tpu.memory_space<hbm>>) target(%arg8 : memref<16x128xi32, #tpu.memory_space<vmem>>) target_semaphore(%run_scoped3A : memref<!tpu.dma_semaphore, #tpu.memory_space<semaphore_mem>>)
        %dma_wait3A_146 = arith.constant 0 : i32
        %dma_wait3A_147 = arith.constant 0 : i32
        %dma_wait3A_148 = tpu.memref_slice %arg4[%add3A, %scan3A_60, %dma_wait3A_146, %dma_wait3A_147] : memref<32x5x16x128xi32, #tpu.memory_space<hbm>> -> memref<1x1x16x128xi32, #tpu.memory_space<hbm>>
        %dma_wait3A_149 = tpu.memref_squeeze %dma_wait3A_148 : memref<1x1x16x128xi32, #tpu.memory_space<hbm>> -> memref<16x128xi32, #tpu.memory_space<hbm>>
        %dma_wait3A_150 = arith.constant 0 : i32
        %dma_wait3A_151 = arith.constant 0 : i32
        %dma_wait3A_152 = tpu.memref_slice %arg4[%add3A, %scan3A_60, %dma_wait3A_150, %dma_wait3A_151] : memref<32x5x16x128xi32, #tpu.memory_space<hbm>> -> memref<1x1x16x128xi32, #tpu.memory_space<hbm>>
        %dma_wait3A_153 = tpu.memref_squeeze %dma_wait3A_152 : memref<1x1x16x128xi32, #tpu.memory_space<hbm>> -> memref<16x128xi32, #tpu.memory_space<hbm>>
        tpu.wait_dma2 semaphore(%run_scoped3A : memref<!tpu.dma_semaphore, #tpu.memory_space<semaphore_mem>>) src(%dma_wait3A_153 : memref<16x128xi32, #tpu.memory_space<hbm>>) dst(%arg8 : memref<16x128xi32, #tpu.memory_space<vmem>>)
        tpu.yield
      }) : () -> ()
      "tpu.region"() ({
        %run_scoped3A = tpu.sem_alloc : memref<!tpu.dma_semaphore, #tpu.memory_space<semaphore_mem>>
        %dma_start3A_138 = arith.constant 0 : i32
        %dma_start3A_139 = tpu.memref_slice %arg5[%add3A, %scan3A_60, %dma_start3A_138] : memref<32x5x2048xf32, #tpu.memory_space<hbm>> -> memref<1x1x2048xf32, #tpu.memory_space<hbm>>
        %dma_start3A_140 = tpu.memref_squeeze %dma_start3A_139 : memref<1x1x2048xf32, #tpu.memory_space<hbm>> -> memref<2048xf32, #tpu.memory_space<hbm>>
        %dma_start3A_141 = arith.constant 0 : i32
        %dma_start3A_142 = tpu.memref_slice %arg5[%add3A, %scan3A_60, %dma_start3A_141] : memref<32x5x2048xf32, #tpu.memory_space<hbm>> -> memref<1x1x2048xf32, #tpu.memory_space<hbm>>
        %dma_start3A_143 = tpu.memref_squeeze %dma_start3A_142 : memref<1x1x2048xf32, #tpu.memory_space<hbm>> -> memref<2048xf32, #tpu.memory_space<hbm>>
        tpu.enqueue_dma source(%dma_start3A_143 : memref<2048xf32, #tpu.memory_space<hbm>>) target(%arg9 : memref<2048xf32, #tpu.memory_space<vmem>>) target_semaphore(%run_scoped3A : memref<!tpu.dma_semaphore, #tpu.memory_space<semaphore_mem>>)
        %dma_wait3A_144 = arith.constant 0 : i32
        %dma_wait3A_145 = tpu.memref_slice %arg5[%add3A, %scan3A_60, %dma_wait3A_144] : memref<32x5x2048xf32, #tpu.memory_space<hbm>> -> memref<1x1x2048xf32, #tpu.memory_space<hbm>>
        %dma_wait3A_146 = tpu.memref_squeeze %dma_wait3A_145 : memref<1x1x2048xf32, #tpu.memory_space<hbm>> -> memref<2048xf32, #tpu.memory_space<hbm>>
        %dma_wait3A_147 = arith.constant 0 : i32
        %dma_wait3A_148 = tpu.memref_slice %arg5[%add3A, %scan3A_60, %dma_wait3A_147] : memref<32x5x2048xf32, #tpu.memory_space<hbm>> -> memref<1x1x2048xf32, #tpu.memory_space<hbm>>
        %dma_wait3A_149 = tpu.memref_squeeze %dma_wait3A_148 : memref<1x1x2048xf32, #tpu.memory_space<hbm>> -> memref<2048xf32, #tpu.memory_space<hbm>>
        tpu.wait_dma2 semaphore(%run_scoped3A : memref<!tpu.dma_semaphore, #tpu.memory_space<semaphore_mem>>) src(%dma_wait3A_149 : memref<2048xf32, #tpu.memory_space<hbm>>) dst(%arg9 : memref<2048xf32, #tpu.memory_space<vmem>>)
        tpu.yield
      }) : () -> ()
      %dma_start3A = arith.constant 0 : i32
      %dma_start3A_62 = arith.constant 0 : i32
      %dma_start3A_63 = tpu.memref_slice %arg7[%dma_start3A, %dma_start3A_62] : memref<16x128xi32, #tpu.memory_space<vmem>> -> memref<1x128xi32, #tpu.memory_space<vmem>>
      %dma_start3A_64 = tpu.memref_squeeze %dma_start3A_63 : memref<1x128xi32, #tpu.memory_space<vmem>> -> memref<128xi32, #tpu.memory_space<vmem>>
      %dma_start3A_65 = arith.constant 0 : i32
      %dma_start3A_66 = arith.constant 0 : i32
      %dma_start3A_67 = tpu.memref_slice %arg2[%dma_start3A_65, %dma_start3A_66] : memref<10000x128xf32, #tpu.memory_space<hbm>> -> memref<10000x128xf32, #tpu.memory_space<hbm>>
      tpu.enqueue_indirect_dma source(%dma_start3A_67 : memref<10000x128xf32, #tpu.memory_space<hbm>>) target(%arg10 : memref<128x128xf32, #tpu.memory_space<vmem>>) offsets(%dma_start3A_64 : memref<128xi32, #tpu.memory_space<vmem>>) semaphore(%arg14 : memref<!tpu.dma_semaphore, #tpu.memory_space<semaphore_mem>>)
      %dma_wait3A = arith.constant 0 : i32
      %dma_wait3A_68 = arith.constant 0 : i32
      %dma_wait3A_69 = tpu.memref_slice %arg7[%dma_wait3A, %dma_wait3A_68] : memref<16x128xi32, #tpu.memory_space<vmem>> -> memref<1x128xi32, #tpu.memory_space<vmem>>
      %dma_wait3A_70 = tpu.memref_squeeze %dma_wait3A_69 : memref<1x128xi32, #tpu.memory_space<vmem>> -> memref<128xi32, #tpu.memory_space<vmem>>
      %dma_wait3A_71 = arith.constant 0 : i32
      %dma_wait3A_72 = arith.constant 0 : i32
      %dma_wait3A_73 = tpu.memref_slice %arg2[%dma_wait3A_71, %dma_wait3A_72] : memref<10000x128xf32, #tpu.memory_space<hbm>> -> memref<10000x128xf32, #tpu.memory_space<hbm>>
      tpu.wait_indirect_dma semaphore(%arg14 : memref<!tpu.dma_semaphore, #tpu.memory_space<semaphore_mem>>) src(%dma_wait3A_73 : memref<10000x128xf32, #tpu.memory_space<hbm>>) dst(%arg10 : memref<128x128xf32, #tpu.memory_space<vmem>>)
      %dma_start3A_74 = arith.constant 1 : i32
      %dma_start3A_75 = arith.constant 0 : i32
      %dma_start3A_76 = tpu.memref_slice %arg7[%dma_start3A_74, %dma_start3A_75] : memref<16x128xi32, #tpu.memory_space<vmem>> -> memref<1x128xi32, #tpu.memory_space<vmem>>
      %dma_start3A_77 = tpu.memref_squeeze %dma_start3A_76 : memref<1x128xi32, #tpu.memory_space<vmem>> -> memref<128xi32, #tpu.memory_space<vmem>>
      %dma_start3A_78 = arith.constant 0 : i32
      %dma_start3A_79 = arith.constant 0 : i32
      %dma_start3A_80 = tpu.memref_slice %arg2[%dma_start3A_78, %dma_start3A_79] : memref<10000x128xf32, #tpu.memory_space<hbm>> -> memref<10000x128xf32, #tpu.memory_space<hbm>>
      tpu.enqueue_indirect_dma source(%dma_start3A_80 : memref<10000x128xf32, #tpu.memory_space<hbm>>) target(%arg11 : memref<128x128xf32, #tpu.memory_space<vmem>>) offsets(%dma_start3A_77 : memref<128xi32, #tpu.memory_space<vmem>>) semaphore(%arg15 : memref<!tpu.dma_semaphore, #tpu.memory_space<semaphore_mem>>)
      %scan3A_81 = arith.constant 0 : i32
      %scan3A_82 = arith.constant 0 : i32
      %scan3A_83 = arith.constant 128 : i32
      %scan3A_84 = arith.addi %scan3A_82, %scan3A_83 : i32
      %scan3A_85 = arith.constant 1 : i32
      %scan3A_86 = scf.for %scan3A_138 = %scan3A_82 to %scan3A_84 step %scan3A_85 iter_args(%scan3A_139 = %scan3A_81) -> (i32)  : i32 {
        %add3A_140 = arith.constant 0 : i32
        %add3A_141 = arith.addi %add3A_140, %scan3A_138 : i32
        %broadcast_in_dim3A_142 = vector.broadcast %add3A_141 : i32 to vector<16xi32>
        %gather3A = tpu.vector_load_idx %arg9[%broadcast_in_dim3A_142] : memref<2048xf32, #tpu.memory_space<vmem>>[vector<16xi32>], vector<16xf32>,
        %get3A = arith.index_cast %scan3A_138 : i32 to index
        %get3A_143 = arith.constant 0 : index
        %get3A_144 = tpu.vector_load %arg10[%get3A, %get3A_143] {strides = array<i32>} : memref<128x128xf32, #tpu.memory_space<vmem>>, vector<16xf32>,
        %mul3A_145 = arith.mulf %get3A_144, %gather3A : vector<16xf32>
        %swap3A = arith.index_cast %scan3A_138 : i32 to index
        %swap3A_146 = arith.constant 0 : index
        %swap3A_147 = tpu.vector_load %arg10[%swap3A, %swap3A_146] {strides = array<i32>} : memref<128x128xf32, #tpu.memory_space<vmem>>, vector<16xf32>,
        tpu.vector_store %arg10[%swap3A, %swap3A_146], %mul3A_145 {strides = array<i32>} : memref<128x128xf32, #tpu.memory_space<vmem>>, vector<16xf32>,
        %get3A_148 = arith.index_cast %scan3A_138 : i32 to index
        %get3A_149 = arith.constant 16 : index
        %get3A_150 = tpu.vector_load %arg10[%get3A_148, %get3A_149] {strides = array<i32>} : memref<128x128xf32, #tpu.memory_space<vmem>>, vector<16xf32>,
        %mul3A_151 = arith.mulf %get3A_150, %gather3A : vector<16xf32>
        %swap3A_152 = arith.index_cast %scan3A_138 : i32 to index
        %swap3A_153 = arith.constant 16 : index
        %swap3A_154 = tpu.vector_load %arg10[%swap3A_152, %swap3A_153] {strides = array<i32>} : memref<128x128xf32, #tpu.memory_space<vmem>>, vector<16xf32>,
        tpu.vector_store %arg10[%swap3A_152, %swap3A_153], %mul3A_151 {strides = array<i32>} : memref<128x128xf32, #tpu.memory_space<vmem>>, vector<16xf32>,
        %get3A_155 = arith.index_cast %scan3A_138 : i32 to index
        %get3A_156 = arith.constant 32 : index
        %get3A_157 = tpu.vector_load %arg10[%get3A_155, %get3A_156] {strides = array<i32>} : memref<128x128xf32, #tpu.memory_space<vmem>>, vector<16xf32>,
        %mul3A_158 = arith.mulf %get3A_157, %gather3A : vector<16xf32>
        %swap3A_159 = arith.index_cast %scan3A_138 : i32 to index
        %swap3A_160 = arith.constant 32 : index
        %swap3A_161 = tpu.vector_load %arg10[%swap3A_159, %swap3A_160] {strides = array<i32>} : memref<128x128xf32, #tpu.memory_space<vmem>>, vector<16xf32>,
        tpu.vector_store %arg10[%swap3A_159, %swap3A_160], %mul3A_158 {strides = array<i32>} : memref<128x128xf32, #tpu.memory_space<vmem>>, vector<16xf32>,
        %get3A_162 = arith.index_cast %scan3A_138 : i32 to index
        %get3A_163 = arith.constant 48 : index
        %get3A_164 = tpu.vector_load %arg10[%get3A_162, %get3A_163] {strides = array<i32>} : memref<128x128xf32, #tpu.memory_space<vmem>>, vector<16xf32>,
        %mul3A_165 = arith.mulf %get3A_164, %gather3A : vector<16xf32>
        %swap3A_166 = arith.index_cast %scan3A_138 : i32 to index
        %swap3A_167 = arith.constant 48 : index
        %swap3A_168 = tpu.vector_load %arg10[%swap3A_166, %swap3A_167] {strides = array<i32>} : memref<128x128xf32, #tpu.memory_space<vmem>>, vector<16xf32>,
        tpu.vector_store %arg10[%swap3A_166, %swap3A_167], %mul3A_165 {strides = array<i32>} : memref<128x128xf32, #tpu.memory_space<vmem>>, vector<16xf32>,
        %get3A_169 = arith.index_cast %scan3A_138 : i32 to index
        %get3A_170 = arith.constant 64 : index
        %get3A_171 = tpu.vector_load %arg10[%get3A_169, %get3A_170] {strides = array<i32>} : memref<128x128xf32, #tpu.memory_space<vmem>>, vector<16xf32>,
        %mul3A_172 = arith.mulf %get3A_171, %gather3A : vector<16xf32>
        %swap3A_173 = arith.index_cast %scan3A_138 : i32 to index
        %swap3A_174 = arith.constant 64 : index
        %swap3A_175 = tpu.vector_load %arg10[%swap3A_173, %swap3A_174] {strides = array<i32>} : memref<128x128xf32, #tpu.memory_space<vmem>>, vector<16xf32>,
        tpu.vector_store %arg10[%swap3A_173, %swap3A_174], %mul3A_172 {strides = array<i32>} : memref<128x128xf32, #tpu.memory_space<vmem>>, vector<16xf32>,
        %get3A_176 = arith.index_cast %scan3A_138 : i32 to index
        %get3A_177 = arith.constant 80 : index
        %get3A_178 = tpu.vector_load %arg10[%get3A_176, %get3A_177] {strides = array<i32>} : memref<128x128xf32, #tpu.memory_space<vmem>>, vector<16xf32>,
        %mul3A_179 = arith.mulf %get3A_178, %gather3A : vector<16xf32>
        %swap3A_180 = arith.index_cast %scan3A_138 : i32 to index
        %swap3A_181 = arith.constant 80 : index
        %swap3A_182 = tpu.vector_load %arg10[%swap3A_180, %swap3A_181] {strides = array<i32>} : memref<128x128xf32, #tpu.memory_space<vmem>>, vector<16xf32>,
        tpu.vector_store %arg10[%swap3A_180, %swap3A_181], %mul3A_179 {strides = array<i32>} : memref<128x128xf32, #tpu.memory_space<vmem>>, vector<16xf32>,
        %get3A_183 = arith.index_cast %scan3A_138 : i32 to index
        %get3A_184 = arith.constant 96 : index
        %get3A_185 = tpu.vector_load %arg10[%get3A_183, %get3A_184] {strides = array<i32>} : memref<128x128xf32, #tpu.memory_space<vmem>>, vector<16xf32>,
        %mul3A_186 = arith.mulf %get3A_185, %gather3A : vector<16xf32>
        %swap3A_187 = arith.index_cast %scan3A_138 : i32 to index
        %swap3A_188 = arith.constant 96 : index
        %swap3A_189 = tpu.vector_load %arg10[%swap3A_187, %swap3A_188] {strides = array<i32>} : memref<128x128xf32, #tpu.memory_space<vmem>>, vector<16xf32>,
        tpu.vector_store %arg10[%swap3A_187, %swap3A_188], %mul3A_186 {strides = array<i32>} : memref<128x128xf32, #tpu.memory_space<vmem>>, vector<16xf32>,
        %get3A_190 = arith.index_cast %scan3A_138 : i32 to index
        %get3A_191 = arith.constant 112 : index
        %get3A_192 = tpu.vector_load %arg10[%get3A_190, %get3A_191] {strides = array<i32>} : memref<128x128xf32, #tpu.memory_space<vmem>>, vector<16xf32>,
        %mul3A_193 = arith.mulf %get3A_192, %gather3A : vector<16xf32>
        %swap3A_194 = arith.index_cast %scan3A_138 : i32 to index
        %swap3A_195 = arith.constant 112 : index
        %swap3A_196 = tpu.vector_load %arg10[%swap3A_194, %swap3A_195] {strides = array<i32>} : memref<128x128xf32, #tpu.memory_space<vmem>>, vector<16xf32>,
        tpu.vector_store %arg10[%swap3A_194, %swap3A_195], %mul3A_193 {strides = array<i32>} : memref<128x128xf32, #tpu.memory_space<vmem>>, vector<16xf32>,
        %scan3A_197 = arith.constant 0 : i32
        scf.yield %scan3A_197 : i32
      }
      %scan3A_87 = arith.constant 128 : i32
      %dma_start3A_88 = arith.constant 0 : i32
      %dma_start3A_89 = arith.constant 0 : i32
      %dma_start3A_90 = tpu.memref_slice %arg8[%dma_start3A_88, %dma_start3A_89] : memref<16x128xi32, #tpu.memory_space<vmem>> -> memref<1x128xi32, #tpu.memory_space<vmem>>
      %dma_start3A_91 = tpu.memref_squeeze %dma_start3A_90 : memref<1x128xi32, #tpu.memory_space<vmem>> -> memref<128xi32, #tpu.memory_space<vmem>>
      %dma_start3A_92 = arith.constant 0 : i32
      %dma_start3A_93 = arith.constant 0 : i32
      %dma_start3A_94 = tpu.memref_slice %arg13[%dma_start3A_92, %dma_start3A_93] : memref<10240x128xf32, #tpu.memory_space<vmem_shared>> -> memref<10240x128xf32, #tpu.memory_space<vmem_shared>>
      tpu.enqueue_indirect_dma source(%arg10 : memref<128x128xf32, #tpu.memory_space<vmem>>) target(%dma_start3A_94 : memref<10240x128xf32, #tpu.memory_space<vmem_shared>>) offsets(%dma_start3A_91 : memref<128xi32, #tpu.memory_space<vmem>>) semaphore(%arg16 : memref<!tpu.dma_semaphore, #tpu.memory_space<semaphore_mem>>) {add = true}
      %scan3A_95 = arith.constant 0 : i32
      %scan3A_96 = arith.constant 1 : i32
      %scan3A_97 = arith.constant 7 : i32
      %scan3A_98 = arith.addi %scan3A_96, %scan3A_97 : i32
      %scan3A_99 = arith.constant 1 : i32
      %scan3A_100 = scf.for %scan3A_138 = %scan3A_96 to %scan3A_98 step %scan3A_99 iter_args(%scan3A_139 = %scan3A_95) -> (i32)  : i32 {
        %dma_wait3A_140 = arith.constant 0 : i32
        %dma_wait3A_141 = arith.constant 0 : i32
        %dma_wait3A_142 = tpu.memref_slice %arg8[%dma_wait3A_140, %dma_wait3A_141] : memref<16x128xi32, #tpu.memory_space<vmem>> -> memref<1x128xi32, #tpu.memory_space<vmem>>
        %dma_wait3A_143 = tpu.memref_squeeze %dma_wait3A_142 : memref<1x128xi32, #tpu.memory_space<vmem>> -> memref<128xi32, #tpu.memory_space<vmem>>
        %dma_wait3A_144 = arith.constant 0 : i32
        %dma_wait3A_145 = arith.constant 0 : i32
        %dma_wait3A_146 = tpu.memref_slice %arg13[%dma_wait3A_144, %dma_wait3A_145] : memref<10240x128xf32, #tpu.memory_space<vmem_shared>> -> memref<10240x128xf32, #tpu.memory_space<vmem_shared>>
        tpu.wait_indirect_dma semaphore(%arg16 : memref<!tpu.dma_semaphore, #tpu.memory_space<semaphore_mem>>) src(%arg10 : memref<128x128xf32, #tpu.memory_space<vmem>>) dst(%dma_wait3A_146 : memref<10240x128xf32, #tpu.memory_space<vmem_shared>>)
        %mul3A_147 = arith.constant 2 : i32
        %mul3A_148 = arith.muli %mul3A_147, %scan3A_138 : i32
        %dma_start3A_149 = arith.constant 0 : i32
        %dma_start3A_150 = tpu.memref_slice %arg7[%mul3A_148, %dma_start3A_149] : memref<16x128xi32, #tpu.memory_space<vmem>> -> memref<1x128xi32, #tpu.memory_space<vmem>>
        %dma_start3A_151 = tpu.memref_squeeze %dma_start3A_150 : memref<1x128xi32, #tpu.memory_space<vmem>> -> memref<128xi32, #tpu.memory_space<vmem>>
        %dma_start3A_152 = arith.constant 0 : i32
        %dma_start3A_153 = arith.constant 0 : i32
        %dma_start3A_154 = tpu.memref_slice %arg2[%dma_start3A_152, %dma_start3A_153] : memref<10000x128xf32, #tpu.memory_space<hbm>> -> memref<10000x128xf32, #tpu.memory_space<hbm>>
        tpu.enqueue_indirect_dma source(%dma_start3A_154 : memref<10000x128xf32, #tpu.memory_space<hbm>>) target(%arg10 : memref<128x128xf32, #tpu.memory_space<vmem>>) offsets(%dma_start3A_151 : memref<128xi32, #tpu.memory_space<vmem>>) semaphore(%arg14 : memref<!tpu.dma_semaphore, #tpu.memory_space<semaphore_mem>>)
        %dma_wait3A_155 = arith.constant 0 : i32
        %dma_wait3A_156 = arith.constant 0 : i32
        %dma_wait3A_157 = tpu.memref_slice %arg7[%dma_wait3A_155, %dma_wait3A_156] : memref<16x128xi32, #tpu.memory_space<vmem>> -> memref<1x128xi32, #tpu.memory_space<vmem>>
        %dma_wait3A_158 = tpu.memref_squeeze %dma_wait3A_157 : memref<1x128xi32, #tpu.memory_space<vmem>> -> memref<128xi32, #tpu.memory_space<vmem>>
        %dma_wait3A_159 = arith.constant 0 : i32
        %dma_wait3A_160 = arith.constant 0 : i32
        %dma_wait3A_161 = tpu.memref_slice %arg2[%dma_wait3A_159, %dma_wait3A_160] : memref<10000x128xf32, #tpu.memory_space<hbm>> -> memref<10000x128xf32, #tpu.memory_space<hbm>>
        tpu.wait_indirect_dma semaphore(%arg15 : memref<!tpu.dma_semaphore, #tpu.memory_space<semaphore_mem>>) src(%dma_wait3A_161 : memref<10000x128xf32, #tpu.memory_space<hbm>>) dst(%arg11 : memref<128x128xf32, #tpu.memory_space<vmem>>)
        %mul3A_162 = arith.constant 2 : i32
        %mul3A_163 = arith.muli %mul3A_162, %scan3A_138 : i32
        %sub3A = arith.constant 1 : i32
        %sub3A_164 = arith.subi %mul3A_163, %sub3A : i32
        %scan3A_165 = arith.constant 0 : i32
        %scan3A_166 = arith.constant 0 : i32
        %scan3A_167 = arith.constant 128 : i32
        %scan3A_168 = arith.addi %scan3A_166, %scan3A_167 : i32
        %scan3A_169 = arith.constant 1 : i32
        %scan3A_170 = scf.for %scan3A_224 = %scan3A_166 to %scan3A_168 step %scan3A_169 iter_args(%scan3A_225 = %scan3A_165) -> (i32)  : i32 {
          %mul3A_226 = arith.constant 128 : i32
          %mul3A_227 = arith.muli %sub3A_164, %mul3A_226 : i32
          %add3A_228 = arith.addi %mul3A_227, %scan3A_224 : i32
          %broadcast_in_dim3A_229 = vector.broadcast %add3A_228 : i32 to vector<16xi32>
          %gather3A = tpu.vector_load_idx %arg9[%broadcast_in_dim3A_229] : memref<2048xf32, #tpu.memory_space<vmem>>[vector<16xi32>], vector<16xf32>,
          %get3A = arith.index_cast %scan3A_224 : i32 to index
          %get3A_230 = arith.constant 0 : index
          %get3A_231 = tpu.vector_load %arg11[%get3A, %get3A_230] {strides = array<i32>} : memref<128x128xf32, #tpu.memory_space<vmem>>, vector<16xf32>,
          %mul3A_232 = arith.mulf %get3A_231, %gather3A : vector<16xf32>
          %swap3A = arith.index_cast %scan3A_224 : i32 to index
          %swap3A_233 = arith.constant 0 : index
          %swap3A_234 = tpu.vector_load %arg11[%swap3A, %swap3A_233] {strides = array<i32>} : memref<128x128xf32, #tpu.memory_space<vmem>>, vector<16xf32>,
          tpu.vector_store %arg11[%swap3A, %swap3A_233], %mul3A_232 {strides = array<i32>} : memref<128x128xf32, #tpu.memory_space<vmem>>, vector<16xf32>,
          %get3A_235 = arith.index_cast %scan3A_224 : i32 to index
          %get3A_236 = arith.constant 16 : index
          %get3A_237 = tpu.vector_load %arg11[%get3A_235, %get3A_236] {strides = array<i32>} : memref<128x128xf32, #tpu.memory_space<vmem>>, vector<16xf32>,
          %mul3A_238 = arith.mulf %get3A_237, %gather3A : vector<16xf32>
          %swap3A_239 = arith.index_cast %scan3A_224 : i32 to index
          %swap3A_240 = arith.constant 16 : index
          %swap3A_241 = tpu.vector_load %arg11[%swap3A_239, %swap3A_240] {strides = array<i32>} : memref<128x128xf32, #tpu.memory_space<vmem>>, vector<16xf32>,
          tpu.vector_store %arg11[%swap3A_239, %swap3A_240], %mul3A_238 {strides = array<i32>} : memref<128x128xf32, #tpu.memory_space<vmem>>, vector<16xf32>,
          %get3A_242 = arith.index_cast %scan3A_224 : i32 to index
          %get3A_243 = arith.constant 32 : index
          %get3A_244 = tpu.vector_load %arg11[%get3A_242, %get3A_243] {strides = array<i32>} : memref<128x128xf32, #tpu.memory_space<vmem>>, vector<16xf32>,
          %mul3A_245 = arith.mulf %get3A_244, %gather3A : vector<16xf32>
          %swap3A_246 = arith.index_cast %scan3A_224 : i32 to index
          %swap3A_247 = arith.constant 32 : index
          %swap3A_248 = tpu.vector_load %arg11[%swap3A_246, %swap3A_247] {strides = array<i32>} : memref<128x128xf32, #tpu.memory_space<vmem>>, vector<16xf32>,
          tpu.vector_store %arg11[%swap3A_246, %swap3A_247], %mul3A_245 {strides = array<i32>} : memref<128x128xf32, #tpu.memory_space<vmem>>, vector<16xf32>,
          %get3A_249 = arith.index_cast %scan3A_224 : i32 to index
          %get3A_250 = arith.constant 48 : index
          %get3A_251 = tpu.vector_load %arg11[%get3A_249, %get3A_250] {strides = array<i32>} : memref<128x128xf32, #tpu.memory_space<vmem>>, vector<16xf32>,
          %mul3A_252 = arith.mulf %get3A_251, %gather3A : vector<16xf32>
          %swap3A_253 = arith.index_cast %scan3A_224 : i32 to index
          %swap3A_254 = arith.constant 48 : index
          %swap3A_255 = tpu.vector_load %arg11[%swap3A_253, %swap3A_254] {strides = array<i32>} : memref<128x128xf32, #tpu.memory_space<vmem>>, vector<16xf32>,
          tpu.vector_store %arg11[%swap3A_253, %swap3A_254], %mul3A_252 {strides = array<i32>} : memref<128x128xf32, #tpu.memory_space<vmem>>, vector<16xf32>,
          %get3A_256 = arith.index_cast %scan3A_224 : i32 to index
          %get3A_257 = arith.constant 64 : index
          %get3A_258 = tpu.vector_load %arg11[%get3A_256, %get3A_257] {strides = array<i32>} : memref<128x128xf32, #tpu.memory_space<vmem>>, vector<16xf32>,
          %mul3A_259 = arith.mulf %get3A_258, %gather3A : vector<16xf32>
          %swap3A_260 = arith.index_cast %scan3A_224 : i32 to index
          %swap3A_261 = arith.constant 64 : index
          %swap3A_262 = tpu.vector_load %arg11[%swap3A_260, %swap3A_261] {strides = array<i32>} : memref<128x128xf32, #tpu.memory_space<vmem>>, vector<16xf32>,
          tpu.vector_store %arg11[%swap3A_260, %swap3A_261], %mul3A_259 {strides = array<i32>} : memref<128x128xf32, #tpu.memory_space<vmem>>, vector<16xf32>,
          %get3A_263 = arith.index_cast %scan3A_224 : i32 to index
          %get3A_264 = arith.constant 80 : index
          %get3A_265 = tpu.vector_load %arg11[%get3A_263, %get3A_264] {strides = array<i32>} : memref<128x128xf32, #tpu.memory_space<vmem>>, vector<16xf32>,
          %mul3A_266 = arith.mulf %get3A_265, %gather3A : vector<16xf32>
          %swap3A_267 = arith.index_cast %scan3A_224 : i32 to index
          %swap3A_268 = arith.constant 80 : index
          %swap3A_269 = tpu.vector_load %arg11[%swap3A_267, %swap3A_268] {strides = array<i32>} : memref<128x128xf32, #tpu.memory_space<vmem>>, vector<16xf32>,
          tpu.vector_store %arg11[%swap3A_267, %swap3A_268], %mul3A_266 {strides = array<i32>} : memref<128x128xf32, #tpu.memory_space<vmem>>, vector<16xf32>,
          %get3A_270 = arith.index_cast %scan3A_224 : i32 to index
          %get3A_271 = arith.constant 96 : index
          %get3A_272 = tpu.vector_load %arg11[%get3A_270, %get3A_271] {strides = array<i32>} : memref<128x128xf32, #tpu.memory_space<vmem>>, vector<16xf32>,
          %mul3A_273 = arith.mulf %get3A_272, %gather3A : vector<16xf32>
          %swap3A_274 = arith.index_cast %scan3A_224 : i32 to index
          %swap3A_275 = arith.constant 96 : index
          %swap3A_276 = tpu.vector_load %arg11[%swap3A_274, %swap3A_275] {strides = array<i32>} : memref<128x128xf32, #tpu.memory_space<vmem>>, vector<16xf32>,
          tpu.vector_store %arg11[%swap3A_274, %swap3A_275], %mul3A_273 {strides = array<i32>} : memref<128x128xf32, #tpu.memory_space<vmem>>, vector<16xf32>,
          %get3A_277 = arith.index_cast %scan3A_224 : i32 to index
          %get3A_278 = arith.constant 112 : index
          %get3A_279 = tpu.vector_load %arg11[%get3A_277, %get3A_278] {strides = array<i32>} : memref<128x128xf32, #tpu.memory_space<vmem>>, vector<16xf32>,
          %mul3A_280 = arith.mulf %get3A_279, %gather3A : vector<16xf32>
          %swap3A_281 = arith.index_cast %scan3A_224 : i32 to index
          %swap3A_282 = arith.constant 112 : index
          %swap3A_283 = tpu.vector_load %arg11[%swap3A_281, %swap3A_282] {strides = array<i32>} : memref<128x128xf32, #tpu.memory_space<vmem>>, vector<16xf32>,
          tpu.vector_store %arg11[%swap3A_281, %swap3A_282], %mul3A_280 {strides = array<i32>} : memref<128x128xf32, #tpu.memory_space<vmem>>, vector<16xf32>,
          %scan3A_284 = arith.constant 0 : i32
          scf.yield %scan3A_284 : i32
        }
        %scan3A_171 = arith.constant 128 : i32
        %mul3A_172 = arith.constant 2 : i32
        %mul3A_173 = arith.muli %mul3A_172, %scan3A_138 : i32
        %sub3A_174 = arith.constant 1 : i32
        %sub3A_175 = arith.subi %mul3A_173, %sub3A_174 : i32
        %dma_start3A_176 = arith.constant 0 : i32
        %dma_start3A_177 = tpu.memref_slice %arg8[%sub3A_175, %dma_start3A_176] : memref<16x128xi32, #tpu.memory_space<vmem>> -> memref<1x128xi32, #tpu.memory_space<vmem>>
        %dma_start3A_178 = tpu.memref_squeeze %dma_start3A_177 : memref<1x128xi32, #tpu.memory_space<vmem>> -> memref<128xi32, #tpu.memory_space<vmem>>
        %dma_start3A_179 = arith.constant 0 : i32
        %dma_start3A_180 = arith.constant 0 : i32
        %dma_start3A_181 = tpu.memref_slice %arg13[%dma_start3A_179, %dma_start3A_180] : memref<10240x128xf32, #tpu.memory_space<vmem_shared>> -> memref<10240x128xf32, #tpu.memory_space<vmem_shared>>
        tpu.enqueue_indirect_dma source(%arg11 : memref<128x128xf32, #tpu.memory_space<vmem>>) target(%dma_start3A_181 : memref<10240x128xf32, #tpu.memory_space<vmem_shared>>) offsets(%dma_start3A_178 : memref<128xi32, #tpu.memory_space<vmem>>) semaphore(%arg17 : memref<!tpu.dma_semaphore, #tpu.memory_space<semaphore_mem>>) {add = true}
        %dma_wait3A_182 = arith.constant 0 : i32
        %dma_wait3A_183 = arith.constant 0 : i32
        %dma_wait3A_184 = tpu.memref_slice %arg7[%dma_wait3A_182, %dma_wait3A_183] : memref<16x128xi32, #tpu.memory_space<vmem>> -> memref<1x128xi32, #tpu.memory_space<vmem>>
        %dma_wait3A_185 = tpu.memref_squeeze %dma_wait3A_184 : memref<1x128xi32, #tpu.memory_space<vmem>> -> memref<128xi32, #tpu.memory_space<vmem>>
        %dma_wait3A_186 = arith.constant 0 : i32
        %dma_wait3A_187 = arith.constant 0 : i32
        %dma_wait3A_188 = tpu.memref_slice %arg2[%dma_wait3A_186, %dma_wait3A_187] : memref<10000x128xf32, #tpu.memory_space<hbm>> -> memref<10000x128xf32, #tpu.memory_space<hbm>>
        tpu.wait_indirect_dma semaphore(%arg14 : memref<!tpu.dma_semaphore, #tpu.memory_space<semaphore_mem>>) src(%dma_wait3A_188 : memref<10000x128xf32, #tpu.memory_space<hbm>>) dst(%arg10 : memref<128x128xf32, #tpu.memory_space<vmem>>)
        %mul3A_189 = arith.constant 2 : i32
        %mul3A_190 = arith.muli %mul3A_189, %scan3A_138 : i32
        %scan3A_191 = arith.constant 0 : i32
        %scan3A_192 = arith.constant 0 : i32
        %scan3A_193 = arith.constant 128 : i32
        %scan3A_194 = arith.addi %scan3A_192, %scan3A_193 : i32
        %scan3A_195 = arith.constant 1 : i32
        %scan3A_196 = scf.for %scan3A_224 = %scan3A_192 to %scan3A_194 step %scan3A_195 iter_args(%scan3A_225 = %scan3A_191) -> (i32)  : i32 {
          %mul3A_226 = arith.constant 128 : i32
          %mul3A_227 = arith.muli %mul3A_190, %mul3A_226 : i32
          %add3A_228 = arith.addi %mul3A_227, %scan3A_224 : i32
          %broadcast_in_dim3A_229 = vector.broadcast %add3A_228 : i32 to vector<16xi32>
          %gather3A = tpu.vector_load_idx %arg9[%broadcast_in_dim3A_229] : memref<2048xf32, #tpu.memory_space<vmem>>[vector<16xi32>], vector<16xf32>,
          %get3A = arith.index_cast %scan3A_224 : i32 to index
          %get3A_230 = arith.constant 0 : index
          %get3A_231 = tpu.vector_load %arg10[%get3A, %get3A_230] {strides = array<i32>} : memref<128x128xf32, #tpu.memory_space<vmem>>, vector<16xf32>,
          %mul3A_232 = arith.mulf %get3A_231, %gather3A : vector<16xf32>
          %swap3A = arith.index_cast %scan3A_224 : i32 to index
          %swap3A_233 = arith.constant 0 : index
          %swap3A_234 = tpu.vector_load %arg10[%swap3A, %swap3A_233] {strides = array<i32>} : memref<128x128xf32, #tpu.memory_space<vmem>>, vector<16xf32>,
          tpu.vector_store %arg10[%swap3A, %swap3A_233], %mul3A_232 {strides = array<i32>} : memref<128x128xf32, #tpu.memory_space<vmem>>, vector<16xf32>,
          %get3A_235 = arith.index_cast %scan3A_224 : i32 to index
          %get3A_236 = arith.constant 16 : index
          %get3A_237 = tpu.vector_load %arg10[%get3A_235, %get3A_236] {strides = array<i32>} : memref<128x128xf32, #tpu.memory_space<vmem>>, vector<16xf32>,
          %mul3A_238 = arith.mulf %get3A_237, %gather3A : vector<16xf32>
          %swap3A_239 = arith.index_cast %scan3A_224 : i32 to index
          %swap3A_240 = arith.constant 16 : index
          %swap3A_241 = tpu.vector_load %arg10[%swap3A_239, %swap3A_240] {strides = array<i32>} : memref<128x128xf32, #tpu.memory_space<vmem>>, vector<16xf32>,
          tpu.vector_store %arg10[%swap3A_239, %swap3A_240], %mul3A_238 {strides = array<i32>} : memref<128x128xf32, #tpu.memory_space<vmem>>, vector<16xf32>,
          %get3A_242 = arith.index_cast %scan3A_224 : i32 to index
          %get3A_243 = arith.constant 32 : index
          %get3A_244 = tpu.vector_load %arg10[%get3A_242, %get3A_243] {strides = array<i32>} : memref<128x128xf32, #tpu.memory_space<vmem>>, vector<16xf32>,
          %mul3A_245 = arith.mulf %get3A_244, %gather3A : vector<16xf32>
          %swap3A_246 = arith.index_cast %scan3A_224 : i32 to index
          %swap3A_247 = arith.constant 32 : index
          %swap3A_248 = tpu.vector_load %arg10[%swap3A_246, %swap3A_247] {strides = array<i32>} : memref<128x128xf32, #tpu.memory_space<vmem>>, vector<16xf32>,
          tpu.vector_store %arg10[%swap3A_246, %swap3A_247], %mul3A_245 {strides = array<i32>} : memref<128x128xf32, #tpu.memory_space<vmem>>, vector<16xf32>,
          %get3A_249 = arith.index_cast %scan3A_224 : i32 to index
          %get3A_250 = arith.constant 48 : index
          %get3A_251 = tpu.vector_load %arg10[%get3A_249, %get3A_250] {strides = array<i32>} : memref<128x128xf32, #tpu.memory_space<vmem>>, vector<16xf32>,
          %mul3A_252 = arith.mulf %get3A_251, %gather3A : vector<16xf32>
          %swap3A_253 = arith.index_cast %scan3A_224 : i32 to index
          %swap3A_254 = arith.constant 48 : index
          %swap3A_255 = tpu.vector_load %arg10[%swap3A_253, %swap3A_254] {strides = array<i32>} : memref<128x128xf32, #tpu.memory_space<vmem>>, vector<16xf32>,
          tpu.vector_store %arg10[%swap3A_253, %swap3A_254], %mul3A_252 {strides = array<i32>} : memref<128x128xf32, #tpu.memory_space<vmem>>, vector<16xf32>,
          %get3A_256 = arith.index_cast %scan3A_224 : i32 to index
          %get3A_257 = arith.constant 64 : index
          %get3A_258 = tpu.vector_load %arg10[%get3A_256, %get3A_257] {strides = array<i32>} : memref<128x128xf32, #tpu.memory_space<vmem>>, vector<16xf32>,
          %mul3A_259 = arith.mulf %get3A_258, %gather3A : vector<16xf32>
          %swap3A_260 = arith.index_cast %scan3A_224 : i32 to index
          %swap3A_261 = arith.constant 64 : index
          %swap3A_262 = tpu.vector_load %arg10[%swap3A_260, %swap3A_261] {strides = array<i32>} : memref<128x128xf32, #tpu.memory_space<vmem>>, vector<16xf32>,
          tpu.vector_store %arg10[%swap3A_260, %swap3A_261], %mul3A_259 {strides = array<i32>} : memref<128x128xf32, #tpu.memory_space<vmem>>, vector<16xf32>,
          %get3A_263 = arith.index_cast %scan3A_224 : i32 to index
          %get3A_264 = arith.constant 80 : index
          %get3A_265 = tpu.vector_load %arg10[%get3A_263, %get3A_264] {strides = array<i32>} : memref<128x128xf32, #tpu.memory_space<vmem>>, vector<16xf32>,
          %mul3A_266 = arith.mulf %get3A_265, %gather3A : vector<16xf32>
          %swap3A_267 = arith.index_cast %scan3A_224 : i32 to index
          %swap3A_268 = arith.constant 80 : index
          %swap3A_269 = tpu.vector_load %arg10[%swap3A_267, %swap3A_268] {strides = array<i32>} : memref<128x128xf32, #tpu.memory_space<vmem>>, vector<16xf32>,
          tpu.vector_store %arg10[%swap3A_267, %swap3A_268], %mul3A_266 {strides = array<i32>} : memref<128x128xf32, #tpu.memory_space<vmem>>, vector<16xf32>,
          %get3A_270 = arith.index_cast %scan3A_224 : i32 to index
          %get3A_271 = arith.constant 96 : index
          %get3A_272 = tpu.vector_load %arg10[%get3A_270, %get3A_271] {strides = array<i32>} : memref<128x128xf32, #tpu.memory_space<vmem>>, vector<16xf32>,
          %mul3A_273 = arith.mulf %get3A_272, %gather3A : vector<16xf32>
          %swap3A_274 = arith.index_cast %scan3A_224 : i32 to index
          %swap3A_275 = arith.constant 96 : index
          %swap3A_276 = tpu.vector_load %arg10[%swap3A_274, %swap3A_275] {strides = array<i32>} : memref<128x128xf32, #tpu.memory_space<vmem>>, vector<16xf32>,
          tpu.vector_store %arg10[%swap3A_274, %swap3A_275], %mul3A_273 {strides = array<i32>} : memref<128x128xf32, #tpu.memory_space<vmem>>, vector<16xf32>,
          %get3A_277 = arith.index_cast %scan3A_224 : i32 to index
          %get3A_278 = arith.constant 112 : index
          %get3A_279 = tpu.vector_load %arg10[%get3A_277, %get3A_278] {strides = array<i32>} : memref<128x128xf32, #tpu.memory_space<vmem>>, vector<16xf32>,
          %mul3A_280 = arith.mulf %get3A_279, %gather3A : vector<16xf32>
          %swap3A_281 = arith.index_cast %scan3A_224 : i32 to index
          %swap3A_282 = arith.constant 112 : index
          %swap3A_283 = tpu.vector_load %arg10[%swap3A_281, %swap3A_282] {strides = array<i32>} : memref<128x128xf32, #tpu.memory_space<vmem>>, vector<16xf32>,
          tpu.vector_store %arg10[%swap3A_281, %swap3A_282], %mul3A_280 {strides = array<i32>} : memref<128x128xf32, #tpu.memory_space<vmem>>, vector<16xf32>,
          %scan3A_284 = arith.constant 0 : i32
          scf.yield %scan3A_284 : i32
        }
        %scan3A_197 = arith.constant 128 : i32
        %dma_wait3A_198 = arith.constant 0 : i32
        %dma_wait3A_199 = arith.constant 0 : i32
        %dma_wait3A_200 = tpu.memref_slice %arg8[%dma_wait3A_198, %dma_wait3A_199] : memref<16x128xi32, #tpu.memory_space<vmem>> -> memref<1x128xi32, #tpu.memory_space<vmem>>
        %dma_wait3A_201 = tpu.memref_squeeze %dma_wait3A_200 : memref<1x128xi32, #tpu.memory_space<vmem>> -> memref<128xi32, #tpu.memory_space<vmem>>
        %dma_wait3A_202 = arith.constant 0 : i32
        %dma_wait3A_203 = arith.constant 0 : i32
        %dma_wait3A_204 = tpu.memref_slice %arg13[%dma_wait3A_202, %dma_wait3A_203] : memref<10240x128xf32, #tpu.memory_space<vmem_shared>> -> memref<10240x128xf32, #tpu.memory_space<vmem_shared>>
        tpu.wait_indirect_dma semaphore(%arg17 : memref<!tpu.dma_semaphore, #tpu.memory_space<semaphore_mem>>) src(%arg11 : memref<128x128xf32, #tpu.memory_space<vmem>>) dst(%dma_wait3A_204 : memref<10240x128xf32, #tpu.memory_space<vmem_shared>>)
        %mul3A_205 = arith.constant 2 : i32
        %mul3A_206 = arith.muli %mul3A_205, %scan3A_138 : i32
        %add3A_207 = arith.constant 1 : i32
        %add3A_208 = arith.addi %mul3A_206, %add3A_207 : i32
        %dma_start3A_209 = arith.constant 0 : i32
        %dma_start3A_210 = tpu.memref_slice %arg7[%add3A_208, %dma_start3A_209] : memref<16x128xi32, #tpu.memory_space<vmem>> -> memref<1x128xi32, #tpu.memory_space<vmem>>
        %dma_start3A_211 = tpu.memref_squeeze %dma_start3A_210 : memref<1x128xi32, #tpu.memory_space<vmem>> -> memref<128xi32, #tpu.memory_space<vmem>>
        %dma_start3A_212 = arith.constant 0 : i32
        %dma_start3A_213 = arith.constant 0 : i32
        %dma_start3A_214 = tpu.memref_slice %arg2[%dma_start3A_212, %dma_start3A_213] : memref<10000x128xf32, #tpu.memory_space<hbm>> -> memref<10000x128xf32, #tpu.memory_space<hbm>>
        tpu.enqueue_indirect_dma source(%dma_start3A_214 : memref<10000x128xf32, #tpu.memory_space<hbm>>) target(%arg11 : memref<128x128xf32, #tpu.memory_space<vmem>>) offsets(%dma_start3A_211 : memref<128xi32, #tpu.memory_space<vmem>>) semaphore(%arg15 : memref<!tpu.dma_semaphore, #tpu.memory_space<semaphore_mem>>)
        %mul3A_215 = arith.constant 2 : i32
        %mul3A_216 = arith.muli %mul3A_215, %scan3A_138 : i32
        %dma_start3A_217 = arith.constant 0 : i32
        %dma_start3A_218 = tpu.memref_slice %arg8[%mul3A_216, %dma_start3A_217] : memref<16x128xi32, #tpu.memory_space<vmem>> -> memref<1x128xi32, #tpu.memory_space<vmem>>
        %dma_start3A_219 = tpu.memref_squeeze %dma_start3A_218 : memref<1x128xi32, #tpu.memory_space<vmem>> -> memref<128xi32, #tpu.memory_space<vmem>>
        %dma_start3A_220 = arith.constant 0 : i32
        %dma_start3A_221 = arith.constant 0 : i32
        %dma_start3A_222 = tpu.memref_slice %arg13[%dma_start3A_220, %dma_start3A_221] : memref<10240x128xf32, #tpu.memory_space<vmem_shared>> -> memref<10240x128xf32, #tpu.memory_space<vmem_shared>>
        tpu.enqueue_indirect_dma source(%arg10 : memref<128x128xf32, #tpu.memory_space<vmem>>) target(%dma_start3A_222 : memref<10240x128xf32, #tpu.memory_space<vmem_shared>>) offsets(%dma_start3A_219 : memref<128xi32, #tpu.memory_space<vmem>>) semaphore(%arg16 : memref<!tpu.dma_semaphore, #tpu.memory_space<semaphore_mem>>) {add = true}
        %scan3A_223 = arith.constant 0 : i32
        scf.yield %scan3A_223 : i32
      }
      %scan3A_101 = arith.constant 7 : i32
      %dma_wait3A_102 = arith.constant 0 : i32
      %dma_wait3A_103 = arith.constant 0 : i32
      %dma_wait3A_104 = tpu.memref_slice %arg7[%dma_wait3A_102, %dma_wait3A_103] : memref<16x128xi32, #tpu.memory_space<vmem>> -> memref<1x128xi32, #tpu.memory_space<vmem>>
      %dma_wait3A_105 = tpu.memref_squeeze %dma_wait3A_104 : memref<1x128xi32, #tpu.memory_space<vmem>> -> memref<128xi32, #tpu.memory_space<vmem>>
      %dma_wait3A_106 = arith.constant 0 : i32
      %dma_wait3A_107 = arith.constant 0 : i32
      %dma_wait3A_108 = tpu.memref_slice %arg2[%dma_wait3A_106, %dma_wait3A_107] : memref<10000x128xf32, #tpu.memory_space<hbm>> -> memref<10000x128xf32, #tpu.memory_space<hbm>>
      tpu.wait_indirect_dma semaphore(%arg15 : memref<!tpu.dma_semaphore, #tpu.memory_space<semaphore_mem>>) src(%dma_wait3A_108 : memref<10000x128xf32, #tpu.memory_space<hbm>>) dst(%arg11 : memref<128x128xf32, #tpu.memory_space<vmem>>)
      %scan3A_109 = arith.constant 0 : i32
      %scan3A_110 = arith.constant 0 : i32
      %scan3A_111 = arith.constant 128 : i32
      %scan3A_112 = arith.addi %scan3A_110, %scan3A_111 : i32
      %scan3A_113 = arith.constant 1 : i32
      %scan3A_114 = scf.for %scan3A_138 = %scan3A_110 to %scan3A_112 step %scan3A_113 iter_args(%scan3A_139 = %scan3A_109) -> (i32)  : i32 {
        %add3A_140 = arith.constant 1920 : i32
        %add3A_141 = arith.addi %add3A_140, %scan3A_138 : i32
        %broadcast_in_dim3A_142 = vector.broadcast %add3A_141 : i32 to vector<16xi32>
        %gather3A = tpu.vector_load_idx %arg9[%broadcast_in_dim3A_142] : memref<2048xf32, #tpu.memory_space<vmem>>[vector<16xi32>], vector<16xf32>,
        %get3A = arith.index_cast %scan3A_138 : i32 to index
        %get3A_143 = arith.constant 0 : index
        %get3A_144 = tpu.vector_load %arg11[%get3A, %get3A_143] {strides = array<i32>} : memref<128x128xf32, #tpu.memory_space<vmem>>, vector<16xf32>,
        %mul3A_145 = arith.mulf %get3A_144, %gather3A : vector<16xf32>
        %swap3A = arith.index_cast %scan3A_138 : i32 to index
        %swap3A_146 = arith.constant 0 : index
        %swap3A_147 = tpu.vector_load %arg11[%swap3A, %swap3A_146] {strides = array<i32>} : memref<128x128xf32, #tpu.memory_space<vmem>>, vector<16xf32>,
        tpu.vector_store %arg11[%swap3A, %swap3A_146], %mul3A_145 {strides = array<i32>} : memref<128x128xf32, #tpu.memory_space<vmem>>, vector<16xf32>,
        %get3A_148 = arith.index_cast %scan3A_138 : i32 to index
        %get3A_149 = arith.constant 16 : index
        %get3A_150 = tpu.vector_load %arg11[%get3A_148, %get3A_149] {strides = array<i32>} : memref<128x128xf32, #tpu.memory_space<vmem>>, vector<16xf32>,
        %mul3A_151 = arith.mulf %get3A_150, %gather3A : vector<16xf32>
        %swap3A_152 = arith.index_cast %scan3A_138 : i32 to index
        %swap3A_153 = arith.constant 16 : index
        %swap3A_154 = tpu.vector_load %arg11[%swap3A_152, %swap3A_153] {strides = array<i32>} : memref<128x128xf32, #tpu.memory_space<vmem>>, vector<16xf32>,
        tpu.vector_store %arg11[%swap3A_152, %swap3A_153], %mul3A_151 {strides = array<i32>} : memref<128x128xf32, #tpu.memory_space<vmem>>, vector<16xf32>,
        %get3A_155 = arith.index_cast %scan3A_138 : i32 to index
        %get3A_156 = arith.constant 32 : index
        %get3A_157 = tpu.vector_load %arg11[%get3A_155, %get3A_156] {strides = array<i32>} : memref<128x128xf32, #tpu.memory_space<vmem>>, vector<16xf32>,
        %mul3A_158 = arith.mulf %get3A_157, %gather3A : vector<16xf32>
        %swap3A_159 = arith.index_cast %scan3A_138 : i32 to index
        %swap3A_160 = arith.constant 32 : index
        %swap3A_161 = tpu.vector_load %arg11[%swap3A_159, %swap3A_160] {strides = array<i32>} : memref<128x128xf32, #tpu.memory_space<vmem>>, vector<16xf32>,
        tpu.vector_store %arg11[%swap3A_159, %swap3A_160], %mul3A_158 {strides = array<i32>} : memref<128x128xf32, #tpu.memory_space<vmem>>, vector<16xf32>,
        %get3A_162 = arith.index_cast %scan3A_138 : i32 to index
        %get3A_163 = arith.constant 48 : index
        %get3A_164 = tpu.vector_load %arg11[%get3A_162, %get3A_163] {strides = array<i32>} : memref<128x128xf32, #tpu.memory_space<vmem>>, vector<16xf32>,
        %mul3A_165 = arith.mulf %get3A_164, %gather3A : vector<16xf32>
        %swap3A_166 = arith.index_cast %scan3A_138 : i32 to index
        %swap3A_167 = arith.constant 48 : index
        %swap3A_168 = tpu.vector_load %arg11[%swap3A_166, %swap3A_167] {strides = array<i32>} : memref<128x128xf32, #tpu.memory_space<vmem>>, vector<16xf32>,
        tpu.vector_store %arg11[%swap3A_166, %swap3A_167], %mul3A_165 {strides = array<i32>} : memref<128x128xf32, #tpu.memory_space<vmem>>, vector<16xf32>,
        %get3A_169 = arith.index_cast %scan3A_138 : i32 to index
        %get3A_170 = arith.constant 64 : index
        %get3A_171 = tpu.vector_load %arg11[%get3A_169, %get3A_170] {strides = array<i32>} : memref<128x128xf32, #tpu.memory_space<vmem>>, vector<16xf32>,
        %mul3A_172 = arith.mulf %get3A_171, %gather3A : vector<16xf32>
        %swap3A_173 = arith.index_cast %scan3A_138 : i32 to index
        %swap3A_174 = arith.constant 64 : index
        %swap3A_175 = tpu.vector_load %arg11[%swap3A_173, %swap3A_174] {strides = array<i32>} : memref<128x128xf32, #tpu.memory_space<vmem>>, vector<16xf32>,
        tpu.vector_store %arg11[%swap3A_173, %swap3A_174], %mul3A_172 {strides = array<i32>} : memref<128x128xf32, #tpu.memory_space<vmem>>, vector<16xf32>,
        %get3A_176 = arith.index_cast %scan3A_138 : i32 to index
        %get3A_177 = arith.constant 80 : index
        %get3A_178 = tpu.vector_load %arg11[%get3A_176, %get3A_177] {strides = array<i32>} : memref<128x128xf32, #tpu.memory_space<vmem>>, vector<16xf32>,
        %mul3A_179 = arith.mulf %get3A_178, %gather3A : vector<16xf32>
        %swap3A_180 = arith.index_cast %scan3A_138 : i32 to index
        %swap3A_181 = arith.constant 80 : index
        %swap3A_182 = tpu.vector_load %arg11[%swap3A_180, %swap3A_181] {strides = array<i32>} : memref<128x128xf32, #tpu.memory_space<vmem>>, vector<16xf32>,
        tpu.vector_store %arg11[%swap3A_180, %swap3A_181], %mul3A_179 {strides = array<i32>} : memref<128x128xf32, #tpu.memory_space<vmem>>, vector<16xf32>,
        %get3A_183 = arith.index_cast %scan3A_138 : i32 to index
        %get3A_184 = arith.constant 96 : index
        %get3A_185 = tpu.vector_load %arg11[%get3A_183, %get3A_184] {strides = array<i32>} : memref<128x128xf32, #tpu.memory_space<vmem>>, vector<16xf32>,
        %mul3A_186 = arith.mulf %get3A_185, %gather3A : vector<16xf32>
        %swap3A_187 = arith.index_cast %scan3A_138 : i32 to index
        %swap3A_188 = arith.constant 96 : index
        %swap3A_189 = tpu.vector_load %arg11[%swap3A_187, %swap3A_188] {strides = array<i32>} : memref<128x128xf32, #tpu.memory_space<vmem>>, vector<16xf32>,
        tpu.vector_store %arg11[%swap3A_187, %swap3A_188], %mul3A_186 {strides = array<i32>} : memref<128x128xf32, #tpu.memory_space<vmem>>, vector<16xf32>,
        %get3A_190 = arith.index_cast %scan3A_138 : i32 to index
        %get3A_191 = arith.constant 112 : index
        %get3A_192 = tpu.vector_load %arg11[%get3A_190, %get3A_191] {strides = array<i32>} : memref<128x128xf32, #tpu.memory_space<vmem>>, vector<16xf32>,
        %mul3A_193 = arith.mulf %get3A_192, %gather3A : vector<16xf32>
        %swap3A_194 = arith.index_cast %scan3A_138 : i32 to index
        %swap3A_195 = arith.constant 112 : index
        %swap3A_196 = tpu.vector_load %arg11[%swap3A_194, %swap3A_195] {strides = array<i32>} : memref<128x128xf32, #tpu.memory_space<vmem>>, vector<16xf32>,
        tpu.vector_store %arg11[%swap3A_194, %swap3A_195], %mul3A_193 {strides = array<i32>} : memref<128x128xf32, #tpu.memory_space<vmem>>, vector<16xf32>,
        %scan3A_197 = arith.constant 0 : i32
        scf.yield %scan3A_197 : i32
      }
      %scan3A_115 = arith.constant 128 : i32
      %dma_wait3A_116 = arith.constant 0 : i32
      %dma_wait3A_117 = arith.constant 0 : i32
      %dma_wait3A_118 = tpu.memref_slice %arg8[%dma_wait3A_116, %dma_wait3A_117] : memref<16x128xi32, #tpu.memory_space<vmem>> -> memref<1x128xi32, #tpu.memory_space<vmem>>
      %dma_wait3A_119 = tpu.memref_squeeze %dma_wait3A_118 : memref<1x128xi32, #tpu.memory_space<vmem>> -> memref<128xi32, #tpu.memory_space<vmem>>
      %dma_wait3A_120 = arith.constant 0 : i32
      %dma_wait3A_121 = arith.constant 0 : i32
      %dma_wait3A_122 = tpu.memref_slice %arg13[%dma_wait3A_120, %dma_wait3A_121] : memref<10240x128xf32, #tpu.memory_space<vmem_shared>> -> memref<10240x128xf32, #tpu.memory_space<vmem_shared>>
      tpu.wait_indirect_dma semaphore(%arg16 : memref<!tpu.dma_semaphore, #tpu.memory_space<semaphore_mem>>) src(%arg10 : memref<128x128xf32, #tpu.memory_space<vmem>>) dst(%dma_wait3A_122 : memref<10240x128xf32, #tpu.memory_space<vmem_shared>>)
      %dma_start3A_123 = arith.constant 15 : i32
      %dma_start3A_124 = arith.constant 0 : i32
      %dma_start3A_125 = tpu.memref_slice %arg8[%dma_start3A_123, %dma_start3A_124] : memref<16x128xi32, #tpu.memory_space<vmem>> -> memref<1x128xi32, #tpu.memory_space<vmem>>
      %dma_start3A_126 = tpu.memref_squeeze %dma_start3A_125 : memref<1x128xi32, #tpu.memory_space<vmem>> -> memref<128xi32, #tpu.memory_space<vmem>>
      %dma_start3A_127 = arith.constant 0 : i32
      %dma_start3A_128 = arith.constant 0 : i32
      %dma_start3A_129 = tpu.memref_slice %arg13[%dma_start3A_127, %dma_start3A_128] : memref<10240x128xf32, #tpu.memory_space<vmem_shared>> -> memref<10240x128xf32, #tpu.memory_space<vmem_shared>>
      tpu.enqueue_indirect_dma source(%arg11 : memref<128x128xf32, #tpu.memory_space<vmem>>) target(%dma_start3A_129 : memref<10240x128xf32, #tpu.memory_space<vmem_shared>>) offsets(%dma_start3A_126 : memref<128xi32, #tpu.memory_space<vmem>>) semaphore(%arg17 : memref<!tpu.dma_semaphore, #tpu.memory_space<semaphore_mem>>) {add = true}
      %dma_wait3A_130 = arith.constant 0 : i32
      %dma_wait3A_131 = arith.constant 0 : i32
      %dma_wait3A_132 = tpu.memref_slice %arg8[%dma_wait3A_130, %dma_wait3A_131] : memref<16x128xi32, #tpu.memory_space<vmem>> -> memref<1x128xi32, #tpu.memory_space<vmem>>
      %dma_wait3A_133 = tpu.memref_squeeze %dma_wait3A_132 : memref<1x128xi32, #tpu.memory_space<vmem>> -> memref<128xi32, #tpu.memory_space<vmem>>
      %dma_wait3A_134 = arith.constant 0 : i32
      %dma_wait3A_135 = arith.constant 0 : i32
      %dma_wait3A_136 = tpu.memref_slice %arg13[%dma_wait3A_134, %dma_wait3A_135] : memref<10240x128xf32, #tpu.memory_space<vmem_shared>> -> memref<10240x128xf32, #tpu.memory_space<vmem_shared>>
      tpu.wait_indirect_dma semaphore(%arg17 : memref<!tpu.dma_semaphore, #tpu.memory_space<semaphore_mem>>) src(%arg11 : memref<128x128xf32, #tpu.memory_space<vmem>>) dst(%dma_wait3A_136 : memref<10240x128xf32, #tpu.memory_space<vmem_shared>>)
      %scan3A_137 = arith.constant 0 : i32
      scf.yield %scan3A_137 : i32
    }
    %scan3A_54 = arith.constant 5 : i32
    %barrier3A_55 = arith.constant 0 : index
    tpu.barrier barrier_id(%barrier3A_55)
    %mul3A_56 = arith.constant 640 : i32
    %mul3A_57 = arith.muli %arg1, %mul3A_56 : i32
    %mul3A_58 = arith.constant 640 : i32
    %mul3A_59 = arith.muli %arg1, %mul3A_58 : i32
    "tpu.region"() ({
      %run_scoped3A = tpu.sem_alloc : memref<!tpu.dma_semaphore, #tpu.memory_space<semaphore_mem>>
      %dma_start3A = arith.constant 0 : i32
      %dma_start3A_60 = tpu.memref_slice %arg6[%arg0, %mul3A_59, %dma_start3A] : memref<2x10240x128xf32, #tpu.memory_space<hbm>> -> memref<1x640x128xf32, #tpu.memory_space<hbm>>
      %dma_start3A_61 = tpu.memref_squeeze %dma_start3A_60 : memref<1x640x128xf32, #tpu.memory_space<hbm>> -> memref<640x128xf32, #tpu.memory_space<hbm>>
      %dma_start3A_62 = arith.constant 0 : i32
      %dma_start3A_63 = tpu.memref_slice %arg13[%mul3A_57, %dma_start3A_62] : memref<10240x128xf32, #tpu.memory_space<vmem_shared>> -> memref<640x128xf32, #tpu.memory_space<vmem_shared>>
      tpu.enqueue_dma source(%dma_start3A_63 : memref<640x128xf32, #tpu.memory_space<vmem_shared>>) target(%dma_start3A_61 : memref<640x128xf32, #tpu.memory_space<hbm>>) target_semaphore(%run_scoped3A : memref<!tpu.dma_semaphore, #tpu.memory_space<semaphore_mem>>)
      %dma_wait3A = arith.constant 0 : i32
      %dma_wait3A_64 = tpu.memref_slice %arg6[%arg0, %mul3A_59, %dma_wait3A] : memref<2x10240x128xf32, #tpu.memory_space<hbm>> -> memref<1x640x128xf32, #tpu.memory_space<hbm>>
      %dma_wait3A_65 = tpu.memref_squeeze %dma_wait3A_64 : memref<1x640x128xf32, #tpu.memory_space<hbm>> -> memref<640x128xf32, #tpu.memory_space<hbm>>
      %dma_wait3A_66 = arith.constant 0 : i32
      %dma_wait3A_67 = tpu.memref_slice %arg13[%mul3A_57, %dma_wait3A_66] : memref<10240x128xf32, #tpu.memory_space<vmem_shared>> -> memref<640x128xf32, #tpu.memory_space<vmem_shared>>
      tpu.wait_dma2 semaphore(%run_scoped3A : memref<!tpu.dma_semaphore, #tpu.memory_space<semaphore_mem>>) src(%dma_wait3A_67 : memref<640x128xf32, #tpu.memory_space<vmem_shared>>) dst(%dma_wait3A_65 : memref<640x128xf32, #tpu.memory_space<hbm>>)
      tpu.yield
    }) : () -> ()
    return
  }
}

#map = affine_map<(d0, d1) -> (0, 0)>
#map1 = affine_map<(d0, d1) -> (0, 0, 0, 0)>
#map2 = affine_map<(d0, d1) -> (0, 0, 0)>
module attributes {stable_mosaic.version = 14 : i64} {
  func.func @edge_agg(%arg0: i32, %arg1: i32, %arg2: memref<10000x128xf32, #tpu.memory_space<hbm>>, %arg3: memref<32x5x16x128xi32, #tpu.memory_space<hbm>>, %arg4: memref<32x5x16x128xi32, #tpu.memory_space<hbm>>, %arg5: memref<32x5x2048xf32, #tpu.memory_space<hbm>>, %arg6: memref<2x10240x128xf32, #tpu.memory_space<hbm>>, %arg7: memref<16x128xi32, #tpu.memory_space<vmem>>, %arg8: memref<16x128xi32, #tpu.memory_space<vmem>>, %arg9: memref<2048xf32, #tpu.memory_space<vmem>>, %arg10: memref<128x128xf32, #tpu.memory_space<vmem>>, %arg11: memref<128x128xf32, #tpu.memory_space<vmem>>, %arg12: memref<64x128xf32, #tpu.memory_space<vmem>>, %arg13: memref<10240x128xf32, #tpu.memory_space<vmem_shared>>, %arg14: memref<!tpu.dma_semaphore, #tpu.memory_space<semaphore_mem>>, %arg15: memref<!tpu.dma_semaphore, #tpu.memory_space<semaphore_mem>>, %arg16: memref<!tpu.dma_semaphore, #tpu.memory_space<semaphore_mem>>, %arg17: memref<!tpu.dma_semaphore, #tpu.memory_space<semaphore_mem>>) attributes {dimension_semantics = [#tpu.dimension_semantics<core_parallel>, #tpu.dimension_semantics<subcore_parallel>], iteration_bounds = array<i64: 2, 16>, scalar_prefetch = 0 : i64, scratch_operands = 11 : i64, tpu.core_type = #tpu.core_type<sc_vector_subcore>, window_params = [{transform_indices = #map}, {transform_indices = #map1}, {transform_indices = #map1}, {transform_indices = #map2}, {transform_indices = #map2}]} {
    %mul3A = arith.constant 2 : i32
    %mul3A_0 = arith.muli %arg1, %mul3A : i32
    %add3A = arith.addi %mul3A_0, %arg0 : i32
    %broadcast_in_dim3A = arith.constant 0.000000e+00 : f32
    %broadcast_in_dim3A_1 = vector.broadcast %broadcast_in_dim3A : f32 to vector<16xf32>
    %scan3A = arith.constant 0 : i32
    %scan3A_2 = arith.constant 0 : i32
    %scan3A_3 = arith.constant 64 : i32
    %scan3A_4 = arith.addi %scan3A_2, %scan3A_3 : i32
    %scan3A_5 = arith.constant 1 : i32
    %scan3A_6 = scf.for %scan3A_60 = %scan3A_2 to %scan3A_4 step %scan3A_5 iter_args(%scan3A_61 = %scan3A) -> (i32)  : i32 {
      %swap3A = arith.index_cast %scan3A_60 : i32 to index
      %swap3A_62 = arith.constant 0 : index
      %swap3A_63 = tpu.vector_load %arg12[%swap3A, %swap3A_62] {strides = array<i32>} : memref<64x128xf32, #tpu.memory_space<vmem>>, vector<16xf32>,
      tpu.vector_store %arg12[%swap3A, %swap3A_62], %broadcast_in_dim3A_1 {strides = array<i32>} : memref<64x128xf32, #tpu.memory_space<vmem>>, vector<16xf32>,
      %swap3A_64 = arith.index_cast %scan3A_60 : i32 to index
      %swap3A_65 = arith.constant 16 : index
      %swap3A_66 = tpu.vector_load %arg12[%swap3A_64, %swap3A_65] {strides = array<i32>} : memref<64x128xf32, #tpu.memory_space<vmem>>, vector<16xf32>,
      tpu.vector_store %arg12[%swap3A_64, %swap3A_65], %broadcast_in_dim3A_1 {strides = array<i32>} : memref<64x128xf32, #tpu.memory_space<vmem>>, vector<16xf32>,
      %swap3A_67 = arith.index_cast %scan3A_60 : i32 to index
      %swap3A_68 = arith.constant 32 : index
      %swap3A_69 = tpu.vector_load %arg12[%swap3A_67, %swap3A_68] {strides = array<i32>} : memref<64x128xf32, #tpu.memory_space<vmem>>, vector<16xf32>,
      tpu.vector_store %arg12[%swap3A_67, %swap3A_68], %broadcast_in_dim3A_1 {strides = array<i32>} : memref<64x128xf32, #tpu.memory_space<vmem>>, vector<16xf32>,
      %swap3A_70 = arith.index_cast %scan3A_60 : i32 to index
      %swap3A_71 = arith.constant 48 : index
      %swap3A_72 = tpu.vector_load %arg12[%swap3A_70, %swap3A_71] {strides = array<i32>} : memref<64x128xf32, #tpu.memory_space<vmem>>, vector<16xf32>,
      tpu.vector_store %arg12[%swap3A_70, %swap3A_71], %broadcast_in_dim3A_1 {strides = array<i32>} : memref<64x128xf32, #tpu.memory_space<vmem>>, vector<16xf32>,
      %swap3A_73 = arith.index_cast %scan3A_60 : i32 to index
      %swap3A_74 = arith.constant 64 : index
      %swap3A_75 = tpu.vector_load %arg12[%swap3A_73, %swap3A_74] {strides = array<i32>} : memref<64x128xf32, #tpu.memory_space<vmem>>, vector<16xf32>,
      tpu.vector_store %arg12[%swap3A_73, %swap3A_74], %broadcast_in_dim3A_1 {strides = array<i32>} : memref<64x128xf32, #tpu.memory_space<vmem>>, vector<16xf32>,
      %swap3A_76 = arith.index_cast %scan3A_60 : i32 to index
      %swap3A_77 = arith.constant 80 : index
      %swap3A_78 = tpu.vector_load %arg12[%swap3A_76, %swap3A_77] {strides = array<i32>} : memref<64x128xf32, #tpu.memory_space<vmem>>, vector<16xf32>,
      tpu.vector_store %arg12[%swap3A_76, %swap3A_77], %broadcast_in_dim3A_1 {strides = array<i32>} : memref<64x128xf32, #tpu.memory_space<vmem>>, vector<16xf32>,
      %swap3A_79 = arith.index_cast %scan3A_60 : i32 to index
      %swap3A_80 = arith.constant 96 : index
      %swap3A_81 = tpu.vector_load %arg12[%swap3A_79, %swap3A_80] {strides = array<i32>} : memref<64x128xf32, #tpu.memory_space<vmem>>, vector<16xf32>,
      tpu.vector_store %arg12[%swap3A_79, %swap3A_80], %broadcast_in_dim3A_1 {strides = array<i32>} : memref<64x128xf32, #tpu.memory_space<vmem>>, vector<16xf32>,
      %swap3A_82 = arith.index_cast %scan3A_60 : i32 to index
      %swap3A_83 = arith.constant 112 : index
      %swap3A_84 = tpu.vector_load %arg12[%swap3A_82, %swap3A_83] {strides = array<i32>} : memref<64x128xf32, #tpu.memory_space<vmem>>, vector<16xf32>,
      tpu.vector_store %arg12[%swap3A_82, %swap3A_83], %broadcast_in_dim3A_1 {strides = array<i32>} : memref<64x128xf32, #tpu.memory_space<vmem>>, vector<16xf32>,
      %scan3A_85 = arith.constant 0 : i32
      scf.yield %scan3A_85 : i32
    }
    %scan3A_7 = arith.constant 64 : i32
    %mul3A_8 = arith.constant 640 : i32
    %mul3A_9 = arith.muli %arg1, %mul3A_8 : i32
    %add3A_10 = arith.constant 0 : i32
    %add3A_11 = arith.addi %mul3A_9, %add3A_10 : i32
    "tpu.region"() ({
      %run_scoped3A = tpu.sem_alloc : memref<!tpu.dma_semaphore, #tpu.memory_space<semaphore_mem>>
      %dma_start3A = arith.constant 0 : i32
      %dma_start3A_60 = tpu.memref_slice %arg13[%add3A_11, %dma_start3A] : memref<10240x128xf32, #tpu.memory_space<vmem_shared>> -> memref<64x128xf32, #tpu.memory_space<vmem_shared>>
      %dma_start3A_61 = arith.constant 0 : i32
      %dma_start3A_62 = tpu.memref_slice %arg13[%add3A_11, %dma_start3A_61] : memref<10240x128xf32, #tpu.memory_space<vmem_shared>> -> memref<64x128xf32, #tpu.memory_space<vmem_shared>>
      tpu.enqueue_dma source(%arg12 : memref<64x128xf32, #tpu.memory_space<vmem>>) target(%dma_start3A_62 : memref<64x128xf32, #tpu.memory_space<vmem_shared>>) target_semaphore(%run_scoped3A : memref<!tpu.dma_semaphore, #tpu.memory_space<semaphore_mem>>)
      %dma_wait3A = arith.constant 0 : i32
      %dma_wait3A_63 = tpu.memref_slice %arg13[%add3A_11, %dma_wait3A] : memref<10240x128xf32, #tpu.memory_space<vmem_shared>> -> memref<64x128xf32, #tpu.memory_space<vmem_shared>>
      %dma_wait3A_64 = arith.constant 0 : i32
      %dma_wait3A_65 = tpu.memref_slice %arg13[%add3A_11, %dma_wait3A_64] : memref<10240x128xf32, #tpu.memory_space<vmem_shared>> -> memref<64x128xf32, #tpu.memory_space<vmem_shared>>
      tpu.wait_dma2 semaphore(%run_scoped3A : memref<!tpu.dma_semaphore, #tpu.memory_space<semaphore_mem>>) src(%arg12 : memref<64x128xf32, #tpu.memory_space<vmem>>) dst(%dma_wait3A_65 : memref<64x128xf32, #tpu.memory_space<vmem_shared>>)
      tpu.yield
    }) : () -> ()
    %mul3A_12 = arith.constant 640 : i32
    %mul3A_13 = arith.muli %arg1, %mul3A_12 : i32
    %add3A_14 = arith.constant 64 : i32
    %add3A_15 = arith.addi %mul3A_13, %add3A_14 : i32
    "tpu.region"() ({
      %run_scoped3A = tpu.sem_alloc : memref<!tpu.dma_semaphore, #tpu.memory_space<semaphore_mem>>
      %dma_start3A = arith.constant 0 : i32
      %dma_start3A_60 = tpu.memref_slice %arg13[%add3A_15, %dma_start3A] : memref<10240x128xf32, #tpu.memory_space<vmem_shared>> -> memref<64x128xf32, #tpu.memory_space<vmem_shared>>
      %dma_start3A_61 = arith.constant 0 : i32
      %dma_start3A_62 = tpu.memref_slice %arg13[%add3A_15, %dma_start3A_61] : memref<10240x128xf32, #tpu.memory_space<vmem_shared>> -> memref<64x128xf32, #tpu.memory_space<vmem_shared>>
      tpu.enqueue_dma source(%arg12 : memref<64x128xf32, #tpu.memory_space<vmem>>) target(%dma_start3A_62 : memref<64x128xf32, #tpu.memory_space<vmem_shared>>) target_semaphore(%run_scoped3A : memref<!tpu.dma_semaphore, #tpu.memory_space<semaphore_mem>>)
      %dma_wait3A = arith.constant 0 : i32
      %dma_wait3A_63 = tpu.memref_slice %arg13[%add3A_15, %dma_wait3A] : memref<10240x128xf32, #tpu.memory_space<vmem_shared>> -> memref<64x128xf32, #tpu.memory_space<vmem_shared>>
      %dma_wait3A_64 = arith.constant 0 : i32
      %dma_wait3A_65 = tpu.memref_slice %arg13[%add3A_15, %dma_wait3A_64] : memref<10240x128xf32, #tpu.memory_space<vmem_shared>> -> memref<64x128xf32, #tpu.memory_space<vmem_shared>>
      tpu.wait_dma2 semaphore(%run_scoped3A : memref<!tpu.dma_semaphore, #tpu.memory_space<semaphore_mem>>) src(%arg12 : memref<64x128xf32, #tpu.memory_space<vmem>>) dst(%dma_wait3A_65 : memref<64x128xf32, #tpu.memory_space<vmem_shared>>)
      tpu.yield
    }) : () -> ()
    %mul3A_16 = arith.constant 640 : i32
    %mul3A_17 = arith.muli %arg1, %mul3A_16 : i32
    %add3A_18 = arith.constant 128 : i32
    %add3A_19 = arith.addi %mul3A_17, %add3A_18 : i32
    "tpu.region"() ({
      %run_scoped3A = tpu.sem_alloc : memref<!tpu.dma_semaphore, #tpu.memory_space<semaphore_mem>>
      %dma_start3A = arith.constant 0 : i32
      %dma_start3A_60 = tpu.memref_slice %arg13[%add3A_19, %dma_start3A] : memref<10240x128xf32, #tpu.memory_space<vmem_shared>> -> memref<64x128xf32, #tpu.memory_space<vmem_shared>>
      %dma_start3A_61 = arith.constant 0 : i32
      %dma_start3A_62 = tpu.memref_slice %arg13[%add3A_19, %dma_start3A_61] : memref<10240x128xf32, #tpu.memory_space<vmem_shared>> -> memref<64x128xf32, #tpu.memory_space<vmem_shared>>
      tpu.enqueue_dma source(%arg12 : memref<64x128xf32, #tpu.memory_space<vmem>>) target(%dma_start3A_62 : memref<64x128xf32, #tpu.memory_space<vmem_shared>>) target_semaphore(%run_scoped3A : memref<!tpu.dma_semaphore, #tpu.memory_space<semaphore_mem>>)
      %dma_wait3A = arith.constant 0 : i32
      %dma_wait3A_63 = tpu.memref_slice %arg13[%add3A_19, %dma_wait3A] : memref<10240x128xf32, #tpu.memory_space<vmem_shared>> -> memref<64x128xf32, #tpu.memory_space<vmem_shared>>
      %dma_wait3A_64 = arith.constant 0 : i32
      %dma_wait3A_65 = tpu.memref_slice %arg13[%add3A_19, %dma_wait3A_64] : memref<10240x128xf32, #tpu.memory_space<vmem_shared>> -> memref<64x128xf32, #tpu.memory_space<vmem_shared>>
      tpu.wait_dma2 semaphore(%run_scoped3A : memref<!tpu.dma_semaphore, #tpu.memory_space<semaphore_mem>>) src(%arg12 : memref<64x128xf32, #tpu.memory_space<vmem>>) dst(%dma_wait3A_65 : memref<64x128xf32, #tpu.memory_space<vmem_shared>>)
      tpu.yield
    }) : () -> ()
    %mul3A_20 = arith.constant 640 : i32
    %mul3A_21 = arith.muli %arg1, %mul3A_20 : i32
    %add3A_22 = arith.constant 192 : i32
    %add3A_23 = arith.addi %mul3A_21, %add3A_22 : i32
    "tpu.region"() ({
      %run_scoped3A = tpu.sem_alloc : memref<!tpu.dma_semaphore, #tpu.memory_space<semaphore_mem>>
      %dma_start3A = arith.constant 0 : i32
      %dma_start3A_60 = tpu.memref_slice %arg13[%add3A_23, %dma_start3A] : memref<10240x128xf32, #tpu.memory_space<vmem_shared>> -> memref<64x128xf32, #tpu.memory_space<vmem_shared>>
      %dma_start3A_61 = arith.constant 0 : i32
      %dma_start3A_62 = tpu.memref_slice %arg13[%add3A_23, %dma_start3A_61] : memref<10240x128xf32, #tpu.memory_space<vmem_shared>> -> memref<64x128xf32, #tpu.memory_space<vmem_shared>>
      tpu.enqueue_dma source(%arg12 : memref<64x128xf32, #tpu.memory_space<vmem>>) target(%dma_start3A_62 : memref<64x128xf32, #tpu.memory_space<vmem_shared>>) target_semaphore(%run_scoped3A : memref<!tpu.dma_semaphore, #tpu.memory_space<semaphore_mem>>)
      %dma_wait3A = arith.constant 0 : i32
      %dma_wait3A_63 = tpu.memref_slice %arg13[%add3A_23, %dma_wait3A] : memref<10240x128xf32, #tpu.memory_space<vmem_shared>> -> memref<64x128xf32, #tpu.memory_space<vmem_shared>>
      %dma_wait3A_64 = arith.constant 0 : i32
      %dma_wait3A_65 = tpu.memref_slice %arg13[%add3A_23, %dma_wait3A_64] : memref<10240x128xf32, #tpu.memory_space<vmem_shared>> -> memref<64x128xf32, #tpu.memory_space<vmem_shared>>
      tpu.wait_dma2 semaphore(%run_scoped3A : memref<!tpu.dma_semaphore, #tpu.memory_space<semaphore_mem>>) src(%arg12 : memref<64x128xf32, #tpu.memory_space<vmem>>) dst(%dma_wait3A_65 : memref<64x128xf32, #tpu.memory_space<vmem_shared>>)
      tpu.yield
    }) : () -> ()
    %mul3A_24 = arith.constant 640 : i32
    %mul3A_25 = arith.muli %arg1, %mul3A_24 : i32
    %add3A_26 = arith.constant 256 : i32
    %add3A_27 = arith.addi %mul3A_25, %add3A_26 : i32
    "tpu.region"() ({
      %run_scoped3A = tpu.sem_alloc : memref<!tpu.dma_semaphore, #tpu.memory_space<semaphore_mem>>
      %dma_start3A = arith.constant 0 : i32
      %dma_start3A_60 = tpu.memref_slice %arg13[%add3A_27, %dma_start3A] : memref<10240x128xf32, #tpu.memory_space<vmem_shared>> -> memref<64x128xf32, #tpu.memory_space<vmem_shared>>
      %dma_start3A_61 = arith.constant 0 : i32
      %dma_start3A_62 = tpu.memref_slice %arg13[%add3A_27, %dma_start3A_61] : memref<10240x128xf32, #tpu.memory_space<vmem_shared>> -> memref<64x128xf32, #tpu.memory_space<vmem_shared>>
      tpu.enqueue_dma source(%arg12 : memref<64x128xf32, #tpu.memory_space<vmem>>) target(%dma_start3A_62 : memref<64x128xf32, #tpu.memory_space<vmem_shared>>) target_semaphore(%run_scoped3A : memref<!tpu.dma_semaphore, #tpu.memory_space<semaphore_mem>>)
      %dma_wait3A = arith.constant 0 : i32
      %dma_wait3A_63 = tpu.memref_slice %arg13[%add3A_27, %dma_wait3A] : memref<10240x128xf32, #tpu.memory_space<vmem_shared>> -> memref<64x128xf32, #tpu.memory_space<vmem_shared>>
      %dma_wait3A_64 = arith.constant 0 : i32
      %dma_wait3A_65 = tpu.memref_slice %arg13[%add3A_27, %dma_wait3A_64] : memref<10240x128xf32, #tpu.memory_space<vmem_shared>> -> memref<64x128xf32, #tpu.memory_space<vmem_shared>>
      tpu.wait_dma2 semaphore(%run_scoped3A : memref<!tpu.dma_semaphore, #tpu.memory_space<semaphore_mem>>) src(%arg12 : memref<64x128xf32, #tpu.memory_space<vmem>>) dst(%dma_wait3A_65 : memref<64x128xf32, #tpu.memory_space<vmem_shared>>)
      tpu.yield
    }) : () -> ()
    %mul3A_28 = arith.constant 640 : i32
    %mul3A_29 = arith.muli %arg1, %mul3A_28 : i32
    %add3A_30 = arith.constant 320 : i32
    %add3A_31 = arith.addi %mul3A_29, %add3A_30 : i32
    "tpu.region"() ({
      %run_scoped3A = tpu.sem_alloc : memref<!tpu.dma_semaphore, #tpu.memory_space<semaphore_mem>>
      %dma_start3A = arith.constant 0 : i32
      %dma_start3A_60 = tpu.memref_slice %arg13[%add3A_31, %dma_start3A] : memref<10240x128xf32, #tpu.memory_space<vmem_shared>> -> memref<64x128xf32, #tpu.memory_space<vmem_shared>>
      %dma_start3A_61 = arith.constant 0 : i32
      %dma_start3A_62 = tpu.memref_slice %arg13[%add3A_31, %dma_start3A_61] : memref<10240x128xf32, #tpu.memory_space<vmem_shared>> -> memref<64x128xf32, #tpu.memory_space<vmem_shared>>
      tpu.enqueue_dma source(%arg12 : memref<64x128xf32, #tpu.memory_space<vmem>>) target(%dma_start3A_62 : memref<64x128xf32, #tpu.memory_space<vmem_shared>>) target_semaphore(%run_scoped3A : memref<!tpu.dma_semaphore, #tpu.memory_space<semaphore_mem>>)
      %dma_wait3A = arith.constant 0 : i32
      %dma_wait3A_63 = tpu.memref_slice %arg13[%add3A_31, %dma_wait3A] : memref<10240x128xf32, #tpu.memory_space<vmem_shared>> -> memref<64x128xf32, #tpu.memory_space<vmem_shared>>
      %dma_wait3A_64 = arith.constant 0 : i32
      %dma_wait3A_65 = tpu.memref_slice %arg13[%add3A_31, %dma_wait3A_64] : memref<10240x128xf32, #tpu.memory_space<vmem_shared>> -> memref<64x128xf32, #tpu.memory_space<vmem_shared>>
      tpu.wait_dma2 semaphore(%run_scoped3A : memref<!tpu.dma_semaphore, #tpu.memory_space<semaphore_mem>>) src(%arg12 : memref<64x128xf32, #tpu.memory_space<vmem>>) dst(%dma_wait3A_65 : memref<64x128xf32, #tpu.memory_space<vmem_shared>>)
      tpu.yield
    }) : () -> ()
    %mul3A_32 = arith.constant 640 : i32
    %mul3A_33 = arith.muli %arg1, %mul3A_32 : i32
    %add3A_34 = arith.constant 384 : i32
    %add3A_35 = arith.addi %mul3A_33, %add3A_34 : i32
    "tpu.region"() ({
      %run_scoped3A = tpu.sem_alloc : memref<!tpu.dma_semaphore, #tpu.memory_space<semaphore_mem>>
      %dma_start3A = arith.constant 0 : i32
      %dma_start3A_60 = tpu.memref_slice %arg13[%add3A_35, %dma_start3A] : memref<10240x128xf32, #tpu.memory_space<vmem_shared>> -> memref<64x128xf32, #tpu.memory_space<vmem_shared>>
      %dma_start3A_61 = arith.constant 0 : i32
      %dma_start3A_62 = tpu.memref_slice %arg13[%add3A_35, %dma_start3A_61] : memref<10240x128xf32, #tpu.memory_space<vmem_shared>> -> memref<64x128xf32, #tpu.memory_space<vmem_shared>>
      tpu.enqueue_dma source(%arg12 : memref<64x128xf32, #tpu.memory_space<vmem>>) target(%dma_start3A_62 : memref<64x128xf32, #tpu.memory_space<vmem_shared>>) target_semaphore(%run_scoped3A : memref<!tpu.dma_semaphore, #tpu.memory_space<semaphore_mem>>)
      %dma_wait3A = arith.constant 0 : i32
      %dma_wait3A_63 = tpu.memref_slice %arg13[%add3A_35, %dma_wait3A] : memref<10240x128xf32, #tpu.memory_space<vmem_shared>> -> memref<64x128xf32, #tpu.memory_space<vmem_shared>>
      %dma_wait3A_64 = arith.constant 0 : i32
      %dma_wait3A_65 = tpu.memref_slice %arg13[%add3A_35, %dma_wait3A_64] : memref<10240x128xf32, #tpu.memory_space<vmem_shared>> -> memref<64x128xf32, #tpu.memory_space<vmem_shared>>
      tpu.wait_dma2 semaphore(%run_scoped3A : memref<!tpu.dma_semaphore, #tpu.memory_space<semaphore_mem>>) src(%arg12 : memref<64x128xf32, #tpu.memory_space<vmem>>) dst(%dma_wait3A_65 : memref<64x128xf32, #tpu.memory_space<vmem_shared>>)
      tpu.yield
    }) : () -> ()
    %mul3A_36 = arith.constant 640 : i32
    %mul3A_37 = arith.muli %arg1, %mul3A_36 : i32
    %add3A_38 = arith.constant 448 : i32
    %add3A_39 = arith.addi %mul3A_37, %add3A_38 : i32
    "tpu.region"() ({
      %run_scoped3A = tpu.sem_alloc : memref<!tpu.dma_semaphore, #tpu.memory_space<semaphore_mem>>
      %dma_start3A = arith.constant 0 : i32
      %dma_start3A_60 = tpu.memref_slice %arg13[%add3A_39, %dma_start3A] : memref<10240x128xf32, #tpu.memory_space<vmem_shared>> -> memref<64x128xf32, #tpu.memory_space<vmem_shared>>
      %dma_start3A_61 = arith.constant 0 : i32
      %dma_start3A_62 = tpu.memref_slice %arg13[%add3A_39, %dma_start3A_61] : memref<10240x128xf32, #tpu.memory_space<vmem_shared>> -> memref<64x128xf32, #tpu.memory_space<vmem_shared>>
      tpu.enqueue_dma source(%arg12 : memref<64x128xf32, #tpu.memory_space<vmem>>) target(%dma_start3A_62 : memref<64x128xf32, #tpu.memory_space<vmem_shared>>) target_semaphore(%run_scoped3A : memref<!tpu.dma_semaphore, #tpu.memory_space<semaphore_mem>>)
      %dma_wait3A = arith.constant 0 : i32
      %dma_wait3A_63 = tpu.memref_slice %arg13[%add3A_39, %dma_wait3A] : memref<10240x128xf32, #tpu.memory_space<vmem_shared>> -> memref<64x128xf32, #tpu.memory_space<vmem_shared>>
      %dma_wait3A_64 = arith.constant 0 : i32
      %dma_wait3A_65 = tpu.memref_slice %arg13[%add3A_39, %dma_wait3A_64] : memref<10240x128xf32, #tpu.memory_space<vmem_shared>> -> memref<64x128xf32, #tpu.memory_space<vmem_shared>>
      tpu.wait_dma2 semaphore(%run_scoped3A : memref<!tpu.dma_semaphore, #tpu.memory_space<semaphore_mem>>) src(%arg12 : memref<64x128xf32, #tpu.memory_space<vmem>>) dst(%dma_wait3A_65 : memref<64x128xf32, #tpu.memory_space<vmem_shared>>)
      tpu.yield
    }) : () -> ()
    %mul3A_40 = arith.constant 640 : i32
    %mul3A_41 = arith.muli %arg1, %mul3A_40 : i32
    %add3A_42 = arith.constant 512 : i32
    %add3A_43 = arith.addi %mul3A_41, %add3A_42 : i32
    "tpu.region"() ({
      %run_scoped3A = tpu.sem_alloc : memref<!tpu.dma_semaphore, #tpu.memory_space<semaphore_mem>>
      %dma_start3A = arith.constant 0 : i32
      %dma_start3A_60 = tpu.memref_slice %arg13[%add3A_43, %dma_start3A] : memref<10240x128xf32, #tpu.memory_space<vmem_shared>> -> memref<64x128xf32, #tpu.memory_space<vmem_shared>>
      %dma_start3A_61 = arith.constant 0 : i32
      %dma_start3A_62 = tpu.memref_slice %arg13[%add3A_43, %dma_start3A_61] : memref<10240x128xf32, #tpu.memory_space<vmem_shared>> -> memref<64x128xf32, #tpu.memory_space<vmem_shared>>
      tpu.enqueue_dma source(%arg12 : memref<64x128xf32, #tpu.memory_space<vmem>>) target(%dma_start3A_62 : memref<64x128xf32, #tpu.memory_space<vmem_shared>>) target_semaphore(%run_scoped3A : memref<!tpu.dma_semaphore, #tpu.memory_space<semaphore_mem>>)
      %dma_wait3A = arith.constant 0 : i32
      %dma_wait3A_63 = tpu.memref_slice %arg13[%add3A_43, %dma_wait3A] : memref<10240x128xf32, #tpu.memory_space<vmem_shared>> -> memref<64x128xf32, #tpu.memory_space<vmem_shared>>
      %dma_wait3A_64 = arith.constant 0 : i32
      %dma_wait3A_65 = tpu.memref_slice %arg13[%add3A_43, %dma_wait3A_64] : memref<10240x128xf32, #tpu.memory_space<vmem_shared>> -> memref<64x128xf32, #tpu.memory_space<vmem_shared>>
      tpu.wait_dma2 semaphore(%run_scoped3A : memref<!tpu.dma_semaphore, #tpu.memory_space<semaphore_mem>>) src(%arg12 : memref<64x128xf32, #tpu.memory_space<vmem>>) dst(%dma_wait3A_65 : memref<64x128xf32, #tpu.memory_space<vmem_shared>>)
      tpu.yield
    }) : () -> ()
    %mul3A_44 = arith.constant 640 : i32
    %mul3A_45 = arith.muli %arg1, %mul3A_44 : i32
    %add3A_46 = arith.constant 576 : i32
    %add3A_47 = arith.addi %mul3A_45, %add3A_46 : i32
    "tpu.region"() ({
      %run_scoped3A = tpu.sem_alloc : memref<!tpu.dma_semaphore, #tpu.memory_space<semaphore_mem>>
      %dma_start3A = arith.constant 0 : i32
      %dma_start3A_60 = tpu.memref_slice %arg13[%add3A_47, %dma_start3A] : memref<10240x128xf32, #tpu.memory_space<vmem_shared>> -> memref<64x128xf32, #tpu.memory_space<vmem_shared>>
      %dma_start3A_61 = arith.constant 0 : i32
      %dma_start3A_62 = tpu.memref_slice %arg13[%add3A_47, %dma_start3A_61] : memref<10240x128xf32, #tpu.memory_space<vmem_shared>> -> memref<64x128xf32, #tpu.memory_space<vmem_shared>>
      tpu.enqueue_dma source(%arg12 : memref<64x128xf32, #tpu.memory_space<vmem>>) target(%dma_start3A_62 : memref<64x128xf32, #tpu.memory_space<vmem_shared>>) target_semaphore(%run_scoped3A : memref<!tpu.dma_semaphore, #tpu.memory_space<semaphore_mem>>)
      %dma_wait3A = arith.constant 0 : i32
      %dma_wait3A_63 = tpu.memref_slice %arg13[%add3A_47, %dma_wait3A] : memref<10240x128xf32, #tpu.memory_space<vmem_shared>> -> memref<64x128xf32, #tpu.memory_space<vmem_shared>>
      %dma_wait3A_64 = arith.constant 0 : i32
      %dma_wait3A_65 = tpu.memref_slice %arg13[%add3A_47, %dma_wait3A_64] : memref<10240x128xf32, #tpu.memory_space<vmem_shared>> -> memref<64x128xf32, #tpu.memory_space<vmem_shared>>
      tpu.wait_dma2 semaphore(%run_scoped3A : memref<!tpu.dma_semaphore, #tpu.memory_space<semaphore_mem>>) src(%arg12 : memref<64x128xf32, #tpu.memory_space<vmem>>) dst(%dma_wait3A_65 : memref<64x128xf32, #tpu.memory_space<vmem_shared>>)
      tpu.yield
    }) : () -> ()
    %barrier3A = arith.constant 0 : index
    tpu.barrier barrier_id(%barrier3A)
    %scan3A_48 = arith.constant 0 : i32
    %scan3A_49 = arith.constant 0 : i32
    %scan3A_50 = arith.constant 5 : i32
    %scan3A_51 = arith.addi %scan3A_49, %scan3A_50 : i32
    %scan3A_52 = arith.constant 1 : i32
    %scan3A_53 = scf.for %scan3A_60 = %scan3A_49 to %scan3A_51 step %scan3A_52 iter_args(%scan3A_61 = %scan3A_48) -> (i32)  : i32 {
      "tpu.region"() ({
        %run_scoped3A = tpu.sem_alloc : memref<!tpu.dma_semaphore, #tpu.memory_space<semaphore_mem>>
        %dma_start3A_138 = arith.constant 0 : i32
        %dma_start3A_139 = arith.constant 0 : i32
        %dma_start3A_140 = tpu.memref_slice %arg3[%add3A, %scan3A_60, %dma_start3A_138, %dma_start3A_139] : memref<32x5x16x128xi32, #tpu.memory_space<hbm>> -> memref<1x1x16x128xi32, #tpu.memory_space<hbm>>
        %dma_start3A_141 = tpu.memref_squeeze %dma_start3A_140 : memref<1x1x16x128xi32, #tpu.memory_space<hbm>> -> memref<16x128xi32, #tpu.memory_space<hbm>>
        %dma_start3A_142 = arith.constant 0 : i32
        %dma_start3A_143 = arith.constant 0 : i32
        %dma_start3A_144 = tpu.memref_slice %arg3[%add3A, %scan3A_60, %dma_start3A_142, %dma_start3A_143] : memref<32x5x16x128xi32, #tpu.memory_space<hbm>> -> memref<1x1x16x128xi32, #tpu.memory_space<hbm>>
        %dma_start3A_145 = tpu.memref_squeeze %dma_start3A_144 : memref<1x1x16x128xi32, #tpu.memory_space<hbm>> -> memref<16x128xi32, #tpu.memory_space<hbm>>
        tpu.enqueue_dma source(%dma_start3A_145 : memref<16x128xi32, #tpu.memory_space<hbm>>) target(%arg7 : memref<16x128xi32, #tpu.memory_space<vmem>>) target_semaphore(%run_scoped3A : memref<!tpu.dma_semaphore, #tpu.memory_space<semaphore_mem>>)
        %dma_wait3A_146 = arith.constant 0 : i32
        %dma_wait3A_147 = arith.constant 0 : i32
        %dma_wait3A_148 = tpu.memref_slice %arg3[%add3A, %scan3A_60, %dma_wait3A_146, %dma_wait3A_147] : memref<32x5x16x128xi32, #tpu.memory_space<hbm>> -> memref<1x1x16x128xi32, #tpu.memory_space<hbm>>
        %dma_wait3A_149 = tpu.memref_squeeze %dma_wait3A_148 : memref<1x1x16x128xi32, #tpu.memory_space<hbm>> -> memref<16x128xi32, #tpu.memory_space<hbm>>
        %dma_wait3A_150 = arith.constant 0 : i32
        %dma_wait3A_151 = arith.constant 0 : i32
        %dma_wait3A_152 = tpu.memref_slice %arg3[%add3A, %scan3A_60, %dma_wait3A_150, %dma_wait3A_151] : memref<32x5x16x128xi32, #tpu.memory_space<hbm>> -> memref<1x1x16x128xi32, #tpu.memory_space<hbm>>
        %dma_wait3A_153 = tpu.memref_squeeze %dma_wait3A_152 : memref<1x1x16x128xi32, #tpu.memory_space<hbm>> -> memref<16x128xi32, #tpu.memory_space<hbm>>
        tpu.wait_dma2 semaphore(%run_scoped3A : memref<!tpu.dma_semaphore, #tpu.memory_space<semaphore_mem>>) src(%dma_wait3A_153 : memref<16x128xi32, #tpu.memory_space<hbm>>) dst(%arg7 : memref<16x128xi32, #tpu.memory_space<vmem>>)
        tpu.yield
      }) : () -> ()
      "tpu.region"() ({
        %run_scoped3A = tpu.sem_alloc : memref<!tpu.dma_semaphore, #tpu.memory_space<semaphore_mem>>
        %dma_start3A_138 = arith.constant 0 : i32
        %dma_start3A_139 = arith.constant 0 : i32
        %dma_start3A_140 = tpu.memref_slice %arg4[%add3A, %scan3A_60, %dma_start3A_138, %dma_start3A_139] : memref<32x5x16x128xi32, #tpu.memory_space<hbm>> -> memref<1x1x16x128xi32, #tpu.memory_space<hbm>>
        %dma_start3A_141 = tpu.memref_squeeze %dma_start3A_140 : memref<1x1x16x128xi32, #tpu.memory_space<hbm>> -> memref<16x128xi32, #tpu.memory_space<hbm>>
        %dma_start3A_142 = arith.constant 0 : i32
        %dma_start3A_143 = arith.constant 0 : i32
        %dma_start3A_144 = tpu.memref_slice %arg4[%add3A, %scan3A_60, %dma_start3A_142, %dma_start3A_143] : memref<32x5x16x128xi32, #tpu.memory_space<hbm>> -> memref<1x1x16x128xi32, #tpu.memory_space<hbm>>
        %dma_start3A_145 = tpu.memref_squeeze %dma_start3A_144 : memref<1x1x16x128xi32, #tpu.memory_space<hbm>> -> memref<16x128xi32, #tpu.memory_space<hbm>>
        tpu.enqueue_dma source(%dma_start3A_145 : memref<16x128xi32, #tpu.memory_space<hbm>>) target(%arg8 : memref<16x128xi32, #tpu.memory_space<vmem>>) target_semaphore(%run_scoped3A : memref<!tpu.dma_semaphore, #tpu.memory_space<semaphore_mem>>)
        %dma_wait3A_146 = arith.constant 0 : i32
        %dma_wait3A_147 = arith.constant 0 : i32
        %dma_wait3A_148 = tpu.memref_slice %arg4[%add3A, %scan3A_60, %dma_wait3A_146, %dma_wait3A_147] : memref<32x5x16x128xi32, #tpu.memory_space<hbm>> -> memref<1x1x16x128xi32, #tpu.memory_space<hbm>>
        %dma_wait3A_149 = tpu.memref_squeeze %dma_wait3A_148 : memref<1x1x16x128xi32, #tpu.memory_space<hbm>> -> memref<16x128xi32, #tpu.memory_space<hbm>>
        %dma_wait3A_150 = arith.constant 0 : i32
        %dma_wait3A_151 = arith.constant 0 : i32
        %dma_wait3A_152 = tpu.memref_slice %arg4[%add3A, %scan3A_60, %dma_wait3A_150, %dma_wait3A_151] : memref<32x5x16x128xi32, #tpu.memory_space<hbm>> -> memref<1x1x16x128xi32, #tpu.memory_space<hbm>>
        %dma_wait3A_153 = tpu.memref_squeeze %dma_wait3A_152 : memref<1x1x16x128xi32, #tpu.memory_space<hbm>> -> memref<16x128xi32, #tpu.memory_space<hbm>>
        tpu.wait_dma2 semaphore(%run_scoped3A : memref<!tpu.dma_semaphore, #tpu.memory_space<semaphore_mem>>) src(%dma_wait3A_153 : memref<16x128xi32, #tpu.memory_space<hbm>>) dst(%arg8 : memref<16x128xi32, #tpu.memory_space<vmem>>)
        tpu.yield
      }) : () -> ()
      "tpu.region"() ({
        %run_scoped3A = tpu.sem_alloc : memref<!tpu.dma_semaphore, #tpu.memory_space<semaphore_mem>>
        %dma_start3A_138 = arith.constant 0 : i32
        %dma_start3A_139 = tpu.memref_slice %arg5[%add3A, %scan3A_60, %dma_start3A_138] : memref<32x5x2048xf32, #tpu.memory_space<hbm>> -> memref<1x1x2048xf32, #tpu.memory_space<hbm>>
        %dma_start3A_140 = tpu.memref_squeeze %dma_start3A_139 : memref<1x1x2048xf32, #tpu.memory_space<hbm>> -> memref<2048xf32, #tpu.memory_space<hbm>>
        %dma_start3A_141 = arith.constant 0 : i32
        %dma_start3A_142 = tpu.memref_slice %arg5[%add3A, %scan3A_60, %dma_start3A_141] : memref<32x5x2048xf32, #tpu.memory_space<hbm>> -> memref<1x1x2048xf32, #tpu.memory_space<hbm>>
        %dma_start3A_143 = tpu.memref_squeeze %dma_start3A_142 : memref<1x1x2048xf32, #tpu.memory_space<hbm>> -> memref<2048xf32, #tpu.memory_space<hbm>>
        tpu.enqueue_dma source(%dma_start3A_143 : memref<2048xf32, #tpu.memory_space<hbm>>) target(%arg9 : memref<2048xf32, #tpu.memory_space<vmem>>) target_semaphore(%run_scoped3A : memref<!tpu.dma_semaphore, #tpu.memory_space<semaphore_mem>>)
        %dma_wait3A_144 = arith.constant 0 : i32
        %dma_wait3A_145 = tpu.memref_slice %arg5[%add3A, %scan3A_60, %dma_wait3A_144] : memref<32x5x2048xf32, #tpu.memory_space<hbm>> -> memref<1x1x2048xf32, #tpu.memory_space<hbm>>
        %dma_wait3A_146 = tpu.memref_squeeze %dma_wait3A_145 : memref<1x1x2048xf32, #tpu.memory_space<hbm>> -> memref<2048xf32, #tpu.memory_space<hbm>>
        %dma_wait3A_147 = arith.constant 0 : i32
        %dma_wait3A_148 = tpu.memref_slice %arg5[%add3A, %scan3A_60, %dma_wait3A_147] : memref<32x5x2048xf32, #tpu.memory_space<hbm>> -> memref<1x1x2048xf32, #tpu.memory_space<hbm>>
        %dma_wait3A_149 = tpu.memref_squeeze %dma_wait3A_148 : memref<1x1x2048xf32, #tpu.memory_space<hbm>> -> memref<2048xf32, #tpu.memory_space<hbm>>
        tpu.wait_dma2 semaphore(%run_scoped3A : memref<!tpu.dma_semaphore, #tpu.memory_space<semaphore_mem>>) src(%dma_wait3A_149 : memref<2048xf32, #tpu.memory_space<hbm>>) dst(%arg9 : memref<2048xf32, #tpu.memory_space<vmem>>)
        tpu.yield
      }) : () -> ()
      %dma_start3A = arith.constant 0 : i32
      %dma_start3A_62 = arith.constant 0 : i32
      %dma_start3A_63 = tpu.memref_slice %arg7[%dma_start3A, %dma_start3A_62] : memref<16x128xi32, #tpu.memory_space<vmem>> -> memref<1x128xi32, #tpu.memory_space<vmem>>
      %dma_start3A_64 = tpu.memref_squeeze %dma_start3A_63 : memref<1x128xi32, #tpu.memory_space<vmem>> -> memref<128xi32, #tpu.memory_space<vmem>>
      %dma_start3A_65 = arith.constant 0 : i32
      %dma_start3A_66 = arith.constant 0 : i32
      %dma_start3A_67 = tpu.memref_slice %arg2[%dma_start3A_65, %dma_start3A_66] : memref<10000x128xf32, #tpu.memory_space<hbm>> -> memref<10000x128xf32, #tpu.memory_space<hbm>>
      tpu.enqueue_indirect_dma source(%dma_start3A_67 : memref<10000x128xf32, #tpu.memory_space<hbm>>) target(%arg10 : memref<128x128xf32, #tpu.memory_space<vmem>>) offsets(%dma_start3A_64 : memref<128xi32, #tpu.memory_space<vmem>>) semaphore(%arg14 : memref<!tpu.dma_semaphore, #tpu.memory_space<semaphore_mem>>)
      %dma_wait3A = arith.constant 0 : i32
      %dma_wait3A_68 = arith.constant 0 : i32
      %dma_wait3A_69 = tpu.memref_slice %arg7[%dma_wait3A, %dma_wait3A_68] : memref<16x128xi32, #tpu.memory_space<vmem>> -> memref<1x128xi32, #tpu.memory_space<vmem>>
      %dma_wait3A_70 = tpu.memref_squeeze %dma_wait3A_69 : memref<1x128xi32, #tpu.memory_space<vmem>> -> memref<128xi32, #tpu.memory_space<vmem>>
      %dma_wait3A_71 = arith.constant 0 : i32
      %dma_wait3A_72 = arith.constant 0 : i32
      %dma_wait3A_73 = tpu.memref_slice %arg2[%dma_wait3A_71, %dma_wait3A_72] : memref<10000x128xf32, #tpu.memory_space<hbm>> -> memref<10000x128xf32, #tpu.memory_space<hbm>>
      tpu.wait_indirect_dma semaphore(%arg14 : memref<!tpu.dma_semaphore, #tpu.memory_space<semaphore_mem>>) src(%dma_wait3A_73 : memref<10000x128xf32, #tpu.memory_space<hbm>>) dst(%arg10 : memref<128x128xf32, #tpu.memory_space<vmem>>)
      %dma_start3A_74 = arith.constant 1 : i32
      %dma_start3A_75 = arith.constant 0 : i32
      %dma_start3A_76 = tpu.memref_slice %arg7[%dma_start3A_74, %dma_start3A_75] : memref<16x128xi32, #tpu.memory_space<vmem>> -> memref<1x128xi32, #tpu.memory_space<vmem>>
      %dma_start3A_77 = tpu.memref_squeeze %dma_start3A_76 : memref<1x128xi32, #tpu.memory_space<vmem>> -> memref<128xi32, #tpu.memory_space<vmem>>
      %dma_start3A_78 = arith.constant 0 : i32
      %dma_start3A_79 = arith.constant 0 : i32
      %dma_start3A_80 = tpu.memref_slice %arg2[%dma_start3A_78, %dma_start3A_79] : memref<10000x128xf32, #tpu.memory_space<hbm>> -> memref<10000x128xf32, #tpu.memory_space<hbm>>
      tpu.enqueue_indirect_dma source(%dma_start3A_80 : memref<10000x128xf32, #tpu.memory_space<hbm>>) target(%arg11 : memref<128x128xf32, #tpu.memory_space<vmem>>) offsets(%dma_start3A_77 : memref<128xi32, #tpu.memory_space<vmem>>) semaphore(%arg15 : memref<!tpu.dma_semaphore, #tpu.memory_space<semaphore_mem>>)
      %scan3A_81 = arith.constant 0 : i32
      %scan3A_82 = arith.constant 0 : i32
      %scan3A_83 = arith.constant 128 : i32
      %scan3A_84 = arith.addi %scan3A_82, %scan3A_83 : i32
      %scan3A_85 = arith.constant 1 : i32
      %scan3A_86 = scf.for %scan3A_138 = %scan3A_82 to %scan3A_84 step %scan3A_85 iter_args(%scan3A_139 = %scan3A_81) -> (i32)  : i32 {
        %add3A_140 = arith.constant 0 : i32
        %add3A_141 = arith.addi %add3A_140, %scan3A_138 : i32
        %broadcast_in_dim3A_142 = vector.broadcast %add3A_141 : i32 to vector<16xi32>
        %gather3A = tpu.vector_load_idx %arg9[%broadcast_in_dim3A_142] : memref<2048xf32, #tpu.memory_space<vmem>>[vector<16xi32>], vector<16xf32>,
        %get3A = arith.index_cast %scan3A_138 : i32 to index
        %get3A_143 = arith.constant 0 : index
        %get3A_144 = tpu.vector_load %arg10[%get3A, %get3A_143] {strides = array<i32>} : memref<128x128xf32, #tpu.memory_space<vmem>>, vector<16xf32>,
        %mul3A_145 = arith.mulf %get3A_144, %gather3A : vector<16xf32>
        %swap3A = arith.index_cast %scan3A_138 : i32 to index
        %swap3A_146 = arith.constant 0 : index
        %swap3A_147 = tpu.vector_load %arg10[%swap3A, %swap3A_146] {strides = array<i32>} : memref<128x128xf32, #tpu.memory_space<vmem>>, vector<16xf32>,
        tpu.vector_store %arg10[%swap3A, %swap3A_146], %mul3A_145 {strides = array<i32>} : memref<128x128xf32, #tpu.memory_space<vmem>>, vector<16xf32>,
        %get3A_148 = arith.index_cast %scan3A_138 : i32 to index
        %get3A_149 = arith.constant 16 : index
        %get3A_150 = tpu.vector_load %arg10[%get3A_148, %get3A_149] {strides = array<i32>} : memref<128x128xf32, #tpu.memory_space<vmem>>, vector<16xf32>,
        %mul3A_151 = arith.mulf %get3A_150, %gather3A : vector<16xf32>
        %swap3A_152 = arith.index_cast %scan3A_138 : i32 to index
        %swap3A_153 = arith.constant 16 : index
        %swap3A_154 = tpu.vector_load %arg10[%swap3A_152, %swap3A_153] {strides = array<i32>} : memref<128x128xf32, #tpu.memory_space<vmem>>, vector<16xf32>,
        tpu.vector_store %arg10[%swap3A_152, %swap3A_153], %mul3A_151 {strides = array<i32>} : memref<128x128xf32, #tpu.memory_space<vmem>>, vector<16xf32>,
        %get3A_155 = arith.index_cast %scan3A_138 : i32 to index
        %get3A_156 = arith.constant 32 : index
        %get3A_157 = tpu.vector_load %arg10[%get3A_155, %get3A_156] {strides = array<i32>} : memref<128x128xf32, #tpu.memory_space<vmem>>, vector<16xf32>,
        %mul3A_158 = arith.mulf %get3A_157, %gather3A : vector<16xf32>
        %swap3A_159 = arith.index_cast %scan3A_138 : i32 to index
        %swap3A_160 = arith.constant 32 : index
        %swap3A_161 = tpu.vector_load %arg10[%swap3A_159, %swap3A_160] {strides = array<i32>} : memref<128x128xf32, #tpu.memory_space<vmem>>, vector<16xf32>,
        tpu.vector_store %arg10[%swap3A_159, %swap3A_160], %mul3A_158 {strides = array<i32>} : memref<128x128xf32, #tpu.memory_space<vmem>>, vector<16xf32>,
        %get3A_162 = arith.index_cast %scan3A_138 : i32 to index
        %get3A_163 = arith.constant 48 : index
        %get3A_164 = tpu.vector_load %arg10[%get3A_162, %get3A_163] {strides = array<i32>} : memref<128x128xf32, #tpu.memory_space<vmem>>, vector<16xf32>,
        %mul3A_165 = arith.mulf %get3A_164, %gather3A : vector<16xf32>
        %swap3A_166 = arith.index_cast %scan3A_138 : i32 to index
        %swap3A_167 = arith.constant 48 : index
        %swap3A_168 = tpu.vector_load %arg10[%swap3A_166, %swap3A_167] {strides = array<i32>} : memref<128x128xf32, #tpu.memory_space<vmem>>, vector<16xf32>,
        tpu.vector_store %arg10[%swap3A_166, %swap3A_167], %mul3A_165 {strides = array<i32>} : memref<128x128xf32, #tpu.memory_space<vmem>>, vector<16xf32>,
        %get3A_169 = arith.index_cast %scan3A_138 : i32 to index
        %get3A_170 = arith.constant 64 : index
        %get3A_171 = tpu.vector_load %arg10[%get3A_169, %get3A_170] {strides = array<i32>} : memref<128x128xf32, #tpu.memory_space<vmem>>, vector<16xf32>,
        %mul3A_172 = arith.mulf %get3A_171, %gather3A : vector<16xf32>
        %swap3A_173 = arith.index_cast %scan3A_138 : i32 to index
        %swap3A_174 = arith.constant 64 : index
        %swap3A_175 = tpu.vector_load %arg10[%swap3A_173, %swap3A_174] {strides = array<i32>} : memref<128x128xf32, #tpu.memory_space<vmem>>, vector<16xf32>,
        tpu.vector_store %arg10[%swap3A_173, %swap3A_174], %mul3A_172 {strides = array<i32>} : memref<128x128xf32, #tpu.memory_space<vmem>>, vector<16xf32>,
        %get3A_176 = arith.index_cast %scan3A_138 : i32 to index
        %get3A_177 = arith.constant 80 : index
        %get3A_178 = tpu.vector_load %arg10[%get3A_176, %get3A_177] {strides = array<i32>} : memref<128x128xf32, #tpu.memory_space<vmem>>, vector<16xf32>,
        %mul3A_179 = arith.mulf %get3A_178, %gather3A : vector<16xf32>
        %swap3A_180 = arith.index_cast %scan3A_138 : i32 to index
        %swap3A_181 = arith.constant 80 : index
        %swap3A_182 = tpu.vector_load %arg10[%swap3A_180, %swap3A_181] {strides = array<i32>} : memref<128x128xf32, #tpu.memory_space<vmem>>, vector<16xf32>,
        tpu.vector_store %arg10[%swap3A_180, %swap3A_181], %mul3A_179 {strides = array<i32>} : memref<128x128xf32, #tpu.memory_space<vmem>>, vector<16xf32>,
        %get3A_183 = arith.index_cast %scan3A_138 : i32 to index
        %get3A_184 = arith.constant 96 : index
        %get3A_185 = tpu.vector_load %arg10[%get3A_183, %get3A_184] {strides = array<i32>} : memref<128x128xf32, #tpu.memory_space<vmem>>, vector<16xf32>,
        %mul3A_186 = arith.mulf %get3A_185, %gather3A : vector<16xf32>
        %swap3A_187 = arith.index_cast %scan3A_138 : i32 to index
        %swap3A_188 = arith.constant 96 : index
        %swap3A_189 = tpu.vector_load %arg10[%swap3A_187, %swap3A_188] {strides = array<i32>} : memref<128x128xf32, #tpu.memory_space<vmem>>, vector<16xf32>,
        tpu.vector_store %arg10[%swap3A_187, %swap3A_188], %mul3A_186 {strides = array<i32>} : memref<128x128xf32, #tpu.memory_space<vmem>>, vector<16xf32>,
        %get3A_190 = arith.index_cast %scan3A_138 : i32 to index
        %get3A_191 = arith.constant 112 : index
        %get3A_192 = tpu.vector_load %arg10[%get3A_190, %get3A_191] {strides = array<i32>} : memref<128x128xf32, #tpu.memory_space<vmem>>, vector<16xf32>,
        %mul3A_193 = arith.mulf %get3A_192, %gather3A : vector<16xf32>
        %swap3A_194 = arith.index_cast %scan3A_138 : i32 to index
        %swap3A_195 = arith.constant 112 : index
        %swap3A_196 = tpu.vector_load %arg10[%swap3A_194, %swap3A_195] {strides = array<i32>} : memref<128x128xf32, #tpu.memory_space<vmem>>, vector<16xf32>,
        tpu.vector_store %arg10[%swap3A_194, %swap3A_195], %mul3A_193 {strides = array<i32>} : memref<128x128xf32, #tpu.memory_space<vmem>>, vector<16xf32>,
        %scan3A_197 = arith.constant 0 : i32
        scf.yield %scan3A_197 : i32
      }
      %scan3A_87 = arith.constant 128 : i32
      %dma_start3A_88 = arith.constant 0 : i32
      %dma_start3A_89 = arith.constant 0 : i32
      %dma_start3A_90 = tpu.memref_slice %arg8[%dma_start3A_88, %dma_start3A_89] : memref<16x128xi32, #tpu.memory_space<vmem>> -> memref<1x128xi32, #tpu.memory_space<vmem>>
      %dma_start3A_91 = tpu.memref_squeeze %dma_start3A_90 : memref<1x128xi32, #tpu.memory_space<vmem>> -> memref<128xi32, #tpu.memory_space<vmem>>
      %dma_start3A_92 = arith.constant 0 : i32
      %dma_start3A_93 = arith.constant 0 : i32
      %dma_start3A_94 = tpu.memref_slice %arg13[%dma_start3A_92, %dma_start3A_93] : memref<10240x128xf32, #tpu.memory_space<vmem_shared>> -> memref<10240x128xf32, #tpu.memory_space<vmem_shared>>
      tpu.enqueue_indirect_dma source(%arg10 : memref<128x128xf32, #tpu.memory_space<vmem>>) target(%dma_start3A_94 : memref<10240x128xf32, #tpu.memory_space<vmem_shared>>) offsets(%dma_start3A_91 : memref<128xi32, #tpu.memory_space<vmem>>) semaphore(%arg16 : memref<!tpu.dma_semaphore, #tpu.memory_space<semaphore_mem>>) {add = true}
      %scan3A_95 = arith.constant 0 : i32
      %scan3A_96 = arith.constant 1 : i32
      %scan3A_97 = arith.constant 7 : i32
      %scan3A_98 = arith.addi %scan3A_96, %scan3A_97 : i32
      %scan3A_99 = arith.constant 1 : i32
      %scan3A_100 = scf.for %scan3A_138 = %scan3A_96 to %scan3A_98 step %scan3A_99 iter_args(%scan3A_139 = %scan3A_95) -> (i32)  : i32 {
        %dma_wait3A_140 = arith.constant 0 : i32
        %dma_wait3A_141 = arith.constant 0 : i32
        %dma_wait3A_142 = tpu.memref_slice %arg8[%dma_wait3A_140, %dma_wait3A_141] : memref<16x128xi32, #tpu.memory_space<vmem>> -> memref<1x128xi32, #tpu.memory_space<vmem>>
        %dma_wait3A_143 = tpu.memref_squeeze %dma_wait3A_142 : memref<1x128xi32, #tpu.memory_space<vmem>> -> memref<128xi32, #tpu.memory_space<vmem>>
        %dma_wait3A_144 = arith.constant 0 : i32
        %dma_wait3A_145 = arith.constant 0 : i32
        %dma_wait3A_146 = tpu.memref_slice %arg13[%dma_wait3A_144, %dma_wait3A_145] : memref<10240x128xf32, #tpu.memory_space<vmem_shared>> -> memref<10240x128xf32, #tpu.memory_space<vmem_shared>>
        tpu.wait_indirect_dma semaphore(%arg16 : memref<!tpu.dma_semaphore, #tpu.memory_space<semaphore_mem>>) src(%arg10 : memref<128x128xf32, #tpu.memory_space<vmem>>) dst(%dma_wait3A_146 : memref<10240x128xf32, #tpu.memory_space<vmem_shared>>)
        %mul3A_147 = arith.constant 2 : i32
        %mul3A_148 = arith.muli %mul3A_147, %scan3A_138 : i32
        %dma_start3A_149 = arith.constant 0 : i32
        %dma_start3A_150 = tpu.memref_slice %arg7[%mul3A_148, %dma_start3A_149] : memref<16x128xi32, #tpu.memory_space<vmem>> -> memref<1x128xi32, #tpu.memory_space<vmem>>
        %dma_start3A_151 = tpu.memref_squeeze %dma_start3A_150 : memref<1x128xi32, #tpu.memory_space<vmem>> -> memref<128xi32, #tpu.memory_space<vmem>>
        %dma_start3A_152 = arith.constant 0 : i32
        %dma_start3A_153 = arith.constant 0 : i32
        %dma_start3A_154 = tpu.memref_slice %arg2[%dma_start3A_152, %dma_start3A_153] : memref<10000x128xf32, #tpu.memory_space<hbm>> -> memref<10000x128xf32, #tpu.memory_space<hbm>>
        tpu.enqueue_indirect_dma source(%dma_start3A_154 : memref<10000x128xf32, #tpu.memory_space<hbm>>) target(%arg10 : memref<128x128xf32, #tpu.memory_space<vmem>>) offsets(%dma_start3A_151 : memref<128xi32, #tpu.memory_space<vmem>>) semaphore(%arg14 : memref<!tpu.dma_semaphore, #tpu.memory_space<semaphore_mem>>)
        %dma_wait3A_155 = arith.constant 0 : i32
        %dma_wait3A_156 = arith.constant 0 : i32
        %dma_wait3A_157 = tpu.memref_slice %arg7[%dma_wait3A_155, %dma_wait3A_156] : memref<16x128xi32, #tpu.memory_space<vmem>> -> memref<1x128xi32, #tpu.memory_space<vmem>>
        %dma_wait3A_158 = tpu.memref_squeeze %dma_wait3A_157 : memref<1x128xi32, #tpu.memory_space<vmem>> -> memref<128xi32, #tpu.memory_space<vmem>>
        %dma_wait3A_159 = arith.constant 0 : i32
        %dma_wait3A_160 = arith.constant 0 : i32
        %dma_wait3A_161 = tpu.memref_slice %arg2[%dma_wait3A_159, %dma_wait3A_160] : memref<10000x128xf32, #tpu.memory_space<hbm>> -> memref<10000x128xf32, #tpu.memory_space<hbm>>
        tpu.wait_indirect_dma semaphore(%arg15 : memref<!tpu.dma_semaphore, #tpu.memory_space<semaphore_mem>>) src(%dma_wait3A_161 : memref<10000x128xf32, #tpu.memory_space<hbm>>) dst(%arg11 : memref<128x128xf32, #tpu.memory_space<vmem>>)
        %mul3A_162 = arith.constant 2 : i32
        %mul3A_163 = arith.muli %mul3A_162, %scan3A_138 : i32
        %sub3A = arith.constant 1 : i32
        %sub3A_164 = arith.subi %mul3A_163, %sub3A : i32
        %scan3A_165 = arith.constant 0 : i32
        %scan3A_166 = arith.constant 0 : i32
        %scan3A_167 = arith.constant 128 : i32
        %scan3A_168 = arith.addi %scan3A_166, %scan3A_167 : i32
        %scan3A_169 = arith.constant 1 : i32
        %scan3A_170 = scf.for %scan3A_224 = %scan3A_166 to %scan3A_168 step %scan3A_169 iter_args(%scan3A_225 = %scan3A_165) -> (i32)  : i32 {
          %mul3A_226 = arith.constant 128 : i32
          %mul3A_227 = arith.muli %sub3A_164, %mul3A_226 : i32
          %add3A_228 = arith.addi %mul3A_227, %scan3A_224 : i32
          %broadcast_in_dim3A_229 = vector.broadcast %add3A_228 : i32 to vector<16xi32>
          %gather3A = tpu.vector_load_idx %arg9[%broadcast_in_dim3A_229] : memref<2048xf32, #tpu.memory_space<vmem>>[vector<16xi32>], vector<16xf32>,
          %get3A = arith.index_cast %scan3A_224 : i32 to index
          %get3A_230 = arith.constant 0 : index
          %get3A_231 = tpu.vector_load %arg11[%get3A, %get3A_230] {strides = array<i32>} : memref<128x128xf32, #tpu.memory_space<vmem>>, vector<16xf32>,
          %mul3A_232 = arith.mulf %get3A_231, %gather3A : vector<16xf32>
          %swap3A = arith.index_cast %scan3A_224 : i32 to index
          %swap3A_233 = arith.constant 0 : index
          %swap3A_234 = tpu.vector_load %arg11[%swap3A, %swap3A_233] {strides = array<i32>} : memref<128x128xf32, #tpu.memory_space<vmem>>, vector<16xf32>,
          tpu.vector_store %arg11[%swap3A, %swap3A_233], %mul3A_232 {strides = array<i32>} : memref<128x128xf32, #tpu.memory_space<vmem>>, vector<16xf32>,
          %get3A_235 = arith.index_cast %scan3A_224 : i32 to index
          %get3A_236 = arith.constant 16 : index
          %get3A_237 = tpu.vector_load %arg11[%get3A_235, %get3A_236] {strides = array<i32>} : memref<128x128xf32, #tpu.memory_space<vmem>>, vector<16xf32>,
          %mul3A_238 = arith.mulf %get3A_237, %gather3A : vector<16xf32>
          %swap3A_239 = arith.index_cast %scan3A_224 : i32 to index
          %swap3A_240 = arith.constant 16 : index
          %swap3A_241 = tpu.vector_load %arg11[%swap3A_239, %swap3A_240] {strides = array<i32>} : memref<128x128xf32, #tpu.memory_space<vmem>>, vector<16xf32>,
          tpu.vector_store %arg11[%swap3A_239, %swap3A_240], %mul3A_238 {strides = array<i32>} : memref<128x128xf32, #tpu.memory_space<vmem>>, vector<16xf32>,
          %get3A_242 = arith.index_cast %scan3A_224 : i32 to index
          %get3A_243 = arith.constant 32 : index
          %get3A_244 = tpu.vector_load %arg11[%get3A_242, %get3A_243] {strides = array<i32>} : memref<128x128xf32, #tpu.memory_space<vmem>>, vector<16xf32>,
          %mul3A_245 = arith.mulf %get3A_244, %gather3A : vector<16xf32>
          %swap3A_246 = arith.index_cast %scan3A_224 : i32 to index
          %swap3A_247 = arith.constant 32 : index
          %swap3A_248 = tpu.vector_load %arg11[%swap3A_246, %swap3A_247] {strides = array<i32>} : memref<128x128xf32, #tpu.memory_space<vmem>>, vector<16xf32>,
          tpu.vector_store %arg11[%swap3A_246, %swap3A_247], %mul3A_245 {strides = array<i32>} : memref<128x128xf32, #tpu.memory_space<vmem>>, vector<16xf32>,
          %get3A_249 = arith.index_cast %scan3A_224 : i32 to index
          %get3A_250 = arith.constant 48 : index
          %get3A_251 = tpu.vector_load %arg11[%get3A_249, %get3A_250] {strides = array<i32>} : memref<128x128xf32, #tpu.memory_space<vmem>>, vector<16xf32>,
          %mul3A_252 = arith.mulf %get3A_251, %gather3A : vector<16xf32>
          %swap3A_253 = arith.index_cast %scan3A_224 : i32 to index
          %swap3A_254 = arith.constant 48 : index
          %swap3A_255 = tpu.vector_load %arg11[%swap3A_253, %swap3A_254] {strides = array<i32>} : memref<128x128xf32, #tpu.memory_space<vmem>>, vector<16xf32>,
          tpu.vector_store %arg11[%swap3A_253, %swap3A_254], %mul3A_252 {strides = array<i32>} : memref<128x128xf32, #tpu.memory_space<vmem>>, vector<16xf32>,
          %get3A_256 = arith.index_cast %scan3A_224 : i32 to index
          %get3A_257 = arith.constant 64 : index
          %get3A_258 = tpu.vector_load %arg11[%get3A_256, %get3A_257] {strides = array<i32>} : memref<128x128xf32, #tpu.memory_space<vmem>>, vector<16xf32>,
          %mul3A_259 = arith.mulf %get3A_258, %gather3A : vector<16xf32>
          %swap3A_260 = arith.index_cast %scan3A_224 : i32 to index
          %swap3A_261 = arith.constant 64 : index
          %swap3A_262 = tpu.vector_load %arg11[%swap3A_260, %swap3A_261] {strides = array<i32>} : memref<128x128xf32, #tpu.memory_space<vmem>>, vector<16xf32>,
          tpu.vector_store %arg11[%swap3A_260, %swap3A_261], %mul3A_259 {strides = array<i32>} : memref<128x128xf32, #tpu.memory_space<vmem>>, vector<16xf32>,
          %get3A_263 = arith.index_cast %scan3A_224 : i32 to index
          %get3A_264 = arith.constant 80 : index
          %get3A_265 = tpu.vector_load %arg11[%get3A_263, %get3A_264] {strides = array<i32>} : memref<128x128xf32, #tpu.memory_space<vmem>>, vector<16xf32>,
          %mul3A_266 = arith.mulf %get3A_265, %gather3A : vector<16xf32>
          %swap3A_267 = arith.index_cast %scan3A_224 : i32 to index
          %swap3A_268 = arith.constant 80 : index
          %swap3A_269 = tpu.vector_load %arg11[%swap3A_267, %swap3A_268] {strides = array<i32>} : memref<128x128xf32, #tpu.memory_space<vmem>>, vector<16xf32>,
          tpu.vector_store %arg11[%swap3A_267, %swap3A_268], %mul3A_266 {strides = array<i32>} : memref<128x128xf32, #tpu.memory_space<vmem>>, vector<16xf32>,
          %get3A_270 = arith.index_cast %scan3A_224 : i32 to index
          %get3A_271 = arith.constant 96 : index
          %get3A_272 = tpu.vector_load %arg11[%get3A_270, %get3A_271] {strides = array<i32>} : memref<128x128xf32, #tpu.memory_space<vmem>>, vector<16xf32>,
          %mul3A_273 = arith.mulf %get3A_272, %gather3A : vector<16xf32>
          %swap3A_274 = arith.index_cast %scan3A_224 : i32 to index
          %swap3A_275 = arith.constant 96 : index
          %swap3A_276 = tpu.vector_load %arg11[%swap3A_274, %swap3A_275] {strides = array<i32>} : memref<128x128xf32, #tpu.memory_space<vmem>>, vector<16xf32>,
          tpu.vector_store %arg11[%swap3A_274, %swap3A_275], %mul3A_273 {strides = array<i32>} : memref<128x128xf32, #tpu.memory_space<vmem>>, vector<16xf32>,
          %get3A_277 = arith.index_cast %scan3A_224 : i32 to index
          %get3A_278 = arith.constant 112 : index
          %get3A_279 = tpu.vector_load %arg11[%get3A_277, %get3A_278] {strides = array<i32>} : memref<128x128xf32, #tpu.memory_space<vmem>>, vector<16xf32>,
          %mul3A_280 = arith.mulf %get3A_279, %gather3A : vector<16xf32>
          %swap3A_281 = arith.index_cast %scan3A_224 : i32 to index
          %swap3A_282 = arith.constant 112 : index
          %swap3A_283 = tpu.vector_load %arg11[%swap3A_281, %swap3A_282] {strides = array<i32>} : memref<128x128xf32, #tpu.memory_space<vmem>>, vector<16xf32>,
          tpu.vector_store %arg11[%swap3A_281, %swap3A_282], %mul3A_280 {strides = array<i32>} : memref<128x128xf32, #tpu.memory_space<vmem>>, vector<16xf32>,
          %scan3A_284 = arith.constant 0 : i32
          scf.yield %scan3A_284 : i32
        }
        %scan3A_171 = arith.constant 128 : i32
        %mul3A_172 = arith.constant 2 : i32
        %mul3A_173 = arith.muli %mul3A_172, %scan3A_138 : i32
        %sub3A_174 = arith.constant 1 : i32
        %sub3A_175 = arith.subi %mul3A_173, %sub3A_174 : i32
        %dma_start3A_176 = arith.constant 0 : i32
        %dma_start3A_177 = tpu.memref_slice %arg8[%sub3A_175, %dma_start3A_176] : memref<16x128xi32, #tpu.memory_space<vmem>> -> memref<1x128xi32, #tpu.memory_space<vmem>>
        %dma_start3A_178 = tpu.memref_squeeze %dma_start3A_177 : memref<1x128xi32, #tpu.memory_space<vmem>> -> memref<128xi32, #tpu.memory_space<vmem>>
        %dma_start3A_179 = arith.constant 0 : i32
        %dma_start3A_180 = arith.constant 0 : i32
        %dma_start3A_181 = tpu.memref_slice %arg13[%dma_start3A_179, %dma_start3A_180] : memref<10240x128xf32, #tpu.memory_space<vmem_shared>> -> memref<10240x128xf32, #tpu.memory_space<vmem_shared>>
        tpu.enqueue_indirect_dma source(%arg11 : memref<128x128xf32, #tpu.memory_space<vmem>>) target(%dma_start3A_181 : memref<10240x128xf32, #tpu.memory_space<vmem_shared>>) offsets(%dma_start3A_178 : memref<128xi32, #tpu.memory_space<vmem>>) semaphore(%arg17 : memref<!tpu.dma_semaphore, #tpu.memory_space<semaphore_mem>>) {add = true}
        %dma_wait3A_182 = arith.constant 0 : i32
        %dma_wait3A_183 = arith.constant 0 : i32
        %dma_wait3A_184 = tpu.memref_slice %arg7[%dma_wait3A_182, %dma_wait3A_183] : memref<16x128xi32, #tpu.memory_space<vmem>> -> memref<1x128xi32, #tpu.memory_space<vmem>>
        %dma_wait3A_185 = tpu.memref_squeeze %dma_wait3A_184 : memref<1x128xi32, #tpu.memory_space<vmem>> -> memref<128xi32, #tpu.memory_space<vmem>>
        %dma_wait3A_186 = arith.constant 0 : i32
        %dma_wait3A_187 = arith.constant 0 : i32
        %dma_wait3A_188 = tpu.memref_slice %arg2[%dma_wait3A_186, %dma_wait3A_187] : memref<10000x128xf32, #tpu.memory_space<hbm>> -> memref<10000x128xf32, #tpu.memory_space<hbm>>
        tpu.wait_indirect_dma semaphore(%arg14 : memref<!tpu.dma_semaphore, #tpu.memory_space<semaphore_mem>>) src(%dma_wait3A_188 : memref<10000x128xf32, #tpu.memory_space<hbm>>) dst(%arg10 : memref<128x128xf32, #tpu.memory_space<vmem>>)
        %mul3A_189 = arith.constant 2 : i32
        %mul3A_190 = arith.muli %mul3A_189, %scan3A_138 : i32
        %scan3A_191 = arith.constant 0 : i32
        %scan3A_192 = arith.constant 0 : i32
        %scan3A_193 = arith.constant 128 : i32
        %scan3A_194 = arith.addi %scan3A_192, %scan3A_193 : i32
        %scan3A_195 = arith.constant 1 : i32
        %scan3A_196 = scf.for %scan3A_224 = %scan3A_192 to %scan3A_194 step %scan3A_195 iter_args(%scan3A_225 = %scan3A_191) -> (i32)  : i32 {
          %mul3A_226 = arith.constant 128 : i32
          %mul3A_227 = arith.muli %mul3A_190, %mul3A_226 : i32
          %add3A_228 = arith.addi %mul3A_227, %scan3A_224 : i32
          %broadcast_in_dim3A_229 = vector.broadcast %add3A_228 : i32 to vector<16xi32>
          %gather3A = tpu.vector_load_idx %arg9[%broadcast_in_dim3A_229] : memref<2048xf32, #tpu.memory_space<vmem>>[vector<16xi32>], vector<16xf32>,
          %get3A = arith.index_cast %scan3A_224 : i32 to index
          %get3A_230 = arith.constant 0 : index
          %get3A_231 = tpu.vector_load %arg10[%get3A, %get3A_230] {strides = array<i32>} : memref<128x128xf32, #tpu.memory_space<vmem>>, vector<16xf32>,
          %mul3A_232 = arith.mulf %get3A_231, %gather3A : vector<16xf32>
          %swap3A = arith.index_cast %scan3A_224 : i32 to index
          %swap3A_233 = arith.constant 0 : index
          %swap3A_234 = tpu.vector_load %arg10[%swap3A, %swap3A_233] {strides = array<i32>} : memref<128x128xf32, #tpu.memory_space<vmem>>, vector<16xf32>,
          tpu.vector_store %arg10[%swap3A, %swap3A_233], %mul3A_232 {strides = array<i32>} : memref<128x128xf32, #tpu.memory_space<vmem>>, vector<16xf32>,
          %get3A_235 = arith.index_cast %scan3A_224 : i32 to index
          %get3A_236 = arith.constant 16 : index
          %get3A_237 = tpu.vector_load %arg10[%get3A_235, %get3A_236] {strides = array<i32>} : memref<128x128xf32, #tpu.memory_space<vmem>>, vector<16xf32>,
          %mul3A_238 = arith.mulf %get3A_237, %gather3A : vector<16xf32>
          %swap3A_239 = arith.index_cast %scan3A_224 : i32 to index
          %swap3A_240 = arith.constant 16 : index
          %swap3A_241 = tpu.vector_load %arg10[%swap3A_239, %swap3A_240] {strides = array<i32>} : memref<128x128xf32, #tpu.memory_space<vmem>>, vector<16xf32>,
          tpu.vector_store %arg10[%swap3A_239, %swap3A_240], %mul3A_238 {strides = array<i32>} : memref<128x128xf32, #tpu.memory_space<vmem>>, vector<16xf32>,
          %get3A_242 = arith.index_cast %scan3A_224 : i32 to index
          %get3A_243 = arith.constant 32 : index
          %get3A_244 = tpu.vector_load %arg10[%get3A_242, %get3A_243] {strides = array<i32>} : memref<128x128xf32, #tpu.memory_space<vmem>>, vector<16xf32>,
          %mul3A_245 = arith.mulf %get3A_244, %gather3A : vector<16xf32>
          %swap3A_246 = arith.index_cast %scan3A_224 : i32 to index
          %swap3A_247 = arith.constant 32 : index
          %swap3A_248 = tpu.vector_load %arg10[%swap3A_246, %swap3A_247] {strides = array<i32>} : memref<128x128xf32, #tpu.memory_space<vmem>>, vector<16xf32>,
          tpu.vector_store %arg10[%swap3A_246, %swap3A_247], %mul3A_245 {strides = array<i32>} : memref<128x128xf32, #tpu.memory_space<vmem>>, vector<16xf32>,
          %get3A_249 = arith.index_cast %scan3A_224 : i32 to index
          %get3A_250 = arith.constant 48 : index
          %get3A_251 = tpu.vector_load %arg10[%get3A_249, %get3A_250] {strides = array<i32>} : memref<128x128xf32, #tpu.memory_space<vmem>>, vector<16xf32>,
          %mul3A_252 = arith.mulf %get3A_251, %gather3A : vector<16xf32>
          %swap3A_253 = arith.index_cast %scan3A_224 : i32 to index
          %swap3A_254 = arith.constant 48 : index
          %swap3A_255 = tpu.vector_load %arg10[%swap3A_253, %swap3A_254] {strides = array<i32>} : memref<128x128xf32, #tpu.memory_space<vmem>>, vector<16xf32>,
          tpu.vector_store %arg10[%swap3A_253, %swap3A_254], %mul3A_252 {strides = array<i32>} : memref<128x128xf32, #tpu.memory_space<vmem>>, vector<16xf32>,
          %get3A_256 = arith.index_cast %scan3A_224 : i32 to index
          %get3A_257 = arith.constant 64 : index
          %get3A_258 = tpu.vector_load %arg10[%get3A_256, %get3A_257] {strides = array<i32>} : memref<128x128xf32, #tpu.memory_space<vmem>>, vector<16xf32>,
          %mul3A_259 = arith.mulf %get3A_258, %gather3A : vector<16xf32>
          %swap3A_260 = arith.index_cast %scan3A_224 : i32 to index
          %swap3A_261 = arith.constant 64 : index
          %swap3A_262 = tpu.vector_load %arg10[%swap3A_260, %swap3A_261] {strides = array<i32>} : memref<128x128xf32, #tpu.memory_space<vmem>>, vector<16xf32>,
          tpu.vector_store %arg10[%swap3A_260, %swap3A_261], %mul3A_259 {strides = array<i32>} : memref<128x128xf32, #tpu.memory_space<vmem>>, vector<16xf32>,
          %get3A_263 = arith.index_cast %scan3A_224 : i32 to index
          %get3A_264 = arith.constant 80 : index
          %get3A_265 = tpu.vector_load %arg10[%get3A_263, %get3A_264] {strides = array<i32>} : memref<128x128xf32, #tpu.memory_space<vmem>>, vector<16xf32>,
          %mul3A_266 = arith.mulf %get3A_265, %gather3A : vector<16xf32>
          %swap3A_267 = arith.index_cast %scan3A_224 : i32 to index
          %swap3A_268 = arith.constant 80 : index
          %swap3A_269 = tpu.vector_load %arg10[%swap3A_267, %swap3A_268] {strides = array<i32>} : memref<128x128xf32, #tpu.memory_space<vmem>>, vector<16xf32>,
          tpu.vector_store %arg10[%swap3A_267, %swap3A_268], %mul3A_266 {strides = array<i32>} : memref<128x128xf32, #tpu.memory_space<vmem>>, vector<16xf32>,
          %get3A_270 = arith.index_cast %scan3A_224 : i32 to index
          %get3A_271 = arith.constant 96 : index
          %get3A_272 = tpu.vector_load %arg10[%get3A_270, %get3A_271] {strides = array<i32>} : memref<128x128xf32, #tpu.memory_space<vmem>>, vector<16xf32>,
          %mul3A_273 = arith.mulf %get3A_272, %gather3A : vector<16xf32>
          %swap3A_274 = arith.index_cast %scan3A_224 : i32 to index
          %swap3A_275 = arith.constant 96 : index
          %swap3A_276 = tpu.vector_load %arg10[%swap3A_274, %swap3A_275] {strides = array<i32>} : memref<128x128xf32, #tpu.memory_space<vmem>>, vector<16xf32>,
          tpu.vector_store %arg10[%swap3A_274, %swap3A_275], %mul3A_273 {strides = array<i32>} : memref<128x128xf32, #tpu.memory_space<vmem>>, vector<16xf32>,
          %get3A_277 = arith.index_cast %scan3A_224 : i32 to index
          %get3A_278 = arith.constant 112 : index
          %get3A_279 = tpu.vector_load %arg10[%get3A_277, %get3A_278] {strides = array<i32>} : memref<128x128xf32, #tpu.memory_space<vmem>>, vector<16xf32>,
          %mul3A_280 = arith.mulf %get3A_279, %gather3A : vector<16xf32>
          %swap3A_281 = arith.index_cast %scan3A_224 : i32 to index
          %swap3A_282 = arith.constant 112 : index
          %swap3A_283 = tpu.vector_load %arg10[%swap3A_281, %swap3A_282] {strides = array<i32>} : memref<128x128xf32, #tpu.memory_space<vmem>>, vector<16xf32>,
          tpu.vector_store %arg10[%swap3A_281, %swap3A_282], %mul3A_280 {strides = array<i32>} : memref<128x128xf32, #tpu.memory_space<vmem>>, vector<16xf32>,
          %scan3A_284 = arith.constant 0 : i32
          scf.yield %scan3A_284 : i32
        }
        %scan3A_197 = arith.constant 128 : i32
        %dma_wait3A_198 = arith.constant 0 : i32
        %dma_wait3A_199 = arith.constant 0 : i32
        %dma_wait3A_200 = tpu.memref_slice %arg8[%dma_wait3A_198, %dma_wait3A_199] : memref<16x128xi32, #tpu.memory_space<vmem>> -> memref<1x128xi32, #tpu.memory_space<vmem>>
        %dma_wait3A_201 = tpu.memref_squeeze %dma_wait3A_200 : memref<1x128xi32, #tpu.memory_space<vmem>> -> memref<128xi32, #tpu.memory_space<vmem>>
        %dma_wait3A_202 = arith.constant 0 : i32
        %dma_wait3A_203 = arith.constant 0 : i32
        %dma_wait3A_204 = tpu.memref_slice %arg13[%dma_wait3A_202, %dma_wait3A_203] : memref<10240x128xf32, #tpu.memory_space<vmem_shared>> -> memref<10240x128xf32, #tpu.memory_space<vmem_shared>>
        tpu.wait_indirect_dma semaphore(%arg17 : memref<!tpu.dma_semaphore, #tpu.memory_space<semaphore_mem>>) src(%arg11 : memref<128x128xf32, #tpu.memory_space<vmem>>) dst(%dma_wait3A_204 : memref<10240x128xf32, #tpu.memory_space<vmem_shared>>)
        %mul3A_205 = arith.constant 2 : i32
        %mul3A_206 = arith.muli %mul3A_205, %scan3A_138 : i32
        %add3A_207 = arith.constant 1 : i32
        %add3A_208 = arith.addi %mul3A_206, %add3A_207 : i32
        %dma_start3A_209 = arith.constant 0 : i32
        %dma_start3A_210 = tpu.memref_slice %arg7[%add3A_208, %dma_start3A_209] : memref<16x128xi32, #tpu.memory_space<vmem>> -> memref<1x128xi32, #tpu.memory_space<vmem>>
        %dma_start3A_211 = tpu.memref_squeeze %dma_start3A_210 : memref<1x128xi32, #tpu.memory_space<vmem>> -> memref<128xi32, #tpu.memory_space<vmem>>
        %dma_start3A_212 = arith.constant 0 : i32
        %dma_start3A_213 = arith.constant 0 : i32
        %dma_start3A_214 = tpu.memref_slice %arg2[%dma_start3A_212, %dma_start3A_213] : memref<10000x128xf32, #tpu.memory_space<hbm>> -> memref<10000x128xf32, #tpu.memory_space<hbm>>
        tpu.enqueue_indirect_dma source(%dma_start3A_214 : memref<10000x128xf32, #tpu.memory_space<hbm>>) target(%arg11 : memref<128x128xf32, #tpu.memory_space<vmem>>) offsets(%dma_start3A_211 : memref<128xi32, #tpu.memory_space<vmem>>) semaphore(%arg15 : memref<!tpu.dma_semaphore, #tpu.memory_space<semaphore_mem>>)
        %mul3A_215 = arith.constant 2 : i32
        %mul3A_216 = arith.muli %mul3A_215, %scan3A_138 : i32
        %dma_start3A_217 = arith.constant 0 : i32
        %dma_start3A_218 = tpu.memref_slice %arg8[%mul3A_216, %dma_start3A_217] : memref<16x128xi32, #tpu.memory_space<vmem>> -> memref<1x128xi32, #tpu.memory_space<vmem>>
        %dma_start3A_219 = tpu.memref_squeeze %dma_start3A_218 : memref<1x128xi32, #tpu.memory_space<vmem>> -> memref<128xi32, #tpu.memory_space<vmem>>
        %dma_start3A_220 = arith.constant 0 : i32
        %dma_start3A_221 = arith.constant 0 : i32
        %dma_start3A_222 = tpu.memref_slice %arg13[%dma_start3A_220, %dma_start3A_221] : memref<10240x128xf32, #tpu.memory_space<vmem_shared>> -> memref<10240x128xf32, #tpu.memory_space<vmem_shared>>
        tpu.enqueue_indirect_dma source(%arg10 : memref<128x128xf32, #tpu.memory_space<vmem>>) target(%dma_start3A_222 : memref<10240x128xf32, #tpu.memory_space<vmem_shared>>) offsets(%dma_start3A_219 : memref<128xi32, #tpu.memory_space<vmem>>) semaphore(%arg16 : memref<!tpu.dma_semaphore, #tpu.memory_space<semaphore_mem>>) {add = true}
        %scan3A_223 = arith.constant 0 : i32
        scf.yield %scan3A_223 : i32
      }
      %scan3A_101 = arith.constant 7 : i32
      %dma_wait3A_102 = arith.constant 0 : i32
      %dma_wait3A_103 = arith.constant 0 : i32
      %dma_wait3A_104 = tpu.memref_slice %arg7[%dma_wait3A_102, %dma_wait3A_103] : memref<16x128xi32, #tpu.memory_space<vmem>> -> memref<1x128xi32, #tpu.memory_space<vmem>>
      %dma_wait3A_105 = tpu.memref_squeeze %dma_wait3A_104 : memref<1x128xi32, #tpu.memory_space<vmem>> -> memref<128xi32, #tpu.memory_space<vmem>>
      %dma_wait3A_106 = arith.constant 0 : i32
      %dma_wait3A_107 = arith.constant 0 : i32
      %dma_wait3A_108 = tpu.memref_slice %arg2[%dma_wait3A_106, %dma_wait3A_107] : memref<10000x128xf32, #tpu.memory_space<hbm>> -> memref<10000x128xf32, #tpu.memory_space<hbm>>
      tpu.wait_indirect_dma semaphore(%arg15 : memref<!tpu.dma_semaphore, #tpu.memory_space<semaphore_mem>>) src(%dma_wait3A_108 : memref<10000x128xf32, #tpu.memory_space<hbm>>) dst(%arg11 : memref<128x128xf32, #tpu.memory_space<vmem>>)
      %scan3A_109 = arith.constant 0 : i32
      %scan3A_110 = arith.constant 0 : i32
      %scan3A_111 = arith.constant 128 : i32
      %scan3A_112 = arith.addi %scan3A_110, %scan3A_111 : i32
      %scan3A_113 = arith.constant 1 : i32
      %scan3A_114 = scf.for %scan3A_138 = %scan3A_110 to %scan3A_112 step %scan3A_113 iter_args(%scan3A_139 = %scan3A_109) -> (i32)  : i32 {
        %add3A_140 = arith.constant 1920 : i32
        %add3A_141 = arith.addi %add3A_140, %scan3A_138 : i32
        %broadcast_in_dim3A_142 = vector.broadcast %add3A_141 : i32 to vector<16xi32>
        %gather3A = tpu.vector_load_idx %arg9[%broadcast_in_dim3A_142] : memref<2048xf32, #tpu.memory_space<vmem>>[vector<16xi32>], vector<16xf32>,
        %get3A = arith.index_cast %scan3A_138 : i32 to index
        %get3A_143 = arith.constant 0 : index
        %get3A_144 = tpu.vector_load %arg11[%get3A, %get3A_143] {strides = array<i32>} : memref<128x128xf32, #tpu.memory_space<vmem>>, vector<16xf32>,
        %mul3A_145 = arith.mulf %get3A_144, %gather3A : vector<16xf32>
        %swap3A = arith.index_cast %scan3A_138 : i32 to index
        %swap3A_146 = arith.constant 0 : index
        %swap3A_147 = tpu.vector_load %arg11[%swap3A, %swap3A_146] {strides = array<i32>} : memref<128x128xf32, #tpu.memory_space<vmem>>, vector<16xf32>,
        tpu.vector_store %arg11[%swap3A, %swap3A_146], %mul3A_145 {strides = array<i32>} : memref<128x128xf32, #tpu.memory_space<vmem>>, vector<16xf32>,
        %get3A_148 = arith.index_cast %scan3A_138 : i32 to index
        %get3A_149 = arith.constant 16 : index
        %get3A_150 = tpu.vector_load %arg11[%get3A_148, %get3A_149] {strides = array<i32>} : memref<128x128xf32, #tpu.memory_space<vmem>>, vector<16xf32>,
        %mul3A_151 = arith.mulf %get3A_150, %gather3A : vector<16xf32>
        %swap3A_152 = arith.index_cast %scan3A_138 : i32 to index
        %swap3A_153 = arith.constant 16 : index
        %swap3A_154 = tpu.vector_load %arg11[%swap3A_152, %swap3A_153] {strides = array<i32>} : memref<128x128xf32, #tpu.memory_space<vmem>>, vector<16xf32>,
        tpu.vector_store %arg11[%swap3A_152, %swap3A_153], %mul3A_151 {strides = array<i32>} : memref<128x128xf32, #tpu.memory_space<vmem>>, vector<16xf32>,
        %get3A_155 = arith.index_cast %scan3A_138 : i32 to index
        %get3A_156 = arith.constant 32 : index
        %get3A_157 = tpu.vector_load %arg11[%get3A_155, %get3A_156] {strides = array<i32>} : memref<128x128xf32, #tpu.memory_space<vmem>>, vector<16xf32>,
        %mul3A_158 = arith.mulf %get3A_157, %gather3A : vector<16xf32>
        %swap3A_159 = arith.index_cast %scan3A_138 : i32 to index
        %swap3A_160 = arith.constant 32 : index
        %swap3A_161 = tpu.vector_load %arg11[%swap3A_159, %swap3A_160] {strides = array<i32>} : memref<128x128xf32, #tpu.memory_space<vmem>>, vector<16xf32>,
        tpu.vector_store %arg11[%swap3A_159, %swap3A_160], %mul3A_158 {strides = array<i32>} : memref<128x128xf32, #tpu.memory_space<vmem>>, vector<16xf32>,
        %get3A_162 = arith.index_cast %scan3A_138 : i32 to index
        %get3A_163 = arith.constant 48 : index
        %get3A_164 = tpu.vector_load %arg11[%get3A_162, %get3A_163] {strides = array<i32>} : memref<128x128xf32, #tpu.memory_space<vmem>>, vector<16xf32>,
        %mul3A_165 = arith.mulf %get3A_164, %gather3A : vector<16xf32>
        %swap3A_166 = arith.index_cast %scan3A_138 : i32 to index
        %swap3A_167 = arith.constant 48 : index
        %swap3A_168 = tpu.vector_load %arg11[%swap3A_166, %swap3A_167] {strides = array<i32>} : memref<128x128xf32, #tpu.memory_space<vmem>>, vector<16xf32>,
        tpu.vector_store %arg11[%swap3A_166, %swap3A_167], %mul3A_165 {strides = array<i32>} : memref<128x128xf32, #tpu.memory_space<vmem>>, vector<16xf32>,
        %get3A_169 = arith.index_cast %scan3A_138 : i32 to index
        %get3A_170 = arith.constant 64 : index
        %get3A_171 = tpu.vector_load %arg11[%get3A_169, %get3A_170] {strides = array<i32>} : memref<128x128xf32, #tpu.memory_space<vmem>>, vector<16xf32>,
        %mul3A_172 = arith.mulf %get3A_171, %gather3A : vector<16xf32>
        %swap3A_173 = arith.index_cast %scan3A_138 : i32 to index
        %swap3A_174 = arith.constant 64 : index
        %swap3A_175 = tpu.vector_load %arg11[%swap3A_173, %swap3A_174] {strides = array<i32>} : memref<128x128xf32, #tpu.memory_space<vmem>>, vector<16xf32>,
        tpu.vector_store %arg11[%swap3A_173, %swap3A_174], %mul3A_172 {strides = array<i32>} : memref<128x128xf32, #tpu.memory_space<vmem>>, vector<16xf32>,
        %get3A_176 = arith.index_cast %scan3A_138 : i32 to index
        %get3A_177 = arith.constant 80 : index
        %get3A_178 = tpu.vector_load %arg11[%get3A_176, %get3A_177] {strides = array<i32>} : memref<128x128xf32, #tpu.memory_space<vmem>>, vector<16xf32>,
        %mul3A_179 = arith.mulf %get3A_178, %gather3A : vector<16xf32>
        %swap3A_180 = arith.index_cast %scan3A_138 : i32 to index
        %swap3A_181 = arith.constant 80 : index
        %swap3A_182 = tpu.vector_load %arg11[%swap3A_180, %swap3A_181] {strides = array<i32>} : memref<128x128xf32, #tpu.memory_space<vmem>>, vector<16xf32>,
        tpu.vector_store %arg11[%swap3A_180, %swap3A_181], %mul3A_179 {strides = array<i32>} : memref<128x128xf32, #tpu.memory_space<vmem>>, vector<16xf32>,
        %get3A_183 = arith.index_cast %scan3A_138 : i32 to index
        %get3A_184 = arith.constant 96 : index
        %get3A_185 = tpu.vector_load %arg11[%get3A_183, %get3A_184] {strides = array<i32>} : memref<128x128xf32, #tpu.memory_space<vmem>>, vector<16xf32>,
        %mul3A_186 = arith.mulf %get3A_185, %gather3A : vector<16xf32>
        %swap3A_187 = arith.index_cast %scan3A_138 : i32 to index
        %swap3A_188 = arith.constant 96 : index
        %swap3A_189 = tpu.vector_load %arg11[%swap3A_187, %swap3A_188] {strides = array<i32>} : memref<128x128xf32, #tpu.memory_space<vmem>>, vector<16xf32>,
        tpu.vector_store %arg11[%swap3A_187, %swap3A_188], %mul3A_186 {strides = array<i32>} : memref<128x128xf32, #tpu.memory_space<vmem>>, vector<16xf32>,
        %get3A_190 = arith.index_cast %scan3A_138 : i32 to index
        %get3A_191 = arith.constant 112 : index
        %get3A_192 = tpu.vector_load %arg11[%get3A_190, %get3A_191] {strides = array<i32>} : memref<128x128xf32, #tpu.memory_space<vmem>>, vector<16xf32>,
        %mul3A_193 = arith.mulf %get3A_192, %gather3A : vector<16xf32>
        %swap3A_194 = arith.index_cast %scan3A_138 : i32 to index
        %swap3A_195 = arith.constant 112 : index
        %swap3A_196 = tpu.vector_load %arg11[%swap3A_194, %swap3A_195] {strides = array<i32>} : memref<128x128xf32, #tpu.memory_space<vmem>>, vector<16xf32>,
        tpu.vector_store %arg11[%swap3A_194, %swap3A_195], %mul3A_193 {strides = array<i32>} : memref<128x128xf32, #tpu.memory_space<vmem>>, vector<16xf32>,
        %scan3A_197 = arith.constant 0 : i32
        scf.yield %scan3A_197 : i32
      }
      %scan3A_115 = arith.constant 128 : i32
      %dma_wait3A_116 = arith.constant 0 : i32
      %dma_wait3A_117 = arith.constant 0 : i32
      %dma_wait3A_118 = tpu.memref_slice %arg8[%dma_wait3A_116, %dma_wait3A_117] : memref<16x128xi32, #tpu.memory_space<vmem>> -> memref<1x128xi32, #tpu.memory_space<vmem>>
      %dma_wait3A_119 = tpu.memref_squeeze %dma_wait3A_118 : memref<1x128xi32, #tpu.memory_space<vmem>> -> memref<128xi32, #tpu.memory_space<vmem>>
      %dma_wait3A_120 = arith.constant 0 : i32
      %dma_wait3A_121 = arith.constant 0 : i32
      %dma_wait3A_122 = tpu.memref_slice %arg13[%dma_wait3A_120, %dma_wait3A_121] : memref<10240x128xf32, #tpu.memory_space<vmem_shared>> -> memref<10240x128xf32, #tpu.memory_space<vmem_shared>>
      tpu.wait_indirect_dma semaphore(%arg16 : memref<!tpu.dma_semaphore, #tpu.memory_space<semaphore_mem>>) src(%arg10 : memref<128x128xf32, #tpu.memory_space<vmem>>) dst(%dma_wait3A_122 : memref<10240x128xf32, #tpu.memory_space<vmem_shared>>)
      %dma_start3A_123 = arith.constant 15 : i32
      %dma_start3A_124 = arith.constant 0 : i32
      %dma_start3A_125 = tpu.memref_slice %arg8[%dma_start3A_123, %dma_start3A_124] : memref<16x128xi32, #tpu.memory_space<vmem>> -> memref<1x128xi32, #tpu.memory_space<vmem>>
      %dma_start3A_126 = tpu.memref_squeeze %dma_start3A_125 : memref<1x128xi32, #tpu.memory_space<vmem>> -> memref<128xi32, #tpu.memory_space<vmem>>
      %dma_start3A_127 = arith.constant 0 : i32
      %dma_start3A_128 = arith.constant 0 : i32
      %dma_start3A_129 = tpu.memref_slice %arg13[%dma_start3A_127, %dma_start3A_128] : memref<10240x128xf32, #tpu.memory_space<vmem_shared>> -> memref<10240x128xf32, #tpu.memory_space<vmem_shared>>
      tpu.enqueue_indirect_dma source(%arg11 : memref<128x128xf32, #tpu.memory_space<vmem>>) target(%dma_start3A_129 : memref<10240x128xf32, #tpu.memory_space<vmem_shared>>) offsets(%dma_start3A_126 : memref<128xi32, #tpu.memory_space<vmem>>) semaphore(%arg17 : memref<!tpu.dma_semaphore, #tpu.memory_space<semaphore_mem>>) {add = true}
      %dma_wait3A_130 = arith.constant 0 : i32
      %dma_wait3A_131 = arith.constant 0 : i32
      %dma_wait3A_132 = tpu.memref_slice %arg8[%dma_wait3A_130, %dma_wait3A_131] : memref<16x128xi32, #tpu.memory_space<vmem>> -> memref<1x128xi32, #tpu.memory_space<vmem>>
      %dma_wait3A_133 = tpu.memref_squeeze %dma_wait3A_132 : memref<1x128xi32, #tpu.memory_space<vmem>> -> memref<128xi32, #tpu.memory_space<vmem>>
      %dma_wait3A_134 = arith.constant 0 : i32
      %dma_wait3A_135 = arith.constant 0 : i32
      %dma_wait3A_136 = tpu.memref_slice %arg13[%dma_wait3A_134, %dma_wait3A_135] : memref<10240x128xf32, #tpu.memory_space<vmem_shared>> -> memref<10240x128xf32, #tpu.memory_space<vmem_shared>>
      tpu.wait_indirect_dma semaphore(%arg17 : memref<!tpu.dma_semaphore, #tpu.memory_space<semaphore_mem>>) src(%arg11 : memref<128x128xf32, #tpu.memory_space<vmem>>) dst(%dma_wait3A_136 : memref<10240x128xf32, #tpu.memory_space<vmem_shared>>)
      %scan3A_137 = arith.constant 0 : i32
      scf.yield %scan3A_137 : i32
    }
    %scan3A_54 = arith.constant 5 : i32
    %barrier3A_55 = arith.constant 0 : index
    tpu.barrier barrier_id(%barrier3A_55)
    %mul3A_56 = arith.constant 640 : i32
    %mul3A_57 = arith.muli %arg1, %mul3A_56 : i32
    %mul3A_58 = arith.constant 640 : i32
    %mul3A_59 = arith.muli %arg1, %mul3A_58 : i32
    "tpu.region"() ({
      %run_scoped3A = tpu.sem_alloc : memref<!tpu.dma_semaphore, #tpu.memory_space<semaphore_mem>>
      %dma_start3A = arith.constant 0 : i32
      %dma_start3A_60 = tpu.memref_slice %arg6[%arg0, %mul3A_59, %dma_start3A] : memref<2x10240x128xf32, #tpu.memory_space<hbm>> -> memref<1x640x128xf32, #tpu.memory_space<hbm>>
      %dma_start3A_61 = tpu.memref_squeeze %dma_start3A_60 : memref<1x640x128xf32, #tpu.memory_space<hbm>> -> memref<640x128xf32, #tpu.memory_space<hbm>>
      %dma_start3A_62 = arith.constant 0 : i32
      %dma_start3A_63 = tpu.memref_slice %arg13[%mul3A_57, %dma_start3A_62] : memref<10240x128xf32, #tpu.memory_space<vmem_shared>> -> memref<640x128xf32, #tpu.memory_space<vmem_shared>>
      tpu.enqueue_dma source(%dma_start3A_63 : memref<640x128xf32, #tpu.memory_space<vmem_shared>>) target(%dma_start3A_61 : memref<640x128xf32, #tpu.memory_space<hbm>>) target_semaphore(%run_scoped3A : memref<!tpu.dma_semaphore, #tpu.memory_space<semaphore_mem>>)
      %dma_wait3A = arith.constant 0 : i32
      %dma_wait3A_64 = tpu.memref_slice %arg6[%arg0, %mul3A_59, %dma_wait3A] : memref<2x10240x128xf32, #tpu.memory_space<hbm>> -> memref<1x640x128xf32, #tpu.memory_space<hbm>>
      %dma_wait3A_65 = tpu.memref_squeeze %dma_wait3A_64 : memref<1x640x128xf32, #tpu.memory_space<hbm>> -> memref<640x128xf32, #tpu.memory_space<hbm>>
      %dma_wait3A_66 = arith.constant 0 : i32
      %dma_wait3A_67 = tpu.memref_slice %arg13[%mul3A_57, %dma_wait3A_66] : memref<10240x128xf32, #tpu.memory_space<vmem_shared>> -> memref<640x128xf32, #tpu.memory_space<vmem_shared>>
      tpu.wait_dma2 semaphore(%run_scoped3A : memref<!tpu.dma_semaphore, #tpu.memory_space<semaphore_mem>>) src(%dma_wait3A_67 : memref<640x128xf32, #tpu.memory_space<vmem_shared>>) dst(%dma_wait3A_65 : memref<640x128xf32, #tpu.memory_space<hbm>>)
      tpu.yield
    }) : () -> ()
    return
  }
}

module attributes {stable_mosaic.version = 14 : i64} {
  func.func @body(%arg0: i32, %arg1: memref<2000x128xf32, #tpu.memory_space<vmem>>, %arg2: memref<128x128xf32, #tpu.memory_space<vmem>>, %arg3: memref<1x128xf32, #tpu.memory_space<vmem>>, %arg4: memref<128x128xf32, #tpu.memory_space<vmem>>, %arg5: memref<1x128xf32, #tpu.memory_space<vmem>>, %arg6: memref<2000x128xf32, #tpu.memory_space<vmem>>, %arg7: memref<2000x128xf32, #tpu.memory_space<vmem>>) attributes {dimension_semantics = [#tpu.dimension_semantics<arbitrary>], iteration_bounds = array<i64: 5>, scalar_prefetch = 0 : i64, scratch_operands = 0 : i64, tpu.core_type = #tpu.core_type<tc>, window_params = [{transform_indices = @transform_0, window_bounds = array<i64: 2000, 128>}, {pipeline_mode = #tpu.pipeline_mode<synchronous>, transform_indices = @transform_1, window_bounds = array<i64: 128, 128>}, {pipeline_mode = #tpu.pipeline_mode<synchronous>, transform_indices = @transform_2, window_bounds = array<i64: 1, 128>}, {pipeline_mode = #tpu.pipeline_mode<synchronous>, transform_indices = @transform_3, window_bounds = array<i64: 128, 128>}, {pipeline_mode = #tpu.pipeline_mode<synchronous>, transform_indices = @transform_4, window_bounds = array<i64: 1, 128>}, {transform_indices = @transform_5, window_bounds = array<i64: 2000, 128>}, {transform_indices = @transform_6, window_bounds = array<i64: 2000, 128>}]} {
    %get3A = arith.constant 0 : index
    %get3A_0 = arith.constant 0 : index
    %get3A_1 = vector.load %arg1[%get3A, %get3A_0] : memref<2000x128xf32, #tpu.memory_space<vmem>>, vector<2000x128xf32>
    %get3A_2 = arith.constant 0 : index
    %get3A_3 = arith.constant 0 : index
    %get3A_4 = vector.load %arg2[%get3A_2, %get3A_3] : memref<128x128xf32, #tpu.memory_space<vmem>>, vector<128x128xf32>
    %dot_general3A = arith.constant dense<0.000000e+00> : vector<2000x128xf32>
    %dot_general3A_5 = tpu.matmul %get3A_1, %get3A_4, %dot_general3A {dimension_numbers = #tpu.dot_dimension_numbers<[1], [0], [0], [1], [0, 0, 1, 1], [], []>, transpose_lhs_hint = false} : vector<2000x128xf32>, vector<128x128xf32>, vector<2000x128xf32> -> vector<2000x128xf32>
    %get3A_6 = arith.constant 0 : index
    %get3A_7 = arith.constant 0 : index
    %get3A_8 = vector.load %arg3[%get3A_6, %get3A_7] : memref<1x128xf32, #tpu.memory_space<vmem>>, vector<1x128xf32>
    %add3A = vector.broadcast %get3A_8 : vector<1x128xf32> to vector<2000x128xf32>
    %add3A_9 = arith.addf %dot_general3A_5, %add3A : vector<2000x128xf32>
    %swap3A = arith.constant 0 : index
    %swap3A_10 = arith.constant 0 : index
    %swap3A_11 = vector.load %arg6[%swap3A, %swap3A_10] : memref<2000x128xf32, #tpu.memory_space<vmem>>, vector<2000x128xf32>
    tpu.vector_store %arg6[%swap3A, %swap3A_10], %add3A_9 {strides = array<i32>} : memref<2000x128xf32, #tpu.memory_space<vmem>>, vector<2000x128xf32>,
    %get3A_12 = arith.constant 0 : index
    %get3A_13 = arith.constant 0 : index
    %get3A_14 = vector.load %arg4[%get3A_12, %get3A_13] : memref<128x128xf32, #tpu.memory_space<vmem>>, vector<128x128xf32>
    %dot_general3A_15 = arith.constant dense<0.000000e+00> : vector<2000x128xf32>
    %dot_general3A_16 = tpu.matmul %add3A_9, %get3A_14, %dot_general3A_15 {dimension_numbers = #tpu.dot_dimension_numbers<[1], [0], [0], [1], [0, 0, 1, 1], [], []>, transpose_lhs_hint = false} : vector<2000x128xf32>, vector<128x128xf32>, vector<2000x128xf32> -> vector<2000x128xf32>
    %get3A_17 = arith.constant 0 : index
    %get3A_18 = arith.constant 0 : index
    %get3A_19 = vector.load %arg5[%get3A_17, %get3A_18] : memref<1x128xf32, #tpu.memory_space<vmem>>, vector<1x128xf32>
    %add3A_20 = vector.broadcast %get3A_19 : vector<1x128xf32> to vector<2000x128xf32>
    %add3A_21 = arith.addf %dot_general3A_16, %add3A_20 : vector<2000x128xf32>
    %swap3A_22 = arith.constant 0 : index
    %swap3A_23 = arith.constant 0 : index
    %swap3A_24 = vector.load %arg7[%swap3A_22, %swap3A_23] : memref<2000x128xf32, #tpu.memory_space<vmem>>, vector<2000x128xf32>
    tpu.vector_store %arg7[%swap3A_22, %swap3A_23], %add3A_21 {strides = array<i32>} : memref<2000x128xf32, #tpu.memory_space<vmem>>, vector<2000x128xf32>,
    return
  }
  func.func @transform_0(%arg0: i32) -> (i32, i32) {
    %c0_i32 = arith.constant 0 : i32
    %c0_i32_0 = arith.constant 0 : i32
    return %arg0, %c0_i32 : i32, i32
  }
  func.func @transform_1(%arg0: i32) -> (i32, i32) {
    %c0_i32 = arith.constant 0 : i32
    %c0_i32_0 = arith.constant 0 : i32
    %c0_i32_1 = arith.constant 0 : i32
    return %c0_i32, %c0_i32_0 : i32, i32
  }
  func.func @transform_2(%arg0: i32) -> (i32, i32) {
    %c0_i32 = arith.constant 0 : i32
    %c0_i32_0 = arith.constant 0 : i32
    %c0_i32_1 = arith.constant 0 : i32
    return %c0_i32, %c0_i32_0 : i32, i32
  }
  func.func @transform_3(%arg0: i32) -> (i32, i32) {
    %c0_i32 = arith.constant 0 : i32
    %c0_i32_0 = arith.constant 0 : i32
    %c0_i32_1 = arith.constant 0 : i32
    return %c0_i32, %c0_i32_0 : i32, i32
  }
  func.func @transform_4(%arg0: i32) -> (i32, i32) {
    %c0_i32 = arith.constant 0 : i32
    %c0_i32_0 = arith.constant 0 : i32
    %c0_i32_1 = arith.constant 0 : i32
    return %c0_i32, %c0_i32_0 : i32, i32
  }
  func.func @transform_5(%arg0: i32) -> (i32, i32) {
    %c0_i32 = arith.constant 0 : i32
    %c0_i32_0 = arith.constant 0 : i32
    return %arg0, %c0_i32 : i32, i32
  }
  func.func @transform_6(%arg0: i32) -> (i32, i32) {
    %c0_i32 = arith.constant 0 : i32
    %c0_i32_0 = arith.constant 0 : i32
    return %arg0, %c0_i32 : i32, i32
  }
}

module attributes {stable_mosaic.version = 14 : i64} {
  func.func @body(%arg0: i32, %arg1: memref<2000x128xf32, #tpu.memory_space<vmem>>, %arg2: memref<2000x128xf32, #tpu.memory_space<vmem>>, %arg3: memref<2000x128xf32, #tpu.memory_space<vmem>>, %arg4: memref<2000x16xf32, #tpu.memory_space<vmem>>, %arg5: memref<2000x16xf32, #tpu.memory_space<vmem>>, %arg6: memref<128x128xf32, #tpu.memory_space<vmem>>, %arg7: memref<128x128xf32, #tpu.memory_space<vmem>>, %arg8: memref<1x128xf32, #tpu.memory_space<vmem>>, %arg9: memref<128x128xf32, #tpu.memory_space<vmem>>, %arg10: memref<1x128xf32, #tpu.memory_space<vmem>>, %arg11: memref<2000x128xf32, #tpu.memory_space<vmem>>, %arg12: memref<2000x128xf32, #tpu.memory_space<vmem>>) attributes {dimension_semantics = [#tpu.dimension_semantics<arbitrary>], iteration_bounds = array<i64: 5>, scalar_prefetch = 0 : i64, scratch_operands = 0 : i64, tpu.core_type = #tpu.core_type<tc>, window_params = [{transform_indices = @transform_0, window_bounds = array<i64: 2000, 128>}, {transform_indices = @transform_1, window_bounds = array<i64: 2000, 128>}, {transform_indices = @transform_2, window_bounds = array<i64: 2000, 128>}, {transform_indices = @transform_3, window_bounds = array<i64: 2000, 16>}, {transform_indices = @transform_4, window_bounds = array<i64: 2000, 16>}, {pipeline_mode = #tpu.pipeline_mode<synchronous>, transform_indices = @transform_5, window_bounds = array<i64: 128, 128>}, {pipeline_mode = #tpu.pipeline_mode<synchronous>, transform_indices = @transform_6, window_bounds = array<i64: 128, 128>}, {pipeline_mode = #tpu.pipeline_mode<synchronous>, transform_indices = @transform_7, window_bounds = array<i64: 1, 128>}, {pipeline_mode = #tpu.pipeline_mode<synchronous>, transform_indices = @transform_8, window_bounds = array<i64: 128, 128>}, {pipeline_mode = #tpu.pipeline_mode<synchronous>, transform_indices = @transform_9, window_bounds = array<i64: 1, 128>}, {transform_indices = @transform_10, window_bounds = array<i64: 2000, 128>}, {transform_indices = @transform_11, window_bounds = array<i64: 2000, 128>}]} {
    %get3A = arith.constant 0 : index
    %get3A_0 = arith.constant 0 : index
    %get3A_1 = vector.load %arg4[%get3A, %get3A_0] : memref<2000x16xf32, #tpu.memory_space<vmem>>, vector<2000x16xf32>
    %slice3A = vector.extract_strided_slice %get3A_1 {offsets = [0, 0], sizes = [2000, 1], strides = [1, 1]} : vector<2000x16xf32> to vector<2000x1xf32>
    %get3A_2 = arith.constant 0 : index
    %get3A_3 = arith.constant 0 : index
    %get3A_4 = vector.load %arg5[%get3A_2, %get3A_3] : memref<2000x16xf32, #tpu.memory_space<vmem>>, vector<2000x16xf32>
    %slice3A_5 = vector.extract_strided_slice %get3A_4 {offsets = [0, 0], sizes = [2000, 1], strides = [1, 1]} : vector<2000x16xf32> to vector<2000x1xf32>
    %add3A = arith.addf %slice3A, %slice3A_5 : vector<2000x1xf32>
    %get3A_6 = arith.constant 0 : index
    %get3A_7 = arith.constant 0 : index
    %get3A_8 = vector.load %arg3[%get3A_6, %get3A_7] : memref<2000x128xf32, #tpu.memory_space<vmem>>, vector<2000x128xf32>
    %get3A_9 = arith.constant 0 : index
    %get3A_10 = arith.constant 0 : index
    %get3A_11 = vector.load %arg1[%get3A_9, %get3A_10] : memref<2000x128xf32, #tpu.memory_space<vmem>>, vector<2000x128xf32>
    %get3A_12 = arith.constant 0 : index
    %get3A_13 = arith.constant 0 : index
    %get3A_14 = vector.load %arg2[%get3A_12, %get3A_13] : memref<2000x128xf32, #tpu.memory_space<vmem>>, vector<2000x128xf32>
    %add3A_15 = arith.addf %get3A_11, %get3A_14 : vector<2000x128xf32>
    %get3A_16 = arith.constant 0 : index
    %get3A_17 = arith.constant 0 : index
    %get3A_18 = vector.load %arg6[%get3A_16, %get3A_17] : memref<128x128xf32, #tpu.memory_space<vmem>>, vector<128x128xf32>
    %dot_general3A = arith.constant dense<0.000000e+00> : vector<2000x128xf32>
    %dot_general3A_19 = tpu.matmul %get3A_8, %get3A_18, %dot_general3A {dimension_numbers = #tpu.dot_dimension_numbers<[1], [0], [0], [1], [0, 0, 1, 1], [], []>, transpose_lhs_hint = false} : vector<2000x128xf32>, vector<128x128xf32>, vector<2000x128xf32> -> vector<2000x128xf32>
    %mul3A = vector.broadcast %add3A : vector<2000x1xf32> to vector<2000x128xf32>
    %mul3A_20 = arith.mulf %dot_general3A_19, %mul3A : vector<2000x128xf32>
    %sub3A = arith.subf %add3A_15, %mul3A_20 : vector<2000x128xf32>
    %get3A_21 = arith.constant 0 : index
    %get3A_22 = arith.constant 0 : index
    %get3A_23 = vector.load %arg7[%get3A_21, %get3A_22] : memref<128x128xf32, #tpu.memory_space<vmem>>, vector<128x128xf32>
    %dot_general3A_24 = arith.constant dense<0.000000e+00> : vector<2000x128xf32>
    %dot_general3A_25 = tpu.matmul %get3A_8, %get3A_23, %dot_general3A_24 {dimension_numbers = #tpu.dot_dimension_numbers<[1], [0], [0], [1], [0, 0, 1, 1], [], []>, transpose_lhs_hint = false} : vector<2000x128xf32>, vector<128x128xf32>, vector<2000x128xf32> -> vector<2000x128xf32>
    %add3A_26 = arith.addf %sub3A, %dot_general3A_25 : vector<2000x128xf32>
    %get3A_27 = arith.constant 0 : index
    %get3A_28 = arith.constant 0 : index
    %get3A_29 = vector.load %arg8[%get3A_27, %get3A_28] : memref<1x128xf32, #tpu.memory_space<vmem>>, vector<1x128xf32>
    %add3A_30 = vector.broadcast %get3A_29 : vector<1x128xf32> to vector<2000x128xf32>
    %add3A_31 = arith.addf %add3A_26, %add3A_30 : vector<2000x128xf32>
    %max3A = arith.constant 0.000000e+00 : f32
    %max3A_32 = vector.broadcast %max3A : f32 to vector<2000x128xf32>
    %max3A_33 = arith.maximumf %add3A_31, %max3A_32 : vector<2000x128xf32>
    %swap3A = arith.constant 0 : index
    %swap3A_34 = arith.constant 0 : index
    %swap3A_35 = vector.load %arg11[%swap3A, %swap3A_34] : memref<2000x128xf32, #tpu.memory_space<vmem>>, vector<2000x128xf32>
    tpu.vector_store %arg11[%swap3A, %swap3A_34], %max3A_33 {strides = array<i32>} : memref<2000x128xf32, #tpu.memory_space<vmem>>, vector<2000x128xf32>,
    %get3A_36 = arith.constant 0 : index
    %get3A_37 = arith.constant 0 : index
    %get3A_38 = vector.load %arg9[%get3A_36, %get3A_37] : memref<128x128xf32, #tpu.memory_space<vmem>>, vector<128x128xf32>
    %dot_general3A_39 = arith.constant dense<0.000000e+00> : vector<2000x128xf32>
    %dot_general3A_40 = tpu.matmul %max3A_33, %get3A_38, %dot_general3A_39 {dimension_numbers = #tpu.dot_dimension_numbers<[1], [0], [0], [1], [0, 0, 1, 1], [], []>, transpose_lhs_hint = false} : vector<2000x128xf32>, vector<128x128xf32>, vector<2000x128xf32> -> vector<2000x128xf32>
    %get3A_41 = arith.constant 0 : index
    %get3A_42 = arith.constant 0 : index
    %get3A_43 = vector.load %arg10[%get3A_41, %get3A_42] : memref<1x128xf32, #tpu.memory_space<vmem>>, vector<1x128xf32>
    %add3A_44 = vector.broadcast %get3A_43 : vector<1x128xf32> to vector<2000x128xf32>
    %add3A_45 = arith.addf %dot_general3A_40, %add3A_44 : vector<2000x128xf32>
    %swap3A_46 = arith.constant 0 : index
    %swap3A_47 = arith.constant 0 : index
    %swap3A_48 = vector.load %arg12[%swap3A_46, %swap3A_47] : memref<2000x128xf32, #tpu.memory_space<vmem>>, vector<2000x128xf32>
    tpu.vector_store %arg12[%swap3A_46, %swap3A_47], %add3A_45 {strides = array<i32>} : memref<2000x128xf32, #tpu.memory_space<vmem>>, vector<2000x128xf32>,
    return
  }
  func.func @transform_0(%arg0: i32) -> (i32, i32) {
    %c0_i32 = arith.constant 0 : i32
    %c0_i32_0 = arith.constant 0 : i32
    return %arg0, %c0_i32 : i32, i32
  }
  func.func @transform_1(%arg0: i32) -> (i32, i32) {
    %c0_i32 = arith.constant 0 : i32
    %c0_i32_0 = arith.constant 0 : i32
    return %arg0, %c0_i32 : i32, i32
  }
  func.func @transform_2(%arg0: i32) -> (i32, i32) {
    %c0_i32 = arith.constant 0 : i32
    %c0_i32_0 = arith.constant 0 : i32
    return %arg0, %c0_i32 : i32, i32
  }
  func.func @transform_3(%arg0: i32) -> (i32, i32) {
    %c0_i32 = arith.constant 0 : i32
    %c0_i32_0 = arith.constant 0 : i32
    return %arg0, %c0_i32 : i32, i32
  }
  func.func @transform_4(%arg0: i32) -> (i32, i32) {
    %c0_i32 = arith.constant 0 : i32
    %c0_i32_0 = arith.constant 0 : i32
    return %arg0, %c0_i32 : i32, i32
  }
  func.func @transform_5(%arg0: i32) -> (i32, i32) {
    %c0_i32 = arith.constant 0 : i32
    %c0_i32_0 = arith.constant 0 : i32
    %c0_i32_1 = arith.constant 0 : i32
    return %c0_i32, %c0_i32_0 : i32, i32
  }
  func.func @transform_6(%arg0: i32) -> (i32, i32) {
    %c0_i32 = arith.constant 0 : i32
    %c0_i32_0 = arith.constant 0 : i32
    %c0_i32_1 = arith.constant 0 : i32
    return %c0_i32, %c0_i32_0 : i32, i32
  }
  func.func @transform_7(%arg0: i32) -> (i32, i32) {
    %c0_i32 = arith.constant 0 : i32
    %c0_i32_0 = arith.constant 0 : i32
    %c0_i32_1 = arith.constant 0 : i32
    return %c0_i32, %c0_i32_0 : i32, i32
  }
  func.func @transform_8(%arg0: i32) -> (i32, i32) {
    %c0_i32 = arith.constant 0 : i32
    %c0_i32_0 = arith.constant 0 : i32
    %c0_i32_1 = arith.constant 0 : i32
    return %c0_i32, %c0_i32_0 : i32, i32
  }
  func.func @transform_9(%arg0: i32) -> (i32, i32) {
    %c0_i32 = arith.constant 0 : i32
    %c0_i32_0 = arith.constant 0 : i32
    %c0_i32_1 = arith.constant 0 : i32
    return %c0_i32, %c0_i32_0 : i32, i32
  }
  func.func @transform_10(%arg0: i32) -> (i32, i32) {
    %c0_i32 = arith.constant 0 : i32
    %c0_i32_0 = arith.constant 0 : i32
    return %arg0, %c0_i32 : i32, i32
  }
  func.func @transform_11(%arg0: i32) -> (i32, i32) {
    %c0_i32 = arith.constant 0 : i32
    %c0_i32_0 = arith.constant 0 : i32
    return %arg0, %c0_i32 : i32, i32
  }
}

module attributes {stable_mosaic.version = 14 : i64} {
  func.func @body(%arg0: i32, %arg1: memref<2000x128xf32, #tpu.memory_space<vmem>>, %arg2: memref<2000x128xf32, #tpu.memory_space<vmem>>, %arg3: memref<2000x128xf32, #tpu.memory_space<vmem>>, %arg4: memref<2000x16xf32, #tpu.memory_space<vmem>>, %arg5: memref<2000x16xf32, #tpu.memory_space<vmem>>, %arg6: memref<128x128xf32, #tpu.memory_space<vmem>>, %arg7: memref<128x128xf32, #tpu.memory_space<vmem>>, %arg8: memref<1x128xf32, #tpu.memory_space<vmem>>, %arg9: memref<2000x1xi32, #tpu.memory_space<vmem>>, %arg10: memref<128x256xf32, #tpu.memory_space<vmem>>, %arg11: memref<1x256xf32, #tpu.memory_space<vmem>>, %arg12: memref<256x128xf32, #tpu.memory_space<vmem>>, %arg13: memref<1x128xf32, #tpu.memory_space<vmem>>, %arg14: memref<128x128xf32, #tpu.memory_space<vmem>>, %arg15: memref<128x128xf32, #tpu.memory_space<vmem>>, %arg16: memref<128x128xf32, #tpu.memory_space<vmem>>) attributes {dimension_semantics = [#tpu.dimension_semantics<arbitrary>], iteration_bounds = array<i64: 5>, scalar_prefetch = 0 : i64, scratch_operands = 2 : i64, tpu.core_type = #tpu.core_type<tc>, window_params = [{transform_indices = @transform_0, window_bounds = array<i64: 2000, 128>}, {transform_indices = @transform_1, window_bounds = array<i64: 2000, 128>}, {transform_indices = @transform_2, window_bounds = array<i64: 2000, 128>}, {transform_indices = @transform_3, window_bounds = array<i64: 2000, 16>}, {transform_indices = @transform_4, window_bounds = array<i64: 2000, 16>}, {pipeline_mode = #tpu.pipeline_mode<synchronous>, transform_indices = @transform_5, window_bounds = array<i64: 128, 128>}, {pipeline_mode = #tpu.pipeline_mode<synchronous>, transform_indices = @transform_6, window_bounds = array<i64: 128, 128>}, {pipeline_mode = #tpu.pipeline_mode<synchronous>, transform_indices = @transform_7, window_bounds = array<i64: 1, 128>}, {transform_indices = @transform_8, window_bounds = array<i64: 2000, 1>}, {pipeline_mode = #tpu.pipeline_mode<synchronous>, transform_indices = @transform_9, window_bounds = array<i64: 128, 256>}, {pipeline_mode = #tpu.pipeline_mode<synchronous>, transform_indices = @transform_10, window_bounds = array<i64: 1, 256>}, {pipeline_mode = #tpu.pipeline_mode<synchronous>, transform_indices = @transform_11, window_bounds = array<i64: 256, 128>}, {pipeline_mode = #tpu.pipeline_mode<synchronous>, transform_indices = @transform_12, window_bounds = array<i64: 1, 128>}, {pipeline_mode = #tpu.pipeline_mode<synchronous>, transform_indices = @transform_13, window_bounds = array<i64: 128, 128>}]} {
    %eq3A = arith.constant 0 : i32
    %eq3A_0 = arith.cmpi eq, %arg0, %eq3A : i32
    %convert_element_type3A = arith.extui %eq3A_0 : i1 to i32
    %cond3A = arith.constant 0 : i32
    %cond3A_1 = arith.cmpi ne, %convert_element_type3A, %cond3A : i32
    scf.if %cond3A_1 {
      %broadcast_in_dim3A_66 = arith.constant 0.000000e+00 : f32
      %broadcast_in_dim3A_67 = vector.broadcast %broadcast_in_dim3A_66 : f32 to vector<128x128xf32>
      %swap3A_68 = arith.constant 0 : index
      %swap3A_69 = arith.constant 0 : index
      %swap3A_70 = vector.load %arg15[%swap3A_68, %swap3A_69] : memref<128x128xf32, #tpu.memory_space<vmem>>, vector<128x128xf32>
      tpu.vector_store %arg15[%swap3A_68, %swap3A_69], %broadcast_in_dim3A_67 {strides = array<i32>} : memref<128x128xf32, #tpu.memory_space<vmem>>, vector<128x128xf32>,
      %broadcast_in_dim3A_71 = arith.constant 0.000000e+00 : f32
      %broadcast_in_dim3A_72 = vector.broadcast %broadcast_in_dim3A_71 : f32 to vector<128x128xf32>
      %swap3A_73 = arith.constant 0 : index
      %swap3A_74 = arith.constant 0 : index
      %swap3A_75 = vector.load %arg16[%swap3A_73, %swap3A_74] : memref<128x128xf32, #tpu.memory_space<vmem>>, vector<128x128xf32>
      tpu.vector_store %arg16[%swap3A_73, %swap3A_74], %broadcast_in_dim3A_72 {strides = array<i32>} : memref<128x128xf32, #tpu.memory_space<vmem>>, vector<128x128xf32>,
    } else {
    }
    %get3A = arith.constant 0 : index
    %get3A_2 = arith.constant 0 : index
    %get3A_3 = vector.load %arg4[%get3A, %get3A_2] : memref<2000x16xf32, #tpu.memory_space<vmem>>, vector<2000x16xf32>
    %slice3A = vector.extract_strided_slice %get3A_3 {offsets = [0, 0], sizes = [2000, 1], strides = [1, 1]} : vector<2000x16xf32> to vector<2000x1xf32>
    %get3A_4 = arith.constant 0 : index
    %get3A_5 = arith.constant 0 : index
    %get3A_6 = vector.load %arg5[%get3A_4, %get3A_5] : memref<2000x16xf32, #tpu.memory_space<vmem>>, vector<2000x16xf32>
    %slice3A_7 = vector.extract_strided_slice %get3A_6 {offsets = [0, 0], sizes = [2000, 1], strides = [1, 1]} : vector<2000x16xf32> to vector<2000x1xf32>
    %add3A = arith.addf %slice3A, %slice3A_7 : vector<2000x1xf32>
    %get3A_8 = arith.constant 0 : index
    %get3A_9 = arith.constant 0 : index
    %get3A_10 = vector.load %arg3[%get3A_8, %get3A_9] : memref<2000x128xf32, #tpu.memory_space<vmem>>, vector<2000x128xf32>
    %get3A_11 = arith.constant 0 : index
    %get3A_12 = arith.constant 0 : index
    %get3A_13 = vector.load %arg1[%get3A_11, %get3A_12] : memref<2000x128xf32, #tpu.memory_space<vmem>>, vector<2000x128xf32>
    %get3A_14 = arith.constant 0 : index
    %get3A_15 = arith.constant 0 : index
    %get3A_16 = vector.load %arg2[%get3A_14, %get3A_15] : memref<2000x128xf32, #tpu.memory_space<vmem>>, vector<2000x128xf32>
    %add3A_17 = arith.addf %get3A_13, %get3A_16 : vector<2000x128xf32>
    %get3A_18 = arith.constant 0 : index
    %get3A_19 = arith.constant 0 : index
    %get3A_20 = vector.load %arg6[%get3A_18, %get3A_19] : memref<128x128xf32, #tpu.memory_space<vmem>>, vector<128x128xf32>
    %dot_general3A = arith.constant dense<0.000000e+00> : vector<2000x128xf32>
    %dot_general3A_21 = tpu.matmul %get3A_10, %get3A_20, %dot_general3A {dimension_numbers = #tpu.dot_dimension_numbers<[1], [0], [0], [1], [0, 0, 1, 1], [], []>, transpose_lhs_hint = false} : vector<2000x128xf32>, vector<128x128xf32>, vector<2000x128xf32> -> vector<2000x128xf32>
    %mul3A = vector.broadcast %add3A : vector<2000x1xf32> to vector<2000x128xf32>
    %mul3A_22 = arith.mulf %dot_general3A_21, %mul3A : vector<2000x128xf32>
    %sub3A = arith.subf %add3A_17, %mul3A_22 : vector<2000x128xf32>
    %get3A_23 = arith.constant 0 : index
    %get3A_24 = arith.constant 0 : index
    %get3A_25 = vector.load %arg7[%get3A_23, %get3A_24] : memref<128x128xf32, #tpu.memory_space<vmem>>, vector<128x128xf32>
    %dot_general3A_26 = arith.constant dense<0.000000e+00> : vector<2000x128xf32>
    %dot_general3A_27 = tpu.matmul %get3A_10, %get3A_25, %dot_general3A_26 {dimension_numbers = #tpu.dot_dimension_numbers<[1], [0], [0], [1], [0, 0, 1, 1], [], []>, transpose_lhs_hint = false} : vector<2000x128xf32>, vector<128x128xf32>, vector<2000x128xf32> -> vector<2000x128xf32>
    %add3A_28 = arith.addf %sub3A, %dot_general3A_27 : vector<2000x128xf32>
    %get3A_29 = arith.constant 0 : index
    %get3A_30 = arith.constant 0 : index
    %get3A_31 = vector.load %arg8[%get3A_29, %get3A_30] : memref<1x128xf32, #tpu.memory_space<vmem>>, vector<1x128xf32>
    %add3A_32 = vector.broadcast %get3A_31 : vector<1x128xf32> to vector<2000x128xf32>
    %add3A_33 = arith.addf %add3A_28, %add3A_32 : vector<2000x128xf32>
    %max3A = arith.constant 0.000000e+00 : f32
    %max3A_34 = vector.broadcast %max3A : f32 to vector<2000x128xf32>
    %max3A_35 = arith.maximumf %add3A_33, %max3A_34 : vector<2000x128xf32>
    %get3A_36 = arith.constant 0 : index
    %get3A_37 = arith.constant 0 : index
    %get3A_38 = vector.load %arg9[%get3A_36, %get3A_37] : memref<2000x1xi32, #tpu.memory_space<vmem>>, vector<2000x1xi32>
    %iota3A = tpu.iota {dimensions = array<i32: 1>} : vector<2000x128xi32>
    %eq3A_39 = vector.broadcast %get3A_38 : vector<2000x1xi32> to vector<2000x128xi32>
    %eq3A_40 = arith.cmpi eq, %eq3A_39, %iota3A : vector<2000x128xi32>
    %convert_element_type3A_41 = arith.extui %eq3A_40 : vector<2000x128xi1> to vector<2000x128xi32>
    %convert_element_type3A_42 = arith.sitofp %convert_element_type3A_41 : vector<2000x128xi32> to vector<2000x128xf32>
    %get3A_43 = arith.constant 0 : index
    %get3A_44 = arith.constant 0 : index
    %get3A_45 = vector.load %arg15[%get3A_43, %get3A_44] : memref<128x128xf32, #tpu.memory_space<vmem>>, vector<128x128xf32>
    %dot_general3A_46 = arith.constant dense<0.000000e+00> : vector<128x128xf32>
    %dot_general3A_47 = tpu.matmul %convert_element_type3A_42, %max3A_35, %dot_general3A_46 {dimension_numbers = #tpu.dot_dimension_numbers<[0], [0], [1], [1], [0, 1, 1, 1], [], []>, precision = #tpu.contract_precision<fp32>, transpose_lhs_hint = false} : vector<2000x128xf32>, vector<2000x128xf32>, vector<128x128xf32> -> vector<128x128xf32>
    %add3A_48 = arith.addf %get3A_45, %dot_general3A_47 : vector<128x128xf32>
    %swap3A = arith.constant 0 : index
    %swap3A_49 = arith.constant 0 : index
    %swap3A_50 = vector.load %arg15[%swap3A, %swap3A_49] : memref<128x128xf32, #tpu.memory_space<vmem>>, vector<128x128xf32>
    tpu.vector_store %arg15[%swap3A, %swap3A_49], %add3A_48 {strides = array<i32>} : memref<128x128xf32, #tpu.memory_space<vmem>>, vector<128x128xf32>,
    %get3A_51 = arith.constant 0 : index
    %get3A_52 = arith.constant 0 : index
    %get3A_53 = vector.load %arg16[%get3A_51, %get3A_52] : memref<128x128xf32, #tpu.memory_space<vmem>>, vector<128x128xf32>
    %broadcast_in_dim3A = arith.constant 1.000000e+00 : f32
    %broadcast_in_dim3A_54 = vector.broadcast %broadcast_in_dim3A : f32 to vector<2000x128xf32>
    %dot_general3A_55 = arith.constant dense<0.000000e+00> : vector<128x128xf32>
    %dot_general3A_56 = tpu.matmul %convert_element_type3A_42, %broadcast_in_dim3A_54, %dot_general3A_55 {dimension_numbers = #tpu.dot_dimension_numbers<[0], [0], [1], [1], [0, 1, 1, 1], [], []>, precision = #tpu.contract_precision<fp32>, transpose_lhs_hint = false} : vector<2000x128xf32>, vector<2000x128xf32>, vector<128x128xf32> -> vector<128x128xf32>
    %add3A_57 = arith.addf %get3A_53, %dot_general3A_56 : vector<128x128xf32>
    %swap3A_58 = arith.constant 0 : index
    %swap3A_59 = arith.constant 0 : index
    %swap3A_60 = vector.load %arg16[%swap3A_58, %swap3A_59] : memref<128x128xf32, #tpu.memory_space<vmem>>, vector<128x128xf32>
    tpu.vector_store %arg16[%swap3A_58, %swap3A_59], %add3A_57 {strides = array<i32>} : memref<128x128xf32, #tpu.memory_space<vmem>>, vector<128x128xf32>,
    %eq3A_61 = arith.constant 4 : i32
    %eq3A_62 = arith.cmpi eq, %arg0, %eq3A_61 : i32
    %convert_element_type3A_63 = arith.extui %eq3A_62 : i1 to i32
    %cond3A_64 = arith.constant 0 : i32
    %cond3A_65 = arith.cmpi ne, %convert_element_type3A_63, %cond3A_64 : i32
    scf.if %cond3A_65 {
      %get3A_66 = arith.constant 0 : index
      %get3A_67 = arith.constant 0 : index
      %get3A_68 = vector.load %arg15[%get3A_66, %get3A_67] : memref<128x128xf32, #tpu.memory_space<vmem>>, vector<128x128xf32>
      %get3A_69 = arith.constant 0 : index
      %get3A_70 = arith.constant 0 : index
      %get3A_71 = vector.load %arg16[%get3A_69, %get3A_70] : memref<128x128xf32, #tpu.memory_space<vmem>>, vector<128x128xf32>
      %max3A_72 = arith.constant 1.000000e+00 : f32
      %max3A_73 = vector.broadcast %max3A_72 : f32 to vector<128x128xf32>
      %max3A_74 = arith.maximumf %get3A_71, %max3A_73 : vector<128x128xf32>
      %div3A = arith.divf %get3A_68, %max3A_74 : vector<128x128xf32>
      %get3A_75 = arith.constant 0 : index
      %get3A_76 = arith.constant 0 : index
      %get3A_77 = vector.load %arg10[%get3A_75, %get3A_76] : memref<128x256xf32, #tpu.memory_space<vmem>>, vector<128x256xf32>
      %dot_general3A_78 = arith.constant dense<0.000000e+00> : vector<128x256xf32>
      %dot_general3A_79 = tpu.matmul %div3A, %get3A_77, %dot_general3A_78 {dimension_numbers = #tpu.dot_dimension_numbers<[1], [0], [0], [1], [0, 0, 1, 1], [], []>, transpose_lhs_hint = false} : vector<128x128xf32>, vector<128x256xf32>, vector<128x256xf32> -> vector<128x256xf32>
      %get3A_80 = arith.constant 0 : index
      %get3A_81 = arith.constant 0 : index
      %get3A_82 = vector.load %arg11[%get3A_80, %get3A_81] : memref<1x256xf32, #tpu.memory_space<vmem>>, vector<1x256xf32>
      %add3A_83 = vector.broadcast %get3A_82 : vector<1x256xf32> to vector<128x256xf32>
      %add3A_84 = arith.addf %dot_general3A_79, %add3A_83 : vector<128x256xf32>
      %max3A_85 = arith.constant 0.000000e+00 : f32
      %max3A_86 = vector.broadcast %max3A_85 : f32 to vector<128x256xf32>
      %max3A_87 = arith.maximumf %add3A_84, %max3A_86 : vector<128x256xf32>
      %get3A_88 = arith.constant 0 : index
      %get3A_89 = arith.constant 0 : index
      %get3A_90 = vector.load %arg12[%get3A_88, %get3A_89] : memref<256x128xf32, #tpu.memory_space<vmem>>, vector<256x128xf32>
      %dot_general3A_91 = arith.constant dense<0.000000e+00> : vector<128x128xf32>
      %dot_general3A_92 = tpu.matmul %max3A_87, %get3A_90, %dot_general3A_91 {dimension_numbers = #tpu.dot_dimension_numbers<[1], [0], [0], [1], [0, 0, 1, 1], [], []>, transpose_lhs_hint = false} : vector<128x256xf32>, vector<256x128xf32>, vector<128x128xf32> -> vector<128x128xf32>
      %get3A_93 = arith.constant 0 : index
      %get3A_94 = arith.constant 0 : index
      %get3A_95 = vector.load %arg13[%get3A_93, %get3A_94] : memref<1x128xf32, #tpu.memory_space<vmem>>, vector<1x128xf32>
      %add3A_96 = vector.broadcast %get3A_95 : vector<1x128xf32> to vector<128x128xf32>
      %add3A_97 = arith.addf %dot_general3A_92, %add3A_96 : vector<128x128xf32>
      %swap3A_98 = arith.constant 0 : index
      %swap3A_99 = arith.constant 0 : index
      %swap3A_100 = vector.load %arg14[%swap3A_98, %swap3A_99] : memref<128x128xf32, #tpu.memory_space<vmem>>, vector<128x128xf32>
      tpu.vector_store %arg14[%swap3A_98, %swap3A_99], %add3A_97 {strides = array<i32>} : memref<128x128xf32, #tpu.memory_space<vmem>>, vector<128x128xf32>,
    } else {
    }
    return
  }
  func.func @transform_0(%arg0: i32) -> (i32, i32) {
    %c0_i32 = arith.constant 0 : i32
    %c0_i32_0 = arith.constant 0 : i32
    return %arg0, %c0_i32 : i32, i32
  }
  func.func @transform_1(%arg0: i32) -> (i32, i32) {
    %c0_i32 = arith.constant 0 : i32
    %c0_i32_0 = arith.constant 0 : i32
    return %arg0, %c0_i32 : i32, i32
  }
  func.func @transform_2(%arg0: i32) -> (i32, i32) {
    %c0_i32 = arith.constant 0 : i32
    %c0_i32_0 = arith.constant 0 : i32
    return %arg0, %c0_i32 : i32, i32
  }
  func.func @transform_3(%arg0: i32) -> (i32, i32) {
    %c0_i32 = arith.constant 0 : i32
    %c0_i32_0 = arith.constant 0 : i32
    return %arg0, %c0_i32 : i32, i32
  }
  func.func @transform_4(%arg0: i32) -> (i32, i32) {
    %c0_i32 = arith.constant 0 : i32
    %c0_i32_0 = arith.constant 0 : i32
    return %arg0, %c0_i32 : i32, i32
  }
  func.func @transform_5(%arg0: i32) -> (i32, i32) {
    %c0_i32 = arith.constant 0 : i32
    %c0_i32_0 = arith.constant 0 : i32
    %c0_i32_1 = arith.constant 0 : i32
    return %c0_i32, %c0_i32_0 : i32, i32
  }
  func.func @transform_6(%arg0: i32) -> (i32, i32) {
    %c0_i32 = arith.constant 0 : i32
    %c0_i32_0 = arith.constant 0 : i32
    %c0_i32_1 = arith.constant 0 : i32
    return %c0_i32, %c0_i32_0 : i32, i32
  }
  func.func @transform_7(%arg0: i32) -> (i32, i32) {
    %c0_i32 = arith.constant 0 : i32
    %c0_i32_0 = arith.constant 0 : i32
    %c0_i32_1 = arith.constant 0 : i32
    return %c0_i32, %c0_i32_0 : i32, i32
  }
  func.func @transform_8(%arg0: i32) -> (i32, i32) {
    %c0_i32 = arith.constant 0 : i32
    %c0_i32_0 = arith.constant 0 : i32
    return %arg0, %c0_i32 : i32, i32
  }
  func.func @transform_9(%arg0: i32) -> (i32, i32) {
    %c0_i32 = arith.constant 0 : i32
    %c0_i32_0 = arith.constant 0 : i32
    %c0_i32_1 = arith.constant 0 : i32
    return %c0_i32, %c0_i32_0 : i32, i32
  }
  func.func @transform_10(%arg0: i32) -> (i32, i32) {
    %c0_i32 = arith.constant 0 : i32
    %c0_i32_0 = arith.constant 0 : i32
    %c0_i32_1 = arith.constant 0 : i32
    return %c0_i32, %c0_i32_0 : i32, i32
  }
  func.func @transform_11(%arg0: i32) -> (i32, i32) {
    %c0_i32 = arith.constant 0 : i32
    %c0_i32_0 = arith.constant 0 : i32
    %c0_i32_1 = arith.constant 0 : i32
    return %c0_i32, %c0_i32_0 : i32, i32
  }
  func.func @transform_12(%arg0: i32) -> (i32, i32) {
    %c0_i32 = arith.constant 0 : i32
    %c0_i32_0 = arith.constant 0 : i32
    %c0_i32_1 = arith.constant 0 : i32
    return %c0_i32, %c0_i32_0 : i32, i32
  }
  func.func @transform_13(%arg0: i32) -> (i32, i32) {
    %c0_i32 = arith.constant 0 : i32
    %c0_i32_0 = arith.constant 0 : i32
    %c0_i32_1 = arith.constant 0 : i32
    return %c0_i32, %c0_i32_0 : i32, i32
  }
}

</mosaic_0001>

<sc_bundles>
// kernel: kernel.10.cloned.1.call-start
scs
__scs_entry_jumppad:
0x0: {  	(pc) =	sbr.rel $0x88, $3  }
0x1: {  	(tag) =	ssettag $0x0;
	lr =	simm.s32 $0x1  }
0x2: {  	[smem:$0x3F92] =	sst lr;
	_ =	strace $0xD0000000  }
0x3: {  	_ = 	snop  }
0x4: {  	_ = 	snop  }
0x5: {  	_ = 	snop  }
0x6: {  	_ = 	snop  }
0x7: {  	_ = 	snop  }
__scs_overlays_trampoline_lowered:
0x8: {  	[smem:$0x3FA1] =	sst s0  }
0x9: {  	[smem:$0x3FA2] =	sst s1  }
0xa: {  	[smem:$0x3FA3] =	sst s2  }
0xb: {  	[smem:$0x3FA4] =	sst s3  }
0xc: {  	[smem:$0x3FA5] =	sst s4  }
0xd: {  	[smem:$0x3FA6] =	sst s5  }
0xe: {  	[smem:$0x3FA7] =	sst s6  }
0xf: {  	[smem:$0x3FA8] =	sst s7  }
0x10: {  	[smem:$0x3FA9] =	sst s8  }
0x11: {  	[smem:$0x3FAA] =	sst s9;
	s0 =	simm.s32 @!p0 $0x0  }
0x12: {  	s1 =	sld [smem:$0x3F90];
	s0 =	simm.s32 @p0 $0x1  }
0x13: {  	[smem:$0x3FAB] =	sst s0;
	s0 =	simm.s32 @!p1 $0x0  }
0x14: {  	s2 =	sld [smem:$0x3F8F];
	s0 =	simm.s32 @p1 $0x1  }
0x15: {  	[smem:$0x3FAC] =	sst s0;
	s0 =	simm.s32 @!p2 $0x0  }
0x16: {  	s3 =	sld [smem:$0x3FDB];
	s0 =	simm.s32 @p2 $0x1  }
0x17: {  	s4 =	simm.s32 $0x1BF5;
	[smem:$0x3FAE] =	sst s0  }
0x18: {  	s0 =	sld [smem:$0x3F91];
	_ =	swait.ge [sflag:s4], $0x0  }
0x19: {  	s7 =	sld [smem:$0x3F92]  }
0x1a: {  	s8 =	sadd.s32 $0xFFFFE003, lr  }
0x1b: {  	s9 =	sadd.s32 $0xFFFFFEF7, lr;
	s5 =	simm.s32 $0xFFFFFFFF;
	p2 =	slt.u32 s8, $0xFFFFF086  }
0x1c: {  	p1 =	slt.u32 s9, $0xF7A;
	s5 =	simm.s32 @!p2 $0x0  }
0x1d: {  	s5 =	simm.s32 @p1 $0x1;
	p0 =	seq.s32 s7, s2  }
0x1e: {  	s7 =	smul.u32 @!p0 $0xF7A, s2;
	p2 =	seq.s32 @!p0 s5, $0x0  }
0x1f: {  	s9 =	smul.u32 $0xF7A, s1;
	s8 =	simm.s32 @!p0 $0x1BF5;
	p2 =	por !p2, p0  }
0x20: {  	[sflag:s8] =	ssyncset.s32 @!p0 $0xFFFFF086;
	s6 =	sadd.s32 @!p0 s3, s7;
	s7 =	simm.s32 @!p0 $0x108  }
0x21: {  	s3 =	sadd.s32 s3, s9;
	s6 =	sadd.s32 @!p0 $0x88, s6;
	s7 =	simm.s32 @p2 $0x1082  }
0x22: {  	[simem:s7], [sflag:s8] =	dma.local @!p0 [hbm:s6], $0xF7A  }
0x23: {  	s9 =	sor.u32 $0xD0000000, s2;
	s6 =	simm.s32 $0x108;
	_ =	swait.ge @!p0 [sflag:s8], $0x0  }
0x24: {  	s3 =	sadd.s32 $0x88, s3;
	s6 =	simm.s32 @!p1 $0x1082;
	[sflag:s4] =	ssyncset.s32 $0xFFFFF086  }
0x25: {  	[simem:s6], [sflag:s4] =	dma.local [hbm:s3], $0xF7A  }
0x26: {  	[smem:$0x3F92] =	sst s1;
	(tag) =	ssettag s2;
	_ =	strace s9  }
0x27: {  	s1 =	sld [smem:$0x3FA2]  }
0x28: {  	s2 =	sld [smem:$0x3FA3]  }
0x29: {  	s4 =	sld [smem:$0x3FA5]  }
0x2a: {  	p0 =	seq.s32 s5, $0x0;
	s5 =	sld [smem:$0x3FA6]  }
0x2b: {  	s6 =	sld [smem:$0x3FA7]  }
0x2c: {  	s7 =	sld [smem:$0x3FA8]  }
0x2d: {  	s3 =	simm.s32 $0x108;
	s8 =	sld [smem:$0x3FA9]  }
0x2e: {  	s3 =	simm.s32 @!p0 $0x1082;
	s9 =	sld [smem:$0x3FAA]  }
0x2f: {  	lr =	sadd.s32 s0, s3;
	s0 =	sld [smem:$0x3FA1]  }
0x30: {  	s3 =	sld [smem:$0x3FA4]  }
0x31: {  	[smem:$0x3FAD] =	sst s10  }
0x32: {  	s10 =	sld [smem:$0x3FAB];
	_ =	sdelay $0x3  }
0x33: {  	p0 =	seq.s32 s10, $0x1;
	s10 =	sld [smem:$0x3FAD];
	_ =	sdelay $0x3  }
0x34: {  	[smem:$0x3FAD] =	sst s10  }
0x35: {  	s10 =	sld [smem:$0x3FAC];
	_ =	sdelay $0x3  }
0x36: {  	p1 =	seq.s32 s10, $0x1;
	s10 =	sld [smem:$0x3FAD];
	_ =	sdelay $0x3  }
0x37: {  	[smem:$0x3FAD] =	sst s10  }
0x38: {  	s10 =	sld [smem:$0x3FAE]  }
0x39: {  	_ = 	snop;
	(pc) =	sbr.ind lr, $3  }
0x3a: {  	_ = 	snop  }
0x3b: {  	_ = 	snop  }
0x3c: {  	p2 =	seq.s32 s10, $0x1;
	s10 =	sld [smem:$0x3FAD]  }
0x3d: {  	_ =	shalt  }
0x3e: {  	_ =	shalt  }
0x3f: {  	_ =	shalt  }
0x40: {  	_ =	shalt  }
0x41: {  	_ =	shalt  }
0x42: {  	_ =	shalt  }
0x43: {  	_ =	shalt  }
0x44: {  	_ =	shalt  }
0x45: {  	_ =	shalt  }
0x46: {  	_ =	shalt  }
0x47: {  	_ =	shalt  }
0x48: {  	_ =	shalt  }
0x49: {  	_ =	shalt  }
0x4a: {  	_ =	shalt  }
0x4b: {  	_ =	shalt  }
0x4c: {  	_ =	shalt  }
0x4d: {  	_ =	shalt  }
0x4e: {  	_ =	shalt  }
0x4f: {  	_ =	shalt  }
0x50: {  	_ =	shalt  }
0x51: {  	_ =	shalt  }
0x52: {  	_ =	shalt  }
0x53: {  	_ =	shalt  }
0x54: {  	_ =	shalt  }
0x55: {  	_ =	shalt  }
0x56: {  	_ =	shalt  }
0x57: {  	_ =	shalt  }
0x58: {  	_ =	shalt  }
0x59: {  	_ =	shalt  }
0x5a: {  	_ =	shalt  }
0x5b: {  	_ =	shalt  }
0x5c: {  	_ =	shalt  }
0x5d: {  	_ =	shalt  }
0x5e: {  	_ =	shalt  }
0x5f: {  	_ =	shalt  }
0x60: {  	_ =	shalt  }
0x61: {  	_ =	shalt  }
0x62: {  	_ =	shalt  }
0x63: {  	_ =	shalt  }
0x64: {  	_ =	shalt  }
0x65: {  	_ =	shalt  }
0x66: {  	_ =	shalt  }
0x67: {  	_ =	shalt  }
0x68: {  	_ =	shalt  }
0x69: {  	_ =	shalt  }
0x6a: {  	_ =	shalt  }
0x6b: {  	_ =	shalt  }
0x6c: {  	_ =	shalt  }
0x6d: {  	_ =	shalt  }
0x6e: {  	_ =	shalt  }
0x6f: {  	_ =	shalt  }
0x70: {  	_ =	shalt  }
0x71: {  	_ =	shalt  }
0x72: {  	_ =	shalt  }
0x73: {  	_ =	shalt  }
0x74: {  	_ =	shalt  }
0x75: {  	_ =	shalt  }
0x76: {  	_ =	shalt  }
0x77: {  	_ =	shalt  }
0x78: {  	_ =	shalt  }
0x79: {  	_ =	shalt  }
0x7a: {  	_ =	shalt  }
0x7b: {  	_ =	shalt  }
0x7c: {  	_ =	shalt  }
0x7d: {  	_ =	shalt  }
0x7e: {  	_ =	shalt  }
0x7f: {  	_ =	shalt  }
0x80: {  	_ =	shalt  }
0x81: {  	_ =	shalt  }
0x82: {  	_ =	shalt  }
0x83: {  	_ =	shalt  }
0x84: {  	_ =	shalt  }
0x85: {  	_ =	shalt  }
0x86: {  	_ =	shalt  }
0x87: {  	_ =	shalt  }
.Lfunc_end0:
.L_simem_size_0:
called_computation_lowered:
.L_overlay_start_0:
0x88: {  	s2 =	sld [smem:$0x3FD9]  }
0x89: {  	s3 =	sld [smem:$0x3FFE];
	_ =	sdelay $0x1  }
0x8a: {  	s1 =	srdreg.scid  }
0x8b: {  	s0 =	sand.u32 $0x1, s1  }
0x8c: {  	s17 =	sshll.u32 s0, $0xA;
	s2 =	sadd.s32 s3, s2  }
0x8d: {  	s2 =	sadd.s32 s2, s17  }
0x8e: {  	[smem:$0x3FB9] =	sst s2  }
0x8f: {  	_ = 	snop  }
0x90: {  	(tm) =	ssettm $0x1  }
0x91: {  	s18 =	sld [smem:$0x3FFB];
	_ =	sdelay $0x3  }
0x92: {  	_ =	strace s18  }
0x93: {  	s2 =	sld [smem:$0x3FFC];
	_ =	sdelay $0x3  }
0x94: {  	_ =	strace s2  }
0x95: {  	s2 =	sld [smem:$0x3FFD];
	_ =	sdelay $0x3  }
0x96: {  	_ =	strace s2  }
0x97: {  	_ =	strace $0x8FFFFFFF  }
0x98: {  	s19 =	sld [smem:$0x3FDB];
	_ =	sdelay $0x1  }
0x99: {  	s20 =	simm.s32 $_scs_section_size  }
0x9a: {  	s4 =	simm.s32 $_size__tile_overlayer_lowered;
	s5 =	simm.s32 $_tile_overlayer_lowered  }
0x9b: {  	s6 =	simm.s32 $0x1BFF;
	s21 =	sshll.u32 s5, $0x1;
	s3 =	sadd.s32 s20, s19  }
0x9c: {  	s22 =	simm.s32 $0x0;
	s4 =	sshll.u32 s4, $0x1;
	s5 =	sadd.s32 s21, s3  }
0x9d: {  	[timem:s22], [sflag:s6] =	dma.local [hbm:s5], s4  }
0x9e: {  	_ =	swait.ge [sflag:s6], s4  }
0x9f: {  	s4 =	ssub.s32 $0x0, s4;
	[sflag:s6] =	ssyncset.done $0x0  }
0xa0: {  	[sflag:s6] =	ssyncadd.s32 s4;
	_ =	sdelay $0x1  }
0xa1: {  	s23 =	simm.s32 $0x1B8B  }
0xa2: {  	_ =	swait.ge [sflag:s23], $0x1  }
0xa3: {  	[sflag:s23] =	ssyncset.done $0x0  }
0xa4: {  	[sflag:s23] =	ssyncadd.s32 $0xFFFFFFFF  }
0xa5: {  	s4 =	sld [smem:$0x0]  }
0xa6: {  	s5 =	sand.u32 $0xFFFFFFFE, s1  }
0xa7: {  	p0 =	sne.s32 s1, s5  }
0xa8: {  	s5 =	sshll.u32 @p0 s5, $0xE  }
0xa9: {  	s5 =	sadd.s32 @p0 $0x11B8D, s5;
	s6 =	sshll.u32 @p0 s4, $0x11  }
0xaa: {  	s5 =	sor.u32 @p0 s6, s5  }
0xab: {  	[sflag:s5] =	ssyncadd.remote.s32 @p0 $0x1;
	_ =	sdelay $0x1  }
0xac: {  	s5 =	simm.s32 @p0 $0x1B8D  }
0xad: {  	_ =	swait.eq @p0 [sflag:s5], $0x1  }
0xae: {  	[sflag:s5] =	ssyncadd.s32 @p0 $0xFFFFFFFF  }
0xaf: {  	s6 =	sshll.u32 @!p0 s1, $0xE  }
0xb0: {  	s6 =	sor.u32 @!p0 $0x4000, s6;
	s5 =	simm.s32 @!p0 $0x1B8D  }
0xb1: {  	s4 =	sshll.u32 @!p0 s4, $0x11;
	s6 =	sadd.s32 @!p0 $0x11B8D, s6;
	_ =	swait.eq @!p0 [sflag:s5], $0x1  }
0xb2: {  	s4 =	sor.u32 @!p0 s4, s6;
	[sflag:s5] =	ssyncadd.s32 @!p0 $0xFFFFFFFF  }
0xb3: {  	s25 =	simm.s32 $0x1B8E;
	s24 =	sld [smem:$0x3FFE];
	[sflag:s4] =	ssyncadd.remote.s32 @!p0 $0x1  }
0xb4: {  	s26 =	simm.s32 $execute0_lowered;
	[smem:$0x3FD2] =	sst s25  }
0xb5: {  	s5 =	sshll.u32 s26, $0x1;
	_ =	strace $0x80000049;
	[dreg:$0x1] =	wrdreg $0xFFFFFFFF  }
0xb6: {  	s28 =	simm.s32 $_size_execute0_lowered;
	s3 =	sadd.s32 s3, s5;
	[dreg:$0x0] =	wrdreg $0x0  }
0xb7: {  	s5 =	sshll.u32 s28, $0x1;
	[dreg:$0x2] =	wrdreg s3  }
0xb8: {  	[dreg:$0x3] =	wrdreg s5  }
0xb9: {  	[dreg:$0x4] =	wrdreg $0xC0  }
0xba: {  	_ =	task [dreg:s22], $0x5FFFF  }
0xbb: {  	[dreg:$0x1] =	wrdreg $0xFFFFFFFF  }
0xbc: {  	[dreg:$0x0] =	wrdreg $0x60  }
0xbd: {  	[dreg:$0x2] =	wrdreg s24  }
0xbe: {  	[dreg:$0x3] =	wrdreg $0xB8000  }
0xbf: {  	[dreg:$0x4] =	wrdreg $0x9  }
0xc0: {  	_ =	task.clear_ibuf [dreg:s22], $0x5FFFF;
	_ =	strace $0x90000049  }
0xc1: {  	s29 =	simm.s32 $0x9;
	_ =	strace $0x8000004B  }
0xc2: {  	_ =	swait.ge [sflag:s29], $0x1  }
0xc3: {  	[sflag:s29] =	ssyncadd.s32 $0xFFFFFFFF  }
0xc4: {  	_ =	strace $0x9000004B  }
0xc5: {  	_ =	sfence  }
0xc6: {  	s30 =	sld [smem:$0x0];
	_ =	sdelay $0x2  }
0xc7: {  	s31 =	sshll.u32 s1, $0xD;
	s1 =	sshrl.u32 s1, $0x2  }
0xc8: {  	s4 =	sand.u32 $0x4000, s31;
	s1 =	sadd.s32 s1, s30  }
0xc9: {  	s0 =	sor.u32 s4, s0;
	s1 =	sshll.u32 s1, $0x11  }
0xca: {  	s0 =	sor.u32 s1, s0  }
0xcb: {  	s0 =	sadd.s32 $0x8F2B, s0  }
0xcc: {  	[sflag:s0] =	ssyncadd.remote.s32 $0x1  }
0xcd: {  	_ =	sfence.sel $0xFFFF  }
0xce: {  	[dreg:$0x0] =	wrdreg $0xFFFFFFFF;
	(pc) =	sbr.abs _section_cstart, $3  }
0xcf: {  	[dreg:$0x1] =	wrdreg $0xFFFFFFFF  }
0xd0: {  	_ =	task.clear_ibuf [dreg:s22], $0x2FFFF;
	_ =	strace $0x9FFFFFFF  }
0xd1: {  	(tm) =	ssettm $0x7FFFFFFF  }
tec
execute0_lowered:
.L_overlay_start_1:
0x0: {  	(tag) =	ssettag $0x1  }
0x1: {  	s0 =	rddreg [dreg:$0x0]  }
0x2: {  	s1 =	rddreg [dreg:$0x1];
	s3 =	simm.s32 $0x0;
	s2 =	srdreg.scid  }
0x3: {  	s6 =	stileid.u32;
	s28 =	simm.s32 $0x1800;
	s29 =	simm.s32 $0x1  }
0x4: {  	s30 =	simm.s32 $0x5800;
	s31 =	simm.s32 $0x3;
	[smem:$0x7FF] =	sst s3  }
0x5: {  	s2 =	sand.u32 $0x1, s2;
	s5 =	sshll.u32 s6, $0x1;
	s11 =	smul.u32 $0x50000, s6  }
0x6: {  	s4 =	sadd.s32 $0xC7600, s0;
	s9 =	smul.u32 $0x14000, s6;
	s6 =	sadd.s32 $0x15200, s0  }
0x7: {  	_ =	strace $0x8000004A;
	s7 =	smul.u32 $0x140000, s2;
	s15 =	sshrl.u32 s11, $0x2  }
0x8: {  	s8 =	sor.u32 s2, s5;
	s5 =	sadd.s32 $0x1F200, s0;
	s12 =	sadd.s32 s15, s1  }
0x9: {  	s2 =	ssub.s32 $0x2, s2;
	s17 =	sadd.s32 $0x2000, s12;
	[dreg:$0x3] =	wrdreg s12  }
0xa: {  	s10 =	sshll.u32 s8, $0xB;
	s18 =	sadd.s32 $0x4000, s12;
	[dreg:$0x4] =	wrdreg s17  }
0xb: {  	s16 =	sshrl.u32 s2, $0x1;
	s19 =	sadd.s32 $0x6000, s12;
	[dreg:$0x5] =	wrdreg s18  }
0xc: {  	s10 =	sadd.s32 s10, s0;
	s20 =	sadd.s32 $0x8000, s12;
	[dreg:$0x6] =	wrdreg s19  }
0xd: {  	s7 =	sadd.s32 s9, s7;
	s21 =	sadd.s32 $0xA000, s12;
	[dreg:$0x7] =	wrdreg s20  }
0xe: {  	s2 =	ssub.s32 s2, s16;
	s22 =	sadd.s32 $0xC000, s12;
	[dreg:$0x8] =	wrdreg s21  }
0xf: {  	s7 =	sshrl.u32 s7, $0x3;
	s23 =	sadd.s32 $0xE000, s12;
	[dreg:$0x9] =	wrdreg s22  }
0x10: {  	s24 =	sadd.s32 $0x10000, s12;
	s25 =	sadd.s32 $0x12000, s12;
	[dreg:$0xa] =	wrdreg s23  }
0x11: {  	s26 =	smax.u32 s2, $0x1;
	s2 =	simm.s32 $0x4;
	[dreg:$0xb] =	wrdreg s24  }
0x12: {  	s0 =	sadd.s32 s7, s0;
	[dreg:$0xc] =	wrdreg s25;
	s17 =	smul.u32 $0x2800, s8  }
0x13: {  	s18 =	sadd.s32 $0x5200, s10;
	[dreg:$0xe] =	wrdreg s26;
	s21 =	simm.s32 $0x9800  }
0x14: {  	s22 =	simm.s32 $0x5;
	s23 =	simm.s32 $0x800;
	s24 =	simm.s32 $0x80  }
0x15: {  	s25 =	simm.s32 $0x400;
	s26 =	simm.s32 $0x1000;
	s0 =	sadd.s32 $0xEE800, s0  }
0x16: {  	v0 =	vimm.f32 $0.0e+00;
	s8 =	simm.s32 $0xF80;
	[dreg:$0xd] =	wrdreg s0;
	s0 =	simm.s32 $0x2  }
.LBB2_1:
0x17: {  	s9 =	simm.s32 $0x0;
	s10 =	simm.s32 $0x200  }
.LBB2_2:
0x18: {  	p0 =	sne.s32 s10, $0x7E00;
	[tilespmem:s9+$0x9870] =	vst v0  }
0x19: {  	[tilespmem:s9+$0x9800] =	vst v0  }
0x1a: {  	[tilespmem:s9+$0x9810] =	vst v0  }
.Ltmp0:
0x1b: {  	[tilespmem:s9+$0x9820] =	vst v0;
	(pc) =	sbr.rel @p0 .LBB2_2-.Ltmp0, $4  }
0x1c: {  	[tilespmem:s9+$0x9830] =	vst v0  }
0x1d: {  	[tilespmem:s9+$0x9840] =	vst v0  }
0x1e: {  	[tilespmem:s9+$0x9850] =	vst v0  }
0x1f: {  	[tilespmem:s9+$0x9860] =	vst v0;
	s9 =	sshra.s32 s10, $0x2;
	s10 =	sadd.s32 $0x200, s10  }
0x20: {  	[tilespmem:s9+$0x9870] =	vst v0  }
0x21: {  	[tilespmem:s9+$0x9800] =	vst v0  }
0x22: {  	[tilespmem:s9+$0x9810] =	vst v0  }
0x23: {  	[tilespmem:s9+$0x9820] =	vst v0  }
0x24: {  	[tilespmem:s9+$0x9830] =	vst v0  }
0x25: {  	[tilespmem:s9+$0x9840] =	vst v0  }
0x26: {  	[tilespmem:s9+$0x9850] =	vst v0  }
0x27: {  	[tilespmem:s9+$0x9860] =	vst v0  }
0x28: {  	[spmem:s12] =	stream.linear.scatter [tilespmem:s21], [sflag:$0x5], $0x2000, $0x38;
	[tilespmem:$0x1F800] =	vst v63  }
0x29: {  	_ =	swait.ge [sflag:s22], $0x2000  }
0x2a: {  	[sflag:s22] =	ssyncset.done $0x0  }
0x2b: {  	s7 =	rddreg [dreg:$0x4];
	[sflag:s22] =	ssyncadd.s32 $0xFFFFE000  }
0x2c: {  	[spmem:s7] =	stream.linear.scatter [tilespmem:s21], [sflag:$0x5], $0x2000, $0x38;
	[tilespmem:$0x1F800] =	vst v63  }
0x2d: {  	_ =	swait.ge [sflag:s22], $0x2000  }
0x2e: {  	[sflag:s22] =	ssyncset.done $0x0  }
0x2f: {  	s11 =	rddreg [dreg:$0x5];
	[sflag:s22] =	ssyncadd.s32 $0xFFFFE000  }
0x30: {  	[spmem:s11] =	stream.linear.scatter [tilespmem:s21], [sflag:$0x5], $0x2000, $0x38;
	[tilespmem:$0x1F800] =	vst v63  }
0x31: {  	_ =	swait.ge [sflag:s22], $0x2000  }
0x32: {  	[sflag:s22] =	ssyncset.done $0x0  }
0x33: {  	s12 =	rddreg [dreg:$0x6];
	[sflag:s22] =	ssyncadd.s32 $0xFFFFE000  }
0x34: {  	[spmem:s12] =	stream.linear.scatter [tilespmem:s21], [sflag:$0x5], $0x2000, $0x38;
	[tilespmem:$0x1F800] =	vst v63  }
0x35: {  	_ =	swait.ge [sflag:s22], $0x2000  }
0x36: {  	[sflag:s22] =	ssyncset.done $0x0  }
0x37: {  	s13 =	rddreg [dreg:$0x7];
	[sflag:s22] =	ssyncadd.s32 $0xFFFFE000  }
0x38: {  	[spmem:s13] =	stream.linear.scatter [tilespmem:s21], [sflag:$0x5], $0x2000, $0x38;
	[tilespmem:$0x1F800] =	vst v63  }
0x39: {  	_ =	swait.ge [sflag:s22], $0x2000  }
0x3a: {  	[sflag:s22] =	ssyncset.done $0x0  }
0x3b: {  	s14 =	rddreg [dreg:$0x8];
	[sflag:s22] =	ssyncadd.s32 $0xFFFFE000  }
0x3c: {  	[spmem:s14] =	stream.linear.scatter [tilespmem:s21], [sflag:$0x5], $0x2000, $0x38;
	[tilespmem:$0x1F800] =	vst v63  }
0x3d: {  	_ =	swait.ge [sflag:s22], $0x2000  }
0x3e: {  	[sflag:s22] =	ssyncset.done $0x0  }
0x3f: {  	s15 =	rddreg [dreg:$0x9];
	[sflag:s22] =	ssyncadd.s32 $0xFFFFE000  }
0x40: {  	[spmem:s15] =	stream.linear.scatter [tilespmem:s21], [sflag:$0x5], $0x2000, $0x38;
	[tilespmem:$0x1F800] =	vst v63  }
0x41: {  	_ =	swait.ge [sflag:s22], $0x2000  }
0x42: {  	[sflag:s22] =	ssyncset.done $0x0  }
0x43: {  	s16 =	rddreg [dreg:$0xa];
	[sflag:s22] =	ssyncadd.s32 $0xFFFFE000  }
0x44: {  	[spmem:s16] =	stream.linear.scatter [tilespmem:s21], [sflag:$0x5], $0x2000, $0x38;
	[tilespmem:$0x1F800] =	vst v63  }
0x45: {  	_ =	swait.ge [sflag:s22], $0x2000  }
0x46: {  	[sflag:s22] =	ssyncset.done $0x0  }
0x47: {  	s19 =	rddreg [dreg:$0xb];
	[sflag:s22] =	ssyncadd.s32 $0xFFFFE000  }
0x48: {  	[spmem:s19] =	stream.linear.scatter [tilespmem:s21], [sflag:$0x5], $0x2000, $0x38;
	[tilespmem:$0x1F800] =	vst v63  }
0x49: {  	_ =	swait.ge [sflag:s22], $0x2000  }
0x4a: {  	[sflag:s22] =	ssyncset.done $0x0  }
0x4b: {  	s20 =	rddreg [dreg:$0xc];
	[sflag:s22] =	ssyncadd.s32 $0xFFFFE000  }
0x4c: {  	[spmem:s20] =	stream.linear.scatter [tilespmem:s21], [sflag:$0x5], $0x2000, $0x38;
	[tilespmem:$0x1F800] =	vst v63  }
0x4d: {  	_ =	swait.ge [sflag:s22], $0x2000  }
0x4e: {  	[sflag:s22] =	ssyncset.done $0x0  }
0x4f: {  	[sflag:s22] =	ssyncadd.s32 $0xFFFFE000  }
0x50: {  	s9 =	simm.s32 $0x0;
	s10 =	simm.s32 $0x0;
	[bflag:$0x0] =	sbarrier.arrive $0xFFFF  }
.LBB2_4:
0x51: {  	s11 =	sshll.u32 s10, $0xB  }
0x52: {  	s11 =	sadd.s32 s17, s11  }
0x53: {  	s11 =	sshrl.u32 s11, $0x3  }
0x54: {  	s12 =	sadd.s32 s5, s11  }
0x55: {  	[tilespmem:s9], [sflag:$0x5] =	stream.linear.gather [hbm4b:s12+s9], $0x800, $0x38;
	[tilespmem:$0x1F800] =	vst v63  }
0x56: {  	_ =	swait.ge [sflag:s22], $0x800  }
0x57: {  	[sflag:s22] =	ssyncset.done $0x0  }
0x58: {  	s11 =	sadd.s32 s6, s11;
	[sflag:s22] =	ssyncadd.s32 $0xFFFFF800  }
0x59: {  	[tilespmem:s23], [sflag:$0x5] =	stream.linear.gather [hbm4b:s11+s9], $0x800, $0x38;
	[tilespmem:$0x1F800] =	vst v63  }
0x5a: {  	_ =	swait.ge [sflag:s22], $0x800  }
0x5b: {  	s20 =	sshll.u32 s10, $0x4;
	[sflag:s22] =	ssyncset.done $0x0  }
0x5c: {  	s11 =	sadd.s32 s20, s18;
	[sflag:s22] =	ssyncadd.s32 $0xFFFFF800  }
0x5d: {  	[tilespmem:s26], [sflag:$0x5] =	stream.strided.gather [hbm4b:s11+s24], $0x800, s25, s24, $0x38;
	[tilespmem:$0x1F800] =	vst v63  }
0x5e: {  	_ =	swait.ge [sflag:s22], $0x800  }
0x5f: {  	[sflag:s22] =	ssyncset.done $0x0  }
0x60: {  	[sflag:s22] =	ssyncadd.s32 $0xFFFFF800  }
0x61: {  	[tilespmem:s28], [sflag:$0x1] =	stream.indirect.gather [hbm4b:s4+s24], $0x80, s9, s24, $0xb8;
	[tilespmem:$0x1F800] =	vst v63  }
0x62: {  	_ =	swait.ge [sflag:s29], $0x4000  }
0x63: {  	[sflag:s29] =	ssyncset.done $0x0  }
0x64: {  	v1 =	vmov s9;
	s11 =	simm.s32 $0x1840;
	[sflag:s29] =	ssyncadd.s32 $0xFFFFC000  }
0x65: {  	[tilespmem:s30], [sflag:$0x2] =	stream.indirect.gather [hbm4b:s4+s24], $0x80, s24, s24, $0xb8;
	[tilespmem:$0x1F800] =	vst v63  }
0x66: {  	v5 =	vld [tilespmem:s11+$0x30]  }
0x67: {  	v8 =	vld [tilespmem:s11+$0x10]  }
0x68: {  	v6 =	vld [tilespmem:s11+$0xFFFFFFC0]  }
0x69: {  	v2 =	vld.idx.msk [tilespmem:v1+s26+$0x0], $0xffff  }
0x6a: {  	v10 =	vld [tilespmem:s11+$0xFFFFFFE0]  }
0x6b: {  	v1 =	vld [tilespmem:s11+$0xFFFFFFF0]  }
0x6c: {  	v3 =	vld [tilespmem:s11+$0x20]  }
0x6d: {  	v4 =	vld [tilespmem:s11+$0xFFFFFFD0]  }
0x6e: {  	v9 =	vmul.f32 v5, v2;
	v5 =	vld [tilespmem:s11+$0x0]  }
0x6f: {  	v7 =	vmul.f32 v6, v2  }
0x70: {  	s13 =	simm.s32 $0x1840;
	s12 =	simm.s32 $0x1;
	v6 =	vmul.f32 v10, v2;
	v8 =	vmul.f32 v8, v2  }
.LBB2_5:
0x71: {  	p0 =	sne.s32 s12, $0x7F  }
0x72: {  	v4 =	vmul.f32 v4, v2;
	v3 =	vmul.f32 v3, v2;
	[tilespmem:s11+$0x30] =	vst v9;
	s13 =	sadd.s32 $0x80, s13;
	s14 =	smov.u32 s12;
	s12 =	sadd.s32 $0x1, s12  }
0x73: {  	[tilespmem:s11+$0xFFFFFFC0] =	vst v7;
	v7 =	vmul.f32 v1, v2;
	v2 =	vmul.f32 v5, v2  }
0x74: {  	[tilespmem:s11+$0x10] =	vst v8  }
0x75: {  	v5 =	vmov s14;
	[tilespmem:s11+$0xFFFFFFE0] =	vst v6  }
0x76: {  	v1 =	vld [tilespmem:s13+$0xFFFFFFF0];
	[tilespmem:s11+$0xFFFFFFF0] =	vst v7  }
0x77: {  	v6 =	vld [tilespmem:s13+$0x30];
	[tilespmem:s11+$0x0] =	vst v2  }
0x78: {  	v8 =	vld [tilespmem:s13+$0x10];
	[tilespmem:s11+$0x20] =	vst v3  }
0x79: {  	v7 =	vld [tilespmem:s13+$0xFFFFFFC0];
	[tilespmem:s11+$0xFFFFFFD0] =	vst v4;
	s11 =	smov.u32 s13  }
0x7a: {  	v2 =	vld.idx.msk [tilespmem:v5+s26+$0x0], $0xffff  }
0x7b: {  	v10 =	vld [tilespmem:s13+$0xFFFFFFE0]  }
0x7c: {  	v3 =	vld [tilespmem:s13+$0x20]  }
.Ltmp1:
0x7d: {  	v4 =	vld [tilespmem:s13+$0xFFFFFFD0];
	(pc) =	sbr.rel @p0 .LBB2_5-.Ltmp1, $3  }
0x7e: {  	v5 =	vld [tilespmem:s13+$0x0];
	_ =	sdelay $0x1  }
0x7f: {  	v7 =	vmul.f32 v7, v2;
	v9 =	vmul.f32 v6, v2  }
0x80: {  	v8 =	vmul.f32 v8, v2;
	v6 =	vmul.f32 v10, v2  }
0x81: {  	[tilespmem:s11+$0x30] =	vst v9  }
0x82: {  	[tilespmem:s11+$0xFFFFFFC0] =	vst v7  }
0x83: {  	v1 =	vmul.f32 v1, v2;
	[tilespmem:s11+$0x10] =	vst v8  }
0x84: {  	v3 =	vmul.f32 v3, v2;
	[tilespmem:s11+$0xFFFFFFE0] =	vst v6  }
0x85: {  	v5 =	vmul.f32 v5, v2;
	[tilespmem:s11+$0xFFFFFFF0] =	vst v1  }
0x86: {  	v1 =	vmul.f32 v4, v2;
	[tilespmem:s11+$0x20] =	vst v3  }
0x87: {  	[tilespmem:s11+$0x0] =	vst v5  }
0x88: {  	s12 =	simm.s32 $0x1;
	s13 =	simm.s32 $0x100;
	[tilespmem:s11+$0xFFFFFFD0] =	vst v1;
	s11 =	simm.s32 $0x80  }
0x89: {  	[spmem:s1] =	stream.indirect.scatter.add.f32 [tilespmem:s28], [sflag:$0x3], $0x80, s23, s11, $0xb8;
	[tilespmem:$0x1F800] =	vst v63  }
.LBB2_7:
0x8a: {  	_ =	swait.ge [sflag:s31], $0x4000  }
0x8b: {  	[sflag:s31] =	ssyncset.done $0x0  }
0x8c: {  	s14 =	sshll.u32 s12, $0x8;
	[sflag:s31] =	ssyncadd.s32 $0xFFFFC000  }
0x8d: {  	[tilespmem:s28], [sflag:$0x1] =	stream.indirect.gather [hbm4b:s4+s24], $0x80, s14, s24, $0xb8;
	[tilespmem:$0x1F800] =	vst v63  }
0x8e: {  	s15 =	sadd.s32 $0x0, s11;
	_ =	swait.ge [sflag:s0], $0x4000  }
0x8f: {  	v1 =	vmov s15;
	[sflag:s0] =	ssyncset.done $0x0  }
0x90: {  	s15 =	simm.s32 $0x5840;
	[sflag:s0] =	ssyncadd.s32 $0xFFFFC000  }
0x91: {  	v5 =	vld [tilespmem:s15+$0x30]  }
0x92: {  	v8 =	vld [tilespmem:s15+$0x10]  }
0x93: {  	v6 =	vld [tilespmem:s15+$0xFFFFFFC0]  }
0x94: {  	v2 =	vld.idx.msk [tilespmem:v1+s26+$0x0], $0xffff  }
0x95: {  	v10 =	vld [tilespmem:s15+$0xFFFFFFE0]  }
0x96: {  	v1 =	vld [tilespmem:s15+$0xFFFFFFF0]  }
0x97: {  	v3 =	vld [tilespmem:s15+$0x20]  }
0x98: {  	v4 =	vld [tilespmem:s15+$0xFFFFFFD0]  }
0x99: {  	v9 =	vmul.f32 v5, v2;
	v5 =	vld [tilespmem:s15+$0x0]  }
0x9a: {  	s16 =	sshll.u32 s12, $0x1;
	v7 =	vmul.f32 v6, v2  }
0x9b: {  	s19 =	simm.s32 $0x1;
	s20 =	simm.s32 $0x5840;
	s16 =	sadd.s32 $0xFFFFFFFF, s16;
	v6 =	vmul.f32 v10, v2;
	v8 =	vmul.f32 v8, v2  }
.LBB2_8:
0x9c: {  	p0 =	sne.s32 s19, $0x7F  }
0x9d: {  	v4 =	vmul.f32 v4, v2;
	v3 =	vmul.f32 v3, v2;
	[tilespmem:s15+$0x30] =	vst v9;
	s20 =	sadd.s32 $0x80, s20;
	s7 =	smov.u32 s19;
	s19 =	sadd.s32 $0x1, s19  }
0x9e: {  	[tilespmem:s15+$0xFFFFFFC0] =	vst v7;
	v7 =	vmul.f32 v1, v2;
	v2 =	vmul.f32 v5, v2  }
0x9f: {  	s7 =	sadd.s32 s7, s11;
	[tilespmem:s15+$0x10] =	vst v8  }
0xa0: {  	v5 =	vmov s7;
	[tilespmem:s15+$0xFFFFFFE0] =	vst v6  }
0xa1: {  	v1 =	vld [tilespmem:s20+$0xFFFFFFF0];
	[tilespmem:s15+$0xFFFFFFF0] =	vst v7  }
0xa2: {  	v6 =	vld [tilespmem:s20+$0x30];
	[tilespmem:s15+$0x0] =	vst v2  }
0xa3: {  	v8 =	vld [tilespmem:s20+$0x10];
	[tilespmem:s15+$0x20] =	vst v3  }
0xa4: {  	v7 =	vld [tilespmem:s20+$0xFFFFFFC0];
	[tilespmem:s15+$0xFFFFFFD0] =	vst v4;
	s15 =	smov.u32 s20  }
0xa5: {  	v2 =	vld.idx.msk [tilespmem:v5+s26+$0x0], $0xffff  }
0xa6: {  	v10 =	vld [tilespmem:s20+$0xFFFFFFE0]  }
0xa7: {  	v3 =	vld [tilespmem:s20+$0x20]  }
.Ltmp2:
0xa8: {  	v4 =	vld [tilespmem:s20+$0xFFFFFFD0];
	(pc) =	sbr.rel @p0 .LBB2_8-.Ltmp2, $3  }
0xa9: {  	v5 =	vld [tilespmem:s20+$0x0];
	_ =	sdelay $0x1  }
0xaa: {  	v7 =	vmul.f32 v7, v2;
	v9 =	vmul.f32 v6, v2  }
0xab: {  	v8 =	vmul.f32 v8, v2;
	v6 =	vmul.f32 v10, v2  }
0xac: {  	[tilespmem:s15+$0x30] =	vst v9  }
0xad: {  	[tilespmem:s15+$0xFFFFFFC0] =	vst v7  }
0xae: {  	v1 =	vmul.f32 v1, v2;
	[tilespmem:s15+$0x10] =	vst v8  }
0xaf: {  	v3 =	vmul.f32 v3, v2;
	[tilespmem:s15+$0xFFFFFFE0] =	vst v6  }
0xb0: {  	v5 =	vmul.f32 v5, v2;
	[tilespmem:s15+$0xFFFFFFF0] =	vst v1  }
0xb1: {  	s7 =	sshll.u32 s16, $0x9;
	v1 =	vmul.f32 v4, v2;
	[tilespmem:s15+$0x20] =	vst v3  }
0xb2: {  	s7 =	sshra.s32 s7, $0x2;
	[tilespmem:s15+$0x0] =	vst v5  }
0xb3: {  	s7 =	sadd.s32 $0x800, s7;
	[tilespmem:s15+$0xFFFFFFD0] =	vst v1  }
0xb4: {  	[spmem:s1] =	stream.indirect.scatter.add.f32 [tilespmem:s30], [sflag:$0x4], $0x80, s7, s24, $0xb8;
	[tilespmem:$0x1F800] =	vst v63  }
0xb5: {  	s20 =	sadd.s32 $0x0, s13;
	_ =	swait.ge [sflag:s29], $0x4000  }
0xb6: {  	v1 =	vmov s20;
	[sflag:s29] =	ssyncset.done $0x0  }
0xb7: {  	s15 =	simm.s32 $0x1840;
	[sflag:s29] =	ssyncadd.s32 $0xFFFFC000  }
0xb8: {  	v5 =	vld [tilespmem:s15+$0x30]  }
0xb9: {  	v8 =	vld [tilespmem:s15+$0x10]  }
0xba: {  	v6 =	vld [tilespmem:s15+$0xFFFFFFC0]  }
0xbb: {  	v2 =	vld.idx.msk [tilespmem:v1+s26+$0x0], $0xffff  }
0xbc: {  	v10 =	vld [tilespmem:s15+$0xFFFFFFE0]  }
0xbd: {  	v1 =	vld [tilespmem:s15+$0xFFFFFFF0]  }
0xbe: {  	v3 =	vld [tilespmem:s15+$0x20]  }
0xbf: {  	v4 =	vld [tilespmem:s15+$0xFFFFFFD0]  }
0xc0: {  	v9 =	vmul.f32 v5, v2;
	v5 =	vld [tilespmem:s15+$0x0]  }
0xc1: {  	v7 =	vmul.f32 v6, v2  }
0xc2: {  	s16 =	simm.s32 $0x1;
	s19 =	simm.s32 $0x1840;
	v6 =	vmul.f32 v10, v2;
	v8 =	vmul.f32 v8, v2  }
.LBB2_10:
0xc3: {  	p0 =	sne.s32 s16, $0x7F  }
0xc4: {  	v4 =	vmul.f32 v4, v2;
	v3 =	vmul.f32 v3, v2;
	[tilespmem:s15+$0x30] =	vst v9;
	s19 =	sadd.s32 $0x80, s19;
	s7 =	smov.u32 s16;
	s16 =	sadd.s32 $0x1, s16  }
0xc5: {  	[tilespmem:s15+$0xFFFFFFC0] =	vst v7;
	v7 =	vmul.f32 v1, v2;
	v2 =	vmul.f32 v5, v2  }
0xc6: {  	s7 =	sadd.s32 s7, s13;
	[tilespmem:s15+$0x10] =	vst v8  }
0xc7: {  	v5 =	vmov s7;
	[tilespmem:s15+$0xFFFFFFE0] =	vst v6  }
0xc8: {  	v1 =	vld [tilespmem:s19+$0xFFFFFFF0];
	[tilespmem:s15+$0xFFFFFFF0] =	vst v7  }
0xc9: {  	v6 =	vld [tilespmem:s19+$0x30];
	[tilespmem:s15+$0x0] =	vst v2  }
0xca: {  	v8 =	vld [tilespmem:s19+$0x10];
	[tilespmem:s15+$0x20] =	vst v3  }
0xcb: {  	v7 =	vld [tilespmem:s19+$0xFFFFFFC0];
	[tilespmem:s15+$0xFFFFFFD0] =	vst v4;
	s15 =	smov.u32 s19  }
0xcc: {  	v2 =	vld.idx.msk [tilespmem:v5+s26+$0x0], $0xffff  }
0xcd: {  	v10 =	vld [tilespmem:s19+$0xFFFFFFE0]  }
0xce: {  	v3 =	vld [tilespmem:s19+$0x20]  }
.Ltmp3:
0xcf: {  	v4 =	vld [tilespmem:s19+$0xFFFFFFD0];
	(pc) =	sbr.rel @p0 .LBB2_10-.Ltmp3, $3  }
0xd0: {  	v5 =	vld [tilespmem:s19+$0x0];
	_ =	sdelay $0x1  }
0xd1: {  	v7 =	vmul.f32 v7, v2;
	v9 =	vmul.f32 v6, v2  }
0xd2: {  	v8 =	vmul.f32 v8, v2;
	v6 =	vmul.f32 v10, v2  }
0xd3: {  	[tilespmem:s15+$0x30] =	vst v9  }
0xd4: {  	[tilespmem:s15+$0xFFFFFFC0] =	vst v7  }
0xd5: {  	v1 =	vmul.f32 v1, v2;
	[tilespmem:s15+$0x10] =	vst v8  }
0xd6: {  	v3 =	vmul.f32 v3, v2;
	[tilespmem:s15+$0xFFFFFFE0] =	vst v6  }
0xd7: {  	v5 =	vmul.f32 v5, v2;
	[tilespmem:s15+$0xFFFFFFF0] =	vst v1  }
0xd8: {  	v1 =	vmul.f32 v4, v2;
	[tilespmem:s15+$0x20] =	vst v3  }
0xd9: {  	[tilespmem:s15+$0x0] =	vst v5  }
0xda: {  	s12 =	sadd.s32 $0x1, s12;
	[tilespmem:s15+$0xFFFFFFD0] =	vst v1  }
0xdb: {  	p0 =	sne.s32 s12, $0x8;
	_ =	swait.ge [sflag:s2], $0x4000  }
.Ltmp4:
0xdc: {  	s7 =	sand.u32 $0x3FFFFF00, s14;
	[sflag:s2] =	ssyncset.done $0x0;
	(pc) =	sbr.rel @p0 .LBB2_7-.Ltmp4, $4  }
0xdd: {  	s7 =	sor.u32 $0x80, s7;
	[sflag:s2] =	ssyncadd.s32 $0xFFFFC000  }
0xde: {  	[tilespmem:s30], [sflag:$0x2] =	stream.indirect.gather [hbm4b:s4+s24], $0x80, s7, s24, $0xb8;
	[tilespmem:$0x1F800] =	vst v63  }
0xdf: {  	s20 =	sadd.s32 $0x800, s14;
	s11 =	sadd.s32 $0x100, s11;
	s13 =	sadd.s32 $0x100, s13  }
0xe0: {  	[spmem:s1] =	stream.indirect.scatter.add.f32 [tilespmem:s28], [sflag:$0x3], $0x80, s20, s24, $0xb8;
	[tilespmem:$0x1F800] =	vst v63  }
0xe1: {  	_ =	swait.ge [sflag:s0], $0x4000;
	s7 =	simm.s32 $0x780  }
0xe2: {  	[sflag:s0] =	ssyncset.done $0x0;
	v1 =	vmov s7  }
0xe3: {  	s11 =	simm.s32 $0x5840;
	[sflag:s0] =	ssyncadd.s32 $0xFFFFC000  }
0xe4: {  	v5 =	vld [tilespmem:s11+$0x30]  }
0xe5: {  	v8 =	vld [tilespmem:s11+$0x10]  }
0xe6: {  	v6 =	vld [tilespmem:s11+$0xFFFFFFC0]  }
0xe7: {  	v2 =	vld.idx.msk [tilespmem:v1+s26+$0x0], $0xffff  }
0xe8: {  	v10 =	vld [tilespmem:s11+$0xFFFFFFE0]  }
0xe9: {  	v3 =	vld [tilespmem:s11+$0x20]  }
0xea: {  	v4 =	vld [tilespmem:s11+$0xFFFFFFD0]  }
0xeb: {  	v1 =	vld [tilespmem:s11+$0xFFFFFFF0]  }
0xec: {  	v9 =	vmul.f32 v5, v2;
	v5 =	vld [tilespmem:s11+$0x0]  }
0xed: {  	v7 =	vmul.f32 v6, v2  }
0xee: {  	s12 =	simm.s32 $0x781;
	s13 =	simm.s32 $0x5840;
	v6 =	vmul.f32 v10, v2;
	v8 =	vmul.f32 v8, v2  }
.LBB2_13:
0xef: {  	p0 =	sne.s32 s12, $0x7FF  }
0xf0: {  	v4 =	vmul.f32 v4, v2;
	v3 =	vmul.f32 v3, v2;
	[tilespmem:s11+$0x30] =	vst v9;
	s13 =	sadd.s32 $0x80, s13;
	s7 =	smov.u32 s12;
	s12 =	sadd.s32 $0x1, s12  }
0xf1: {  	[tilespmem:s11+$0xFFFFFFC0] =	vst v7;
	v7 =	vmul.f32 v1, v2;
	v2 =	vmul.f32 v5, v2  }
0xf2: {  	[tilespmem:s11+$0x10] =	vst v8  }
0xf3: {  	v5 =	vmov s7;
	[tilespmem:s11+$0xFFFFFFE0] =	vst v6  }
0xf4: {  	v1 =	vld [tilespmem:s13+$0xFFFFFFF0];
	[tilespmem:s11+$0xFFFFFFF0] =	vst v7  }
0xf5: {  	v6 =	vld [tilespmem:s13+$0x30];
	[tilespmem:s11+$0x0] =	vst v2  }
0xf6: {  	v8 =	vld [tilespmem:s13+$0x10];
	[tilespmem:s11+$0x20] =	vst v3  }
0xf7: {  	v7 =	vld [tilespmem:s13+$0xFFFFFFC0];
	[tilespmem:s11+$0xFFFFFFD0] =	vst v4;
	s11 =	smov.u32 s13  }
0xf8: {  	v2 =	vld.idx.msk [tilespmem:v5+s26+$0x0], $0xffff  }
0xf9: {  	v10 =	vld [tilespmem:s13+$0xFFFFFFE0]  }
0xfa: {  	v3 =	vld [tilespmem:s13+$0x20]  }
.Ltmp5:
0xfb: {  	v4 =	vld [tilespmem:s13+$0xFFFFFFD0];
	(pc) =	sbr.rel @p0 .LBB2_13-.Ltmp5, $3  }
0xfc: {  	v5 =	vld [tilespmem:s13+$0x0];
	_ =	sdelay $0x1  }
0xfd: {  	v7 =	vmul.f32 v7, v2;
	v9 =	vmul.f32 v6, v2  }
0xfe: {  	v8 =	vmul.f32 v8, v2;
	v6 =	vmul.f32 v10, v2  }
0xff: {  	[tilespmem:s11+$0x30] =	vst v9  }
0x100: {  	[tilespmem:s11+$0xFFFFFFC0] =	vst v7  }
0x101: {  	v1 =	vmul.f32 v1, v2;
	[tilespmem:s11+$0x10] =	vst v8  }
0x102: {  	v3 =	vmul.f32 v3, v2;
	[tilespmem:s11+$0xFFFFFFE0] =	vst v6  }
0x103: {  	v5 =	vmul.f32 v5, v2;
	[tilespmem:s11+$0xFFFFFFF0] =	vst v1  }
0x104: {  	v1 =	vmul.f32 v4, v2;
	[tilespmem:s11+$0x20] =	vst v3  }
0x105: {  	[tilespmem:s11+$0x0] =	vst v5  }
0x106: {  	[tilespmem:s11+$0xFFFFFFD0] =	vst v1  }
0x107: {  	s10 =	sadd.s32 $0x1, s10;
	_ =	swait.ge [sflag:s31], $0x4000  }
0x108: {  	p0 =	sne.s32 s10, $0x5;
	[sflag:s31] =	ssyncset.done $0x0  }
.Ltmp6:
0x109: {  	[sflag:s31] =	ssyncadd.s32 $0xFFFFC000;
	(pc) =	sbr.rel @p0 .LBB2_4-.Ltmp6, $4  }
0x10a: {  	[spmem:s1] =	stream.indirect.scatter.add.f32 [tilespmem:s30], [sflag:$0x4], $0x80, s8, s24, $0xb8;
	[tilespmem:$0x1F800] =	vst v63  }
0x10b: {  	_ =	swait.ge [sflag:s2], $0x4000  }
0x10c: {  	[sflag:s2] =	ssyncset.done $0x0  }
0x10d: {  	[sflag:s2] =	ssyncadd.s32 $0xFFFFC000  }
0x10e: {  	s7 =	stileid.u32;
	[bflag:$0x0] =	sbarrier.arrive $0xFFFF  }
0x10f: {  	s7 =	sshll.u32 s7, $0x6;
	s12 =	rddreg [dreg:$0x3]  }
0x110: {  	s10 =	rddreg [dreg:$0xd];
	s7 =	sor.u32 $0x1C05, s7;
	s9 =	sshrl.u32 s12, $0x3  }
0x111: {  	[hbm:s10], [sflag:s7] =	dma.local [spmem:s9], $0x2800  }
0x112: {  	_ =	swait.ge [sflag:s22], $0x2800  }
0x113: {  	s3 =	sadd.s32 $0x1, s3;
	s20 =	rddreg [dreg:$0xe]  }
0x114: {  	p0 =	sne.s32 s3, s20  }
.Ltmp7:
0x115: {  	_ = 	snop;
	(pc) =	sbr.rel @p0 .LBB2_1-.Ltmp7, $3  }
0x116: {  	_ =	sdelay $0x1  }
0x117: {  	[sflag:s22] =	ssyncset.done $0x0  }
0x118: {  	[sflag:s22] =	ssyncadd.s32 $0xFFFFD800  }
0x119: {  	_ =	sfence.sel $0x180000  }
0x11a: {  	[bflag:$0x0] =	sbarrier.arrive $0xFFFF  }
0x11b: {  	_ =	strace $0x9000004A  }
0x11c: {  	s0 =	stileid.u32;
	[bflag:$0x2] =	sbarrier.arrive $0xFFFF  }
0x11d: {  	p0 =	sne.s32 s0, $0x0;
	s0 =	rddreg [dreg:$0x2]  }
0x11e: {  	s0 =	sadd.s32 @!p0 $0x100000, s0  }
0x11f: {  	[sflag:s0] =	ssyncadd.tile.s32 @!p0 $0x1;
	_ =	shalt  }
.Lfunc_end2:
_tile_overlayer_lowered:
.L_overlay_start_2:
0x120: {  	(tag) =	ssettag $0x2  }
0x121: {  	s0 =	rddreg [dreg:$0x0];
	s2 =	stileid.u32  }
0x122: {  	s1 =	rddreg [dreg:$0x1];
	p0 =	sne.s32 s2, $0x0  }
0x123: {  	s3 =	rddreg [dreg:$0x2];
	[bflag:$0x3] =	sbarrier.arrive $0xFFFF;
	s2 =	simm.s32 @!p0 $0x1C05  }
0x124: {  	[timem:s3], [sflag:s2] =	dma.local @!p0 [hbm:s0], s1  }
0x125: {  	s0 =	simm.s32 @!p0 $0x5  }
0x126: {  	_ =	swait.ge @!p0 [sflag:s0], s1  }
0x127: {  	s1 =	ssub.s32 @!p0 $0x0, s1;
	[sflag:s0] =	ssyncset.done @!p0 $0x0  }
0x128: {  	[sflag:s0] =	ssyncadd.s32 @!p0 s1  }
0x129: {  	[bflag:$0x3] =	sbarrier.arrive $0xFFFF  }
0x12a: {  	_ =	shalt  }

// kernel: kernel.13.cloned.1.call-start
scs
__scs_entry_jumppad:
0x0: {  	(pc) =	sbr.rel $0x88, $3  }
0x1: {  	(tag) =	ssettag $0x0;
	lr =	simm.s32 $0x1  }
0x2: {  	[smem:$0x3F92] =	sst lr;
	_ =	strace $0xD0000000  }
0x3: {  	_ = 	snop  }
0x4: {  	_ = 	snop  }
0x5: {  	_ = 	snop  }
0x6: {  	_ = 	snop  }
0x7: {  	_ = 	snop  }
__scs_overlays_trampoline_lowered:
0x8: {  	[smem:$0x3FA1] =	sst s0  }
0x9: {  	[smem:$0x3FA2] =	sst s1  }
0xa: {  	[smem:$0x3FA3] =	sst s2  }
0xb: {  	[smem:$0x3FA4] =	sst s3  }
0xc: {  	[smem:$0x3FA5] =	sst s4  }
0xd: {  	[smem:$0x3FA6] =	sst s5  }
0xe: {  	[smem:$0x3FA7] =	sst s6  }
0xf: {  	[smem:$0x3FA8] =	sst s7  }
0x10: {  	[smem:$0x3FA9] =	sst s8  }
0x11: {  	[smem:$0x3FAA] =	sst s9;
	s0 =	simm.s32 @!p0 $0x0  }
0x12: {  	s1 =	sld [smem:$0x3F90];
	s0 =	simm.s32 @p0 $0x1  }
0x13: {  	[smem:$0x3FAB] =	sst s0;
	s0 =	simm.s32 @!p1 $0x0  }
0x14: {  	s2 =	sld [smem:$0x3F8F];
	s0 =	simm.s32 @p1 $0x1  }
0x15: {  	[smem:$0x3FAC] =	sst s0;
	s0 =	simm.s32 @!p2 $0x0  }
0x16: {  	s3 =	sld [smem:$0x3FDB];
	s0 =	simm.s32 @p2 $0x1  }
0x17: {  	s4 =	simm.s32 $0x1BF5;
	[smem:$0x3FAE] =	sst s0  }
0x18: {  	s0 =	sld [smem:$0x3F91];
	_ =	swait.ge [sflag:s4], $0x0  }
0x19: {  	s7 =	sld [smem:$0x3F92]  }
0x1a: {  	s8 =	sadd.s32 $0xFFFFE003, lr  }
0x1b: {  	s9 =	sadd.s32 $0xFFFFFEF7, lr;
	s5 =	simm.s32 $0xFFFFFFFF;
	p2 =	slt.u32 s8, $0xFFFFF086  }
0x1c: {  	p1 =	slt.u32 s9, $0xF7A;
	s5 =	simm.s32 @!p2 $0x0  }
0x1d: {  	s5 =	simm.s32 @p1 $0x1;
	p0 =	seq.s32 s7, s2  }
0x1e: {  	s7 =	smul.u32 @!p0 $0xF7A, s2;
	p2 =	seq.s32 @!p0 s5, $0x0  }
0x1f: {  	s9 =	smul.u32 $0xF7A, s1;
	s8 =	simm.s32 @!p0 $0x1BF5;
	p2 =	por !p2, p0  }
0x20: {  	[sflag:s8] =	ssyncset.s32 @!p0 $0xFFFFF086;
	s6 =	sadd.s32 @!p0 s3, s7;
	s7 =	simm.s32 @!p0 $0x108  }
0x21: {  	s3 =	sadd.s32 s3, s9;
	s6 =	sadd.s32 @!p0 $0x88, s6;
	s7 =	simm.s32 @p2 $0x1082  }
0x22: {  	[simem:s7], [sflag:s8] =	dma.local @!p0 [hbm:s6], $0xF7A  }
0x23: {  	s9 =	sor.u32 $0xD0000000, s2;
	s6 =	simm.s32 $0x108;
	_ =	swait.ge @!p0 [sflag:s8], $0x0  }
0x24: {  	s3 =	sadd.s32 $0x88, s3;
	s6 =	simm.s32 @!p1 $0x1082;
	[sflag:s4] =	ssyncset.s32 $0xFFFFF086  }
0x25: {  	[simem:s6], [sflag:s4] =	dma.local [hbm:s3], $0xF7A  }
0x26: {  	[smem:$0x3F92] =	sst s1;
	(tag) =	ssettag s2;
	_ =	strace s9  }
0x27: {  	s1 =	sld [smem:$0x3FA2]  }
0x28: {  	s2 =	sld [smem:$0x3FA3]  }
0x29: {  	s4 =	sld [smem:$0x3FA5]  }
0x2a: {  	p0 =	seq.s32 s5, $0x0;
	s5 =	sld [smem:$0x3FA6]  }
0x2b: {  	s6 =	sld [smem:$0x3FA7]  }
0x2c: {  	s7 =	sld [smem:$0x3FA8]  }
0x2d: {  	s3 =	simm.s32 $0x108;
	s8 =	sld [smem:$0x3FA9]  }
0x2e: {  	s3 =	simm.s32 @!p0 $0x1082;
	s9 =	sld [smem:$0x3FAA]  }
0x2f: {  	lr =	sadd.s32 s0, s3;
	s0 =	sld [smem:$0x3FA1]  }
0x30: {  	s3 =	sld [smem:$0x3FA4]  }
0x31: {  	[smem:$0x3FAD] =	sst s10  }
0x32: {  	s10 =	sld [smem:$0x3FAB];
	_ =	sdelay $0x3  }
0x33: {  	p0 =	seq.s32 s10, $0x1;
	s10 =	sld [smem:$0x3FAD];
	_ =	sdelay $0x3  }
0x34: {  	[smem:$0x3FAD] =	sst s10  }
0x35: {  	s10 =	sld [smem:$0x3FAC];
	_ =	sdelay $0x3  }
0x36: {  	p1 =	seq.s32 s10, $0x1;
	s10 =	sld [smem:$0x3FAD];
	_ =	sdelay $0x3  }
0x37: {  	[smem:$0x3FAD] =	sst s10  }
0x38: {  	s10 =	sld [smem:$0x3FAE]  }
0x39: {  	_ = 	snop;
	(pc) =	sbr.ind lr, $3  }
0x3a: {  	_ = 	snop  }
0x3b: {  	_ = 	snop  }
0x3c: {  	p2 =	seq.s32 s10, $0x1;
	s10 =	sld [smem:$0x3FAD]  }
0x3d: {  	_ =	shalt  }
0x3e: {  	_ =	shalt  }
0x3f: {  	_ =	shalt  }
0x40: {  	_ =	shalt  }
0x41: {  	_ =	shalt  }
0x42: {  	_ =	shalt  }
0x43: {  	_ =	shalt  }
0x44: {  	_ =	shalt  }
0x45: {  	_ =	shalt  }
0x46: {  	_ =	shalt  }
0x47: {  	_ =	shalt  }
0x48: {  	_ =	shalt  }
0x49: {  	_ =	shalt  }
0x4a: {  	_ =	shalt  }
0x4b: {  	_ =	shalt  }
0x4c: {  	_ =	shalt  }
0x4d: {  	_ =	shalt  }
0x4e: {  	_ =	shalt  }
0x4f: {  	_ =	shalt  }
0x50: {  	_ =	shalt  }
0x51: {  	_ =	shalt  }
0x52: {  	_ =	shalt  }
0x53: {  	_ =	shalt  }
0x54: {  	_ =	shalt  }
0x55: {  	_ =	shalt  }
0x56: {  	_ =	shalt  }
0x57: {  	_ =	shalt  }
0x58: {  	_ =	shalt  }
0x59: {  	_ =	shalt  }
0x5a: {  	_ =	shalt  }
0x5b: {  	_ =	shalt  }
0x5c: {  	_ =	shalt  }
0x5d: {  	_ =	shalt  }
0x5e: {  	_ =	shalt  }
0x5f: {  	_ =	shalt  }
0x60: {  	_ =	shalt  }
0x61: {  	_ =	shalt  }
0x62: {  	_ =	shalt  }
0x63: {  	_ =	shalt  }
0x64: {  	_ =	shalt  }
0x65: {  	_ =	shalt  }
0x66: {  	_ =	shalt  }
0x67: {  	_ =	shalt  }
0x68: {  	_ =	shalt  }
0x69: {  	_ =	shalt  }
0x6a: {  	_ =	shalt  }
0x6b: {  	_ =	shalt  }
0x6c: {  	_ =	shalt  }
0x6d: {  	_ =	shalt  }
0x6e: {  	_ =	shalt  }
0x6f: {  	_ =	shalt  }
0x70: {  	_ =	shalt  }
0x71: {  	_ =	shalt  }
0x72: {  	_ =	shalt  }
0x73: {  	_ =	shalt  }
0x74: {  	_ =	shalt  }
0x75: {  	_ =	shalt  }
0x76: {  	_ =	shalt  }
0x77: {  	_ =	shalt  }
0x78: {  	_ =	shalt  }
0x79: {  	_ =	shalt  }
0x7a: {  	_ =	shalt  }
0x7b: {  	_ =	shalt  }
0x7c: {  	_ =	shalt  }
0x7d: {  	_ =	shalt  }
0x7e: {  	_ =	shalt  }
0x7f: {  	_ =	shalt  }
0x80: {  	_ =	shalt  }
0x81: {  	_ =	shalt  }
0x82: {  	_ =	shalt  }
0x83: {  	_ =	shalt  }
0x84: {  	_ =	shalt  }
0x85: {  	_ =	shalt  }
0x86: {  	_ =	shalt  }
0x87: {  	_ =	shalt  }
.Lfunc_end0:
.L_simem_size_0:
called_computation.1_lowered:
.L_overlay_start_0:
0x88: {  	s2 =	sld [smem:$0x3FD9]  }
0x89: {  	s3 =	sld [smem:$0x3FFE];
	_ =	sdelay $0x1  }
0x8a: {  	s1 =	srdreg.scid  }
0x8b: {  	s0 =	sand.u32 $0x1, s1  }
0x8c: {  	s16 =	sshll.u32 s0, $0xA;
	s2 =	sadd.s32 s3, s2  }
0x8d: {  	s2 =	sadd.s32 s2, s16  }
0x8e: {  	[smem:$0x3FB9] =	sst s2  }
0x8f: {  	_ = 	snop  }
0x90: {  	(tm) =	ssettm $0x1  }
0x91: {  	s17 =	sld [smem:$0x3FFB];
	_ =	sdelay $0x3  }
0x92: {  	_ =	strace s17  }
0x93: {  	s2 =	sld [smem:$0x3FFC];
	_ =	sdelay $0x3  }
0x94: {  	_ =	strace s2  }
0x95: {  	s2 =	sld [smem:$0x3FFD];
	_ =	sdelay $0x3  }
0x96: {  	_ =	strace s2  }
0x97: {  	_ =	strace $0x8FFFFFFF  }
0x98: {  	s18 =	sld [smem:$0x3FDB];
	_ =	sdelay $0x1  }
0x99: {  	s19 =	simm.s32 $_scs_section_size  }
0x9a: {  	s4 =	simm.s32 $_size__tile_overlayer_lowered;
	s5 =	simm.s32 $_tile_overlayer_lowered  }
0x9b: {  	s22 =	simm.s32 $0x1BFF;
	s21 =	sshll.u32 s5, $0x1;
	s2 =	sadd.s32 s19, s18  }
0x9c: {  	s6 =	simm.s32 $0x0;
	s20 =	sshll.u32 s4, $0x1;
	s4 =	sadd.s32 s21, s2  }
0x9d: {  	[timem:s6], [sflag:s22] =	dma.local [hbm:s4], s20  }
0x9e: {  	_ =	swait.ge [sflag:s22], s20  }
0x9f: {  	s3 =	ssub.s32 $0x0, s20;
	[sflag:s22] =	ssyncset.done $0x0  }
0xa0: {  	[sflag:s22] =	ssyncadd.s32 s3;
	_ =	sdelay $0x1  }
0xa1: {  	s23 =	simm.s32 $0x1B8B  }
0xa2: {  	_ =	swait.ge [sflag:s23], $0x1  }
0xa3: {  	[sflag:s23] =	ssyncset.done $0x0  }
0xa4: {  	s25 =	simm.s32 $0x1B8E;
	s24 =	sld [smem:$0x3FFE];
	[sflag:s23] =	ssyncadd.s32 $0xFFFFFFFF  }
0xa5: {  	s26 =	simm.s32 $execute0_lowered;
	[smem:$0x3FD2] =	sst s25  }
0xa6: {  	s4 =	sshll.u32 s26, $0x1;
	_ =	strace $0x80000046;
	[dreg:$0x1] =	wrdreg $0xFFFFFFFF  }
0xa7: {  	s28 =	simm.s32 $_size_execute0_lowered;
	s2 =	sadd.s32 s2, s4;
	[dreg:$0x0] =	wrdreg $0x0  }
0xa8: {  	s4 =	sshll.u32 s28, $0x1;
	[dreg:$0x2] =	wrdreg s2  }
0xa9: {  	[dreg:$0x3] =	wrdreg s4  }
0xaa: {  	[dreg:$0x4] =	wrdreg $0xC0  }
0xab: {  	_ =	task [dreg:s6], $0x5FFFF  }
0xac: {  	[dreg:$0x1] =	wrdreg $0xFFFFFFFF  }
0xad: {  	[dreg:$0x0] =	wrdreg $0x60  }
0xae: {  	[dreg:$0x2] =	wrdreg s24  }
0xaf: {  	[dreg:$0x3] =	wrdreg $0xB8000  }
0xb0: {  	[dreg:$0x4] =	wrdreg $0xA  }
0xb1: {  	_ =	task.clear_ibuf [dreg:s6], $0x5FFFF;
	_ =	strace $0x90000046  }
0xb2: {  	s29 =	simm.s32 $0xA;
	_ =	strace $0x80000048  }
0xb3: {  	_ =	swait.ge [sflag:s29], $0x1  }
0xb4: {  	[sflag:s29] =	ssyncadd.s32 $0xFFFFFFFF  }
0xb5: {  	_ =	strace $0x90000048  }
0xb6: {  	_ =	sfence  }
0xb7: {  	s30 =	sld [smem:$0x0];
	_ =	sdelay $0x2  }
0xb8: {  	s31 =	sshll.u32 s1, $0xD;
	s1 =	sshrl.u32 s1, $0x2  }
0xb9: {  	s3 =	sand.u32 $0x4000, s31;
	s1 =	sadd.s32 s1, s30  }
0xba: {  	s0 =	sor.u32 s3, s0;
	s1 =	sshll.u32 s1, $0x11  }
0xbb: {  	s0 =	sor.u32 s1, s0  }
0xbc: {  	s0 =	sadd.s32 $0x8F2B, s0  }
0xbd: {  	[sflag:s0] =	ssyncadd.remote.s32 $0x1  }
0xbe: {  	_ =	sfence.sel $0xFFFF  }
0xbf: {  	[dreg:$0x0] =	wrdreg $0xFFFFFFFF;
	(pc) =	sbr.abs _section_cstart, $3  }
0xc0: {  	[dreg:$0x1] =	wrdreg $0xFFFFFFFF  }
0xc1: {  	_ =	task.clear_ibuf [dreg:s6], $0x2FFFF;
	_ =	strace $0x9FFFFFFF  }
0xc2: {  	(tm) =	ssettm $0x7FFFFFFF  }
0xc3: {  	_ =	shalt  }
tec
execute0_lowered:
.L_overlay_start_1:
0x0: {  	(tag) =	ssettag $0x1  }
0x1: {  	s0 =	rddreg [dreg:$0x0]  }
0x2: {  	s1 =	rddreg [dreg:$0x1];
	s3 =	simm.s32 $0x0;
	s2 =	srdreg.scid  }
0x3: {  	s6 =	stileid.u32;
	s28 =	simm.s32 $0x1800;
	s29 =	simm.s32 $0x1  }
0x4: {  	s30 =	simm.s32 $0x5800;
	s31 =	simm.s32 $0x3;
	[smem:$0x7FF] =	sst s3  }
0x5: {  	s2 =	sand.u32 $0x1, s2;
	s5 =	sshll.u32 s6, $0x1;
	s11 =	smul.u32 $0x50000, s6  }
0x6: {  	s4 =	sadd.s32 $0x29200, s0;
	s9 =	smul.u32 $0x14000, s6;
	s6 =	sadd.s32 $0x15200, s0  }
0x7: {  	_ =	strace $0x80000047;
	s7 =	smul.u32 $0x140000, s2;
	s15 =	sshrl.u32 s11, $0x2  }
0x8: {  	s8 =	sor.u32 s2, s5;
	s5 =	sadd.s32 $0x1F200, s0;
	s12 =	sadd.s32 s15, s1  }
0x9: {  	s2 =	ssub.s32 $0x2, s2;
	s17 =	sadd.s32 $0x2000, s12;
	[dreg:$0x3] =	wrdreg s12  }
0xa: {  	s10 =	sshll.u32 s8, $0xB;
	s18 =	sadd.s32 $0x4000, s12;
	[dreg:$0x4] =	wrdreg s17  }
0xb: {  	s16 =	sshrl.u32 s2, $0x1;
	s19 =	sadd.s32 $0x6000, s12;
	[dreg:$0x5] =	wrdreg s18  }
0xc: {  	s10 =	sadd.s32 s10, s0;
	s20 =	sadd.s32 $0x8000, s12;
	[dreg:$0x6] =	wrdreg s19  }
0xd: {  	s7 =	sadd.s32 s9, s7;
	s21 =	sadd.s32 $0xA000, s12;
	[dreg:$0x7] =	wrdreg s20  }
0xe: {  	s2 =	ssub.s32 s2, s16;
	s22 =	sadd.s32 $0xC000, s12;
	[dreg:$0x8] =	wrdreg s21  }
0xf: {  	s7 =	sshrl.u32 s7, $0x3;
	s23 =	sadd.s32 $0xE000, s12;
	[dreg:$0x9] =	wrdreg s22  }
0x10: {  	s24 =	sadd.s32 $0x10000, s12;
	s25 =	sadd.s32 $0x12000, s12;
	[dreg:$0xa] =	wrdreg s23  }
0x11: {  	s26 =	smax.u32 s2, $0x1;
	s2 =	simm.s32 $0x4;
	[dreg:$0xb] =	wrdreg s24  }
0x12: {  	s0 =	sadd.s32 s7, s0;
	[dreg:$0xc] =	wrdreg s25;
	s17 =	smul.u32 $0x2800, s8  }
0x13: {  	s18 =	sadd.s32 $0x5200, s10;
	[dreg:$0xe] =	wrdreg s26;
	s21 =	simm.s32 $0x9800  }
0x14: {  	s22 =	simm.s32 $0x5;
	s23 =	simm.s32 $0x800;
	s24 =	simm.s32 $0x80  }
0x15: {  	s25 =	simm.s32 $0x400;
	s26 =	simm.s32 $0x1000;
	s0 =	sadd.s32 $0x77600, s0  }
0x16: {  	v0 =	vimm.f32 $0.0e+00;
	s8 =	simm.s32 $0xF80;
	[dreg:$0xd] =	wrdreg s0;
	s0 =	simm.s32 $0x2  }
.LBB2_1:
0x17: {  	s9 =	simm.s32 $0x0;
	s10 =	simm.s32 $0x200  }
.LBB2_2:
0x18: {  	p0 =	sne.s32 s10, $0x7E00;
	[tilespmem:s9+$0x9870] =	vst v0  }
0x19: {  	[tilespmem:s9+$0x9800] =	vst v0  }
0x1a: {  	[tilespmem:s9+$0x9810] =	vst v0  }
.Ltmp0:
0x1b: {  	[tilespmem:s9+$0x9820] =	vst v0;
	(pc) =	sbr.rel @p0 .LBB2_2-.Ltmp0, $4  }
0x1c: {  	[tilespmem:s9+$0x9830] =	vst v0  }
0x1d: {  	[tilespmem:s9+$0x9840] =	vst v0  }
0x1e: {  	[tilespmem:s9+$0x9850] =	vst v0  }
0x1f: {  	[tilespmem:s9+$0x9860] =	vst v0;
	s9 =	sshra.s32 s10, $0x2;
	s10 =	sadd.s32 $0x200, s10  }
0x20: {  	[tilespmem:s9+$0x9870] =	vst v0  }
0x21: {  	[tilespmem:s9+$0x9800] =	vst v0  }
0x22: {  	[tilespmem:s9+$0x9810] =	vst v0  }
0x23: {  	[tilespmem:s9+$0x9820] =	vst v0  }
0x24: {  	[tilespmem:s9+$0x9830] =	vst v0  }
0x25: {  	[tilespmem:s9+$0x9840] =	vst v0  }
0x26: {  	[tilespmem:s9+$0x9850] =	vst v0  }
0x27: {  	[tilespmem:s9+$0x9860] =	vst v0  }
0x28: {  	[spmem:s12] =	stream.linear.scatter [tilespmem:s21], [sflag:$0x5], $0x2000, $0x38;
	[tilespmem:$0x1F800] =	vst v63  }
0x29: {  	_ =	swait.ge [sflag:s22], $0x2000  }
0x2a: {  	[sflag:s22] =	ssyncset.done $0x0  }
0x2b: {  	s7 =	rddreg [dreg:$0x4];
	[sflag:s22] =	ssyncadd.s32 $0xFFFFE000  }
0x2c: {  	[spmem:s7] =	stream.linear.scatter [tilespmem:s21], [sflag:$0x5], $0x2000, $0x38;
	[tilespmem:$0x1F800] =	vst v63  }
0x2d: {  	_ =	swait.ge [sflag:s22], $0x2000  }
0x2e: {  	[sflag:s22] =	ssyncset.done $0x0  }
0x2f: {  	s11 =	rddreg [dreg:$0x5];
	[sflag:s22] =	ssyncadd.s32 $0xFFFFE000  }
0x30: {  	[spmem:s11] =	stream.linear.scatter [tilespmem:s21], [sflag:$0x5], $0x2000, $0x38;
	[tilespmem:$0x1F800] =	vst v63  }
0x31: {  	_ =	swait.ge [sflag:s22], $0x2000  }
0x32: {  	[sflag:s22] =	ssyncset.done $0x0  }
0x33: {  	s12 =	rddreg [dreg:$0x6];
	[sflag:s22] =	ssyncadd.s32 $0xFFFFE000  }
0x34: {  	[spmem:s12] =	stream.linear.scatter [tilespmem:s21], [sflag:$0x5], $0x2000, $0x38;
	[tilespmem:$0x1F800] =	vst v63  }
0x35: {  	_ =	swait.ge [sflag:s22], $0x2000  }
0x36: {  	[sflag:s22] =	ssyncset.done $0x0  }
0x37: {  	s13 =	rddreg [dreg:$0x7];
	[sflag:s22] =	ssyncadd.s32 $0xFFFFE000  }
0x38: {  	[spmem:s13] =	stream.linear.scatter [tilespmem:s21], [sflag:$0x5], $0x2000, $0x38;
	[tilespmem:$0x1F800] =	vst v63  }
0x39: {  	_ =	swait.ge [sflag:s22], $0x2000  }
0x3a: {  	[sflag:s22] =	ssyncset.done $0x0  }
0x3b: {  	s14 =	rddreg [dreg:$0x8];
	[sflag:s22] =	ssyncadd.s32 $0xFFFFE000  }
0x3c: {  	[spmem:s14] =	stream.linear.scatter [tilespmem:s21], [sflag:$0x5], $0x2000, $0x38;
	[tilespmem:$0x1F800] =	vst v63  }
0x3d: {  	_ =	swait.ge [sflag:s22], $0x2000  }
0x3e: {  	[sflag:s22] =	ssyncset.done $0x0  }
0x3f: {  	s15 =	rddreg [dreg:$0x9];
	[sflag:s22] =	ssyncadd.s32 $0xFFFFE000  }
0x40: {  	[spmem:s15] =	stream.linear.scatter [tilespmem:s21], [sflag:$0x5], $0x2000, $0x38;
	[tilespmem:$0x1F800] =	vst v63  }
0x41: {  	_ =	swait.ge [sflag:s22], $0x2000  }
0x42: {  	[sflag:s22] =	ssyncset.done $0x0  }
0x43: {  	s16 =	rddreg [dreg:$0xa];
	[sflag:s22] =	ssyncadd.s32 $0xFFFFE000  }
0x44: {  	[spmem:s16] =	stream.linear.scatter [tilespmem:s21], [sflag:$0x5], $0x2000, $0x38;
	[tilespmem:$0x1F800] =	vst v63  }
0x45: {  	_ =	swait.ge [sflag:s22], $0x2000  }
0x46: {  	[sflag:s22] =	ssyncset.done $0x0  }
0x47: {  	s19 =	rddreg [dreg:$0xb];
	[sflag:s22] =	ssyncadd.s32 $0xFFFFE000  }
0x48: {  	[spmem:s19] =	stream.linear.scatter [tilespmem:s21], [sflag:$0x5], $0x2000, $0x38;
	[tilespmem:$0x1F800] =	vst v63  }
0x49: {  	_ =	swait.ge [sflag:s22], $0x2000  }
0x4a: {  	[sflag:s22] =	ssyncset.done $0x0  }
0x4b: {  	s20 =	rddreg [dreg:$0xc];
	[sflag:s22] =	ssyncadd.s32 $0xFFFFE000  }
0x4c: {  	[spmem:s20] =	stream.linear.scatter [tilespmem:s21], [sflag:$0x5], $0x2000, $0x38;
	[tilespmem:$0x1F800] =	vst v63  }
0x4d: {  	_ =	swait.ge [sflag:s22], $0x2000  }
0x4e: {  	[sflag:s22] =	ssyncset.done $0x0  }
0x4f: {  	[sflag:s22] =	ssyncadd.s32 $0xFFFFE000  }
0x50: {  	s9 =	simm.s32 $0x0;
	s10 =	simm.s32 $0x0;
	[bflag:$0x0] =	sbarrier.arrive $0xFFFF  }
.LBB2_4:
0x51: {  	s11 =	sshll.u32 s10, $0xB  }
0x52: {  	s11 =	sadd.s32 s17, s11  }
0x53: {  	s11 =	sshrl.u32 s11, $0x3  }
0x54: {  	s12 =	sadd.s32 s5, s11  }
0x55: {  	[tilespmem:s9], [sflag:$0x5] =	stream.linear.gather [hbm4b:s12+s9], $0x800, $0x38;
	[tilespmem:$0x1F800] =	vst v63  }
0x56: {  	_ =	swait.ge [sflag:s22], $0x800  }
0x57: {  	[sflag:s22] =	ssyncset.done $0x0  }
0x58: {  	s11 =	sadd.s32 s6, s11;
	[sflag:s22] =	ssyncadd.s32 $0xFFFFF800  }
0x59: {  	[tilespmem:s23], [sflag:$0x5] =	stream.linear.gather [hbm4b:s11+s9], $0x800, $0x38;
	[tilespmem:$0x1F800] =	vst v63  }
0x5a: {  	_ =	swait.ge [sflag:s22], $0x800  }
0x5b: {  	s20 =	sshll.u32 s10, $0x4;
	[sflag:s22] =	ssyncset.done $0x0  }
0x5c: {  	s11 =	sadd.s32 s20, s18;
	[sflag:s22] =	ssyncadd.s32 $0xFFFFF800  }
0x5d: {  	[tilespmem:s26], [sflag:$0x5] =	stream.strided.gather [hbm4b:s11+s24], $0x800, s25, s24, $0x38;
	[tilespmem:$0x1F800] =	vst v63  }
0x5e: {  	_ =	swait.ge [sflag:s22], $0x800  }
0x5f: {  	[sflag:s22] =	ssyncset.done $0x0  }
0x60: {  	[sflag:s22] =	ssyncadd.s32 $0xFFFFF800  }
0x61: {  	[tilespmem:s28], [sflag:$0x1] =	stream.indirect.gather [hbm4b:s4+s24], $0x80, s9, s24, $0xb8;
	[tilespmem:$0x1F800] =	vst v63  }
0x62: {  	_ =	swait.ge [sflag:s29], $0x4000  }
0x63: {  	[sflag:s29] =	ssyncset.done $0x0  }
0x64: {  	v1 =	vmov s9;
	s11 =	simm.s32 $0x1840;
	[sflag:s29] =	ssyncadd.s32 $0xFFFFC000  }
0x65: {  	[tilespmem:s30], [sflag:$0x2] =	stream.indirect.gather [hbm4b:s4+s24], $0x80, s24, s24, $0xb8;
	[tilespmem:$0x1F800] =	vst v63  }
0x66: {  	v5 =	vld [tilespmem:s11+$0x30]  }
0x67: {  	v8 =	vld [tilespmem:s11+$0x10]  }
0x68: {  	v6 =	vld [tilespmem:s11+$0xFFFFFFC0]  }
0x69: {  	v2 =	vld.idx.msk [tilespmem:v1+s26+$0x0], $0xffff  }
0x6a: {  	v10 =	vld [tilespmem:s11+$0xFFFFFFE0]  }
0x6b: {  	v1 =	vld [tilespmem:s11+$0xFFFFFFF0]  }
0x6c: {  	v3 =	vld [tilespmem:s11+$0x20]  }
0x6d: {  	v4 =	vld [tilespmem:s11+$0xFFFFFFD0]  }
0x6e: {  	v9 =	vmul.f32 v5, v2;
	v5 =	vld [tilespmem:s11+$0x0]  }
0x6f: {  	v7 =	vmul.f32 v6, v2  }
0x70: {  	s13 =	simm.s32 $0x1840;
	s12 =	simm.s32 $0x1;
	v6 =	vmul.f32 v10, v2;
	v8 =	vmul.f32 v8, v2  }
.LBB2_5:
0x71: {  	p0 =	sne.s32 s12, $0x7F  }
0x72: {  	v4 =	vmul.f32 v4, v2;
	v3 =	vmul.f32 v3, v2;
	[tilespmem:s11+$0x30] =	vst v9;
	s13 =	sadd.s32 $0x80, s13;
	s14 =	smov.u32 s12;
	s12 =	sadd.s32 $0x1, s12  }
0x73: {  	[tilespmem:s11+$0xFFFFFFC0] =	vst v7;
	v7 =	vmul.f32 v1, v2;
	v2 =	vmul.f32 v5, v2  }
0x74: {  	[tilespmem:s11+$0x10] =	vst v8  }
0x75: {  	v5 =	vmov s14;
	[tilespmem:s11+$0xFFFFFFE0] =	vst v6  }
0x76: {  	v1 =	vld [tilespmem:s13+$0xFFFFFFF0];
	[tilespmem:s11+$0xFFFFFFF0] =	vst v7  }
0x77: {  	v6 =	vld [tilespmem:s13+$0x30];
	[tilespmem:s11+$0x0] =	vst v2  }
0x78: {  	v8 =	vld [tilespmem:s13+$0x10];
	[tilespmem:s11+$0x20] =	vst v3  }
0x79: {  	v7 =	vld [tilespmem:s13+$0xFFFFFFC0];
	[tilespmem:s11+$0xFFFFFFD0] =	vst v4;
	s11 =	smov.u32 s13  }
0x7a: {  	v2 =	vld.idx.msk [tilespmem:v5+s26+$0x0], $0xffff  }
0x7b: {  	v10 =	vld [tilespmem:s13+$0xFFFFFFE0]  }
0x7c: {  	v3 =	vld [tilespmem:s13+$0x20]  }
.Ltmp1:
0x7d: {  	v4 =	vld [tilespmem:s13+$0xFFFFFFD0];
	(pc) =	sbr.rel @p0 .LBB2_5-.Ltmp1, $3  }
0x7e: {  	v5 =	vld [tilespmem:s13+$0x0];
	_ =	sdelay $0x1  }
0x7f: {  	v7 =	vmul.f32 v7, v2;
	v9 =	vmul.f32 v6, v2  }
0x80: {  	v8 =	vmul.f32 v8, v2;
	v6 =	vmul.f32 v10, v2  }
0x81: {  	[tilespmem:s11+$0x30] =	vst v9  }
0x82: {  	[tilespmem:s11+$0xFFFFFFC0] =	vst v7  }
0x83: {  	v1 =	vmul.f32 v1, v2;
	[tilespmem:s11+$0x10] =	vst v8  }
0x84: {  	v3 =	vmul.f32 v3, v2;
	[tilespmem:s11+$0xFFFFFFE0] =	vst v6  }
0x85: {  	v5 =	vmul.f32 v5, v2;
	[tilespmem:s11+$0xFFFFFFF0] =	vst v1  }
0x86: {  	v1 =	vmul.f32 v4, v2;
	[tilespmem:s11+$0x20] =	vst v3  }
0x87: {  	[tilespmem:s11+$0x0] =	vst v5  }
0x88: {  	s12 =	simm.s32 $0x1;
	s13 =	simm.s32 $0x100;
	[tilespmem:s11+$0xFFFFFFD0] =	vst v1;
	s11 =	simm.s32 $0x80  }
0x89: {  	[spmem:s1] =	stream.indirect.scatter.add.f32 [tilespmem:s28], [sflag:$0x3], $0x80, s23, s11, $0xb8;
	[tilespmem:$0x1F800] =	vst v63  }
.LBB2_7:
0x8a: {  	_ =	swait.ge [sflag:s31], $0x4000  }
0x8b: {  	[sflag:s31] =	ssyncset.done $0x0  }
0x8c: {  	s14 =	sshll.u32 s12, $0x8;
	[sflag:s31] =	ssyncadd.s32 $0xFFFFC000  }
0x8d: {  	[tilespmem:s28], [sflag:$0x1] =	stream.indirect.gather [hbm4b:s4+s24], $0x80, s14, s24, $0xb8;
	[tilespmem:$0x1F800] =	vst v63  }
0x8e: {  	s15 =	sadd.s32 $0x0, s11;
	_ =	swait.ge [sflag:s0], $0x4000  }
0x8f: {  	v1 =	vmov s15;
	[sflag:s0] =	ssyncset.done $0x0  }
0x90: {  	s15 =	simm.s32 $0x5840;
	[sflag:s0] =	ssyncadd.s32 $0xFFFFC000  }
0x91: {  	v5 =	vld [tilespmem:s15+$0x30]  }
0x92: {  	v8 =	vld [tilespmem:s15+$0x10]  }
0x93: {  	v6 =	vld [tilespmem:s15+$0xFFFFFFC0]  }
0x94: {  	v2 =	vld.idx.msk [tilespmem:v1+s26+$0x0], $0xffff  }
0x95: {  	v10 =	vld [tilespmem:s15+$0xFFFFFFE0]  }
0x96: {  	v1 =	vld [tilespmem:s15+$0xFFFFFFF0]  }
0x97: {  	v3 =	vld [tilespmem:s15+$0x20]  }
0x98: {  	v4 =	vld [tilespmem:s15+$0xFFFFFFD0]  }
0x99: {  	v9 =	vmul.f32 v5, v2;
	v5 =	vld [tilespmem:s15+$0x0]  }
0x9a: {  	s16 =	sshll.u32 s12, $0x1;
	v7 =	vmul.f32 v6, v2  }
0x9b: {  	s19 =	simm.s32 $0x1;
	s20 =	simm.s32 $0x5840;
	s16 =	sadd.s32 $0xFFFFFFFF, s16;
	v6 =	vmul.f32 v10, v2;
	v8 =	vmul.f32 v8, v2  }
.LBB2_8:
0x9c: {  	p0 =	sne.s32 s19, $0x7F  }
0x9d: {  	v4 =	vmul.f32 v4, v2;
	v3 =	vmul.f32 v3, v2;
	[tilespmem:s15+$0x30] =	vst v9;
	s20 =	sadd.s32 $0x80, s20;
	s7 =	smov.u32 s19;
	s19 =	sadd.s32 $0x1, s19  }
0x9e: {  	[tilespmem:s15+$0xFFFFFFC0] =	vst v7;
	v7 =	vmul.f32 v1, v2;
	v2 =	vmul.f32 v5, v2  }
0x9f: {  	s7 =	sadd.s32 s7, s11;
	[tilespmem:s15+$0x10] =	vst v8  }
0xa0: {  	v5 =	vmov s7;
	[tilespmem:s15+$0xFFFFFFE0] =	vst v6  }
0xa1: {  	v1 =	vld [tilespmem:s20+$0xFFFFFFF0];
	[tilespmem:s15+$0xFFFFFFF0] =	vst v7  }
0xa2: {  	v6 =	vld [tilespmem:s20+$0x30];
	[tilespmem:s15+$0x0] =	vst v2  }
0xa3: {  	v8 =	vld [tilespmem:s20+$0x10];
	[tilespmem:s15+$0x20] =	vst v3  }
0xa4: {  	v7 =	vld [tilespmem:s20+$0xFFFFFFC0];
	[tilespmem:s15+$0xFFFFFFD0] =	vst v4;
	s15 =	smov.u32 s20  }
0xa5: {  	v2 =	vld.idx.msk [tilespmem:v5+s26+$0x0], $0xffff  }
0xa6: {  	v10 =	vld [tilespmem:s20+$0xFFFFFFE0]  }
0xa7: {  	v3 =	vld [tilespmem:s20+$0x20]  }
.Ltmp2:
0xa8: {  	v4 =	vld [tilespmem:s20+$0xFFFFFFD0];
	(pc) =	sbr.rel @p0 .LBB2_8-.Ltmp2, $3  }
0xa9: {  	v5 =	vld [tilespmem:s20+$0x0];
	_ =	sdelay $0x1  }
0xaa: {  	v7 =	vmul.f32 v7, v2;
	v9 =	vmul.f32 v6, v2  }
0xab: {  	v8 =	vmul.f32 v8, v2;
	v6 =	vmul.f32 v10, v2  }
0xac: {  	[tilespmem:s15+$0x30] =	vst v9  }
0xad: {  	[tilespmem:s15+$0xFFFFFFC0] =	vst v7  }
0xae: {  	v1 =	vmul.f32 v1, v2;
	[tilespmem:s15+$0x10] =	vst v8  }
0xaf: {  	v3 =	vmul.f32 v3, v2;
	[tilespmem:s15+$0xFFFFFFE0] =	vst v6  }
0xb0: {  	v5 =	vmul.f32 v5, v2;
	[tilespmem:s15+$0xFFFFFFF0] =	vst v1  }
0xb1: {  	s7 =	sshll.u32 s16, $0x9;
	v1 =	vmul.f32 v4, v2;
	[tilespmem:s15+$0x20] =	vst v3  }
0xb2: {  	s7 =	sshra.s32 s7, $0x2;
	[tilespmem:s15+$0x0] =	vst v5  }
0xb3: {  	s7 =	sadd.s32 $0x800, s7;
	[tilespmem:s15+$0xFFFFFFD0] =	vst v1  }
0xb4: {  	[spmem:s1] =	stream.indirect.scatter.add.f32 [tilespmem:s30], [sflag:$0x4], $0x80, s7, s24, $0xb8;
	[tilespmem:$0x1F800] =	vst v63  }
0xb5: {  	s20 =	sadd.s32 $0x0, s13;
	_ =	swait.ge [sflag:s29], $0x4000  }
0xb6: {  	v1 =	vmov s20;
	[sflag:s29] =	ssyncset.done $0x0  }
0xb7: {  	s15 =	simm.s32 $0x1840;
	[sflag:s29] =	ssyncadd.s32 $0xFFFFC000  }
0xb8: {  	v5 =	vld [tilespmem:s15+$0x30]  }
0xb9: {  	v8 =	vld [tilespmem:s15+$0x10]  }
0xba: {  	v6 =	vld [tilespmem:s15+$0xFFFFFFC0]  }
0xbb: {  	v2 =	vld.idx.msk [tilespmem:v1+s26+$0x0], $0xffff  }
0xbc: {  	v10 =	vld [tilespmem:s15+$0xFFFFFFE0]  }
0xbd: {  	v1 =	vld [tilespmem:s15+$0xFFFFFFF0]  }
0xbe: {  	v3 =	vld [tilespmem:s15+$0x20]  }
0xbf: {  	v4 =	vld [tilespmem:s15+$0xFFFFFFD0]  }
0xc0: {  	v9 =	vmul.f32 v5, v2;
	v5 =	vld [tilespmem:s15+$0x0]  }
0xc1: {  	v7 =	vmul.f32 v6, v2  }
0xc2: {  	s16 =	simm.s32 $0x1;
	s19 =	simm.s32 $0x1840;
	v6 =	vmul.f32 v10, v2;
	v8 =	vmul.f32 v8, v2  }
.LBB2_10:
0xc3: {  	p0 =	sne.s32 s16, $0x7F  }
0xc4: {  	v4 =	vmul.f32 v4, v2;
	v3 =	vmul.f32 v3, v2;
	[tilespmem:s15+$0x30] =	vst v9;
	s19 =	sadd.s32 $0x80, s19;
	s7 =	smov.u32 s16;
	s16 =	sadd.s32 $0x1, s16  }
0xc5: {  	[tilespmem:s15+$0xFFFFFFC0] =	vst v7;
	v7 =	vmul.f32 v1, v2;
	v2 =	vmul.f32 v5, v2  }
0xc6: {  	s7 =	sadd.s32 s7, s13;
	[tilespmem:s15+$0x10] =	vst v8  }
0xc7: {  	v5 =	vmov s7;
	[tilespmem:s15+$0xFFFFFFE0] =	vst v6  }
0xc8: {  	v1 =	vld [tilespmem:s19+$0xFFFFFFF0];
	[tilespmem:s15+$0xFFFFFFF0] =	vst v7  }
0xc9: {  	v6 =	vld [tilespmem:s19+$0x30];
	[tilespmem:s15+$0x0] =	vst v2  }
0xca: {  	v8 =	vld [tilespmem:s19+$0x10];
	[tilespmem:s15+$0x20] =	vst v3  }
0xcb: {  	v7 =	vld [tilespmem:s19+$0xFFFFFFC0];
	[tilespmem:s15+$0xFFFFFFD0] =	vst v4;
	s15 =	smov.u32 s19  }
0xcc: {  	v2 =	vld.idx.msk [tilespmem:v5+s26+$0x0], $0xffff  }
0xcd: {  	v10 =	vld [tilespmem:s19+$0xFFFFFFE0]  }
0xce: {  	v3 =	vld [tilespmem:s19+$0x20]  }
.Ltmp3:
0xcf: {  	v4 =	vld [tilespmem:s19+$0xFFFFFFD0];
	(pc) =	sbr.rel @p0 .LBB2_10-.Ltmp3, $3  }
0xd0: {  	v5 =	vld [tilespmem:s19+$0x0];
	_ =	sdelay $0x1  }
0xd1: {  	v7 =	vmul.f32 v7, v2;
	v9 =	vmul.f32 v6, v2  }
0xd2: {  	v8 =	vmul.f32 v8, v2;
	v6 =	vmul.f32 v10, v2  }
0xd3: {  	[tilespmem:s15+$0x30] =	vst v9  }
0xd4: {  	[tilespmem:s15+$0xFFFFFFC0] =	vst v7  }
0xd5: {  	v1 =	vmul.f32 v1, v2;
	[tilespmem:s15+$0x10] =	vst v8  }
0xd6: {  	v3 =	vmul.f32 v3, v2;
	[tilespmem:s15+$0xFFFFFFE0] =	vst v6  }
0xd7: {  	v5 =	vmul.f32 v5, v2;
	[tilespmem:s15+$0xFFFFFFF0] =	vst v1  }
0xd8: {  	v1 =	vmul.f32 v4, v2;
	[tilespmem:s15+$0x20] =	vst v3  }
0xd9: {  	[tilespmem:s15+$0x0] =	vst v5  }
0xda: {  	s12 =	sadd.s32 $0x1, s12;
	[tilespmem:s15+$0xFFFFFFD0] =	vst v1  }
0xdb: {  	p0 =	sne.s32 s12, $0x8;
	_ =	swait.ge [sflag:s2], $0x4000  }
.Ltmp4:
0xdc: {  	s7 =	sand.u32 $0x3FFFFF00, s14;
	[sflag:s2] =	ssyncset.done $0x0;
	(pc) =	sbr.rel @p0 .LBB2_7-.Ltmp4, $4  }
0xdd: {  	s7 =	sor.u32 $0x80, s7;
	[sflag:s2] =	ssyncadd.s32 $0xFFFFC000  }
0xde: {  	[tilespmem:s30], [sflag:$0x2] =	stream.indirect.gather [hbm4b:s4+s24], $0x80, s7, s24, $0xb8;
	[tilespmem:$0x1F800] =	vst v63  }
0xdf: {  	s20 =	sadd.s32 $0x800, s14;
	s11 =	sadd.s32 $0x100, s11;
	s13 =	sadd.s32 $0x100, s13  }
0xe0: {  	[spmem:s1] =	stream.indirect.scatter.add.f32 [tilespmem:s28], [sflag:$0x3], $0x80, s20, s24, $0xb8;
	[tilespmem:$0x1F800] =	vst v63  }
0xe1: {  	_ =	swait.ge [sflag:s0], $0x4000;
	s7 =	simm.s32 $0x780  }
0xe2: {  	[sflag:s0] =	ssyncset.done $0x0;
	v1 =	vmov s7  }
0xe3: {  	s11 =	simm.s32 $0x5840;
	[sflag:s0] =	ssyncadd.s32 $0xFFFFC000  }
0xe4: {  	v5 =	vld [tilespmem:s11+$0x30]  }
0xe5: {  	v8 =	vld [tilespmem:s11+$0x10]  }
0xe6: {  	v6 =	vld [tilespmem:s11+$0xFFFFFFC0]  }
0xe7: {  	v2 =	vld.idx.msk [tilespmem:v1+s26+$0x0], $0xffff  }
0xe8: {  	v10 =	vld [tilespmem:s11+$0xFFFFFFE0]  }
0xe9: {  	v3 =	vld [tilespmem:s11+$0x20]  }
0xea: {  	v4 =	vld [tilespmem:s11+$0xFFFFFFD0]  }
0xeb: {  	v1 =	vld [tilespmem:s11+$0xFFFFFFF0]  }
0xec: {  	v9 =	vmul.f32 v5, v2;
	v5 =	vld [tilespmem:s11+$0x0]  }
0xed: {  	v7 =	vmul.f32 v6, v2  }
0xee: {  	s12 =	simm.s32 $0x781;
	s13 =	simm.s32 $0x5840;
	v6 =	vmul.f32 v10, v2;
	v8 =	vmul.f32 v8, v2  }
.LBB2_13:
0xef: {  	p0 =	sne.s32 s12, $0x7FF  }
0xf0: {  	v4 =	vmul.f32 v4, v2;
	v3 =	vmul.f32 v3, v2;
	[tilespmem:s11+$0x30] =	vst v9;
	s13 =	sadd.s32 $0x80, s13;
	s7 =	smov.u32 s12;
	s12 =	sadd.s32 $0x1, s12  }
0xf1: {  	[tilespmem:s11+$0xFFFFFFC0] =	vst v7;
	v7 =	vmul.f32 v1, v2;
	v2 =	vmul.f32 v5, v2  }
0xf2: {  	[tilespmem:s11+$0x10] =	vst v8  }
0xf3: {  	v5 =	vmov s7;
	[tilespmem:s11+$0xFFFFFFE0] =	vst v6  }
0xf4: {  	v1 =	vld [tilespmem:s13+$0xFFFFFFF0];
	[tilespmem:s11+$0xFFFFFFF0] =	vst v7  }
0xf5: {  	v6 =	vld [tilespmem:s13+$0x30];
	[tilespmem:s11+$0x0] =	vst v2  }
0xf6: {  	v8 =	vld [tilespmem:s13+$0x10];
	[tilespmem:s11+$0x20] =	vst v3  }
0xf7: {  	v7 =	vld [tilespmem:s13+$0xFFFFFFC0];
	[tilespmem:s11+$0xFFFFFFD0] =	vst v4;
	s11 =	smov.u32 s13  }
0xf8: {  	v2 =	vld.idx.msk [tilespmem:v5+s26+$0x0], $0xffff  }
0xf9: {  	v10 =	vld [tilespmem:s13+$0xFFFFFFE0]  }
0xfa: {  	v3 =	vld [tilespmem:s13+$0x20]  }
.Ltmp5:
0xfb: {  	v4 =	vld [tilespmem:s13+$0xFFFFFFD0];
	(pc) =	sbr.rel @p0 .LBB2_13-.Ltmp5, $3  }
0xfc: {  	v5 =	vld [tilespmem:s13+$0x0];
	_ =	sdelay $0x1  }
0xfd: {  	v7 =	vmul.f32 v7, v2;
	v9 =	vmul.f32 v6, v2  }
0xfe: {  	v8 =	vmul.f32 v8, v2;
	v6 =	vmul.f32 v10, v2  }
0xff: {  	[tilespmem:s11+$0x30] =	vst v9  }
0x100: {  	[tilespmem:s11+$0xFFFFFFC0] =	vst v7  }
0x101: {  	v1 =	vmul.f32 v1, v2;
	[tilespmem:s11+$0x10] =	vst v8  }
0x102: {  	v3 =	vmul.f32 v3, v2;
	[tilespmem:s11+$0xFFFFFFE0] =	vst v6  }
0x103: {  	v5 =	vmul.f32 v5, v2;
	[tilespmem:s11+$0xFFFFFFF0] =	vst v1  }
0x104: {  	v1 =	vmul.f32 v4, v2;
	[tilespmem:s11+$0x20] =	vst v3  }
0x105: {  	[tilespmem:s11+$0x0] =	vst v5  }
0x106: {  	[tilespmem:s11+$0xFFFFFFD0] =	vst v1  }
0x107: {  	s10 =	sadd.s32 $0x1, s10;
	_ =	swait.ge [sflag:s31], $0x4000  }
0x108: {  	p0 =	sne.s32 s10, $0x5;
	[sflag:s31] =	ssyncset.done $0x0  }
.Ltmp6:
0x109: {  	[sflag:s31] =	ssyncadd.s32 $0xFFFFC000;
	(pc) =	sbr.rel @p0 .LBB2_4-.Ltmp6, $4  }
0x10a: {  	[spmem:s1] =	stream.indirect.scatter.add.f32 [tilespmem:s30], [sflag:$0x4], $0x80, s8, s24, $0xb8;
	[tilespmem:$0x1F800] =	vst v63  }
0x10b: {  	_ =	swait.ge [sflag:s2], $0x4000  }
0x10c: {  	[sflag:s2] =	ssyncset.done $0x0  }
0x10d: {  	[sflag:s2] =	ssyncadd.s32 $0xFFFFC000  }
0x10e: {  	s7 =	stileid.u32;
	[bflag:$0x0] =	sbarrier.arrive $0xFFFF  }
0x10f: {  	s7 =	sshll.u32 s7, $0x6;
	s12 =	rddreg [dreg:$0x3]  }
0x110: {  	s10 =	rddreg [dreg:$0xd];
	s7 =	sor.u32 $0x1C05, s7;
	s9 =	sshrl.u32 s12, $0x3  }
0x111: {  	[hbm:s10], [sflag:s7] =	dma.local [spmem:s9], $0x2800  }
0x112: {  	_ =	swait.ge [sflag:s22], $0x2800  }
0x113: {  	s3 =	sadd.s32 $0x1, s3;
	s20 =	rddreg [dreg:$0xe]  }
0x114: {  	p0 =	sne.s32 s3, s20  }
.Ltmp7:
0x115: {  	_ = 	snop;
	(pc) =	sbr.rel @p0 .LBB2_1-.Ltmp7, $3  }
0x116: {  	_ =	sdelay $0x1  }
0x117: {  	[sflag:s22] =	ssyncset.done $0x0  }
0x118: {  	[sflag:s22] =	ssyncadd.s32 $0xFFFFD800  }
0x119: {  	_ =	sfence.sel $0x180000  }
0x11a: {  	[bflag:$0x0] =	sbarrier.arrive $0xFFFF  }
0x11b: {  	_ =	strace $0x90000047  }
0x11c: {  	s0 =	stileid.u32;
	[bflag:$0x2] =	sbarrier.arrive $0xFFFF  }
0x11d: {  	p0 =	sne.s32 s0, $0x0;
	s0 =	rddreg [dreg:$0x2]  }
0x11e: {  	s0 =	sadd.s32 @!p0 $0x100000, s0  }
0x11f: {  	[sflag:s0] =	ssyncadd.tile.s32 @!p0 $0x1;
	_ =	shalt  }
.Lfunc_end2:
_tile_overlayer_lowered:
.L_overlay_start_2:
0x120: {  	(tag) =	ssettag $0x2  }
0x121: {  	s0 =	rddreg [dreg:$0x0];
	s2 =	stileid.u32  }
0x122: {  	s1 =	rddreg [dreg:$0x1];
	p0 =	sne.s32 s2, $0x0  }
0x123: {  	s3 =	rddreg [dreg:$0x2];
	[bflag:$0x3] =	sbarrier.arrive $0xFFFF;
	s2 =	simm.s32 @!p0 $0x1C05  }
0x124: {  	[timem:s3], [sflag:s2] =	dma.local @!p0 [hbm:s0], s1  }
0x125: {  	s0 =	simm.s32 @!p0 $0x5  }
0x126: {  	_ =	swait.ge @!p0 [sflag:s0], s1  }
0x127: {  	s1 =	ssub.s32 @!p0 $0x0, s1;
	[sflag:s0] =	ssyncset.done @!p0 $0x0  }
0x128: {  	[sflag:s0] =	ssyncadd.s32 @!p0 s1  }
0x129: {  	[bflag:$0x3] =	sbarrier.arrive $0xFFFF  }
0x12a: {  	_ =	shalt  }

// kernel: kernel.16.cloned.1.call-start
scs
__scs_entry_jumppad:
0x0: {  	(pc) =	sbr.rel $0x88, $3  }
0x1: {  	(tag) =	ssettag $0x0;
	lr =	simm.s32 $0x1  }
0x2: {  	[smem:$0x3F92] =	sst lr;
	_ =	strace $0xD0000000  }
0x3: {  	_ = 	snop  }
0x4: {  	_ = 	snop  }
0x5: {  	_ = 	snop  }
0x6: {  	_ = 	snop  }
0x7: {  	_ = 	snop  }
__scs_overlays_trampoline_lowered:
0x8: {  	[smem:$0x3FA1] =	sst s0  }
0x9: {  	[smem:$0x3FA2] =	sst s1  }
0xa: {  	[smem:$0x3FA3] =	sst s2  }
0xb: {  	[smem:$0x3FA4] =	sst s3  }
0xc: {  	[smem:$0x3FA5] =	sst s4  }
0xd: {  	[smem:$0x3FA6] =	sst s5  }
0xe: {  	[smem:$0x3FA7] =	sst s6  }
0xf: {  	[smem:$0x3FA8] =	sst s7  }
0x10: {  	[smem:$0x3FA9] =	sst s8  }
0x11: {  	[smem:$0x3FAA] =	sst s9;
	s0 =	simm.s32 @!p0 $0x0  }
0x12: {  	s1 =	sld [smem:$0x3F90];
	s0 =	simm.s32 @p0 $0x1  }
0x13: {  	[smem:$0x3FAB] =	sst s0;
	s0 =	simm.s32 @!p1 $0x0  }
0x14: {  	s2 =	sld [smem:$0x3F8F];
	s0 =	simm.s32 @p1 $0x1  }
0x15: {  	[smem:$0x3FAC] =	sst s0;
	s0 =	simm.s32 @!p2 $0x0  }
0x16: {  	s3 =	sld [smem:$0x3FDB];
	s0 =	simm.s32 @p2 $0x1  }
0x17: {  	s4 =	simm.s32 $0x1BF5;
	[smem:$0x3FAE] =	sst s0  }
0x18: {  	s0 =	sld [smem:$0x3F91];
	_ =	swait.ge [sflag:s4], $0x0  }
0x19: {  	s7 =	sld [smem:$0x3F92]  }
0x1a: {  	s8 =	sadd.s32 $0xFFFFE003, lr  }
0x1b: {  	s9 =	sadd.s32 $0xFFFFFEF7, lr;
	s5 =	simm.s32 $0xFFFFFFFF;
	p2 =	slt.u32 s8, $0xFFFFF086  }
0x1c: {  	p1 =	slt.u32 s9, $0xF7A;
	s5 =	simm.s32 @!p2 $0x0  }
0x1d: {  	s5 =	simm.s32 @p1 $0x1;
	p0 =	seq.s32 s7, s2  }
0x1e: {  	s7 =	smul.u32 @!p0 $0xF7A, s2;
	p2 =	seq.s32 @!p0 s5, $0x0  }
0x1f: {  	s9 =	smul.u32 $0xF7A, s1;
	s8 =	simm.s32 @!p0 $0x1BF5;
	p2 =	por !p2, p0  }
0x20: {  	[sflag:s8] =	ssyncset.s32 @!p0 $0xFFFFF086;
	s6 =	sadd.s32 @!p0 s3, s7;
	s7 =	simm.s32 @!p0 $0x108  }
0x21: {  	s3 =	sadd.s32 s3, s9;
	s6 =	sadd.s32 @!p0 $0x88, s6;
	s7 =	simm.s32 @p2 $0x1082  }
0x22: {  	[simem:s7], [sflag:s8] =	dma.local @!p0 [hbm:s6], $0xF7A  }
0x23: {  	s9 =	sor.u32 $0xD0000000, s2;
	s6 =	simm.s32 $0x108;
	_ =	swait.ge @!p0 [sflag:s8], $0x0  }
0x24: {  	s3 =	sadd.s32 $0x88, s3;
	s6 =	simm.s32 @!p1 $0x1082;
	[sflag:s4] =	ssyncset.s32 $0xFFFFF086  }
0x25: {  	[simem:s6], [sflag:s4] =	dma.local [hbm:s3], $0xF7A  }
0x26: {  	[smem:$0x3F92] =	sst s1;
	(tag) =	ssettag s2;
	_ =	strace s9  }
0x27: {  	s1 =	sld [smem:$0x3FA2]  }
0x28: {  	s2 =	sld [smem:$0x3FA3]  }
0x29: {  	s4 =	sld [smem:$0x3FA5]  }
0x2a: {  	p0 =	seq.s32 s5, $0x0;
	s5 =	sld [smem:$0x3FA6]  }
0x2b: {  	s6 =	sld [smem:$0x3FA7]  }
0x2c: {  	s7 =	sld [smem:$0x3FA8]  }
0x2d: {  	s3 =	simm.s32 $0x108;
	s8 =	sld [smem:$0x3FA9]  }
0x2e: {  	s3 =	simm.s32 @!p0 $0x1082;
	s9 =	sld [smem:$0x3FAA]  }
0x2f: {  	lr =	sadd.s32 s0, s3;
	s0 =	sld [smem:$0x3FA1]  }
0x30: {  	s3 =	sld [smem:$0x3FA4]  }
0x31: {  	[smem:$0x3FAD] =	sst s10  }
0x32: {  	s10 =	sld [smem:$0x3FAB];
	_ =	sdelay $0x3  }
0x33: {  	p0 =	seq.s32 s10, $0x1;
	s10 =	sld [smem:$0x3FAD];
	_ =	sdelay $0x3  }
0x34: {  	[smem:$0x3FAD] =	sst s10  }
0x35: {  	s10 =	sld [smem:$0x3FAC];
	_ =	sdelay $0x3  }
0x36: {  	p1 =	seq.s32 s10, $0x1;
	s10 =	sld [smem:$0x3FAD];
	_ =	sdelay $0x3  }
0x37: {  	[smem:$0x3FAD] =	sst s10  }
0x38: {  	s10 =	sld [smem:$0x3FAE]  }
0x39: {  	_ = 	snop;
	(pc) =	sbr.ind lr, $3  }
0x3a: {  	_ = 	snop  }
0x3b: {  	_ = 	snop  }
0x3c: {  	p2 =	seq.s32 s10, $0x1;
	s10 =	sld [smem:$0x3FAD]  }
0x3d: {  	_ =	shalt  }
0x3e: {  	_ =	shalt  }
0x3f: {  	_ =	shalt  }
0x40: {  	_ =	shalt  }
0x41: {  	_ =	shalt  }
0x42: {  	_ =	shalt  }
0x43: {  	_ =	shalt  }
0x44: {  	_ =	shalt  }
0x45: {  	_ =	shalt  }
0x46: {  	_ =	shalt  }
0x47: {  	_ =	shalt  }
0x48: {  	_ =	shalt  }
0x49: {  	_ =	shalt  }
0x4a: {  	_ =	shalt  }
0x4b: {  	_ =	shalt  }
0x4c: {  	_ =	shalt  }
0x4d: {  	_ =	shalt  }
0x4e: {  	_ =	shalt  }
0x4f: {  	_ =	shalt  }
0x50: {  	_ =	shalt  }
0x51: {  	_ =	shalt  }
0x52: {  	_ =	shalt  }
0x53: {  	_ =	shalt  }
0x54: {  	_ =	shalt  }
0x55: {  	_ =	shalt  }
0x56: {  	_ =	shalt  }
0x57: {  	_ =	shalt  }
0x58: {  	_ =	shalt  }
0x59: {  	_ =	shalt  }
0x5a: {  	_ =	shalt  }
0x5b: {  	_ =	shalt  }
0x5c: {  	_ =	shalt  }
0x5d: {  	_ =	shalt  }
0x5e: {  	_ =	shalt  }
0x5f: {  	_ =	shalt  }
0x60: {  	_ =	shalt  }
0x61: {  	_ =	shalt  }
0x62: {  	_ =	shalt  }
0x63: {  	_ =	shalt  }
0x64: {  	_ =	shalt  }
0x65: {  	_ =	shalt  }
0x66: {  	_ =	shalt  }
0x67: {  	_ =	shalt  }
0x68: {  	_ =	shalt  }
0x69: {  	_ =	shalt  }
0x6a: {  	_ =	shalt  }
0x6b: {  	_ =	shalt  }
0x6c: {  	_ =	shalt  }
0x6d: {  	_ =	shalt  }
0x6e: {  	_ =	shalt  }
0x6f: {  	_ =	shalt  }
0x70: {  	_ =	shalt  }
0x71: {  	_ =	shalt  }
0x72: {  	_ =	shalt  }
0x73: {  	_ =	shalt  }
0x74: {  	_ =	shalt  }
0x75: {  	_ =	shalt  }
0x76: {  	_ =	shalt  }
0x77: {  	_ =	shalt  }
0x78: {  	_ =	shalt  }
0x79: {  	_ =	shalt  }
0x7a: {  	_ =	shalt  }
0x7b: {  	_ =	shalt  }
0x7c: {  	_ =	shalt  }
0x7d: {  	_ =	shalt  }
0x7e: {  	_ =	shalt  }
0x7f: {  	_ =	shalt  }
0x80: {  	_ =	shalt  }
0x81: {  	_ =	shalt  }
0x82: {  	_ =	shalt  }
0x83: {  	_ =	shalt  }
0x84: {  	_ =	shalt  }
0x85: {  	_ =	shalt  }
0x86: {  	_ =	shalt  }
0x87: {  	_ =	shalt  }
.Lfunc_end0:
.L_simem_size_0:
called_computation.2_lowered:
.L_overlay_start_0:
0x88: {  	s2 =	sld [smem:$0x3FD9]  }
0x89: {  	s3 =	sld [smem:$0x3FFE];
	_ =	sdelay $0x1  }
0x8a: {  	s1 =	srdreg.scid  }
0x8b: {  	s0 =	sand.u32 $0x1, s1  }
0x8c: {  	s16 =	sshll.u32 s0, $0xA;
	s2 =	sadd.s32 s3, s2  }
0x8d: {  	s2 =	sadd.s32 s2, s16  }
0x8e: {  	[smem:$0x3FB9] =	sst s2  }
0x8f: {  	_ = 	snop  }
0x90: {  	(tm) =	ssettm $0x1  }
0x91: {  	s17 =	sld [smem:$0x3FFB];
	_ =	sdelay $0x3  }
0x92: {  	_ =	strace s17  }
0x93: {  	s2 =	sld [smem:$0x3FFC];
	_ =	sdelay $0x3  }
0x94: {  	_ =	strace s2  }
0x95: {  	s2 =	sld [smem:$0x3FFD];
	_ =	sdelay $0x3  }
0x96: {  	_ =	strace s2  }
0x97: {  	_ =	strace $0x8FFFFFFF  }
0x98: {  	s18 =	sld [smem:$0x3FDB];
	_ =	sdelay $0x1  }
0x99: {  	s19 =	simm.s32 $_scs_section_size  }
0x9a: {  	s4 =	simm.s32 $_size__tile_overlayer_lowered;
	s5 =	simm.s32 $_tile_overlayer_lowered  }
0x9b: {  	s22 =	simm.s32 $0x1BFF;
	s21 =	sshll.u32 s5, $0x1;
	s2 =	sadd.s32 s19, s18  }
0x9c: {  	s6 =	simm.s32 $0x0;
	s20 =	sshll.u32 s4, $0x1;
	s4 =	sadd.s32 s21, s2  }
0x9d: {  	[timem:s6], [sflag:s22] =	dma.local [hbm:s4], s20  }
0x9e: {  	_ =	swait.ge [sflag:s22], s20  }
0x9f: {  	s3 =	ssub.s32 $0x0, s20;
	[sflag:s22] =	ssyncset.done $0x0  }
0xa0: {  	[sflag:s22] =	ssyncadd.s32 s3;
	_ =	sdelay $0x1  }
0xa1: {  	s23 =	simm.s32 $0x1B8B  }
0xa2: {  	_ =	swait.ge [sflag:s23], $0x1  }
0xa3: {  	[sflag:s23] =	ssyncset.done $0x0  }
0xa4: {  	s25 =	simm.s32 $0x1B8E;
	s24 =	sld [smem:$0x3FFE];
	[sflag:s23] =	ssyncadd.s32 $0xFFFFFFFF  }
0xa5: {  	s26 =	simm.s32 $execute0_lowered;
	[smem:$0x3FD2] =	sst s25  }
0xa6: {  	s4 =	sshll.u32 s26, $0x1;
	_ =	strace $0x8000004C;
	[dreg:$0x1] =	wrdreg $0xFFFFFFFF  }
0xa7: {  	s28 =	simm.s32 $_size_execute0_lowered;
	s2 =	sadd.s32 s2, s4;
	[dreg:$0x0] =	wrdreg $0x0  }
0xa8: {  	s4 =	sshll.u32 s28, $0x1;
	[dreg:$0x2] =	wrdreg s2  }
0xa9: {  	[dreg:$0x3] =	wrdreg s4  }
0xaa: {  	[dreg:$0x4] =	wrdreg $0xC0  }
0xab: {  	_ =	task [dreg:s6], $0x5FFFF  }
0xac: {  	[dreg:$0x1] =	wrdreg $0xFFFFFFFF  }
0xad: {  	[dreg:$0x0] =	wrdreg $0x60  }
0xae: {  	[dreg:$0x2] =	wrdreg s24  }
0xaf: {  	[dreg:$0x3] =	wrdreg $0xB8000  }
0xb0: {  	[dreg:$0x4] =	wrdreg $0x9  }
0xb1: {  	_ =	task.clear_ibuf [dreg:s6], $0x5FFFF;
	_ =	strace $0x9000004C  }
0xb2: {  	s29 =	simm.s32 $0x9;
	_ =	strace $0x8000004E  }
0xb3: {  	_ =	swait.ge [sflag:s29], $0x1  }
0xb4: {  	[sflag:s29] =	ssyncadd.s32 $0xFFFFFFFF  }
0xb5: {  	_ =	strace $0x9000004E  }
0xb6: {  	_ =	sfence  }
0xb7: {  	s30 =	sld [smem:$0x0];
	_ =	sdelay $0x2  }
0xb8: {  	s31 =	sshll.u32 s1, $0xD;
	s1 =	sshrl.u32 s1, $0x2  }
0xb9: {  	s3 =	sand.u32 $0x4000, s31;
	s1 =	sadd.s32 s1, s30  }
0xba: {  	s0 =	sor.u32 s3, s0;
	s1 =	sshll.u32 s1, $0x11  }
0xbb: {  	s0 =	sor.u32 s1, s0  }
0xbc: {  	s0 =	sadd.s32 $0x8F2B, s0  }
0xbd: {  	[sflag:s0] =	ssyncadd.remote.s32 $0x1  }
0xbe: {  	_ =	sfence.sel $0xFFFF  }
0xbf: {  	[dreg:$0x0] =	wrdreg $0xFFFFFFFF;
	(pc) =	sbr.abs _section_cstart, $3  }
0xc0: {  	[dreg:$0x1] =	wrdreg $0xFFFFFFFF  }
0xc1: {  	_ =	task.clear_ibuf [dreg:s6], $0x2FFFF;
	_ =	strace $0x9FFFFFFF  }
0xc2: {  	(tm) =	ssettm $0x7FFFFFFF  }
0xc3: {  	_ =	shalt  }
tec
execute0_lowered:
.L_overlay_start_1:
0x0: {  	(tag) =	ssettag $0x1  }
0x1: {  	s0 =	rddreg [dreg:$0x0]  }
0x2: {  	s1 =	rddreg [dreg:$0x1];
	s3 =	simm.s32 $0x0;
	s2 =	srdreg.scid  }
0x3: {  	s6 =	stileid.u32;
	s28 =	simm.s32 $0x1800;
	s29 =	simm.s32 $0x1  }
0x4: {  	s30 =	simm.s32 $0x5800;
	s31 =	simm.s32 $0x3;
	[smem:$0x7FF] =	sst s3  }
0x5: {  	s2 =	sand.u32 $0x1, s2;
	s5 =	sshll.u32 s6, $0x1;
	s11 =	smul.u32 $0x50000, s6  }
0x6: {  	s4 =	sadd.s32 $0x50400, s0;
	s9 =	smul.u32 $0x14000, s6;
	s6 =	sadd.s32 $0x15200, s0  }
0x7: {  	_ =	strace $0x8000004D;
	s7 =	smul.u32 $0x140000, s2;
	s15 =	sshrl.u32 s11, $0x2  }
0x8: {  	s8 =	sor.u32 s2, s5;
	s5 =	sadd.s32 $0x1F200, s0;
	s12 =	sadd.s32 s15, s1  }
0x9: {  	s2 =	ssub.s32 $0x2, s2;
	s17 =	sadd.s32 $0x2000, s12;
	[dreg:$0x3] =	wrdreg s12  }
0xa: {  	s10 =	sshll.u32 s8, $0xB;
	s18 =	sadd.s32 $0x4000, s12;
	[dreg:$0x4] =	wrdreg s17  }
0xb: {  	s16 =	sshrl.u32 s2, $0x1;
	s19 =	sadd.s32 $0x6000, s12;
	[dreg:$0x5] =	wrdreg s18  }
0xc: {  	s10 =	sadd.s32 s10, s0;
	s20 =	sadd.s32 $0x8000, s12;
	[dreg:$0x6] =	wrdreg s19  }
0xd: {  	s7 =	sadd.s32 s9, s7;
	s21 =	sadd.s32 $0xA000, s12;
	[dreg:$0x7] =	wrdreg s20  }
0xe: {  	s2 =	ssub.s32 s2, s16;
	s22 =	sadd.s32 $0xC000, s12;
	[dreg:$0x8] =	wrdreg s21  }
0xf: {  	s7 =	sshrl.u32 s7, $0x3;
	s23 =	sadd.s32 $0xE000, s12;
	[dreg:$0x9] =	wrdreg s22  }
0x10: {  	s24 =	sadd.s32 $0x10000, s12;
	s25 =	sadd.s32 $0x12000, s12;
	[dreg:$0xa] =	wrdreg s23  }
0x11: {  	s26 =	smax.u32 s2, $0x1;
	s2 =	simm.s32 $0x4;
	[dreg:$0xb] =	wrdreg s24  }
0x12: {  	s0 =	sadd.s32 s7, s0;
	[dreg:$0xc] =	wrdreg s25;
	s17 =	smul.u32 $0x2800, s8  }
0x13: {  	s18 =	sadd.s32 $0x5200, s10;
	[dreg:$0xe] =	wrdreg s26;
	s21 =	simm.s32 $0x9800  }
0x14: {  	s22 =	simm.s32 $0x5;
	s23 =	simm.s32 $0x800;
	s24 =	simm.s32 $0x80  }
0x15: {  	s25 =	simm.s32 $0x400;
	s26 =	simm.s32 $0x1000;
	s0 =	sadd.s32 $0xC5A00, s0  }
0x16: {  	v0 =	vimm.f32 $0.0e+00;
	s8 =	simm.s32 $0xF80;
	[dreg:$0xd] =	wrdreg s0;
	s0 =	simm.s32 $0x2  }
.LBB2_1:
0x17: {  	s9 =	simm.s32 $0x0;
	s10 =	simm.s32 $0x200  }
.LBB2_2:
0x18: {  	p0 =	sne.s32 s10, $0x7E00;
	[tilespmem:s9+$0x9870] =	vst v0  }
0x19: {  	[tilespmem:s9+$0x9800] =	vst v0  }
0x1a: {  	[tilespmem:s9+$0x9810] =	vst v0  }
.Ltmp0:
0x1b: {  	[tilespmem:s9+$0x9820] =	vst v0;
	(pc) =	sbr.rel @p0 .LBB2_2-.Ltmp0, $4  }
0x1c: {  	[tilespmem:s9+$0x9830] =	vst v0  }
0x1d: {  	[tilespmem:s9+$0x9840] =	vst v0  }
0x1e: {  	[tilespmem:s9+$0x9850] =	vst v0  }
0x1f: {  	[tilespmem:s9+$0x9860] =	vst v0;
	s9 =	sshra.s32 s10, $0x2;
	s10 =	sadd.s32 $0x200, s10  }
0x20: {  	[tilespmem:s9+$0x9870] =	vst v0  }
0x21: {  	[tilespmem:s9+$0x9800] =	vst v0  }
0x22: {  	[tilespmem:s9+$0x9810] =	vst v0  }
0x23: {  	[tilespmem:s9+$0x9820] =	vst v0  }
0x24: {  	[tilespmem:s9+$0x9830] =	vst v0  }
0x25: {  	[tilespmem:s9+$0x9840] =	vst v0  }
0x26: {  	[tilespmem:s9+$0x9850] =	vst v0  }
0x27: {  	[tilespmem:s9+$0x9860] =	vst v0  }
0x28: {  	[spmem:s12] =	stream.linear.scatter [tilespmem:s21], [sflag:$0x5], $0x2000, $0x38;
	[tilespmem:$0x1F800] =	vst v63  }
0x29: {  	_ =	swait.ge [sflag:s22], $0x2000  }
0x2a: {  	[sflag:s22] =	ssyncset.done $0x0  }
0x2b: {  	s7 =	rddreg [dreg:$0x4];
	[sflag:s22] =	ssyncadd.s32 $0xFFFFE000  }
0x2c: {  	[spmem:s7] =	stream.linear.scatter [tilespmem:s21], [sflag:$0x5], $0x2000, $0x38;
	[tilespmem:$0x1F800] =	vst v63  }
0x2d: {  	_ =	swait.ge [sflag:s22], $0x2000  }
0x2e: {  	[sflag:s22] =	ssyncset.done $0x0  }
0x2f: {  	s11 =	rddreg [dreg:$0x5];
	[sflag:s22] =	ssyncadd.s32 $0xFFFFE000  }
0x30: {  	[spmem:s11] =	stream.linear.scatter [tilespmem:s21], [sflag:$0x5], $0x2000, $0x38;
	[tilespmem:$0x1F800] =	vst v63  }
0x31: {  	_ =	swait.ge [sflag:s22], $0x2000  }
0x32: {  	[sflag:s22] =	ssyncset.done $0x0  }
0x33: {  	s12 =	rddreg [dreg:$0x6];
	[sflag:s22] =	ssyncadd.s32 $0xFFFFE000  }
0x34: {  	[spmem:s12] =	stream.linear.scatter [tilespmem:s21], [sflag:$0x5], $0x2000, $0x38;
	[tilespmem:$0x1F800] =	vst v63  }
0x35: {  	_ =	swait.ge [sflag:s22], $0x2000  }
0x36: {  	[sflag:s22] =	ssyncset.done $0x0  }
0x37: {  	s13 =	rddreg [dreg:$0x7];
	[sflag:s22] =	ssyncadd.s32 $0xFFFFE000  }
0x38: {  	[spmem:s13] =	stream.linear.scatter [tilespmem:s21], [sflag:$0x5], $0x2000, $0x38;
	[tilespmem:$0x1F800] =	vst v63  }
0x39: {  	_ =	swait.ge [sflag:s22], $0x2000  }
0x3a: {  	[sflag:s22] =	ssyncset.done $0x0  }
0x3b: {  	s14 =	rddreg [dreg:$0x8];
	[sflag:s22] =	ssyncadd.s32 $0xFFFFE000  }
0x3c: {  	[spmem:s14] =	stream.linear.scatter [tilespmem:s21], [sflag:$0x5], $0x2000, $0x38;
	[tilespmem:$0x1F800] =	vst v63  }
0x3d: {  	_ =	swait.ge [sflag:s22], $0x2000  }
0x3e: {  	[sflag:s22] =	ssyncset.done $0x0  }
0x3f: {  	s15 =	rddreg [dreg:$0x9];
	[sflag:s22] =	ssyncadd.s32 $0xFFFFE000  }
0x40: {  	[spmem:s15] =	stream.linear.scatter [tilespmem:s21], [sflag:$0x5], $0x2000, $0x38;
	[tilespmem:$0x1F800] =	vst v63  }
0x41: {  	_ =	swait.ge [sflag:s22], $0x2000  }
0x42: {  	[sflag:s22] =	ssyncset.done $0x0  }
0x43: {  	s16 =	rddreg [dreg:$0xa];
	[sflag:s22] =	ssyncadd.s32 $0xFFFFE000  }
0x44: {  	[spmem:s16] =	stream.linear.scatter [tilespmem:s21], [sflag:$0x5], $0x2000, $0x38;
	[tilespmem:$0x1F800] =	vst v63  }
0x45: {  	_ =	swait.ge [sflag:s22], $0x2000  }
0x46: {  	[sflag:s22] =	ssyncset.done $0x0  }
0x47: {  	s19 =	rddreg [dreg:$0xb];
	[sflag:s22] =	ssyncadd.s32 $0xFFFFE000  }
0x48: {  	[spmem:s19] =	stream.linear.scatter [tilespmem:s21], [sflag:$0x5], $0x2000, $0x38;
	[tilespmem:$0x1F800] =	vst v63  }
0x49: {  	_ =	swait.ge [sflag:s22], $0x2000  }
0x4a: {  	[sflag:s22] =	ssyncset.done $0x0  }
0x4b: {  	s20 =	rddreg [dreg:$0xc];
	[sflag:s22] =	ssyncadd.s32 $0xFFFFE000  }
0x4c: {  	[spmem:s20] =	stream.linear.scatter [tilespmem:s21], [sflag:$0x5], $0x2000, $0x38;
	[tilespmem:$0x1F800] =	vst v63  }
0x4d: {  	_ =	swait.ge [sflag:s22], $0x2000  }
0x4e: {  	[sflag:s22] =	ssyncset.done $0x0  }
0x4f: {  	[sflag:s22] =	ssyncadd.s32 $0xFFFFE000  }
0x50: {  	s9 =	simm.s32 $0x0;
	s10 =	simm.s32 $0x0;
	[bflag:$0x0] =	sbarrier.arrive $0xFFFF  }
.LBB2_4:
0x51: {  	s11 =	sshll.u32 s10, $0xB  }
0x52: {  	s11 =	sadd.s32 s17, s11  }
0x53: {  	s11 =	sshrl.u32 s11, $0x3  }
0x54: {  	s12 =	sadd.s32 s5, s11  }
0x55: {  	[tilespmem:s9], [sflag:$0x5] =	stream.linear.gather [hbm4b:s12+s9], $0x800, $0x38;
	[tilespmem:$0x1F800] =	vst v63  }
0x56: {  	_ =	swait.ge [sflag:s22], $0x800  }
0x57: {  	[sflag:s22] =	ssyncset.done $0x0  }
0x58: {  	s11 =	sadd.s32 s6, s11;
	[sflag:s22] =	ssyncadd.s32 $0xFFFFF800  }
0x59: {  	[tilespmem:s23], [sflag:$0x5] =	stream.linear.gather [hbm4b:s11+s9], $0x800, $0x38;
	[tilespmem:$0x1F800] =	vst v63  }
0x5a: {  	_ =	swait.ge [sflag:s22], $0x800  }
0x5b: {  	s20 =	sshll.u32 s10, $0x4;
	[sflag:s22] =	ssyncset.done $0x0  }
0x5c: {  	s11 =	sadd.s32 s20, s18;
	[sflag:s22] =	ssyncadd.s32 $0xFFFFF800  }
0x5d: {  	[tilespmem:s26], [sflag:$0x5] =	stream.strided.gather [hbm4b:s11+s24], $0x800, s25, s24, $0x38;
	[tilespmem:$0x1F800] =	vst v63  }
0x5e: {  	_ =	swait.ge [sflag:s22], $0x800  }
0x5f: {  	[sflag:s22] =	ssyncset.done $0x0  }
0x60: {  	[sflag:s22] =	ssyncadd.s32 $0xFFFFF800  }
0x61: {  	[tilespmem:s28], [sflag:$0x1] =	stream.indirect.gather [hbm4b:s4+s24], $0x80, s9, s24, $0xb8;
	[tilespmem:$0x1F800] =	vst v63  }
0x62: {  	_ =	swait.ge [sflag:s29], $0x4000  }
0x63: {  	[sflag:s29] =	ssyncset.done $0x0  }
0x64: {  	v1 =	vmov s9;
	s11 =	simm.s32 $0x1840;
	[sflag:s29] =	ssyncadd.s32 $0xFFFFC000  }
0x65: {  	[tilespmem:s30], [sflag:$0x2] =	stream.indirect.gather [hbm4b:s4+s24], $0x80, s24, s24, $0xb8;
	[tilespmem:$0x1F800] =	vst v63  }
0x66: {  	v5 =	vld [tilespmem:s11+$0x30]  }
0x67: {  	v8 =	vld [tilespmem:s11+$0x10]  }
0x68: {  	v6 =	vld [tilespmem:s11+$0xFFFFFFC0]  }
0x69: {  	v2 =	vld.idx.msk [tilespmem:v1+s26+$0x0], $0xffff  }
0x6a: {  	v10 =	vld [tilespmem:s11+$0xFFFFFFE0]  }
0x6b: {  	v1 =	vld [tilespmem:s11+$0xFFFFFFF0]  }
0x6c: {  	v3 =	vld [tilespmem:s11+$0x20]  }
0x6d: {  	v4 =	vld [tilespmem:s11+$0xFFFFFFD0]  }
0x6e: {  	v9 =	vmul.f32 v5, v2;
	v5 =	vld [tilespmem:s11+$0x0]  }
0x6f: {  	v7 =	vmul.f32 v6, v2  }
0x70: {  	s13 =	simm.s32 $0x1840;
	s12 =	simm.s32 $0x1;
	v6 =	vmul.f32 v10, v2;
	v8 =	vmul.f32 v8, v2  }
.LBB2_5:
0x71: {  	p0 =	sne.s32 s12, $0x7F  }
0x72: {  	v4 =	vmul.f32 v4, v2;
	v3 =	vmul.f32 v3, v2;
	[tilespmem:s11+$0x30] =	vst v9;
	s13 =	sadd.s32 $0x80, s13;
	s14 =	smov.u32 s12;
	s12 =	sadd.s32 $0x1, s12  }
0x73: {  	[tilespmem:s11+$0xFFFFFFC0] =	vst v7;
	v7 =	vmul.f32 v1, v2;
	v2 =	vmul.f32 v5, v2  }
0x74: {  	[tilespmem:s11+$0x10] =	vst v8  }
0x75: {  	v5 =	vmov s14;
	[tilespmem:s11+$0xFFFFFFE0] =	vst v6  }
0x76: {  	v1 =	vld [tilespmem:s13+$0xFFFFFFF0];
	[tilespmem:s11+$0xFFFFFFF0] =	vst v7  }
0x77: {  	v6 =	vld [tilespmem:s13+$0x30];
	[tilespmem:s11+$0x0] =	vst v2  }
0x78: {  	v8 =	vld [tilespmem:s13+$0x10];
	[tilespmem:s11+$0x20] =	vst v3  }
0x79: {  	v7 =	vld [tilespmem:s13+$0xFFFFFFC0];
	[tilespmem:s11+$0xFFFFFFD0] =	vst v4;
	s11 =	smov.u32 s13  }
0x7a: {  	v2 =	vld.idx.msk [tilespmem:v5+s26+$0x0], $0xffff  }
0x7b: {  	v10 =	vld [tilespmem:s13+$0xFFFFFFE0]  }
0x7c: {  	v3 =	vld [tilespmem:s13+$0x20]  }
.Ltmp1:
0x7d: {  	v4 =	vld [tilespmem:s13+$0xFFFFFFD0];
	(pc) =	sbr.rel @p0 .LBB2_5-.Ltmp1, $3  }
0x7e: {  	v5 =	vld [tilespmem:s13+$0x0];
	_ =	sdelay $0x1  }
0x7f: {  	v7 =	vmul.f32 v7, v2;
	v9 =	vmul.f32 v6, v2  }
0x80: {  	v8 =	vmul.f32 v8, v2;
	v6 =	vmul.f32 v10, v2  }
0x81: {  	[tilespmem:s11+$0x30] =	vst v9  }
0x82: {  	[tilespmem:s11+$0xFFFFFFC0] =	vst v7  }
0x83: {  	v1 =	vmul.f32 v1, v2;
	[tilespmem:s11+$0x10] =	vst v8  }
0x84: {  	v3 =	vmul.f32 v3, v2;
	[tilespmem:s11+$0xFFFFFFE0] =	vst v6  }
0x85: {  	v5 =	vmul.f32 v5, v2;
	[tilespmem:s11+$0xFFFFFFF0] =	vst v1  }
0x86: {  	v1 =	vmul.f32 v4, v2;
	[tilespmem:s11+$0x20] =	vst v3  }
0x87: {  	[tilespmem:s11+$0x0] =	vst v5  }
0x88: {  	s12 =	simm.s32 $0x1;
	s13 =	simm.s32 $0x100;
	[tilespmem:s11+$0xFFFFFFD0] =	vst v1;
	s11 =	simm.s32 $0x80  }
0x89: {  	[spmem:s1] =	stream.indirect.scatter.add.f32 [tilespmem:s28], [sflag:$0x3], $0x80, s23, s11, $0xb8;
	[tilespmem:$0x1F800] =	vst v63  }
.LBB2_7:
0x8a: {  	_ =	swait.ge [sflag:s31], $0x4000  }
0x8b: {  	[sflag:s31] =	ssyncset.done $0x0  }
0x8c: {  	s14 =	sshll.u32 s12, $0x8;
	[sflag:s31] =	ssyncadd.s32 $0xFFFFC000  }
0x8d: {  	[tilespmem:s28], [sflag:$0x1] =	stream.indirect.gather [hbm4b:s4+s24], $0x80, s14, s24, $0xb8;
	[tilespmem:$0x1F800] =	vst v63  }
0x8e: {  	s15 =	sadd.s32 $0x0, s11;
	_ =	swait.ge [sflag:s0], $0x4000  }
0x8f: {  	v1 =	vmov s15;
	[sflag:s0] =	ssyncset.done $0x0  }
0x90: {  	s15 =	simm.s32 $0x5840;
	[sflag:s0] =	ssyncadd.s32 $0xFFFFC000  }
0x91: {  	v5 =	vld [tilespmem:s15+$0x30]  }
0x92: {  	v8 =	vld [tilespmem:s15+$0x10]  }
0x93: {  	v6 =	vld [tilespmem:s15+$0xFFFFFFC0]  }
0x94: {  	v2 =	vld.idx.msk [tilespmem:v1+s26+$0x0], $0xffff  }
0x95: {  	v10 =	vld [tilespmem:s15+$0xFFFFFFE0]  }
0x96: {  	v1 =	vld [tilespmem:s15+$0xFFFFFFF0]  }
0x97: {  	v3 =	vld [tilespmem:s15+$0x20]  }
0x98: {  	v4 =	vld [tilespmem:s15+$0xFFFFFFD0]  }
0x99: {  	v9 =	vmul.f32 v5, v2;
	v5 =	vld [tilespmem:s15+$0x0]  }
0x9a: {  	s16 =	sshll.u32 s12, $0x1;
	v7 =	vmul.f32 v6, v2  }
0x9b: {  	s19 =	simm.s32 $0x1;
	s20 =	simm.s32 $0x5840;
	s16 =	sadd.s32 $0xFFFFFFFF, s16;
	v6 =	vmul.f32 v10, v2;
	v8 =	vmul.f32 v8, v2  }
.LBB2_8:
0x9c: {  	p0 =	sne.s32 s19, $0x7F  }
0x9d: {  	v4 =	vmul.f32 v4, v2;
	v3 =	vmul.f32 v3, v2;
	[tilespmem:s15+$0x30] =	vst v9;
	s20 =	sadd.s32 $0x80, s20;
	s7 =	smov.u32 s19;
	s19 =	sadd.s32 $0x1, s19  }
0x9e: {  	[tilespmem:s15+$0xFFFFFFC0] =	vst v7;
	v7 =	vmul.f32 v1, v2;
	v2 =	vmul.f32 v5, v2  }
0x9f: {  	s7 =	sadd.s32 s7, s11;
	[tilespmem:s15+$0x10] =	vst v8  }
0xa0: {  	v5 =	vmov s7;
	[tilespmem:s15+$0xFFFFFFE0] =	vst v6  }
0xa1: {  	v1 =	vld [tilespmem:s20+$0xFFFFFFF0];
	[tilespmem:s15+$0xFFFFFFF0] =	vst v7  }
0xa2: {  	v6 =	vld [tilespmem:s20+$0x30];
	[tilespmem:s15+$0x0] =	vst v2  }
0xa3: {  	v8 =	vld [tilespmem:s20+$0x10];
	[tilespmem:s15+$0x20] =	vst v3  }
0xa4: {  	v7 =	vld [tilespmem:s20+$0xFFFFFFC0];
	[tilespmem:s15+$0xFFFFFFD0] =	vst v4;
	s15 =	smov.u32 s20  }
0xa5: {  	v2 =	vld.idx.msk [tilespmem:v5+s26+$0x0], $0xffff  }
0xa6: {  	v10 =	vld [tilespmem:s20+$0xFFFFFFE0]  }
0xa7: {  	v3 =	vld [tilespmem:s20+$0x20]  }
.Ltmp2:
0xa8: {  	v4 =	vld [tilespmem:s20+$0xFFFFFFD0];
	(pc) =	sbr.rel @p0 .LBB2_8-.Ltmp2, $3  }
0xa9: {  	v5 =	vld [tilespmem:s20+$0x0];
	_ =	sdelay $0x1  }
0xaa: {  	v7 =	vmul.f32 v7, v2;
	v9 =	vmul.f32 v6, v2  }
0xab: {  	v8 =	vmul.f32 v8, v2;
	v6 =	vmul.f32 v10, v2  }
0xac: {  	[tilespmem:s15+$0x30] =	vst v9  }
0xad: {  	[tilespmem:s15+$0xFFFFFFC0] =	vst v7  }
0xae: {  	v1 =	vmul.f32 v1, v2;
	[tilespmem:s15+$0x10] =	vst v8  }
0xaf: {  	v3 =	vmul.f32 v3, v2;
	[tilespmem:s15+$0xFFFFFFE0] =	vst v6  }
0xb0: {  	v5 =	vmul.f32 v5, v2;
	[tilespmem:s15+$0xFFFFFFF0] =	vst v1  }
0xb1: {  	s7 =	sshll.u32 s16, $0x9;
	v1 =	vmul.f32 v4, v2;
	[tilespmem:s15+$0x20] =	vst v3  }
0xb2: {  	s7 =	sshra.s32 s7, $0x2;
	[tilespmem:s15+$0x0] =	vst v5  }
0xb3: {  	s7 =	sadd.s32 $0x800, s7;
	[tilespmem:s15+$0xFFFFFFD0] =	vst v1  }
0xb4: {  	[spmem:s1] =	stream.indirect.scatter.add.f32 [tilespmem:s30], [sflag:$0x4], $0x80, s7, s24, $0xb8;
	[tilespmem:$0x1F800] =	vst v63  }
0xb5: {  	s20 =	sadd.s32 $0x0, s13;
	_ =	swait.ge [sflag:s29], $0x4000  }
0xb6: {  	v1 =	vmov s20;
	[sflag:s29] =	ssyncset.done $0x0  }
0xb7: {  	s15 =	simm.s32 $0x1840;
	[sflag:s29] =	ssyncadd.s32 $0xFFFFC000  }
0xb8: {  	v5 =	vld [tilespmem:s15+$0x30]  }
0xb9: {  	v8 =	vld [tilespmem:s15+$0x10]  }
0xba: {  	v6 =	vld [tilespmem:s15+$0xFFFFFFC0]  }
0xbb: {  	v2 =	vld.idx.msk [tilespmem:v1+s26+$0x0], $0xffff  }
0xbc: {  	v10 =	vld [tilespmem:s15+$0xFFFFFFE0]  }
0xbd: {  	v1 =	vld [tilespmem:s15+$0xFFFFFFF0]  }
0xbe: {  	v3 =	vld [tilespmem:s15+$0x20]  }
0xbf: {  	v4 =	vld [tilespmem:s15+$0xFFFFFFD0]  }
0xc0: {  	v9 =	vmul.f32 v5, v2;
	v5 =	vld [tilespmem:s15+$0x0]  }
0xc1: {  	v7 =	vmul.f32 v6, v2  }
0xc2: {  	s16 =	simm.s32 $0x1;
	s19 =	simm.s32 $0x1840;
	v6 =	vmul.f32 v10, v2;
	v8 =	vmul.f32 v8, v2  }
.LBB2_10:
0xc3: {  	p0 =	sne.s32 s16, $0x7F  }
0xc4: {  	v4 =	vmul.f32 v4, v2;
	v3 =	vmul.f32 v3, v2;
	[tilespmem:s15+$0x30] =	vst v9;
	s19 =	sadd.s32 $0x80, s19;
	s7 =	smov.u32 s16;
	s16 =	sadd.s32 $0x1, s16  }
0xc5: {  	[tilespmem:s15+$0xFFFFFFC0] =	vst v7;
	v7 =	vmul.f32 v1, v2;
	v2 =	vmul.f32 v5, v2  }
0xc6: {  	s7 =	sadd.s32 s7, s13;
	[tilespmem:s15+$0x10] =	vst v8  }
0xc7: {  	v5 =	vmov s7;
	[tilespmem:s15+$0xFFFFFFE0] =	vst v6  }
0xc8: {  	v1 =	vld [tilespmem:s19+$0xFFFFFFF0];
	[tilespmem:s15+$0xFFFFFFF0] =	vst v7  }
0xc9: {  	v6 =	vld [tilespmem:s19+$0x30];
	[tilespmem:s15+$0x0] =	vst v2  }
0xca: {  	v8 =	vld [tilespmem:s19+$0x10];
	[tilespmem:s15+$0x20] =	vst v3  }
0xcb: {  	v7 =	vld [tilespmem:s19+$0xFFFFFFC0];
	[tilespmem:s15+$0xFFFFFFD0] =	vst v4;
	s15 =	smov.u32 s19  }
0xcc: {  	v2 =	vld.idx.msk [tilespmem:v5+s26+$0x0], $0xffff  }
0xcd: {  	v10 =	vld [tilespmem:s19+$0xFFFFFFE0]  }
0xce: {  	v3 =	vld [tilespmem:s19+$0x20]  }
.Ltmp3:
0xcf: {  	v4 =	vld [tilespmem:s19+$0xFFFFFFD0];
	(pc) =	sbr.rel @p0 .LBB2_10-.Ltmp3, $3  }
0xd0: {  	v5 =	vld [tilespmem:s19+$0x0];
	_ =	sdelay $0x1  }
0xd1: {  	v7 =	vmul.f32 v7, v2;
	v9 =	vmul.f32 v6, v2  }
0xd2: {  	v8 =	vmul.f32 v8, v2;
	v6 =	vmul.f32 v10, v2  }
0xd3: {  	[tilespmem:s15+$0x30] =	vst v9  }
0xd4: {  	[tilespmem:s15+$0xFFFFFFC0] =	vst v7  }
0xd5: {  	v1 =	vmul.f32 v1, v2;
	[tilespmem:s15+$0x10] =	vst v8  }
0xd6: {  	v3 =	vmul.f32 v3, v2;
	[tilespmem:s15+$0xFFFFFFE0] =	vst v6  }
0xd7: {  	v5 =	vmul.f32 v5, v2;
	[tilespmem:s15+$0xFFFFFFF0] =	vst v1  }
0xd8: {  	v1 =	vmul.f32 v4, v2;
	[tilespmem:s15+$0x20] =	vst v3  }
0xd9: {  	[tilespmem:s15+$0x0] =	vst v5  }
0xda: {  	s12 =	sadd.s32 $0x1, s12;
	[tilespmem:s15+$0xFFFFFFD0] =	vst v1  }
0xdb: {  	p0 =	sne.s32 s12, $0x8;
	_ =	swait.ge [sflag:s2], $0x4000  }
.Ltmp4:
0xdc: {  	s7 =	sand.u32 $0x3FFFFF00, s14;
	[sflag:s2] =	ssyncset.done $0x0;
	(pc) =	sbr.rel @p0 .LBB2_7-.Ltmp4, $4  }
0xdd: {  	s7 =	sor.u32 $0x80, s7;
	[sflag:s2] =	ssyncadd.s32 $0xFFFFC000  }
0xde: {  	[tilespmem:s30], [sflag:$0x2] =	stream.indirect.gather [hbm4b:s4+s24], $0x80, s7, s24, $0xb8;
	[tilespmem:$0x1F800] =	vst v63  }
0xdf: {  	s20 =	sadd.s32 $0x800, s14;
	s11 =	sadd.s32 $0x100, s11;
	s13 =	sadd.s32 $0x100, s13  }
0xe0: {  	[spmem:s1] =	stream.indirect.scatter.add.f32 [tilespmem:s28], [sflag:$0x3], $0x80, s20, s24, $0xb8;
	[tilespmem:$0x1F800] =	vst v63  }
0xe1: {  	_ =	swait.ge [sflag:s0], $0x4000;
	s7 =	simm.s32 $0x780  }
0xe2: {  	[sflag:s0] =	ssyncset.done $0x0;
	v1 =	vmov s7  }
0xe3: {  	s11 =	simm.s32 $0x5840;
	[sflag:s0] =	ssyncadd.s32 $0xFFFFC000  }
0xe4: {  	v5 =	vld [tilespmem:s11+$0x30]  }
0xe5: {  	v8 =	vld [tilespmem:s11+$0x10]  }
0xe6: {  	v6 =	vld [tilespmem:s11+$0xFFFFFFC0]  }
0xe7: {  	v2 =	vld.idx.msk [tilespmem:v1+s26+$0x0], $0xffff  }
0xe8: {  	v10 =	vld [tilespmem:s11+$0xFFFFFFE0]  }
0xe9: {  	v3 =	vld [tilespmem:s11+$0x20]  }
0xea: {  	v4 =	vld [tilespmem:s11+$0xFFFFFFD0]  }
0xeb: {  	v1 =	vld [tilespmem:s11+$0xFFFFFFF0]  }
0xec: {  	v9 =	vmul.f32 v5, v2;
	v5 =	vld [tilespmem:s11+$0x0]  }
0xed: {  	v7 =	vmul.f32 v6, v2  }
0xee: {  	s12 =	simm.s32 $0x781;
	s13 =	simm.s32 $0x5840;
	v6 =	vmul.f32 v10, v2;
	v8 =	vmul.f32 v8, v2  }
.LBB2_13:
0xef: {  	p0 =	sne.s32 s12, $0x7FF  }
0xf0: {  	v4 =	vmul.f32 v4, v2;
	v3 =	vmul.f32 v3, v2;
	[tilespmem:s11+$0x30] =	vst v9;
	s13 =	sadd.s32 $0x80, s13;
	s7 =	smov.u32 s12;
	s12 =	sadd.s32 $0x1, s12  }
0xf1: {  	[tilespmem:s11+$0xFFFFFFC0] =	vst v7;
	v7 =	vmul.f32 v1, v2;
	v2 =	vmul.f32 v5, v2  }
0xf2: {  	[tilespmem:s11+$0x10] =	vst v8  }
0xf3: {  	v5 =	vmov s7;
	[tilespmem:s11+$0xFFFFFFE0] =	vst v6  }
0xf4: {  	v1 =	vld [tilespmem:s13+$0xFFFFFFF0];
	[tilespmem:s11+$0xFFFFFFF0] =	vst v7  }
0xf5: {  	v6 =	vld [tilespmem:s13+$0x30];
	[tilespmem:s11+$0x0] =	vst v2  }
0xf6: {  	v8 =	vld [tilespmem:s13+$0x10];
	[tilespmem:s11+$0x20] =	vst v3  }
0xf7: {  	v7 =	vld [tilespmem:s13+$0xFFFFFFC0];
	[tilespmem:s11+$0xFFFFFFD0] =	vst v4;
	s11 =	smov.u32 s13  }
0xf8: {  	v2 =	vld.idx.msk [tilespmem:v5+s26+$0x0], $0xffff  }
0xf9: {  	v10 =	vld [tilespmem:s13+$0xFFFFFFE0]  }
0xfa: {  	v3 =	vld [tilespmem:s13+$0x20]  }
.Ltmp5:
0xfb: {  	v4 =	vld [tilespmem:s13+$0xFFFFFFD0];
	(pc) =	sbr.rel @p0 .LBB2_13-.Ltmp5, $3  }
0xfc: {  	v5 =	vld [tilespmem:s13+$0x0];
	_ =	sdelay $0x1  }
0xfd: {  	v7 =	vmul.f32 v7, v2;
	v9 =	vmul.f32 v6, v2  }
0xfe: {  	v8 =	vmul.f32 v8, v2;
	v6 =	vmul.f32 v10, v2  }
0xff: {  	[tilespmem:s11+$0x30] =	vst v9  }
0x100: {  	[tilespmem:s11+$0xFFFFFFC0] =	vst v7  }
0x101: {  	v1 =	vmul.f32 v1, v2;
	[tilespmem:s11+$0x10] =	vst v8  }
0x102: {  	v3 =	vmul.f32 v3, v2;
	[tilespmem:s11+$0xFFFFFFE0] =	vst v6  }
0x103: {  	v5 =	vmul.f32 v5, v2;
	[tilespmem:s11+$0xFFFFFFF0] =	vst v1  }
0x104: {  	v1 =	vmul.f32 v4, v2;
	[tilespmem:s11+$0x20] =	vst v3  }
0x105: {  	[tilespmem:s11+$0x0] =	vst v5  }
0x106: {  	[tilespmem:s11+$0xFFFFFFD0] =	vst v1  }
0x107: {  	s10 =	sadd.s32 $0x1, s10;
	_ =	swait.ge [sflag:s31], $0x4000  }
0x108: {  	p0 =	sne.s32 s10, $0x5;
	[sflag:s31] =	ssyncset.done $0x0  }
.Ltmp6:
0x109: {  	[sflag:s31] =	ssyncadd.s32 $0xFFFFC000;
	(pc) =	sbr.rel @p0 .LBB2_4-.Ltmp6, $4  }
0x10a: {  	[spmem:s1] =	stream.indirect.scatter.add.f32 [tilespmem:s30], [sflag:$0x4], $0x80, s8, s24, $0xb8;
	[tilespmem:$0x1F800] =	vst v63  }
0x10b: {  	_ =	swait.ge [sflag:s2], $0x4000  }
0x10c: {  	[sflag:s2] =	ssyncset.done $0x0  }
0x10d: {  	[sflag:s2] =	ssyncadd.s32 $0xFFFFC000  }
0x10e: {  	s7 =	stileid.u32;
	[bflag:$0x0] =	sbarrier.arrive $0xFFFF  }
0x10f: {  	s7 =	sshll.u32 s7, $0x6;
	s12 =	rddreg [dreg:$0x3]  }
0x110: {  	s10 =	rddreg [dreg:$0xd];
	s7 =	sor.u32 $0x1C05, s7;
	s9 =	sshrl.u32 s12, $0x3  }
0x111: {  	[hbm:s10], [sflag:s7] =	dma.local [spmem:s9], $0x2800  }
0x112: {  	_ =	swait.ge [sflag:s22], $0x2800  }
0x113: {  	s3 =	sadd.s32 $0x1, s3;
	s20 =	rddreg [dreg:$0xe]  }
0x114: {  	p0 =	sne.s32 s3, s20  }
.Ltmp7:
0x115: {  	_ = 	snop;
	(pc) =	sbr.rel @p0 .LBB2_1-.Ltmp7, $3  }
0x116: {  	_ =	sdelay $0x1  }
0x117: {  	[sflag:s22] =	ssyncset.done $0x0  }
0x118: {  	[sflag:s22] =	ssyncadd.s32 $0xFFFFD800  }
0x119: {  	_ =	sfence.sel $0x180000  }
0x11a: {  	[bflag:$0x0] =	sbarrier.arrive $0xFFFF  }
0x11b: {  	_ =	strace $0x9000004D  }
0x11c: {  	s0 =	stileid.u32;
	[bflag:$0x2] =	sbarrier.arrive $0xFFFF  }
0x11d: {  	p0 =	sne.s32 s0, $0x0;
	s0 =	rddreg [dreg:$0x2]  }
0x11e: {  	s0 =	sadd.s32 @!p0 $0x100000, s0  }
0x11f: {  	[sflag:s0] =	ssyncadd.tile.s32 @!p0 $0x1;
	_ =	shalt  }
.Lfunc_end2:
_tile_overlayer_lowered:
.L_overlay_start_2:
0x120: {  	(tag) =	ssettag $0x2  }
0x121: {  	s0 =	rddreg [dreg:$0x0];
	s2 =	stileid.u32  }
0x122: {  	s1 =	rddreg [dreg:$0x1];
	p0 =	sne.s32 s2, $0x0  }
0x123: {  	s3 =	rddreg [dreg:$0x2];
	[bflag:$0x3] =	sbarrier.arrive $0xFFFF;
	s2 =	simm.s32 @!p0 $0x1C05  }
0x124: {  	[timem:s3], [sflag:s2] =	dma.local @!p0 [hbm:s0], s1  }
0x125: {  	s0 =	simm.s32 @!p0 $0x5  }
0x126: {  	_ =	swait.ge @!p0 [sflag:s0], s1  }
0x127: {  	s1 =	ssub.s32 @!p0 $0x0, s1;
	[sflag:s0] =	ssyncset.done @!p0 $0x0  }
0x128: {  	[sflag:s0] =	ssyncadd.s32 @!p0 s1  }
0x129: {  	[bflag:$0x3] =	sbarrier.arrive $0xFFFF  }
0x12a: {  	_ =	shalt  }

// kernel: kernel.19.cloned.1.call-start
scs
__scs_entry_jumppad:
0x0: {  	(pc) =	sbr.rel $0x88, $3  }
0x1: {  	(tag) =	ssettag $0x0;
	lr =	simm.s32 $0x1  }
0x2: {  	[smem:$0x3F92] =	sst lr;
	_ =	strace $0xD0000000  }
0x3: {  	_ = 	snop  }
0x4: {  	_ = 	snop  }
0x5: {  	_ = 	snop  }
0x6: {  	_ = 	snop  }
0x7: {  	_ = 	snop  }
__scs_overlays_trampoline_lowered:
0x8: {  	[smem:$0x3FA1] =	sst s0  }
0x9: {  	[smem:$0x3FA2] =	sst s1  }
0xa: {  	[smem:$0x3FA3] =	sst s2  }
0xb: {  	[smem:$0x3FA4] =	sst s3  }
0xc: {  	[smem:$0x3FA5] =	sst s4  }
0xd: {  	[smem:$0x3FA6] =	sst s5  }
0xe: {  	[smem:$0x3FA7] =	sst s6  }
0xf: {  	[smem:$0x3FA8] =	sst s7  }
0x10: {  	[smem:$0x3FA9] =	sst s8  }
0x11: {  	[smem:$0x3FAA] =	sst s9;
	s0 =	simm.s32 @!p0 $0x0  }
0x12: {  	s1 =	sld [smem:$0x3F90];
	s0 =	simm.s32 @p0 $0x1  }
0x13: {  	[smem:$0x3FAB] =	sst s0;
	s0 =	simm.s32 @!p1 $0x0  }
0x14: {  	s2 =	sld [smem:$0x3F8F];
	s0 =	simm.s32 @p1 $0x1  }
0x15: {  	[smem:$0x3FAC] =	sst s0;
	s0 =	simm.s32 @!p2 $0x0  }
0x16: {  	s3 =	sld [smem:$0x3FDB];
	s0 =	simm.s32 @p2 $0x1  }
0x17: {  	s4 =	simm.s32 $0x1BF5;
	[smem:$0x3FAE] =	sst s0  }
0x18: {  	s0 =	sld [smem:$0x3F91];
	_ =	swait.ge [sflag:s4], $0x0  }
0x19: {  	s7 =	sld [smem:$0x3F92]  }
0x1a: {  	s8 =	sadd.s32 $0xFFFFE003, lr  }
0x1b: {  	s9 =	sadd.s32 $0xFFFFFEF7, lr;
	s5 =	simm.s32 $0xFFFFFFFF;
	p2 =	slt.u32 s8, $0xFFFFF086  }
0x1c: {  	p1 =	slt.u32 s9, $0xF7A;
	s5 =	simm.s32 @!p2 $0x0  }
0x1d: {  	s5 =	simm.s32 @p1 $0x1;
	p0 =	seq.s32 s7, s2  }
0x1e: {  	s7 =	smul.u32 @!p0 $0xF7A, s2;
	p2 =	seq.s32 @!p0 s5, $0x0  }
0x1f: {  	s9 =	smul.u32 $0xF7A, s1;
	s8 =	simm.s32 @!p0 $0x1BF5;
	p2 =	por !p2, p0  }
0x20: {  	[sflag:s8] =	ssyncset.s32 @!p0 $0xFFFFF086;
	s6 =	sadd.s32 @!p0 s3, s7;
	s7 =	simm.s32 @!p0 $0x108  }
0x21: {  	s3 =	sadd.s32 s3, s9;
	s6 =	sadd.s32 @!p0 $0x88, s6;
	s7 =	simm.s32 @p2 $0x1082  }
0x22: {  	[simem:s7], [sflag:s8] =	dma.local @!p0 [hbm:s6], $0xF7A  }
0x23: {  	s9 =	sor.u32 $0xD0000000, s2;
	s6 =	simm.s32 $0x108;
	_ =	swait.ge @!p0 [sflag:s8], $0x0  }
0x24: {  	s3 =	sadd.s32 $0x88, s3;
	s6 =	simm.s32 @!p1 $0x1082;
	[sflag:s4] =	ssyncset.s32 $0xFFFFF086  }
0x25: {  	[simem:s6], [sflag:s4] =	dma.local [hbm:s3], $0xF7A  }
0x26: {  	[smem:$0x3F92] =	sst s1;
	(tag) =	ssettag s2;
	_ =	strace s9  }
0x27: {  	s1 =	sld [smem:$0x3FA2]  }
0x28: {  	s2 =	sld [smem:$0x3FA3]  }
0x29: {  	s4 =	sld [smem:$0x3FA5]  }
0x2a: {  	p0 =	seq.s32 s5, $0x0;
	s5 =	sld [smem:$0x3FA6]  }
0x2b: {  	s6 =	sld [smem:$0x3FA7]  }
0x2c: {  	s7 =	sld [smem:$0x3FA8]  }
0x2d: {  	s3 =	simm.s32 $0x108;
	s8 =	sld [smem:$0x3FA9]  }
0x2e: {  	s3 =	simm.s32 @!p0 $0x1082;
	s9 =	sld [smem:$0x3FAA]  }
0x2f: {  	lr =	sadd.s32 s0, s3;
	s0 =	sld [smem:$0x3FA1]  }
0x30: {  	s3 =	sld [smem:$0x3FA4]  }
0x31: {  	[smem:$0x3FAD] =	sst s10  }
0x32: {  	s10 =	sld [smem:$0x3FAB];
	_ =	sdelay $0x3  }
0x33: {  	p0 =	seq.s32 s10, $0x1;
	s10 =	sld [smem:$0x3FAD];
	_ =	sdelay $0x3  }
0x34: {  	[smem:$0x3FAD] =	sst s10  }
0x35: {  	s10 =	sld [smem:$0x3FAC];
	_ =	sdelay $0x3  }
0x36: {  	p1 =	seq.s32 s10, $0x1;
	s10 =	sld [smem:$0x3FAD];
	_ =	sdelay $0x3  }
0x37: {  	[smem:$0x3FAD] =	sst s10  }
0x38: {  	s10 =	sld [smem:$0x3FAE]  }
0x39: {  	_ = 	snop;
	(pc) =	sbr.ind lr, $3  }
0x3a: {  	_ = 	snop  }
0x3b: {  	_ = 	snop  }
0x3c: {  	p2 =	seq.s32 s10, $0x1;
	s10 =	sld [smem:$0x3FAD]  }
0x3d: {  	_ =	shalt  }
0x3e: {  	_ =	shalt  }
0x3f: {  	_ =	shalt  }
0x40: {  	_ =	shalt  }
0x41: {  	_ =	shalt  }
0x42: {  	_ =	shalt  }
0x43: {  	_ =	shalt  }
0x44: {  	_ =	shalt  }
0x45: {  	_ =	shalt  }
0x46: {  	_ =	shalt  }
0x47: {  	_ =	shalt  }
0x48: {  	_ =	shalt  }
0x49: {  	_ =	shalt  }
0x4a: {  	_ =	shalt  }
0x4b: {  	_ =	shalt  }
0x4c: {  	_ =	shalt  }
0x4d: {  	_ =	shalt  }
0x4e: {  	_ =	shalt  }
0x4f: {  	_ =	shalt  }
0x50: {  	_ =	shalt  }
0x51: {  	_ =	shalt  }
0x52: {  	_ =	shalt  }
0x53: {  	_ =	shalt  }
0x54: {  	_ =	shalt  }
0x55: {  	_ =	shalt  }
0x56: {  	_ =	shalt  }
0x57: {  	_ =	shalt  }
0x58: {  	_ =	shalt  }
0x59: {  	_ =	shalt  }
0x5a: {  	_ =	shalt  }
0x5b: {  	_ =	shalt  }
0x5c: {  	_ =	shalt  }
0x5d: {  	_ =	shalt  }
0x5e: {  	_ =	shalt  }
0x5f: {  	_ =	shalt  }
0x60: {  	_ =	shalt  }
0x61: {  	_ =	shalt  }
0x62: {  	_ =	shalt  }
0x63: {  	_ =	shalt  }
0x64: {  	_ =	shalt  }
0x65: {  	_ =	shalt  }
0x66: {  	_ =	shalt  }
0x67: {  	_ =	shalt  }
0x68: {  	_ =	shalt  }
0x69: {  	_ =	shalt  }
0x6a: {  	_ =	shalt  }
0x6b: {  	_ =	shalt  }
0x6c: {  	_ =	shalt  }
0x6d: {  	_ =	shalt  }
0x6e: {  	_ =	shalt  }
0x6f: {  	_ =	shalt  }
0x70: {  	_ =	shalt  }
0x71: {  	_ =	shalt  }
0x72: {  	_ =	shalt  }
0x73: {  	_ =	shalt  }
0x74: {  	_ =	shalt  }
0x75: {  	_ =	shalt  }
0x76: {  	_ =	shalt  }
0x77: {  	_ =	shalt  }
0x78: {  	_ =	shalt  }
0x79: {  	_ =	shalt  }
0x7a: {  	_ =	shalt  }
0x7b: {  	_ =	shalt  }
0x7c: {  	_ =	shalt  }
0x7d: {  	_ =	shalt  }
0x7e: {  	_ =	shalt  }
0x7f: {  	_ =	shalt  }
0x80: {  	_ =	shalt  }
0x81: {  	_ =	shalt  }
0x82: {  	_ =	shalt  }
0x83: {  	_ =	shalt  }
0x84: {  	_ =	shalt  }
0x85: {  	_ =	shalt  }
0x86: {  	_ =	shalt  }
0x87: {  	_ =	shalt  }
.Lfunc_end0:
.L_simem_size_0:
called_computation.3_lowered:
.L_overlay_start_0:
0x88: {  	s2 =	sld [smem:$0x3FD9]  }
0x89: {  	s3 =	sld [smem:$0x3FFE];
	_ =	sdelay $0x1  }
0x8a: {  	s1 =	srdreg.scid  }
0x8b: {  	s0 =	sand.u32 $0x1, s1  }
0x8c: {  	s16 =	sshll.u32 s0, $0xA;
	s2 =	sadd.s32 s3, s2  }
0x8d: {  	s2 =	sadd.s32 s2, s16  }
0x8e: {  	[smem:$0x3FB9] =	sst s2  }
0x8f: {  	_ = 	snop  }
0x90: {  	(tm) =	ssettm $0x1  }
0x91: {  	s17 =	sld [smem:$0x3FFB];
	_ =	sdelay $0x3  }
0x92: {  	_ =	strace s17  }
0x93: {  	s2 =	sld [smem:$0x3FFC];
	_ =	sdelay $0x3  }
0x94: {  	_ =	strace s2  }
0x95: {  	s2 =	sld [smem:$0x3FFD];
	_ =	sdelay $0x3  }
0x96: {  	_ =	strace s2  }
0x97: {  	_ =	strace $0x8FFFFFFF  }
0x98: {  	s18 =	sld [smem:$0x3FDB];
	_ =	sdelay $0x1  }
0x99: {  	s19 =	simm.s32 $_scs_section_size  }
0x9a: {  	s4 =	simm.s32 $_size__tile_overlayer_lowered;
	s5 =	simm.s32 $_tile_overlayer_lowered  }
0x9b: {  	s22 =	simm.s32 $0x1BFF;
	s21 =	sshll.u32 s5, $0x1;
	s2 =	sadd.s32 s19, s18  }
0x9c: {  	s6 =	simm.s32 $0x0;
	s20 =	sshll.u32 s4, $0x1;
	s4 =	sadd.s32 s21, s2  }
0x9d: {  	[timem:s6], [sflag:s22] =	dma.local [hbm:s4], s20  }
0x9e: {  	_ =	swait.ge [sflag:s22], s20  }
0x9f: {  	s3 =	ssub.s32 $0x0, s20;
	[sflag:s22] =	ssyncset.done $0x0  }
0xa0: {  	[sflag:s22] =	ssyncadd.s32 s3;
	_ =	sdelay $0x1  }
0xa1: {  	s23 =	simm.s32 $0x1B8B  }
0xa2: {  	_ =	swait.ge [sflag:s23], $0x1  }
0xa3: {  	[sflag:s23] =	ssyncset.done $0x0  }
0xa4: {  	s25 =	simm.s32 $0x1B8E;
	s24 =	sld [smem:$0x3FFE];
	[sflag:s23] =	ssyncadd.s32 $0xFFFFFFFF  }
0xa5: {  	s26 =	simm.s32 $execute0_lowered;
	[smem:$0x3FD2] =	sst s25  }
0xa6: {  	s4 =	sshll.u32 s26, $0x1;
	_ =	strace $0x8000004F;
	[dreg:$0x1] =	wrdreg $0xFFFFFFFF  }
0xa7: {  	s28 =	simm.s32 $_size_execute0_lowered;
	s2 =	sadd.s32 s2, s4;
	[dreg:$0x0] =	wrdreg $0x0  }
0xa8: {  	s4 =	sshll.u32 s28, $0x1;
	[dreg:$0x2] =	wrdreg s2  }
0xa9: {  	[dreg:$0x3] =	wrdreg s4  }
0xaa: {  	[dreg:$0x4] =	wrdreg $0xC0  }
0xab: {  	_ =	task [dreg:s6], $0x5FFFF  }
0xac: {  	[dreg:$0x1] =	wrdreg $0xFFFFFFFF  }
0xad: {  	[dreg:$0x0] =	wrdreg $0x60  }
0xae: {  	[dreg:$0x2] =	wrdreg s24  }
0xaf: {  	[dreg:$0x3] =	wrdreg $0xB8000  }
0xb0: {  	[dreg:$0x4] =	wrdreg $0x9  }
0xb1: {  	_ =	task.clear_ibuf [dreg:s6], $0x5FFFF;
	_ =	strace $0x9000004F  }
0xb2: {  	s29 =	simm.s32 $0x9;
	_ =	strace $0x80000051  }
0xb3: {  	_ =	swait.ge [sflag:s29], $0x1  }
0xb4: {  	[sflag:s29] =	ssyncadd.s32 $0xFFFFFFFF  }
0xb5: {  	_ =	strace $0x90000051  }
0xb6: {  	_ =	sfence  }
0xb7: {  	s30 =	sld [smem:$0x0];
	_ =	sdelay $0x2  }
0xb8: {  	s31 =	sshll.u32 s1, $0xD;
	s1 =	sshrl.u32 s1, $0x2  }
0xb9: {  	s3 =	sand.u32 $0x4000, s31;
	s1 =	sadd.s32 s1, s30  }
0xba: {  	s0 =	sor.u32 s3, s0;
	s1 =	sshll.u32 s1, $0x11  }
0xbb: {  	s0 =	sor.u32 s1, s0  }
0xbc: {  	s0 =	sadd.s32 $0x8F2B, s0  }
0xbd: {  	[sflag:s0] =	ssyncadd.remote.s32 $0x1  }
0xbe: {  	_ =	sfence.sel $0xFFFF  }
0xbf: {  	[dreg:$0x0] =	wrdreg $0xFFFFFFFF;
	(pc) =	sbr.abs _section_cstart, $3  }
0xc0: {  	[dreg:$0x1] =	wrdreg $0xFFFFFFFF  }
0xc1: {  	_ =	task.clear_ibuf [dreg:s6], $0x2FFFF;
	_ =	strace $0x9FFFFFFF  }
0xc2: {  	(tm) =	ssettm $0x7FFFFFFF  }
0xc3: {  	_ =	shalt  }
tec
execute0_lowered:
.L_overlay_start_1:
0x0: {  	(tag) =	ssettag $0x1  }
0x1: {  	s0 =	rddreg [dreg:$0x0]  }
0x2: {  	s1 =	rddreg [dreg:$0x1];
	s3 =	simm.s32 $0x0;
	s2 =	srdreg.scid  }
0x3: {  	s6 =	stileid.u32;
	s28 =	simm.s32 $0x1800;
	s29 =	simm.s32 $0x1  }
0x4: {  	s30 =	simm.s32 $0x5800;
	s31 =	simm.s32 $0x3;
	[smem:$0x7FF] =	sst s3  }
0x5: {  	s2 =	sand.u32 $0x1, s2;
	s5 =	sshll.u32 s6, $0x1;
	s11 =	smul.u32 $0x50000, s6  }
0x6: {  	s4 =	sadd.s32 $0x50400, s0;
	s9 =	smul.u32 $0x14000, s6;
	s6 =	sadd.s32 $0x15200, s0  }
0x7: {  	_ =	strace $0x80000050;
	s7 =	smul.u32 $0x140000, s2;
	s15 =	sshrl.u32 s11, $0x2  }
0x8: {  	s8 =	sor.u32 s2, s5;
	s5 =	sadd.s32 $0x1F200, s0;
	s12 =	sadd.s32 s15, s1  }
0x9: {  	s2 =	ssub.s32 $0x2, s2;
	s17 =	sadd.s32 $0x2000, s12;
	[dreg:$0x3] =	wrdreg s12  }
0xa: {  	s10 =	sshll.u32 s8, $0xB;
	s18 =	sadd.s32 $0x4000, s12;
	[dreg:$0x4] =	wrdreg s17  }
0xb: {  	s16 =	sshrl.u32 s2, $0x1;
	s19 =	sadd.s32 $0x6000, s12;
	[dreg:$0x5] =	wrdreg s18  }
0xc: {  	s10 =	sadd.s32 s10, s0;
	s20 =	sadd.s32 $0x8000, s12;
	[dreg:$0x6] =	wrdreg s19  }
0xd: {  	s7 =	sadd.s32 s9, s7;
	s21 =	sadd.s32 $0xA000, s12;
	[dreg:$0x7] =	wrdreg s20  }
0xe: {  	s2 =	ssub.s32 s2, s16;
	s22 =	sadd.s32 $0xC000, s12;
	[dreg:$0x8] =	wrdreg s21  }
0xf: {  	s7 =	sshrl.u32 s7, $0x3;
	s23 =	sadd.s32 $0xE000, s12;
	[dreg:$0x9] =	wrdreg s22  }
0x10: {  	s24 =	sadd.s32 $0x10000, s12;
	s25 =	sadd.s32 $0x12000, s12;
	[dreg:$0xa] =	wrdreg s23  }
0x11: {  	s26 =	smax.u32 s2, $0x1;
	s2 =	simm.s32 $0x4;
	[dreg:$0xb] =	wrdreg s24  }
0x12: {  	s0 =	sadd.s32 s7, s0;
	[dreg:$0xc] =	wrdreg s25;
	s17 =	smul.u32 $0x2800, s8  }
0x13: {  	s18 =	sadd.s32 $0x5200, s10;
	[dreg:$0xe] =	wrdreg s26;
	s21 =	simm.s32 $0x9800  }
0x14: {  	s22 =	simm.s32 $0x5;
	s23 =	simm.s32 $0x800;
	s24 =	simm.s32 $0x80  }
0x15: {  	s25 =	simm.s32 $0x400;
	s26 =	simm.s32 $0x1000;
	s0 =	sadd.s32 $0x9E800, s0  }
0x16: {  	v0 =	vimm.f32 $0.0e+00;
	s8 =	simm.s32 $0xF80;
	[dreg:$0xd] =	wrdreg s0;
	s0 =	simm.s32 $0x2  }
.LBB2_1:
0x17: {  	s9 =	simm.s32 $0x0;
	s10 =	simm.s32 $0x200  }
.LBB2_2:
0x18: {  	p0 =	sne.s32 s10, $0x7E00;
	[tilespmem:s9+$0x9870] =	vst v0  }
0x19: {  	[tilespmem:s9+$0x9800] =	vst v0  }
0x1a: {  	[tilespmem:s9+$0x9810] =	vst v0  }
.Ltmp0:
0x1b: {  	[tilespmem:s9+$0x9820] =	vst v0;
	(pc) =	sbr.rel @p0 .LBB2_2-.Ltmp0, $4  }
0x1c: {  	[tilespmem:s9+$0x9830] =	vst v0  }
0x1d: {  	[tilespmem:s9+$0x9840] =	vst v0  }
0x1e: {  	[tilespmem:s9+$0x9850] =	vst v0  }
0x1f: {  	[tilespmem:s9+$0x9860] =	vst v0;
	s9 =	sshra.s32 s10, $0x2;
	s10 =	sadd.s32 $0x200, s10  }
0x20: {  	[tilespmem:s9+$0x9870] =	vst v0  }
0x21: {  	[tilespmem:s9+$0x9800] =	vst v0  }
0x22: {  	[tilespmem:s9+$0x9810] =	vst v0  }
0x23: {  	[tilespmem:s9+$0x9820] =	vst v0  }
0x24: {  	[tilespmem:s9+$0x9830] =	vst v0  }
0x25: {  	[tilespmem:s9+$0x9840] =	vst v0  }
0x26: {  	[tilespmem:s9+$0x9850] =	vst v0  }
0x27: {  	[tilespmem:s9+$0x9860] =	vst v0  }
0x28: {  	[spmem:s12] =	stream.linear.scatter [tilespmem:s21], [sflag:$0x5], $0x2000, $0x38;
	[tilespmem:$0x1F800] =	vst v63  }
0x29: {  	_ =	swait.ge [sflag:s22], $0x2000  }
0x2a: {  	[sflag:s22] =	ssyncset.done $0x0  }
0x2b: {  	s7 =	rddreg [dreg:$0x4];
	[sflag:s22] =	ssyncadd.s32 $0xFFFFE000  }
0x2c: {  	[spmem:s7] =	stream.linear.scatter [tilespmem:s21], [sflag:$0x5], $0x2000, $0x38;
	[tilespmem:$0x1F800] =	vst v63  }
0x2d: {  	_ =	swait.ge [sflag:s22], $0x2000  }
0x2e: {  	[sflag:s22] =	ssyncset.done $0x0  }
0x2f: {  	s11 =	rddreg [dreg:$0x5];
	[sflag:s22] =	ssyncadd.s32 $0xFFFFE000  }
0x30: {  	[spmem:s11] =	stream.linear.scatter [tilespmem:s21], [sflag:$0x5], $0x2000, $0x38;
	[tilespmem:$0x1F800] =	vst v63  }
0x31: {  	_ =	swait.ge [sflag:s22], $0x2000  }
0x32: {  	[sflag:s22] =	ssyncset.done $0x0  }
0x33: {  	s12 =	rddreg [dreg:$0x6];
	[sflag:s22] =	ssyncadd.s32 $0xFFFFE000  }
0x34: {  	[spmem:s12] =	stream.linear.scatter [tilespmem:s21], [sflag:$0x5], $0x2000, $0x38;
	[tilespmem:$0x1F800] =	vst v63  }
0x35: {  	_ =	swait.ge [sflag:s22], $0x2000  }
0x36: {  	[sflag:s22] =	ssyncset.done $0x0  }
0x37: {  	s13 =	rddreg [dreg:$0x7];
	[sflag:s22] =	ssyncadd.s32 $0xFFFFE000  }
0x38: {  	[spmem:s13] =	stream.linear.scatter [tilespmem:s21], [sflag:$0x5], $0x2000, $0x38;
	[tilespmem:$0x1F800] =	vst v63  }
0x39: {  	_ =	swait.ge [sflag:s22], $0x2000  }
0x3a: {  	[sflag:s22] =	ssyncset.done $0x0  }
0x3b: {  	s14 =	rddreg [dreg:$0x8];
	[sflag:s22] =	ssyncadd.s32 $0xFFFFE000  }
0x3c: {  	[spmem:s14] =	stream.linear.scatter [tilespmem:s21], [sflag:$0x5], $0x2000, $0x38;
	[tilespmem:$0x1F800] =	vst v63  }
0x3d: {  	_ =	swait.ge [sflag:s22], $0x2000  }
0x3e: {  	[sflag:s22] =	ssyncset.done $0x0  }
0x3f: {  	s15 =	rddreg [dreg:$0x9];
	[sflag:s22] =	ssyncadd.s32 $0xFFFFE000  }
0x40: {  	[spmem:s15] =	stream.linear.scatter [tilespmem:s21], [sflag:$0x5], $0x2000, $0x38;
	[tilespmem:$0x1F800] =	vst v63  }
0x41: {  	_ =	swait.ge [sflag:s22], $0x2000  }
0x42: {  	[sflag:s22] =	ssyncset.done $0x0  }
0x43: {  	s16 =	rddreg [dreg:$0xa];
	[sflag:s22] =	ssyncadd.s32 $0xFFFFE000  }
0x44: {  	[spmem:s16] =	stream.linear.scatter [tilespmem:s21], [sflag:$0x5], $0x2000, $0x38;
	[tilespmem:$0x1F800] =	vst v63  }
0x45: {  	_ =	swait.ge [sflag:s22], $0x2000  }
0x46: {  	[sflag:s22] =	ssyncset.done $0x0  }
0x47: {  	s19 =	rddreg [dreg:$0xb];
	[sflag:s22] =	ssyncadd.s32 $0xFFFFE000  }
0x48: {  	[spmem:s19] =	stream.linear.scatter [tilespmem:s21], [sflag:$0x5], $0x2000, $0x38;
	[tilespmem:$0x1F800] =	vst v63  }
0x49: {  	_ =	swait.ge [sflag:s22], $0x2000  }
0x4a: {  	[sflag:s22] =	ssyncset.done $0x0  }
0x4b: {  	s20 =	rddreg [dreg:$0xc];
	[sflag:s22] =	ssyncadd.s32 $0xFFFFE000  }
0x4c: {  	[spmem:s20] =	stream.linear.scatter [tilespmem:s21], [sflag:$0x5], $0x2000, $0x38;
	[tilespmem:$0x1F800] =	vst v63  }
0x4d: {  	_ =	swait.ge [sflag:s22], $0x2000  }
0x4e: {  	[sflag:s22] =	ssyncset.done $0x0  }
0x4f: {  	[sflag:s22] =	ssyncadd.s32 $0xFFFFE000  }
0x50: {  	s9 =	simm.s32 $0x0;
	s10 =	simm.s32 $0x0;
	[bflag:$0x0] =	sbarrier.arrive $0xFFFF  }
.LBB2_4:
0x51: {  	s11 =	sshll.u32 s10, $0xB  }
0x52: {  	s11 =	sadd.s32 s17, s11  }
0x53: {  	s11 =	sshrl.u32 s11, $0x3  }
0x54: {  	s12 =	sadd.s32 s5, s11  }
0x55: {  	[tilespmem:s9], [sflag:$0x5] =	stream.linear.gather [hbm4b:s12+s9], $0x800, $0x38;
	[tilespmem:$0x1F800] =	vst v63  }
0x56: {  	_ =	swait.ge [sflag:s22], $0x800  }
0x57: {  	[sflag:s22] =	ssyncset.done $0x0  }
0x58: {  	s11 =	sadd.s32 s6, s11;
	[sflag:s22] =	ssyncadd.s32 $0xFFFFF800  }
0x59: {  	[tilespmem:s23], [sflag:$0x5] =	stream.linear.gather [hbm4b:s11+s9], $0x800, $0x38;
	[tilespmem:$0x1F800] =	vst v63  }
0x5a: {  	_ =	swait.ge [sflag:s22], $0x800  }
0x5b: {  	s20 =	sshll.u32 s10, $0x4;
	[sflag:s22] =	ssyncset.done $0x0  }
0x5c: {  	s11 =	sadd.s32 s20, s18;
	[sflag:s22] =	ssyncadd.s32 $0xFFFFF800  }
0x5d: {  	[tilespmem:s26], [sflag:$0x5] =	stream.strided.gather [hbm4b:s11+s24], $0x800, s25, s24, $0x38;
	[tilespmem:$0x1F800] =	vst v63  }
0x5e: {  	_ =	swait.ge [sflag:s22], $0x800  }
0x5f: {  	[sflag:s22] =	ssyncset.done $0x0  }
0x60: {  	[sflag:s22] =	ssyncadd.s32 $0xFFFFF800  }
0x61: {  	[tilespmem:s28], [sflag:$0x1] =	stream.indirect.gather [hbm4b:s4+s24], $0x80, s9, s24, $0xb8;
	[tilespmem:$0x1F800] =	vst v63  }
0x62: {  	_ =	swait.ge [sflag:s29], $0x4000  }
0x63: {  	[sflag:s29] =	ssyncset.done $0x0  }
0x64: {  	v1 =	vmov s9;
	s11 =	simm.s32 $0x1840;
	[sflag:s29] =	ssyncadd.s32 $0xFFFFC000  }
0x65: {  	[tilespmem:s30], [sflag:$0x2] =	stream.indirect.gather [hbm4b:s4+s24], $0x80, s24, s24, $0xb8;
	[tilespmem:$0x1F800] =	vst v63  }
0x66: {  	v5 =	vld [tilespmem:s11+$0x30]  }
0x67: {  	v8 =	vld [tilespmem:s11+$0x10]  }
0x68: {  	v6 =	vld [tilespmem:s11+$0xFFFFFFC0]  }
0x69: {  	v2 =	vld.idx.msk [tilespmem:v1+s26+$0x0], $0xffff  }
0x6a: {  	v10 =	vld [tilespmem:s11+$0xFFFFFFE0]  }
0x6b: {  	v1 =	vld [tilespmem:s11+$0xFFFFFFF0]  }
0x6c: {  	v3 =	vld [tilespmem:s11+$0x20]  }
0x6d: {  	v4 =	vld [tilespmem:s11+$0xFFFFFFD0]  }
0x6e: {  	v9 =	vmul.f32 v5, v2;
	v5 =	vld [tilespmem:s11+$0x0]  }
0x6f: {  	v7 =	vmul.f32 v6, v2  }
0x70: {  	s13 =	simm.s32 $0x1840;
	s12 =	simm.s32 $0x1;
	v6 =	vmul.f32 v10, v2;
	v8 =	vmul.f32 v8, v2  }
.LBB2_5:
0x71: {  	p0 =	sne.s32 s12, $0x7F  }
0x72: {  	v4 =	vmul.f32 v4, v2;
	v3 =	vmul.f32 v3, v2;
	[tilespmem:s11+$0x30] =	vst v9;
	s13 =	sadd.s32 $0x80, s13;
	s14 =	smov.u32 s12;
	s12 =	sadd.s32 $0x1, s12  }
0x73: {  	[tilespmem:s11+$0xFFFFFFC0] =	vst v7;
	v7 =	vmul.f32 v1, v2;
	v2 =	vmul.f32 v5, v2  }
0x74: {  	[tilespmem:s11+$0x10] =	vst v8  }
0x75: {  	v5 =	vmov s14;
	[tilespmem:s11+$0xFFFFFFE0] =	vst v6  }
0x76: {  	v1 =	vld [tilespmem:s13+$0xFFFFFFF0];
	[tilespmem:s11+$0xFFFFFFF0] =	vst v7  }
0x77: {  	v6 =	vld [tilespmem:s13+$0x30];
	[tilespmem:s11+$0x0] =	vst v2  }
0x78: {  	v8 =	vld [tilespmem:s13+$0x10];
	[tilespmem:s11+$0x20] =	vst v3  }
0x79: {  	v7 =	vld [tilespmem:s13+$0xFFFFFFC0];
	[tilespmem:s11+$0xFFFFFFD0] =	vst v4;
	s11 =	smov.u32 s13  }
0x7a: {  	v2 =	vld.idx.msk [tilespmem:v5+s26+$0x0], $0xffff  }
0x7b: {  	v10 =	vld [tilespmem:s13+$0xFFFFFFE0]  }
0x7c: {  	v3 =	vld [tilespmem:s13+$0x20]  }
.Ltmp1:
0x7d: {  	v4 =	vld [tilespmem:s13+$0xFFFFFFD0];
	(pc) =	sbr.rel @p0 .LBB2_5-.Ltmp1, $3  }
0x7e: {  	v5 =	vld [tilespmem:s13+$0x0];
	_ =	sdelay $0x1  }
0x7f: {  	v7 =	vmul.f32 v7, v2;
	v9 =	vmul.f32 v6, v2  }
0x80: {  	v8 =	vmul.f32 v8, v2;
	v6 =	vmul.f32 v10, v2  }
0x81: {  	[tilespmem:s11+$0x30] =	vst v9  }
0x82: {  	[tilespmem:s11+$0xFFFFFFC0] =	vst v7  }
0x83: {  	v1 =	vmul.f32 v1, v2;
	[tilespmem:s11+$0x10] =	vst v8  }
0x84: {  	v3 =	vmul.f32 v3, v2;
	[tilespmem:s11+$0xFFFFFFE0] =	vst v6  }
0x85: {  	v5 =	vmul.f32 v5, v2;
	[tilespmem:s11+$0xFFFFFFF0] =	vst v1  }
0x86: {  	v1 =	vmul.f32 v4, v2;
	[tilespmem:s11+$0x20] =	vst v3  }
0x87: {  	[tilespmem:s11+$0x0] =	vst v5  }
0x88: {  	s12 =	simm.s32 $0x1;
	s13 =	simm.s32 $0x100;
	[tilespmem:s11+$0xFFFFFFD0] =	vst v1;
	s11 =	simm.s32 $0x80  }
0x89: {  	[spmem:s1] =	stream.indirect.scatter.add.f32 [tilespmem:s28], [sflag:$0x3], $0x80, s23, s11, $0xb8;
	[tilespmem:$0x1F800] =	vst v63  }
.LBB2_7:
0x8a: {  	_ =	swait.ge [sflag:s31], $0x4000  }
0x8b: {  	[sflag:s31] =	ssyncset.done $0x0  }
0x8c: {  	s14 =	sshll.u32 s12, $0x8;
	[sflag:s31] =	ssyncadd.s32 $0xFFFFC000  }
0x8d: {  	[tilespmem:s28], [sflag:$0x1] =	stream.indirect.gather [hbm4b:s4+s24], $0x80, s14, s24, $0xb8;
	[tilespmem:$0x1F800] =	vst v63  }
0x8e: {  	s15 =	sadd.s32 $0x0, s11;
	_ =	swait.ge [sflag:s0], $0x4000  }
0x8f: {  	v1 =	vmov s15;
	[sflag:s0] =	ssyncset.done $0x0  }
0x90: {  	s15 =	simm.s32 $0x5840;
	[sflag:s0] =	ssyncadd.s32 $0xFFFFC000  }
0x91: {  	v5 =	vld [tilespmem:s15+$0x30]  }
0x92: {  	v8 =	vld [tilespmem:s15+$0x10]  }
0x93: {  	v6 =	vld [tilespmem:s15+$0xFFFFFFC0]  }
0x94: {  	v2 =	vld.idx.msk [tilespmem:v1+s26+$0x0], $0xffff  }
0x95: {  	v10 =	vld [tilespmem:s15+$0xFFFFFFE0]  }
0x96: {  	v1 =	vld [tilespmem:s15+$0xFFFFFFF0]  }
0x97: {  	v3 =	vld [tilespmem:s15+$0x20]  }
0x98: {  	v4 =	vld [tilespmem:s15+$0xFFFFFFD0]  }
0x99: {  	v9 =	vmul.f32 v5, v2;
	v5 =	vld [tilespmem:s15+$0x0]  }
0x9a: {  	s16 =	sshll.u32 s12, $0x1;
	v7 =	vmul.f32 v6, v2  }
0x9b: {  	s19 =	simm.s32 $0x1;
	s20 =	simm.s32 $0x5840;
	s16 =	sadd.s32 $0xFFFFFFFF, s16;
	v6 =	vmul.f32 v10, v2;
	v8 =	vmul.f32 v8, v2  }
.LBB2_8:
0x9c: {  	p0 =	sne.s32 s19, $0x7F  }
0x9d: {  	v4 =	vmul.f32 v4, v2;
	v3 =	vmul.f32 v3, v2;
	[tilespmem:s15+$0x30] =	vst v9;
	s20 =	sadd.s32 $0x80, s20;
	s7 =	smov.u32 s19;
	s19 =	sadd.s32 $0x1, s19  }
0x9e: {  	[tilespmem:s15+$0xFFFFFFC0] =	vst v7;
	v7 =	vmul.f32 v1, v2;
	v2 =	vmul.f32 v5, v2  }
0x9f: {  	s7 =	sadd.s32 s7, s11;
	[tilespmem:s15+$0x10] =	vst v8  }
0xa0: {  	v5 =	vmov s7;
	[tilespmem:s15+$0xFFFFFFE0] =	vst v6  }
0xa1: {  	v1 =	vld [tilespmem:s20+$0xFFFFFFF0];
	[tilespmem:s15+$0xFFFFFFF0] =	vst v7  }
0xa2: {  	v6 =	vld [tilespmem:s20+$0x30];
	[tilespmem:s15+$0x0] =	vst v2  }
0xa3: {  	v8 =	vld [tilespmem:s20+$0x10];
	[tilespmem:s15+$0x20] =	vst v3  }
0xa4: {  	v7 =	vld [tilespmem:s20+$0xFFFFFFC0];
	[tilespmem:s15+$0xFFFFFFD0] =	vst v4;
	s15 =	smov.u32 s20  }
0xa5: {  	v2 =	vld.idx.msk [tilespmem:v5+s26+$0x0], $0xffff  }
0xa6: {  	v10 =	vld [tilespmem:s20+$0xFFFFFFE0]  }
0xa7: {  	v3 =	vld [tilespmem:s20+$0x20]  }
.Ltmp2:
0xa8: {  	v4 =	vld [tilespmem:s20+$0xFFFFFFD0];
	(pc) =	sbr.rel @p0 .LBB2_8-.Ltmp2, $3  }
0xa9: {  	v5 =	vld [tilespmem:s20+$0x0];
	_ =	sdelay $0x1  }
0xaa: {  	v7 =	vmul.f32 v7, v2;
	v9 =	vmul.f32 v6, v2  }
0xab: {  	v8 =	vmul.f32 v8, v2;
	v6 =	vmul.f32 v10, v2  }
0xac: {  	[tilespmem:s15+$0x30] =	vst v9  }
0xad: {  	[tilespmem:s15+$0xFFFFFFC0] =	vst v7  }
0xae: {  	v1 =	vmul.f32 v1, v2;
	[tilespmem:s15+$0x10] =	vst v8  }
0xaf: {  	v3 =	vmul.f32 v3, v2;
	[tilespmem:s15+$0xFFFFFFE0] =	vst v6  }
0xb0: {  	v5 =	vmul.f32 v5, v2;
	[tilespmem:s15+$0xFFFFFFF0] =	vst v1  }
0xb1: {  	s7 =	sshll.u32 s16, $0x9;
	v1 =	vmul.f32 v4, v2;
	[tilespmem:s15+$0x20] =	vst v3  }
0xb2: {  	s7 =	sshra.s32 s7, $0x2;
	[tilespmem:s15+$0x0] =	vst v5  }
0xb3: {  	s7 =	sadd.s32 $0x800, s7;
	[tilespmem:s15+$0xFFFFFFD0] =	vst v1  }
0xb4: {  	[spmem:s1] =	stream.indirect.scatter.add.f32 [tilespmem:s30], [sflag:$0x4], $0x80, s7, s24, $0xb8;
	[tilespmem:$0x1F800] =	vst v63  }
0xb5: {  	s20 =	sadd.s32 $0x0, s13;
	_ =	swait.ge [sflag:s29], $0x4000  }
0xb6: {  	v1 =	vmov s20;
	[sflag:s29] =	ssyncset.done $0x0  }
0xb7: {  	s15 =	simm.s32 $0x1840;
	[sflag:s29] =	ssyncadd.s32 $0xFFFFC000  }
0xb8: {  	v5 =	vld [tilespmem:s15+$0x30]  }
0xb9: {  	v8 =	vld [tilespmem:s15+$0x10]  }
0xba: {  	v6 =	vld [tilespmem:s15+$0xFFFFFFC0]  }
0xbb: {  	v2 =	vld.idx.msk [tilespmem:v1+s26+$0x0], $0xffff  }
0xbc: {  	v10 =	vld [tilespmem:s15+$0xFFFFFFE0]  }
0xbd: {  	v1 =	vld [tilespmem:s15+$0xFFFFFFF0]  }
0xbe: {  	v3 =	vld [tilespmem:s15+$0x20]  }
0xbf: {  	v4 =	vld [tilespmem:s15+$0xFFFFFFD0]  }
0xc0: {  	v9 =	vmul.f32 v5, v2;
	v5 =	vld [tilespmem:s15+$0x0]  }
0xc1: {  	v7 =	vmul.f32 v6, v2  }
0xc2: {  	s16 =	simm.s32 $0x1;
	s19 =	simm.s32 $0x1840;
	v6 =	vmul.f32 v10, v2;
	v8 =	vmul.f32 v8, v2  }
.LBB2_10:
0xc3: {  	p0 =	sne.s32 s16, $0x7F  }
0xc4: {  	v4 =	vmul.f32 v4, v2;
	v3 =	vmul.f32 v3, v2;
	[tilespmem:s15+$0x30] =	vst v9;
	s19 =	sadd.s32 $0x80, s19;
	s7 =	smov.u32 s16;
	s16 =	sadd.s32 $0x1, s16  }
0xc5: {  	[tilespmem:s15+$0xFFFFFFC0] =	vst v7;
	v7 =	vmul.f32 v1, v2;
	v2 =	vmul.f32 v5, v2  }
0xc6: {  	s7 =	sadd.s32 s7, s13;
	[tilespmem:s15+$0x10] =	vst v8  }
0xc7: {  	v5 =	vmov s7;
	[tilespmem:s15+$0xFFFFFFE0] =	vst v6  }
0xc8: {  	v1 =	vld [tilespmem:s19+$0xFFFFFFF0];
	[tilespmem:s15+$0xFFFFFFF0] =	vst v7  }
0xc9: {  	v6 =	vld [tilespmem:s19+$0x30];
	[tilespmem:s15+$0x0] =	vst v2  }
0xca: {  	v8 =	vld [tilespmem:s19+$0x10];
	[tilespmem:s15+$0x20] =	vst v3  }
0xcb: {  	v7 =	vld [tilespmem:s19+$0xFFFFFFC0];
	[tilespmem:s15+$0xFFFFFFD0] =	vst v4;
	s15 =	smov.u32 s19  }
0xcc: {  	v2 =	vld.idx.msk [tilespmem:v5+s26+$0x0], $0xffff  }
0xcd: {  	v10 =	vld [tilespmem:s19+$0xFFFFFFE0]  }
0xce: {  	v3 =	vld [tilespmem:s19+$0x20]  }
.Ltmp3:
0xcf: {  	v4 =	vld [tilespmem:s19+$0xFFFFFFD0];
	(pc) =	sbr.rel @p0 .LBB2_10-.Ltmp3, $3  }
0xd0: {  	v5 =	vld [tilespmem:s19+$0x0];
	_ =	sdelay $0x1  }
0xd1: {  	v7 =	vmul.f32 v7, v2;
	v9 =	vmul.f32 v6, v2  }
0xd2: {  	v8 =	vmul.f32 v8, v2;
	v6 =	vmul.f32 v10, v2  }
0xd3: {  	[tilespmem:s15+$0x30] =	vst v9  }
0xd4: {  	[tilespmem:s15+$0xFFFFFFC0] =	vst v7  }
0xd5: {  	v1 =	vmul.f32 v1, v2;
	[tilespmem:s15+$0x10] =	vst v8  }
0xd6: {  	v3 =	vmul.f32 v3, v2;
	[tilespmem:s15+$0xFFFFFFE0] =	vst v6  }
0xd7: {  	v5 =	vmul.f32 v5, v2;
	[tilespmem:s15+$0xFFFFFFF0] =	vst v1  }
0xd8: {  	v1 =	vmul.f32 v4, v2;
	[tilespmem:s15+$0x20] =	vst v3  }
0xd9: {  	[tilespmem:s15+$0x0] =	vst v5  }
0xda: {  	s12 =	sadd.s32 $0x1, s12;
	[tilespmem:s15+$0xFFFFFFD0] =	vst v1  }
0xdb: {  	p0 =	sne.s32 s12, $0x8;
	_ =	swait.ge [sflag:s2], $0x4000  }
.Ltmp4:
0xdc: {  	s7 =	sand.u32 $0x3FFFFF00, s14;
	[sflag:s2] =	ssyncset.done $0x0;
	(pc) =	sbr.rel @p0 .LBB2_7-.Ltmp4, $4  }
0xdd: {  	s7 =	sor.u32 $0x80, s7;
	[sflag:s2] =	ssyncadd.s32 $0xFFFFC000  }
0xde: {  	[tilespmem:s30], [sflag:$0x2] =	stream.indirect.gather [hbm4b:s4+s24], $0x80, s7, s24, $0xb8;
	[tilespmem:$0x1F800] =	vst v63  }
0xdf: {  	s20 =	sadd.s32 $0x800, s14;
	s11 =	sadd.s32 $0x100, s11;
	s13 =	sadd.s32 $0x100, s13  }
0xe0: {  	[spmem:s1] =	stream.indirect.scatter.add.f32 [tilespmem:s28], [sflag:$0x3], $0x80, s20, s24, $0xb8;
	[tilespmem:$0x1F800] =	vst v63  }
0xe1: {  	_ =	swait.ge [sflag:s0], $0x4000;
	s7 =	simm.s32 $0x780  }
0xe2: {  	[sflag:s0] =	ssyncset.done $0x0;
	v1 =	vmov s7  }
0xe3: {  	s11 =	simm.s32 $0x5840;
	[sflag:s0] =	ssyncadd.s32 $0xFFFFC000  }
0xe4: {  	v5 =	vld [tilespmem:s11+$0x30]  }
0xe5: {  	v8 =	vld [tilespmem:s11+$0x10]  }
0xe6: {  	v6 =	vld [tilespmem:s11+$0xFFFFFFC0]  }
0xe7: {  	v2 =	vld.idx.msk [tilespmem:v1+s26+$0x0], $0xffff  }
0xe8: {  	v10 =	vld [tilespmem:s11+$0xFFFFFFE0]  }
0xe9: {  	v3 =	vld [tilespmem:s11+$0x20]  }
0xea: {  	v4 =	vld [tilespmem:s11+$0xFFFFFFD0]  }
0xeb: {  	v1 =	vld [tilespmem:s11+$0xFFFFFFF0]  }
0xec: {  	v9 =	vmul.f32 v5, v2;
	v5 =	vld [tilespmem:s11+$0x0]  }
0xed: {  	v7 =	vmul.f32 v6, v2  }
0xee: {  	s12 =	simm.s32 $0x781;
	s13 =	simm.s32 $0x5840;
	v6 =	vmul.f32 v10, v2;
	v8 =	vmul.f32 v8, v2  }
.LBB2_13:
0xef: {  	p0 =	sne.s32 s12, $0x7FF  }
0xf0: {  	v4 =	vmul.f32 v4, v2;
	v3 =	vmul.f32 v3, v2;
	[tilespmem:s11+$0x30] =	vst v9;
	s13 =	sadd.s32 $0x80, s13;
	s7 =	smov.u32 s12;
	s12 =	sadd.s32 $0x1, s12  }
0xf1: {  	[tilespmem:s11+$0xFFFFFFC0] =	vst v7;
	v7 =	vmul.f32 v1, v2;
	v2 =	vmul.f32 v5, v2  }
0xf2: {  	[tilespmem:s11+$0x10] =	vst v8  }
0xf3: {  	v5 =	vmov s7;
	[tilespmem:s11+$0xFFFFFFE0] =	vst v6  }
0xf4: {  	v1 =	vld [tilespmem:s13+$0xFFFFFFF0];
	[tilespmem:s11+$0xFFFFFFF0] =	vst v7  }
0xf5: {  	v6 =	vld [tilespmem:s13+$0x30];
	[tilespmem:s11+$0x0] =	vst v2  }
0xf6: {  	v8 =	vld [tilespmem:s13+$0x10];
	[tilespmem:s11+$0x20] =	vst v3  }
0xf7: {  	v7 =	vld [tilespmem:s13+$0xFFFFFFC0];
	[tilespmem:s11+$0xFFFFFFD0] =	vst v4;
	s11 =	smov.u32 s13  }
0xf8: {  	v2 =	vld.idx.msk [tilespmem:v5+s26+$0x0], $0xffff  }
0xf9: {  	v10 =	vld [tilespmem:s13+$0xFFFFFFE0]  }
0xfa: {  	v3 =	vld [tilespmem:s13+$0x20]  }
.Ltmp5:
0xfb: {  	v4 =	vld [tilespmem:s13+$0xFFFFFFD0];
	(pc) =	sbr.rel @p0 .LBB2_13-.Ltmp5, $3  }
0xfc: {  	v5 =	vld [tilespmem:s13+$0x0];
	_ =	sdelay $0x1  }
0xfd: {  	v7 =	vmul.f32 v7, v2;
	v9 =	vmul.f32 v6, v2  }
0xfe: {  	v8 =	vmul.f32 v8, v2;
	v6 =	vmul.f32 v10, v2  }
0xff: {  	[tilespmem:s11+$0x30] =	vst v9  }
0x100: {  	[tilespmem:s11+$0xFFFFFFC0] =	vst v7  }
0x101: {  	v1 =	vmul.f32 v1, v2;
	[tilespmem:s11+$0x10] =	vst v8  }
0x102: {  	v3 =	vmul.f32 v3, v2;
	[tilespmem:s11+$0xFFFFFFE0] =	vst v6  }
0x103: {  	v5 =	vmul.f32 v5, v2;
	[tilespmem:s11+$0xFFFFFFF0] =	vst v1  }
0x104: {  	v1 =	vmul.f32 v4, v2;
	[tilespmem:s11+$0x20] =	vst v3  }
0x105: {  	[tilespmem:s11+$0x0] =	vst v5  }
0x106: {  	[tilespmem:s11+$0xFFFFFFD0] =	vst v1  }
0x107: {  	s10 =	sadd.s32 $0x1, s10;
	_ =	swait.ge [sflag:s31], $0x4000  }
0x108: {  	p0 =	sne.s32 s10, $0x5;
	[sflag:s31] =	ssyncset.done $0x0  }
.Ltmp6:
0x109: {  	[sflag:s31] =	ssyncadd.s32 $0xFFFFC000;
	(pc) =	sbr.rel @p0 .LBB2_4-.Ltmp6, $4  }
0x10a: {  	[spmem:s1] =	stream.indirect.scatter.add.f32 [tilespmem:s30], [sflag:$0x4], $0x80, s8, s24, $0xb8;
	[tilespmem:$0x1F800] =	vst v63  }
0x10b: {  	_ =	swait.ge [sflag:s2], $0x4000  }
0x10c: {  	[sflag:s2] =	ssyncset.done $0x0  }
0x10d: {  	[sflag:s2] =	ssyncadd.s32 $0xFFFFC000  }
0x10e: {  	s7 =	stileid.u32;
	[bflag:$0x0] =	sbarrier.arrive $0xFFFF  }
0x10f: {  	s7 =	sshll.u32 s7, $0x6;
	s12 =	rddreg [dreg:$0x3]  }
0x110: {  	s10 =	rddreg [dreg:$0xd];
	s7 =	sor.u32 $0x1C05, s7;
	s9 =	sshrl.u32 s12, $0x3  }
0x111: {  	[hbm:s10], [sflag:s7] =	dma.local [spmem:s9], $0x2800  }
0x112: {  	_ =	swait.ge [sflag:s22], $0x2800  }
0x113: {  	s3 =	sadd.s32 $0x1, s3;
	s20 =	rddreg [dreg:$0xe]  }
0x114: {  	p0 =	sne.s32 s3, s20  }
.Ltmp7:
0x115: {  	_ = 	snop;
	(pc) =	sbr.rel @p0 .LBB2_1-.Ltmp7, $3  }
0x116: {  	_ =	sdelay $0x1  }
0x117: {  	[sflag:s22] =	ssyncset.done $0x0  }
0x118: {  	[sflag:s22] =	ssyncadd.s32 $0xFFFFD800  }
0x119: {  	_ =	sfence.sel $0x180000  }
0x11a: {  	[bflag:$0x0] =	sbarrier.arrive $0xFFFF  }
0x11b: {  	_ =	strace $0x90000050  }
0x11c: {  	s0 =	stileid.u32;
	[bflag:$0x2] =	sbarrier.arrive $0xFFFF  }
0x11d: {  	p0 =	sne.s32 s0, $0x0;
	s0 =	rddreg [dreg:$0x2]  }
0x11e: {  	s0 =	sadd.s32 @!p0 $0x100000, s0  }
0x11f: {  	[sflag:s0] =	ssyncadd.tile.s32 @!p0 $0x1;
	_ =	shalt  }
.Lfunc_end2:
_tile_overlayer_lowered:
.L_overlay_start_2:
0x120: {  	(tag) =	ssettag $0x2  }
0x121: {  	s0 =	rddreg [dreg:$0x0];
	s2 =	stileid.u32  }
0x122: {  	s1 =	rddreg [dreg:$0x1];
	p0 =	sne.s32 s2, $0x0  }
0x123: {  	s3 =	rddreg [dreg:$0x2];
	[bflag:$0x3] =	sbarrier.arrive $0xFFFF;
	s2 =	simm.s32 @!p0 $0x1C05  }
0x124: {  	[timem:s3], [sflag:s2] =	dma.local @!p0 [hbm:s0], s1  }
0x125: {  	s0 =	simm.s32 @!p0 $0x5  }
0x126: {  	_ =	swait.ge @!p0 [sflag:s0], s1  }
0x127: {  	s1 =	ssub.s32 @!p0 $0x0, s1;
	[sflag:s0] =	ssyncset.done @!p0 $0x0  }
0x128: {  	[sflag:s0] =	ssyncadd.s32 @!p0 s1  }
0x129: {  	[bflag:$0x3] =	sbarrier.arrive $0xFFFF  }
0x12a: {  	_ =	shalt  }

</sc_bundles>
